<compile_context>
chip_gen: v7x
topology: tpu7x:2x2x1
jax: 0.10.2.dev20260603
libtpu: 0.0.44.dev20260713+nightly
codegen_flags: <defaults>
</compile_context>

<pallas_src>
import functools

import jax
import jax.numpy as jnp
from jax import lax
from jax.experimental import pallas as pl
from jax.experimental.pallas import tpu as pltpu
from jax.experimental.pallas import tpu_sc as plsc

N_NODES = 100000
D = 512
N_SEG = 128
N_WORKERS = 32
CHUNK = 96
VECS = D // 16

R_SPLIT = 40960
RPW = R_SPLIT // N_WORKERS
B_TC = 512
TC_START = R_SPLIT // B_TC
TC_NBLK = (N_NODES + B_TC - 1) // B_TC - TC_START


def _off_at(off_v, i):
    return off_v[pl.ds(i, 16)][0]


def _bsearch_le(off_v, x):
    s = jnp.int32(0)
    for bit in (64, 32, 16, 8, 4, 2, 1):
        s2 = s + bit
        s = jnp.where(_off_at(off_v, s2) <= x, s2, s)
    return s


def _segment_max_sc(h, off):
    mesh = plsc.VectorSubcoreMesh(core_axis_name="c", subcore_axis_name="s")

    @functools.partial(
        pl.kernel,
        mesh=mesh,
        out_type=(
            jax.ShapeDtypeStruct((N_SEG * D,), jnp.float32),
            jax.ShapeDtypeStruct((2 * N_WORKERS * D,), jnp.float32),
            jax.ShapeDtypeStruct((16 * N_WORKERS,), jnp.int32),
        ),
        scratch_types=[
            pltpu.VMEM((CHUNK, D), jnp.float32),
            pltpu.VMEM((CHUNK, D), jnp.float32),
            pltpu.VMEM((160,), jnp.int32),
            pltpu.VMEM((D,), jnp.float32),
            pltpu.VMEM((16,), jnp.int32),
            pltpu.SemaphoreType.DMA,
            pltpu.SemaphoreType.DMA,
        ],
    )
    def body(h_hbm, off_hbm, direct_hbm, part_hbm, pid_hbm,
             buf0, buf1, off_v, orow, idv, sem0, sem1):
        wid = lax.axis_index("c") * 16 + lax.axis_index("s")
        pltpu.sync_copy(off_hbm, off_v)

        w_lo = wid * RPW
        w_hi = w_lo + RPW
        s_first = _bsearch_le(off_v, w_lo)
        s_last = _bsearch_le(off_v, w_hi - 1)

        def seg_body(sj, carry):
            lo = jnp.maximum(_off_at(off_v, sj), w_lo)
            hi = jnp.minimum(_off_at(off_v, sj + 1), w_hi)
            a0 = (lo // 8) * 8
            nchunks = (hi - a0 + CHUNK - 1) // CHUNK
            npairs = (jnp.maximum(nchunks, 1) + 1) // 2

            def _chunk_base(i, a0=a0):
                return jnp.minimum(a0 + i * CHUNK, N_NODES - CHUNK)

            def _copy(i, buf, sem):
                return pltpu.make_async_copy(
                    h_hbm.at[pl.ds(_chunk_base(i), CHUNK)], buf, sem)

            def _process(i, buf, acc, lo=lo, hi=hi, a0=a0):
                s0 = a0 + i * CHUNK
                d = s0 - _chunk_base(i)
                r_lo = d + jnp.maximum(lo - s0, 0)
                r_hi = d + jnp.maximum(jnp.minimum(hi - s0, CHUNK), 0)

                def row_body(r, a):
                    return tuple(
                        jnp.maximum(a[k], buf[r, pl.ds(k * 16, 16)])
                        for k in range(VECS)
                    )

                return lax.fori_loop(r_lo, r_hi, row_body, acc)

            neg = jnp.full((16,), -jnp.inf, jnp.float32)
            acc0 = (neg,) * VECS

            _copy(0, buf0, sem0).start()

            def pair_body(j, acc, npairs=npairs):
                i0 = 2 * j
                _copy(i0, buf0, sem0).wait()
                _copy(i0 + 1, buf1, sem1).start()
                acc = _process(i0, buf0, acc)
                _copy(i0 + 1, buf1, sem1).wait()

                @pl.when(j + 1 < npairs)
                def _():
                    _copy(i0 + 2, buf0, sem0).start()

                return _process(i0 + 1, buf1, acc)

            acc = lax.fori_loop(0, npairs, pair_body, acc0)

            for k in range(VECS):
                orow[pl.ds(k * 16, 16)] = acc[k]
            pltpu.sync_copy(orow, direct_hbm.at[pl.ds(sj * D, D)])

            @pl.when(sj == s_first)
            def _():
                pltpu.sync_copy(
                    orow, part_hbm.at[pl.ds((2 * wid) * D, D)])

            @pl.when(sj == s_last)
            def _():
                pltpu.sync_copy(
                    orow, part_hbm.at[pl.ds((2 * wid + 1) * D, D)])

            return carry

        lax.fori_loop(s_first, s_last + 1, seg_body, 0)

        lane = lax.iota(jnp.int32, 16)
        idv[...] = jnp.where(lane == 0, s_first,
                             jnp.where(lane == 1, s_last, 0))
        pltpu.sync_copy(idv, pid_hbm.at[pl.ds(wid * 16, 16)])

    return body(h, off)


def _segment_max_tc(h, off):

    def body(off_sm, h_ref, acc_ref):
        i = pl.program_id(0)

        @pl.when(i == 0)
        def _():
            acc_ref[...] = jnp.full((N_SEG, D), -jnp.inf, jnp.float32)

        r0 = (i + TC_START) * B_TC
        s_lo = jnp.int32(0)
        for bit in (64, 32, 16, 8, 4, 2, 1):
            s2 = s_lo + bit
            s_lo = jnp.where(off_sm[s2] <= r0, s2, s_lo)
        s_hi = jnp.int32(0)
        for bit in (64, 32, 16, 8, 4, 2, 1):
            s2 = s_hi + bit
            s_hi = jnp.where(off_sm[s2] < r0 + B_TC, s2, s_hi)

        rows = lax.broadcasted_iota(jnp.int32, (B_TC, 1), 0)

        def seg_body(sj, carry):
            lo_rel = jnp.maximum(off_sm[sj] - r0, 0)
            hi_rel = jnp.minimum(off_sm[sj + 1] - r0, B_TC)
            mask = (rows >= lo_rel) & (rows < hi_rel)
            m = jnp.max(jnp.where(mask, h_ref[...], -jnp.inf), axis=0,
                        keepdims=True)
            acc_ref[pl.ds(sj, 1), :] = jnp.maximum(acc_ref[pl.ds(sj, 1), :], m)
            return carry

        lax.fori_loop(s_lo, s_hi + 1, seg_body, 0)

    return pl.pallas_call(
        body,
        grid=(TC_NBLK,),
        in_specs=[
            pl.BlockSpec(memory_space=pltpu.SMEM),
            pl.BlockSpec((B_TC, D), lambda i: (i + TC_START, 0)),
        ],
        out_specs=pl.BlockSpec((N_SEG, D), lambda i: (0, 0)),
        out_shape=jax.ShapeDtypeStruct((N_SEG, D), jnp.float32),
    )(off, h)


def _merge_mlp_tc(direct, partials, pids, vmask, x_tc,
                  fc_w, fc_b, fc2_w, fc2_b, fc3_v, fc3_g, fc3_b):
    def body(dir_ref, part_ref, pid_sm, vm_ref, xt_ref, w1_ref, b1_ref,
             w2_ref, b2_ref, v3_ref, g3_ref, b3_ref, o_ref, x_scr):
        neg_inf = jnp.float32(-jnp.inf)
        x0 = jnp.where(vm_ref[...] > 0, dir_ref[...], neg_inf)
        x_scr[...] = jnp.maximum(x0, xt_ref[...])

        def upd(slot, carry):
            s = pid_sm[16 * (slot // 2) + (slot % 2)]
            x_scr[pl.ds(s, 1), :] = jnp.maximum(
                x_scr[pl.ds(s, 1), :], part_ref[pl.ds(slot, 1), :])
            return carry

        lax.fori_loop(0, 2 * N_WORKERS, upd, 0)

        cdims = (((1,), (1,)), ((), ()))
        x = x_scr[...]
        h1 = lax.dot_general(x, w1_ref[...], cdims,
                             preferred_element_type=jnp.float32)
        h1 = jnp.maximum(h1 + b1_ref[...][None, :], 0.0)
        h2 = lax.dot_general(h1, w2_ref[...], cdims,
                             preferred_element_type=jnp.float32)
        h2 = jnp.maximum(h2 + b2_ref[...][None, :], 0.0)
        v = v3_ref[...]
        sumsq = jnp.sum(v * v, axis=1)
        scale = g3_ref[...][:, 0] * lax.rsqrt(sumsq)
        y = lax.dot_general(h2, v, cdims, preferred_element_type=jnp.float32)
        o_ref[...] = y * scale[None, :] + b3_ref[...][None, :]

    return pl.pallas_call(
        body,
        in_specs=[
            pl.BlockSpec((N_SEG, D), lambda: (0, 0)),
            pl.BlockSpec((2 * N_WORKERS, D), lambda: (0, 0)),
            pl.BlockSpec(memory_space=pltpu.SMEM),
            pl.BlockSpec((N_SEG, 1), lambda: (0, 0)),
            pl.BlockSpec((N_SEG, D), lambda: (0, 0)),
            pl.BlockSpec((1195, D), lambda: (0, 0)),
            pl.BlockSpec((1195,), lambda: (0,)),
            pl.BlockSpec((1195, 1195), lambda: (0, 0)),
            pl.BlockSpec((1195,), lambda: (0,)),
            pl.BlockSpec((1195, 1195), lambda: (0, 0)),
            pl.BlockSpec((1195, 1), lambda: (0, 0)),
            pl.BlockSpec((1195,), lambda: (0,)),
        ],
        scratch_shapes=[pltpu.VMEM((N_SEG, D), jnp.float32)],
        out_shape=jax.ShapeDtypeStruct((128, 1195), jnp.float32),
    )(direct, partials, pids, vmask, x_tc,
      fc_w, fc_b, fc2_w, fc2_b, fc3_v, fc3_g, fc3_b)


def kernel(h_list, edge_index, batch, edge_attr, fc_w, fc_b, fc2_w, fc2_b,
           fc3_v, fc3_g, fc3_b):
    batch32 = batch.astype(jnp.int32)
    off = jnp.searchsorted(
        batch32, jnp.arange(N_SEG + 1, dtype=jnp.int32), side="left",
        method="scan_unrolled",
    ).astype(jnp.int32)
    off = jnp.concatenate([off, jnp.full((31,), N_NODES, jnp.int32)])
    oc = jnp.minimum(off, R_SPLIT)
    vmask = (oc[:N_SEG] < oc[1:N_SEG + 1]).astype(jnp.float32)[:, None]
    direct, partials, pids = _segment_max_sc(h_list, off)
    x_tc = _segment_max_tc(h_list, off)
    return _merge_mlp_tc(
        direct.reshape(N_SEG, D), partials.reshape(2 * N_WORKERS, D), pids,
        vmask, x_tc, fc_w, fc_b, fc2_w, fc2_b, fc3_v, fc3_g, fc3_b)

# --- scband reference (transcript-rebuilt; emitter-appended) ---
"""Pipeline reference for scband-gear-net-decoder-30889404793318 (READ-ONLY COPY).

The authoritative reference and input builder live on the scoring server;
editing this copy changes nothing except your own understanding.
"""

import jax, jax.numpy as jnp
import numpy as np

NUM_GRAPHS = 128

def setup_inputs(seed: int = 0) -> dict:
    key = jax.random.key(seed)
    ks = jax.random.split(key, 12)
    h_list = jax.random.normal(ks[0], (100000, 512), dtype=jnp.float32)
    edge_index = jax.random.randint(ks[1], (2, 160000), 0, 100000, dtype=jnp.int64)
    batch = jnp.sort(jax.random.randint(ks[2], (100000,), 0, NUM_GRAPHS, dtype=jnp.int64))
    edge_attr = jax.random.normal(ks[3], (160000, 16), dtype=jnp.float32)
    fc_w = jax.random.normal(ks[4], (1195, 512), dtype=jnp.float32) * 0.02
    fc_b = jnp.zeros((1195,), dtype=jnp.float32)
    fc2_w = jax.random.normal(ks[5], (1195, 1195), dtype=jnp.float32) * 0.02
    fc2_b = jnp.zeros((1195,), dtype=jnp.float32)
    fc3_v = jax.random.normal(ks[6], (1195, 1195), dtype=jnp.float32) * 0.02
    fc3_g = jnp.linalg.norm(fc3_v, axis=1, keepdims=True)  # weight_norm init: g = ||v|| per row
    fc3_b = jnp.zeros((1195,), dtype=jnp.float32)
    return {"h_list": h_list, "edge_index": edge_index, "batch": batch, "edge_attr": edge_attr,
            "fc_w": fc_w, "fc_b": fc_b, "fc2_w": fc2_w, "fc2_b": fc2_b,
            "fc3_v": fc3_v, "fc3_g": fc3_g, "fc3_b": fc3_b}

def reference(h_list, edge_index, batch, edge_attr, fc_w, fc_b, fc2_w, fc2_b, fc3_v, fc3_g, fc3_b):
    # global_max_pool: segment max over nodes grouped by graph id
    x = jax.ops.segment_max(h_list, batch, num_segments=NUM_GRAPHS)
    # task_id == 2: fold classification head
    x = jax.nn.relu(x @ fc_w.T + fc_b)
    x = jax.nn.relu(x @ fc2_w.T + fc2_b)
    # weight_norm(fc3, name='weight'), default dim=0: w = g * v / ||v||_2 (norm over input dim per output row)
    w3 = fc3_g * fc3_v / jnp.linalg.norm(fc3_v, axis=1, keepdims=True)
    x = x @ w3.T + fc3_b
    return x

if __name__ == "__main__":
    import jax
    _d = setup_inputs()
    print(jax.jit(kernel)(*tuple(_d.values())))

</pallas_src>

<mosaic_0001>
#map = affine_map<(d0, d1) -> (0, 0)>
#map1 = affine_map<(d0, d1) -> (0)>
module attributes {stable_mosaic.version = 14 : i64} {
  func.func @body(%arg0: i32, %arg1: i32, %arg2: memref<100000x512xf32, #tpu.memory_space<hbm>>, %arg3: memref<160xi32, #tpu.memory_space<hbm>>, %arg4: memref<65536xf32, #tpu.memory_space<hbm>>, %arg5: memref<32768xf32, #tpu.memory_space<hbm>>, %arg6: memref<512xi32, #tpu.memory_space<hbm>>, %arg7: memref<96x512xf32, #tpu.memory_space<vmem>>, %arg8: memref<96x512xf32, #tpu.memory_space<vmem>>, %arg9: memref<160xi32, #tpu.memory_space<vmem>>, %arg10: memref<512xf32, #tpu.memory_space<vmem>>, %arg11: memref<16xi32, #tpu.memory_space<vmem>>, %arg12: memref<!tpu.dma_semaphore, #tpu.memory_space<semaphore_mem>>, %arg13: memref<!tpu.dma_semaphore, #tpu.memory_space<semaphore_mem>>) attributes {dimension_semantics = [#tpu.dimension_semantics<core_parallel>, #tpu.dimension_semantics<subcore_parallel>], iteration_bounds = array<i64: 2, 16>, scalar_prefetch = 0 : i64, scratch_operands = 7 : i64, tpu.core_type = #tpu.core_type<sc_vector_subcore>, window_params = [{transform_indices = #map}, {transform_indices = #map1}, {transform_indices = #map1}, {transform_indices = #map1}, {transform_indices = #map1}]} {
    %mul3A = arith.constant 16 : i32
    %mul3A_0 = arith.muli %arg0, %mul3A : i32
    %add3A = arith.addi %mul3A_0, %arg1 : i32
    "tpu.region"() ({
      %run_scoped3A = tpu.sem_alloc : memref<!tpu.dma_semaphore, #tpu.memory_space<semaphore_mem>>
      tpu.enqueue_dma source(%arg3 : memref<160xi32, #tpu.memory_space<hbm>>) target(%arg9 : memref<160xi32, #tpu.memory_space<vmem>>) target_semaphore(%run_scoped3A : memref<!tpu.dma_semaphore, #tpu.memory_space<semaphore_mem>>)
      tpu.wait_dma2 semaphore(%run_scoped3A : memref<!tpu.dma_semaphore, #tpu.memory_space<semaphore_mem>>) src(%arg3 : memref<160xi32, #tpu.memory_space<hbm>>) dst(%arg9 : memref<160xi32, #tpu.memory_space<vmem>>)
      tpu.yield
    }) : () -> ()
    %mul3A_1 = arith.constant 1280 : i32
    %mul3A_2 = arith.muli %add3A, %mul3A_1 : i32
    %add3A_3 = arith.constant 1280 : i32
    %add3A_4 = arith.addi %mul3A_2, %add3A_3 : i32
    %add3A_5 = arith.constant 0 : i32
    %add3A_6 = arith.constant 64 : i32
    %add3A_7 = arith.addi %add3A_5, %add3A_6 : i32
    %get3A = arith.index_cast %add3A_7 : i32 to index
    %get3A_8 = tpu.vector_load %arg9[%get3A] {strides = array<i32>} : memref<160xi32, #tpu.memory_space<vmem>>, vector<16xi32>,
    %get3A_9 = vector.shape_cast %get3A_8 : vector<16xi32> to vector<16xi32>
    %slice3A = vector.extract_strided_slice %get3A_9 {offsets = [0], sizes = [1], strides = [1]} : vector<16xi32> to vector<1xi32>
    %squeeze3A = vector.extract %slice3A[0] : i32 from vector<1xi32>
    %le3A = arith.cmpi sle, %squeeze3A, %mul3A_2 : i32
    %jit3A = arith.constant 0 : i32
    %select_n3A = arith.select %le3A, %add3A_7, %jit3A : i32
    %add3A_10 = arith.constant 32 : i32
    %add3A_11 = arith.addi %select_n3A, %add3A_10 : i32
    %get3A_12 = arith.index_cast %add3A_11 : i32 to index
    %get3A_13 = tpu.vector_load %arg9[%get3A_12] {strides = array<i32>} : memref<160xi32, #tpu.memory_space<vmem>>, vector<16xi32>,
    %get3A_14 = vector.shape_cast %get3A_13 : vector<16xi32> to vector<16xi32>
    %slice3A_15 = vector.extract_strided_slice %get3A_14 {offsets = [0], sizes = [1], strides = [1]} : vector<16xi32> to vector<1xi32>
    %squeeze3A_16 = vector.extract %slice3A_15[0] : i32 from vector<1xi32>
    %le3A_17 = arith.cmpi sle, %squeeze3A_16, %mul3A_2 : i32
    %select_n3A_18 = arith.select %le3A_17, %add3A_11, %select_n3A : i32
    %add3A_19 = arith.constant 16 : i32
    %add3A_20 = arith.addi %select_n3A_18, %add3A_19 : i32
    %get3A_21 = arith.index_cast %add3A_20 : i32 to index
    %get3A_22 = tpu.vector_load %arg9[%get3A_21] {strides = array<i32>} : memref<160xi32, #tpu.memory_space<vmem>>, vector<16xi32>,
    %get3A_23 = vector.shape_cast %get3A_22 : vector<16xi32> to vector<16xi32>
    %slice3A_24 = vector.extract_strided_slice %get3A_23 {offsets = [0], sizes = [1], strides = [1]} : vector<16xi32> to vector<1xi32>
    %squeeze3A_25 = vector.extract %slice3A_24[0] : i32 from vector<1xi32>
    %le3A_26 = arith.cmpi sle, %squeeze3A_25, %mul3A_2 : i32
    %select_n3A_27 = arith.select %le3A_26, %add3A_20, %select_n3A_18 : i32
    %add3A_28 = arith.constant 8 : i32
    %add3A_29 = arith.addi %select_n3A_27, %add3A_28 : i32
    %get3A_30 = arith.index_cast %add3A_29 : i32 to index
    %get3A_31 = tpu.vector_load %arg9[%get3A_30] {strides = array<i32>} : memref<160xi32, #tpu.memory_space<vmem>>, vector<16xi32>,
    %get3A_32 = vector.shape_cast %get3A_31 : vector<16xi32> to vector<16xi32>
    %slice3A_33 = vector.extract_strided_slice %get3A_32 {offsets = [0], sizes = [1], strides = [1]} : vector<16xi32> to vector<1xi32>
    %squeeze3A_34 = vector.extract %slice3A_33[0] : i32 from vector<1xi32>
    %le3A_35 = arith.cmpi sle, %squeeze3A_34, %mul3A_2 : i32
    %select_n3A_36 = arith.select %le3A_35, %add3A_29, %select_n3A_27 : i32
    %add3A_37 = arith.constant 4 : i32
    %add3A_38 = arith.addi %select_n3A_36, %add3A_37 : i32
    %get3A_39 = arith.index_cast %add3A_38 : i32 to index
    %get3A_40 = tpu.vector_load %arg9[%get3A_39] {strides = array<i32>} : memref<160xi32, #tpu.memory_space<vmem>>, vector<16xi32>,
    %get3A_41 = vector.shape_cast %get3A_40 : vector<16xi32> to vector<16xi32>
    %slice3A_42 = vector.extract_strided_slice %get3A_41 {offsets = [0], sizes = [1], strides = [1]} : vector<16xi32> to vector<1xi32>
    %squeeze3A_43 = vector.extract %slice3A_42[0] : i32 from vector<1xi32>
    %le3A_44 = arith.cmpi sle, %squeeze3A_43, %mul3A_2 : i32
    %select_n3A_45 = arith.select %le3A_44, %add3A_38, %select_n3A_36 : i32
    %add3A_46 = arith.constant 2 : i32
    %add3A_47 = arith.addi %select_n3A_45, %add3A_46 : i32
    %get3A_48 = arith.index_cast %add3A_47 : i32 to index
    %get3A_49 = tpu.vector_load %arg9[%get3A_48] {strides = array<i32>} : memref<160xi32, #tpu.memory_space<vmem>>, vector<16xi32>,
    %get3A_50 = vector.shape_cast %get3A_49 : vector<16xi32> to vector<16xi32>
    %slice3A_51 = vector.extract_strided_slice %get3A_50 {offsets = [0], sizes = [1], strides = [1]} : vector<16xi32> to vector<1xi32>
    %squeeze3A_52 = vector.extract %slice3A_51[0] : i32 from vector<1xi32>
    %le3A_53 = arith.cmpi sle, %squeeze3A_52, %mul3A_2 : i32
    %select_n3A_54 = arith.select %le3A_53, %add3A_47, %select_n3A_45 : i32
    %add3A_55 = arith.constant 1 : i32
    %add3A_56 = arith.addi %select_n3A_54, %add3A_55 : i32
    %get3A_57 = arith.index_cast %add3A_56 : i32 to index
    %get3A_58 = tpu.vector_load %arg9[%get3A_57] {strides = array<i32>} : memref<160xi32, #tpu.memory_space<vmem>>, vector<16xi32>,
    %get3A_59 = vector.shape_cast %get3A_58 : vector<16xi32> to vector<16xi32>
    %slice3A_60 = vector.extract_strided_slice %get3A_59 {offsets = [0], sizes = [1], strides = [1]} : vector<16xi32> to vector<1xi32>
    %squeeze3A_61 = vector.extract %slice3A_60[0] : i32 from vector<1xi32>
    %le3A_62 = arith.cmpi sle, %squeeze3A_61, %mul3A_2 : i32
    %select_n3A_63 = arith.select %le3A_62, %add3A_56, %select_n3A_54 : i32
    %sub3A = arith.constant 1 : i32
    %sub3A_64 = arith.subi %add3A_4, %sub3A : i32
    %add3A_65 = arith.constant 0 : i32
    %add3A_66 = arith.constant 64 : i32
    %add3A_67 = arith.addi %add3A_65, %add3A_66 : i32
    %get3A_68 = arith.index_cast %add3A_67 : i32 to index
    %get3A_69 = tpu.vector_load %arg9[%get3A_68] {strides = array<i32>} : memref<160xi32, #tpu.memory_space<vmem>>, vector<16xi32>,
    %get3A_70 = vector.shape_cast %get3A_69 : vector<16xi32> to vector<16xi32>
    %slice3A_71 = vector.extract_strided_slice %get3A_70 {offsets = [0], sizes = [1], strides = [1]} : vector<16xi32> to vector<1xi32>
    %squeeze3A_72 = vector.extract %slice3A_71[0] : i32 from vector<1xi32>
    %le3A_73 = arith.cmpi sle, %squeeze3A_72, %sub3A_64 : i32
    %jit3A_74 = arith.constant 0 : i32
    %select_n3A_75 = arith.select %le3A_73, %add3A_67, %jit3A_74 : i32
    %add3A_76 = arith.constant 32 : i32
    %add3A_77 = arith.addi %select_n3A_75, %add3A_76 : i32
    %get3A_78 = arith.index_cast %add3A_77 : i32 to index
    %get3A_79 = tpu.vector_load %arg9[%get3A_78] {strides = array<i32>} : memref<160xi32, #tpu.memory_space<vmem>>, vector<16xi32>,
    %get3A_80 = vector.shape_cast %get3A_79 : vector<16xi32> to vector<16xi32>
    %slice3A_81 = vector.extract_strided_slice %get3A_80 {offsets = [0], sizes = [1], strides = [1]} : vector<16xi32> to vector<1xi32>
    %squeeze3A_82 = vector.extract %slice3A_81[0] : i32 from vector<1xi32>
    %le3A_83 = arith.cmpi sle, %squeeze3A_82, %sub3A_64 : i32
    %select_n3A_84 = arith.select %le3A_83, %add3A_77, %select_n3A_75 : i32
    %add3A_85 = arith.constant 16 : i32
    %add3A_86 = arith.addi %select_n3A_84, %add3A_85 : i32
    %get3A_87 = arith.index_cast %add3A_86 : i32 to index
    %get3A_88 = tpu.vector_load %arg9[%get3A_87] {strides = array<i32>} : memref<160xi32, #tpu.memory_space<vmem>>, vector<16xi32>,
    %get3A_89 = vector.shape_cast %get3A_88 : vector<16xi32> to vector<16xi32>
    %slice3A_90 = vector.extract_strided_slice %get3A_89 {offsets = [0], sizes = [1], strides = [1]} : vector<16xi32> to vector<1xi32>
    %squeeze3A_91 = vector.extract %slice3A_90[0] : i32 from vector<1xi32>
    %le3A_92 = arith.cmpi sle, %squeeze3A_91, %sub3A_64 : i32
    %select_n3A_93 = arith.select %le3A_92, %add3A_86, %select_n3A_84 : i32
    %add3A_94 = arith.constant 8 : i32
    %add3A_95 = arith.addi %select_n3A_93, %add3A_94 : i32
    %get3A_96 = arith.index_cast %add3A_95 : i32 to index
    %get3A_97 = tpu.vector_load %arg9[%get3A_96] {strides = array<i32>} : memref<160xi32, #tpu.memory_space<vmem>>, vector<16xi32>,
    %get3A_98 = vector.shape_cast %get3A_97 : vector<16xi32> to vector<16xi32>
    %slice3A_99 = vector.extract_strided_slice %get3A_98 {offsets = [0], sizes = [1], strides = [1]} : vector<16xi32> to vector<1xi32>
    %squeeze3A_100 = vector.extract %slice3A_99[0] : i32 from vector<1xi32>
    %le3A_101 = arith.cmpi sle, %squeeze3A_100, %sub3A_64 : i32
    %select_n3A_102 = arith.select %le3A_101, %add3A_95, %select_n3A_93 : i32
    %add3A_103 = arith.constant 4 : i32
    %add3A_104 = arith.addi %select_n3A_102, %add3A_103 : i32
    %get3A_105 = arith.index_cast %add3A_104 : i32 to index
    %get3A_106 = tpu.vector_load %arg9[%get3A_105] {strides = array<i32>} : memref<160xi32, #tpu.memory_space<vmem>>, vector<16xi32>,
    %get3A_107 = vector.shape_cast %get3A_106 : vector<16xi32> to vector<16xi32>
    %slice3A_108 = vector.extract_strided_slice %get3A_107 {offsets = [0], sizes = [1], strides = [1]} : vector<16xi32> to vector<1xi32>
    %squeeze3A_109 = vector.extract %slice3A_108[0] : i32 from vector<1xi32>
    %le3A_110 = arith.cmpi sle, %squeeze3A_109, %sub3A_64 : i32
    %select_n3A_111 = arith.select %le3A_110, %add3A_104, %select_n3A_102 : i32
    %add3A_112 = arith.constant 2 : i32
    %add3A_113 = arith.addi %select_n3A_111, %add3A_112 : i32
    %get3A_114 = arith.index_cast %add3A_113 : i32 to index
    %get3A_115 = tpu.vector_load %arg9[%get3A_114] {strides = array<i32>} : memref<160xi32, #tpu.memory_space<vmem>>, vector<16xi32>,
    %get3A_116 = vector.shape_cast %get3A_115 : vector<16xi32> to vector<16xi32>
    %slice3A_117 = vector.extract_strided_slice %get3A_116 {offsets = [0], sizes = [1], strides = [1]} : vector<16xi32> to vector<1xi32>
    %squeeze3A_118 = vector.extract %slice3A_117[0] : i32 from vector<1xi32>
    %le3A_119 = arith.cmpi sle, %squeeze3A_118, %sub3A_64 : i32
    %select_n3A_120 = arith.select %le3A_119, %add3A_113, %select_n3A_111 : i32
    %add3A_121 = arith.constant 1 : i32
    %add3A_122 = arith.addi %select_n3A_120, %add3A_121 : i32
    %get3A_123 = arith.index_cast %add3A_122 : i32 to index
    %get3A_124 = tpu.vector_load %arg9[%get3A_123] {strides = array<i32>} : memref<160xi32, #tpu.memory_space<vmem>>, vector<16xi32>,
    %get3A_125 = vector.shape_cast %get3A_124 : vector<16xi32> to vector<16xi32>
    %slice3A_126 = vector.extract_strided_slice %get3A_125 {offsets = [0], sizes = [1], strides = [1]} : vector<16xi32> to vector<1xi32>
    %squeeze3A_127 = vector.extract %slice3A_126[0] : i32 from vector<1xi32>
    %le3A_128 = arith.cmpi sle, %squeeze3A_127, %sub3A_64 : i32
    %select_n3A_129 = arith.select %le3A_128, %add3A_122, %select_n3A_120 : i32
    %add3A_130 = arith.constant 1 : i32
    %add3A_131 = arith.addi %select_n3A_129, %add3A_130 : i32
    %while3A = arith.constant 0 : i32
    %while3A_132 = arith.subi %add3A_131, %select_n3A_63 : i32
    %while3A_133 = arith.addi %select_n3A_63, %while3A_132 : i32
    %while3A_134 = arith.constant 1 : i32
    %while3A_135 = arith.divsi %while3A_132, %while3A_134 : i32
    %while3A_136 = arith.muli %while3A_135, %while3A_134 : i32
    %while3A_137 = arith.addi %select_n3A_63, %while3A_136 : i32
    %while3A_138 = arith.constant 1 : i32
    scf.for %while3A_155 = %select_n3A_63 to %while3A_137 step %while3A_138  : i32 {
      %get3A_156 = arith.index_cast %while3A_155 : i32 to index
      %get3A_157 = tpu.vector_load %arg9[%get3A_156] {strides = array<i32>} : memref<160xi32, #tpu.memory_space<vmem>>, vector<16xi32>,
      %get3A_158 = vector.shape_cast %get3A_157 : vector<16xi32> to vector<16xi32>
      %slice3A_159 = vector.extract_strided_slice %get3A_158 {offsets = [0], sizes = [1], strides = [1]} : vector<16xi32> to vector<1xi32>
      %squeeze3A_160 = vector.extract %slice3A_159[0] : i32 from vector<1xi32>
      %max3A = arith.maxsi %squeeze3A_160, %mul3A_2 : i32
      %add3A_161 = arith.constant 1 : i32
      %add3A_162 = arith.addi %while3A_155, %add3A_161 : i32
      %get3A_163 = arith.index_cast %add3A_162 : i32 to index
      %get3A_164 = tpu.vector_load %arg9[%get3A_163] {strides = array<i32>} : memref<160xi32, #tpu.memory_space<vmem>>, vector<16xi32>,
      %get3A_165 = vector.shape_cast %get3A_164 : vector<16xi32> to vector<16xi32>
      %slice3A_166 = vector.extract_strided_slice %get3A_165 {offsets = [0], sizes = [1], strides = [1]} : vector<16xi32> to vector<1xi32>
      %squeeze3A_167 = vector.extract %slice3A_166[0] : i32 from vector<1xi32>
      %min3A = arith.minsi %squeeze3A_167, %add3A_4 : i32
      %jit3A_168 = arith.constant 8 : i32
      %div3A = arith.divsi %max3A, %jit3A_168 : i32
      %sign3A = arith.constant 0 : i32
      %sign3A_169 = arith.cmpi sgt, %max3A, %sign3A : i32
      %sign3A_170 = arith.extui %sign3A_169 : i1 to i32
      %sign3A_171 = arith.constant 0 : i32
      %sign3A_172 = arith.cmpi slt, %max3A, %sign3A_171 : i32
      %sign3A_173 = arith.extui %sign3A_172 : i1 to i32
      %sign3A_174 = arith.subi %sign3A_170, %sign3A_173 : i32
      %sign3A_175 = arith.constant 0 : i32
      %sign3A_176 = arith.cmpi sgt, %jit3A_168, %sign3A_175 : i32
      %sign3A_177 = arith.extui %sign3A_176 : i1 to i32
      %sign3A_178 = arith.constant 0 : i32
      %sign3A_179 = arith.cmpi slt, %jit3A_168, %sign3A_178 : i32
      %sign3A_180 = arith.extui %sign3A_179 : i1 to i32
      %sign3A_181 = arith.subi %sign3A_177, %sign3A_180 : i32
      %ne3A = arith.cmpi ne, %sign3A_174, %sign3A_181 : i32
      %rem3A = arith.remsi %max3A, %jit3A_168 : i32
      %ne3A_182 = arith.constant 0 : i32
      %ne3A_183 = arith.cmpi ne, %rem3A, %ne3A_182 : i32
      %and3A = arith.andi %ne3A, %ne3A_183 : i1
      %sub3A_184 = arith.constant 1 : i32
      %sub3A_185 = arith.subi %div3A, %sub3A_184 : i32
      %select_n3A_186 = arith.select %and3A, %sub3A_185, %div3A : i32
      %mul3A_187 = arith.constant 8 : i32
      %mul3A_188 = arith.muli %select_n3A_186, %mul3A_187 : i32
      %sub3A_189 = arith.subi %min3A, %mul3A_188 : i32
      %add3A_190 = arith.constant 96 : i32
      %add3A_191 = arith.addi %sub3A_189, %add3A_190 : i32
      %sub3A_192 = arith.constant 1 : i32
      %sub3A_193 = arith.subi %add3A_191, %sub3A_192 : i32
      %jit3A_194 = arith.constant 96 : i32
      %div3A_195 = arith.divsi %sub3A_193, %jit3A_194 : i32
      %sign3A_196 = arith.constant 0 : i32
      %sign3A_197 = arith.cmpi sgt, %sub3A_193, %sign3A_196 : i32
      %sign3A_198 = arith.extui %sign3A_197 : i1 to i32
      %sign3A_199 = arith.constant 0 : i32
      %sign3A_200 = arith.cmpi slt, %sub3A_193, %sign3A_199 : i32
      %sign3A_201 = arith.extui %sign3A_200 : i1 to i32
      %sign3A_202 = arith.subi %sign3A_198, %sign3A_201 : i32
      %sign3A_203 = arith.constant 0 : i32
      %sign3A_204 = arith.cmpi sgt, %jit3A_194, %sign3A_203 : i32
      %sign3A_205 = arith.extui %sign3A_204 : i1 to i32
      %sign3A_206 = arith.constant 0 : i32
      %sign3A_207 = arith.cmpi slt, %jit3A_194, %sign3A_206 : i32
      %sign3A_208 = arith.extui %sign3A_207 : i1 to i32
      %sign3A_209 = arith.subi %sign3A_205, %sign3A_208 : i32
      %ne3A_210 = arith.cmpi ne, %sign3A_202, %sign3A_209 : i32
      %rem3A_211 = arith.remsi %sub3A_193, %jit3A_194 : i32
      %ne3A_212 = arith.constant 0 : i32
      %ne3A_213 = arith.cmpi ne, %rem3A_211, %ne3A_212 : i32
      %and3A_214 = arith.andi %ne3A_210, %ne3A_213 : i1
      %sub3A_215 = arith.constant 1 : i32
      %sub3A_216 = arith.subi %div3A_195, %sub3A_215 : i32
      %select_n3A_217 = arith.select %and3A_214, %sub3A_216, %div3A_195 : i32
      %max3A_218 = arith.constant 1 : i32
      %max3A_219 = arith.maxsi %select_n3A_217, %max3A_218 : i32
      %add3A_220 = arith.constant 1 : i32
      %add3A_221 = arith.addi %max3A_219, %add3A_220 : i32
      %jit3A_222 = arith.constant 2 : i32
      %div3A_223 = arith.divsi %add3A_221, %jit3A_222 : i32
      %sign3A_224 = arith.constant 0 : i32
      %sign3A_225 = arith.cmpi sgt, %add3A_221, %sign3A_224 : i32
      %sign3A_226 = arith.extui %sign3A_225 : i1 to i32
      %sign3A_227 = arith.constant 0 : i32
      %sign3A_228 = arith.cmpi slt, %add3A_221, %sign3A_227 : i32
      %sign3A_229 = arith.extui %sign3A_228 : i1 to i32
      %sign3A_230 = arith.subi %sign3A_226, %sign3A_229 : i32
      %sign3A_231 = arith.constant 0 : i32
      %sign3A_232 = arith.cmpi sgt, %jit3A_222, %sign3A_231 : i32
      %sign3A_233 = arith.extui %sign3A_232 : i1 to i32
      %sign3A_234 = arith.constant 0 : i32
      %sign3A_235 = arith.cmpi slt, %jit3A_222, %sign3A_234 : i32
      %sign3A_236 = arith.extui %sign3A_235 : i1 to i32
      %sign3A_237 = arith.subi %sign3A_233, %sign3A_236 : i32
      %ne3A_238 = arith.cmpi ne, %sign3A_230, %sign3A_237 : i32
      %rem3A_239 = arith.remsi %add3A_221, %jit3A_222 : i32
      %ne3A_240 = arith.constant 0 : i32
      %ne3A_241 = arith.cmpi ne, %rem3A_239, %ne3A_240 : i32
      %and3A_242 = arith.andi %ne3A_238, %ne3A_241 : i1
      %sub3A_243 = arith.constant 1 : i32
      %sub3A_244 = arith.subi %div3A_223, %sub3A_243 : i32
      %select_n3A_245 = arith.select %and3A_242, %sub3A_244, %div3A_223 : i32
      %broadcast_in_dim3A_246 = arith.constant 0xFF800000 : f32
      %broadcast_in_dim3A_247 = vector.broadcast %broadcast_in_dim3A_246 : f32 to vector<16xf32>
      %add3A_248 = arith.constant 0 : i32
      %add3A_249 = arith.addi %mul3A_188, %add3A_248 : i32
      %min3A_250 = arith.constant 99904 : i32
      %min3A_251 = arith.minsi %add3A_249, %min3A_250 : i32
      %dma_start3A = arith.constant 0 : i32
      %dma_start3A_252 = tpu.memref_slice %arg2[%min3A_251, %dma_start3A] : memref<100000x512xf32, #tpu.memory_space<hbm>> -> memref<96x512xf32, #tpu.memory_space<hbm>>
      %dma_start3A_253 = arith.constant 0 : i32
      %dma_start3A_254 = tpu.memref_slice %arg2[%min3A_251, %dma_start3A_253] : memref<100000x512xf32, #tpu.memory_space<hbm>> -> memref<96x512xf32, #tpu.memory_space<hbm>>
      tpu.enqueue_dma source(%dma_start3A_254 : memref<96x512xf32, #tpu.memory_space<hbm>>) target(%arg7 : memref<96x512xf32, #tpu.memory_space<vmem>>) target_semaphore(%arg12 : memref<!tpu.dma_semaphore, #tpu.memory_space<semaphore_mem>>)
      %while3A_255 = arith.constant 0 : i32
      %while3A_256 = arith.subi %select_n3A_245, %while3A_255 : i32
      %while3A_257 = arith.addi %while3A_255, %while3A_256 : i32
      %while3A_258 = arith.constant 1 : i32
      %while3A_259 = arith.divsi %while3A_256, %while3A_258 : i32
      %while3A_260 = arith.muli %while3A_259, %while3A_258 : i32
      %while3A_261 = arith.addi %while3A_255, %while3A_260 : i32
      %while3A_262 = arith.constant 1 : i32
      %while3A_263:32 = scf.for %while3A_402 = %while3A_255 to %while3A_261 step %while3A_262 iter_args(%while3A_403 = %broadcast_in_dim3A_247, %while3A_404 = %broadcast_in_dim3A_247, %while3A_405 = %broadcast_in_dim3A_247, %while3A_406 = %broadcast_in_dim3A_247, %while3A_407 = %broadcast_in_dim3A_247, %while3A_408 = %broadcast_in_dim3A_247, %while3A_409 = %broadcast_in_dim3A_247, %while3A_410 = %broadcast_in_dim3A_247, %while3A_411 = %broadcast_in_dim3A_247, %while3A_412 = %broadcast_in_dim3A_247, %while3A_413 = %broadcast_in_dim3A_247, %while3A_414 = %broadcast_in_dim3A_247, %while3A_415 = %broadcast_in_dim3A_247, %while3A_416 = %broadcast_in_dim3A_247, %while3A_417 = %broadcast_in_dim3A_247, %while3A_418 = %broadcast_in_dim3A_247, %while3A_419 = %broadcast_in_dim3A_247, %while3A_420 = %broadcast_in_dim3A_247, %while3A_421 = %broadcast_in_dim3A_247, %while3A_422 = %broadcast_in_dim3A_247, %while3A_423 = %broadcast_in_dim3A_247, %while3A_424 = %broadcast_in_dim3A_247, %while3A_425 = %broadcast_in_dim3A_247, %while3A_426 = %broadcast_in_dim3A_247, %while3A_427 = %broadcast_in_dim3A_247, %while3A_428 = %broadcast_in_dim3A_247, %while3A_429 = %broadcast_in_dim3A_247, %while3A_430 = %broadcast_in_dim3A_247, %while3A_431 = %broadcast_in_dim3A_247, %while3A_432 = %broadcast_in_dim3A_247, %while3A_433 = %broadcast_in_dim3A_247, %while3A_434 = %broadcast_in_dim3A_247) -> (vector<16xf32>, vector<16xf32>, vector<16xf32>, vector<16xf32>, vector<16xf32>, vector<16xf32>, vector<16xf32>, vector<16xf32>, vector<16xf32>, vector<16xf32>, vector<16xf32>, vector<16xf32>, vector<16xf32>, vector<16xf32>, vector<16xf32>, vector<16xf32>, vector<16xf32>, vector<16xf32>, vector<16xf32>, vector<16xf32>, vector<16xf32>, vector<16xf32>, vector<16xf32>, vector<16xf32>, vector<16xf32>, vector<16xf32>, vector<16xf32>, vector<16xf32>, vector<16xf32>, vector<16xf32>, vector<16xf32>, vector<16xf32>)  : i32 {
        %mul3A_435 = arith.constant 2 : i32
        %mul3A_436 = arith.muli %mul3A_435, %while3A_402 : i32
        %mul3A_437 = arith.constant 96 : i32
        %mul3A_438 = arith.muli %mul3A_436, %mul3A_437 : i32
        %add3A_439 = arith.addi %mul3A_188, %mul3A_438 : i32
        %min3A_440 = arith.constant 99904 : i32
        %min3A_441 = arith.minsi %add3A_439, %min3A_440 : i32
        %dma_wait3A = arith.constant 0 : i32
        %dma_wait3A_442 = tpu.memref_slice %arg2[%min3A_441, %dma_wait3A] : memref<100000x512xf32, #tpu.memory_space<hbm>> -> memref<96x512xf32, #tpu.memory_space<hbm>>
        %dma_wait3A_443 = arith.constant 0 : i32
        %dma_wait3A_444 = tpu.memref_slice %arg2[%min3A_441, %dma_wait3A_443] : memref<100000x512xf32, #tpu.memory_space<hbm>> -> memref<96x512xf32, #tpu.memory_space<hbm>>
        tpu.wait_dma2 semaphore(%arg12 : memref<!tpu.dma_semaphore, #tpu.memory_space<semaphore_mem>>) src(%dma_wait3A_444 : memref<96x512xf32, #tpu.memory_space<hbm>>) dst(%arg7 : memref<96x512xf32, #tpu.memory_space<vmem>>)
        %add3A_445 = arith.constant 1 : i32
        %add3A_446 = arith.addi %mul3A_436, %add3A_445 : i32
        %mul3A_447 = arith.constant 96 : i32
        %mul3A_448 = arith.muli %add3A_446, %mul3A_447 : i32
        %add3A_449 = arith.addi %mul3A_188, %mul3A_448 : i32
        %min3A_450 = arith.constant 99904 : i32
        %min3A_451 = arith.minsi %add3A_449, %min3A_450 : i32
        %dma_start3A_452 = arith.constant 0 : i32
        %dma_start3A_453 = tpu.memref_slice %arg2[%min3A_451, %dma_start3A_452] : memref<100000x512xf32, #tpu.memory_space<hbm>> -> memref<96x512xf32, #tpu.memory_space<hbm>>
        %dma_start3A_454 = arith.constant 0 : i32
        %dma_start3A_455 = tpu.memref_slice %arg2[%min3A_451, %dma_start3A_454] : memref<100000x512xf32, #tpu.memory_space<hbm>> -> memref<96x512xf32, #tpu.memory_space<hbm>>
        tpu.enqueue_dma source(%dma_start3A_455 : memref<96x512xf32, #tpu.memory_space<hbm>>) target(%arg8 : memref<96x512xf32, #tpu.memory_space<vmem>>) target_semaphore(%arg13 : memref<!tpu.dma_semaphore, #tpu.memory_space<semaphore_mem>>)
        %mul3A_456 = arith.constant 96 : i32
        %mul3A_457 = arith.muli %mul3A_436, %mul3A_456 : i32
        %add3A_458 = arith.addi %mul3A_188, %mul3A_457 : i32
        %mul3A_459 = arith.constant 96 : i32
        %mul3A_460 = arith.muli %mul3A_436, %mul3A_459 : i32
        %add3A_461 = arith.addi %mul3A_188, %mul3A_460 : i32
        %min3A_462 = arith.constant 99904 : i32
        %min3A_463 = arith.minsi %add3A_461, %min3A_462 : i32
        %sub3A_464 = arith.subi %add3A_458, %min3A_463 : i32
        %sub3A_465 = arith.subi %max3A, %add3A_458 : i32
        %max3A_466 = arith.constant 0 : i32
        %max3A_467 = arith.maxsi %sub3A_465, %max3A_466 : i32
        %add3A_468 = arith.addi %sub3A_464, %max3A_467 : i32
        %sub3A_469 = arith.subi %min3A, %add3A_458 : i32
        %min3A_470 = arith.constant 96 : i32
        %min3A_471 = arith.minsi %sub3A_469, %min3A_470 : i32
        %max3A_472 = arith.constant 0 : i32
        %max3A_473 = arith.maxsi %min3A_471, %max3A_472 : i32
        %add3A_474 = arith.addi %sub3A_464, %max3A_473 : i32
        %while3A_475 = arith.subi %add3A_474, %add3A_468 : i32
        %while3A_476 = arith.addi %add3A_468, %while3A_475 : i32
        %while3A_477 = arith.constant 1 : i32
        %while3A_478 = arith.divsi %while3A_475, %while3A_477 : i32
        %while3A_479 = arith.muli %while3A_478, %while3A_477 : i32
        %while3A_480 = arith.addi %add3A_468, %while3A_479 : i32
        %while3A_481 = arith.constant 1 : i32
        %while3A_482:32 = scf.for %while3A_532 = %add3A_468 to %while3A_480 step %while3A_481 iter_args(%while3A_533 = %while3A_403, %while3A_534 = %while3A_404, %while3A_535 = %while3A_405, %while3A_536 = %while3A_406, %while3A_537 = %while3A_407, %while3A_538 = %while3A_408, %while3A_539 = %while3A_409, %while3A_540 = %while3A_410, %while3A_541 = %while3A_411, %while3A_542 = %while3A_412, %while3A_543 = %while3A_413, %while3A_544 = %while3A_414, %while3A_545 = %while3A_415, %while3A_546 = %while3A_416, %while3A_547 = %while3A_417, %while3A_548 = %while3A_418, %while3A_549 = %while3A_419, %while3A_550 = %while3A_420, %while3A_551 = %while3A_421, %while3A_552 = %while3A_422, %while3A_553 = %while3A_423, %while3A_554 = %while3A_424, %while3A_555 = %while3A_425, %while3A_556 = %while3A_426, %while3A_557 = %while3A_427, %while3A_558 = %while3A_428, %while3A_559 = %while3A_429, %while3A_560 = %while3A_430, %while3A_561 = %while3A_431, %while3A_562 = %while3A_432, %while3A_563 = %while3A_433, %while3A_564 = %while3A_434) -> (vector<16xf32>, vector<16xf32>, vector<16xf32>, vector<16xf32>, vector<16xf32>, vector<16xf32>, vector<16xf32>, vector<16xf32>, vector<16xf32>, vector<16xf32>, vector<16xf32>, vector<16xf32>, vector<16xf32>, vector<16xf32>, vector<16xf32>, vector<16xf32>, vector<16xf32>, vector<16xf32>, vector<16xf32>, vector<16xf32>, vector<16xf32>, vector<16xf32>, vector<16xf32>, vector<16xf32>, vector<16xf32>, vector<16xf32>, vector<16xf32>, vector<16xf32>, vector<16xf32>, vector<16xf32>, vector<16xf32>, vector<16xf32>)  : i32 {
          %get3A_565 = arith.index_cast %while3A_532 : i32 to index
          %get3A_566 = arith.constant 0 : index
          %get3A_567 = tpu.vector_load %arg7[%get3A_565, %get3A_566] {strides = array<i32>} : memref<96x512xf32, #tpu.memory_space<vmem>>, vector<1x16xf32>,
          %get3A_568 = vector.shape_cast %get3A_567 : vector<1x16xf32> to vector<16xf32>
          %max3A_569 = arith.maximumf %while3A_533, %get3A_568 : vector<16xf32>
          %get3A_570 = arith.index_cast %while3A_532 : i32 to index
          %get3A_571 = arith.constant 16 : index
          %get3A_572 = tpu.vector_load %arg7[%get3A_570, %get3A_571] {strides = array<i32>} : memref<96x512xf32, #tpu.memory_space<vmem>>, vector<1x16xf32>,
          %get3A_573 = vector.shape_cast %get3A_572 : vector<1x16xf32> to vector<16xf32>
          %max3A_574 = arith.maximumf %while3A_534, %get3A_573 : vector<16xf32>
          %get3A_575 = arith.index_cast %while3A_532 : i32 to index
          %get3A_576 = arith.constant 32 : index
          %get3A_577 = tpu.vector_load %arg7[%get3A_575, %get3A_576] {strides = array<i32>} : memref<96x512xf32, #tpu.memory_space<vmem>>, vector<1x16xf32>,
          %get3A_578 = vector.shape_cast %get3A_577 : vector<1x16xf32> to vector<16xf32>
          %max3A_579 = arith.maximumf %while3A_535, %get3A_578 : vector<16xf32>
          %get3A_580 = arith.index_cast %while3A_532 : i32 to index
          %get3A_581 = arith.constant 48 : index
          %get3A_582 = tpu.vector_load %arg7[%get3A_580, %get3A_581] {strides = array<i32>} : memref<96x512xf32, #tpu.memory_space<vmem>>, vector<1x16xf32>,
          %get3A_583 = vector.shape_cast %get3A_582 : vector<1x16xf32> to vector<16xf32>
          %max3A_584 = arith.maximumf %while3A_536, %get3A_583 : vector<16xf32>
          %get3A_585 = arith.index_cast %while3A_532 : i32 to index
          %get3A_586 = arith.constant 64 : index
          %get3A_587 = tpu.vector_load %arg7[%get3A_585, %get3A_586] {strides = array<i32>} : memref<96x512xf32, #tpu.memory_space<vmem>>, vector<1x16xf32>,
          %get3A_588 = vector.shape_cast %get3A_587 : vector<1x16xf32> to vector<16xf32>
          %max3A_589 = arith.maximumf %while3A_537, %get3A_588 : vector<16xf32>
          %get3A_590 = arith.index_cast %while3A_532 : i32 to index
          %get3A_591 = arith.constant 80 : index
          %get3A_592 = tpu.vector_load %arg7[%get3A_590, %get3A_591] {strides = array<i32>} : memref<96x512xf32, #tpu.memory_space<vmem>>, vector<1x16xf32>,
          %get3A_593 = vector.shape_cast %get3A_592 : vector<1x16xf32> to vector<16xf32>
          %max3A_594 = arith.maximumf %while3A_538, %get3A_593 : vector<16xf32>
          %get3A_595 = arith.index_cast %while3A_532 : i32 to index
          %get3A_596 = arith.constant 96 : index
          %get3A_597 = tpu.vector_load %arg7[%get3A_595, %get3A_596] {strides = array<i32>} : memref<96x512xf32, #tpu.memory_space<vmem>>, vector<1x16xf32>,
          %get3A_598 = vector.shape_cast %get3A_597 : vector<1x16xf32> to vector<16xf32>
          %max3A_599 = arith.maximumf %while3A_539, %get3A_598 : vector<16xf32>
          %get3A_600 = arith.index_cast %while3A_532 : i32 to index
          %get3A_601 = arith.constant 112 : index
          %get3A_602 = tpu.vector_load %arg7[%get3A_600, %get3A_601] {strides = array<i32>} : memref<96x512xf32, #tpu.memory_space<vmem>>, vector<1x16xf32>,
          %get3A_603 = vector.shape_cast %get3A_602 : vector<1x16xf32> to vector<16xf32>
          %max3A_604 = arith.maximumf %while3A_540, %get3A_603 : vector<16xf32>
          %get3A_605 = arith.index_cast %while3A_532 : i32 to index
          %get3A_606 = arith.constant 128 : index
          %get3A_607 = tpu.vector_load %arg7[%get3A_605, %get3A_606] {strides = array<i32>} : memref<96x512xf32, #tpu.memory_space<vmem>>, vector<1x16xf32>,
          %get3A_608 = vector.shape_cast %get3A_607 : vector<1x16xf32> to vector<16xf32>
          %max3A_609 = arith.maximumf %while3A_541, %get3A_608 : vector<16xf32>
          %get3A_610 = arith.index_cast %while3A_532 : i32 to index
          %get3A_611 = arith.constant 144 : index
          %get3A_612 = tpu.vector_load %arg7[%get3A_610, %get3A_611] {strides = array<i32>} : memref<96x512xf32, #tpu.memory_space<vmem>>, vector<1x16xf32>,
          %get3A_613 = vector.shape_cast %get3A_612 : vector<1x16xf32> to vector<16xf32>
          %max3A_614 = arith.maximumf %while3A_542, %get3A_613 : vector<16xf32>
          %get3A_615 = arith.index_cast %while3A_532 : i32 to index
          %get3A_616 = arith.constant 160 : index
          %get3A_617 = tpu.vector_load %arg7[%get3A_615, %get3A_616] {strides = array<i32>} : memref<96x512xf32, #tpu.memory_space<vmem>>, vector<1x16xf32>,
          %get3A_618 = vector.shape_cast %get3A_617 : vector<1x16xf32> to vector<16xf32>
          %max3A_619 = arith.maximumf %while3A_543, %get3A_618 : vector<16xf32>
          %get3A_620 = arith.index_cast %while3A_532 : i32 to index
          %get3A_621 = arith.constant 176 : index
          %get3A_622 = tpu.vector_load %arg7[%get3A_620, %get3A_621] {strides = array<i32>} : memref<96x512xf32, #tpu.memory_space<vmem>>, vector<1x16xf32>,
          %get3A_623 = vector.shape_cast %get3A_622 : vector<1x16xf32> to vector<16xf32>
          %max3A_624 = arith.maximumf %while3A_544, %get3A_623 : vector<16xf32>
          %get3A_625 = arith.index_cast %while3A_532 : i32 to index
          %get3A_626 = arith.constant 192 : index
          %get3A_627 = tpu.vector_load %arg7[%get3A_625, %get3A_626] {strides = array<i32>} : memref<96x512xf32, #tpu.memory_space<vmem>>, vector<1x16xf32>,
          %get3A_628 = vector.shape_cast %get3A_627 : vector<1x16xf32> to vector<16xf32>
          %max3A_629 = arith.maximumf %while3A_545, %get3A_628 : vector<16xf32>
          %get3A_630 = arith.index_cast %while3A_532 : i32 to index
          %get3A_631 = arith.constant 208 : index
          %get3A_632 = tpu.vector_load %arg7[%get3A_630, %get3A_631] {strides = array<i32>} : memref<96x512xf32, #tpu.memory_space<vmem>>, vector<1x16xf32>,
          %get3A_633 = vector.shape_cast %get3A_632 : vector<1x16xf32> to vector<16xf32>
          %max3A_634 = arith.maximumf %while3A_546, %get3A_633 : vector<16xf32>
          %get3A_635 = arith.index_cast %while3A_532 : i32 to index
          %get3A_636 = arith.constant 224 : index
          %get3A_637 = tpu.vector_load %arg7[%get3A_635, %get3A_636] {strides = array<i32>} : memref<96x512xf32, #tpu.memory_space<vmem>>, vector<1x16xf32>,
          %get3A_638 = vector.shape_cast %get3A_637 : vector<1x16xf32> to vector<16xf32>
          %max3A_639 = arith.maximumf %while3A_547, %get3A_638 : vector<16xf32>
          %get3A_640 = arith.index_cast %while3A_532 : i32 to index
          %get3A_641 = arith.constant 240 : index
          %get3A_642 = tpu.vector_load %arg7[%get3A_640, %get3A_641] {strides = array<i32>} : memref<96x512xf32, #tpu.memory_space<vmem>>, vector<1x16xf32>,
          %get3A_643 = vector.shape_cast %get3A_642 : vector<1x16xf32> to vector<16xf32>
          %max3A_644 = arith.maximumf %while3A_548, %get3A_643 : vector<16xf32>
          %get3A_645 = arith.index_cast %while3A_532 : i32 to index
          %get3A_646 = arith.constant 256 : index
          %get3A_647 = tpu.vector_load %arg7[%get3A_645, %get3A_646] {strides = array<i32>} : memref<96x512xf32, #tpu.memory_space<vmem>>, vector<1x16xf32>,
          %get3A_648 = vector.shape_cast %get3A_647 : vector<1x16xf32> to vector<16xf32>
          %max3A_649 = arith.maximumf %while3A_549, %get3A_648 : vector<16xf32>
          %get3A_650 = arith.index_cast %while3A_532 : i32 to index
          %get3A_651 = arith.constant 272 : index
          %get3A_652 = tpu.vector_load %arg7[%get3A_650, %get3A_651] {strides = array<i32>} : memref<96x512xf32, #tpu.memory_space<vmem>>, vector<1x16xf32>,
          %get3A_653 = vector.shape_cast %get3A_652 : vector<1x16xf32> to vector<16xf32>
          %max3A_654 = arith.maximumf %while3A_550, %get3A_653 : vector<16xf32>
          %get3A_655 = arith.index_cast %while3A_532 : i32 to index
          %get3A_656 = arith.constant 288 : index
          %get3A_657 = tpu.vector_load %arg7[%get3A_655, %get3A_656] {strides = array<i32>} : memref<96x512xf32, #tpu.memory_space<vmem>>, vector<1x16xf32>,
          %get3A_658 = vector.shape_cast %get3A_657 : vector<1x16xf32> to vector<16xf32>
          %max3A_659 = arith.maximumf %while3A_551, %get3A_658 : vector<16xf32>
          %get3A_660 = arith.index_cast %while3A_532 : i32 to index
          %get3A_661 = arith.constant 304 : index
          %get3A_662 = tpu.vector_load %arg7[%get3A_660, %get3A_661] {strides = array<i32>} : memref<96x512xf32, #tpu.memory_space<vmem>>, vector<1x16xf32>,
          %get3A_663 = vector.shape_cast %get3A_662 : vector<1x16xf32> to vector<16xf32>
          %max3A_664 = arith.maximumf %while3A_552, %get3A_663 : vector<16xf32>
          %get3A_665 = arith.index_cast %while3A_532 : i32 to index
          %get3A_666 = arith.constant 320 : index
          %get3A_667 = tpu.vector_load %arg7[%get3A_665, %get3A_666] {strides = array<i32>} : memref<96x512xf32, #tpu.memory_space<vmem>>, vector<1x16xf32>,
          %get3A_668 = vector.shape_cast %get3A_667 : vector<1x16xf32> to vector<16xf32>
          %max3A_669 = arith.maximumf %while3A_553, %get3A_668 : vector<16xf32>
          %get3A_670 = arith.index_cast %while3A_532 : i32 to index
          %get3A_671 = arith.constant 336 : index
          %get3A_672 = tpu.vector_load %arg7[%get3A_670, %get3A_671] {strides = array<i32>} : memref<96x512xf32, #tpu.memory_space<vmem>>, vector<1x16xf32>,
          %get3A_673 = vector.shape_cast %get3A_672 : vector<1x16xf32> to vector<16xf32>
          %max3A_674 = arith.maximumf %while3A_554, %get3A_673 : vector<16xf32>
          %get3A_675 = arith.index_cast %while3A_532 : i32 to index
          %get3A_676 = arith.constant 352 : index
          %get3A_677 = tpu.vector_load %arg7[%get3A_675, %get3A_676] {strides = array<i32>} : memref<96x512xf32, #tpu.memory_space<vmem>>, vector<1x16xf32>,
          %get3A_678 = vector.shape_cast %get3A_677 : vector<1x16xf32> to vector<16xf32>
          %max3A_679 = arith.maximumf %while3A_555, %get3A_678 : vector<16xf32>
          %get3A_680 = arith.index_cast %while3A_532 : i32 to index
          %get3A_681 = arith.constant 368 : index
          %get3A_682 = tpu.vector_load %arg7[%get3A_680, %get3A_681] {strides = array<i32>} : memref<96x512xf32, #tpu.memory_space<vmem>>, vector<1x16xf32>,
          %get3A_683 = vector.shape_cast %get3A_682 : vector<1x16xf32> to vector<16xf32>
          %max3A_684 = arith.maximumf %while3A_556, %get3A_683 : vector<16xf32>
          %get3A_685 = arith.index_cast %while3A_532 : i32 to index
          %get3A_686 = arith.constant 384 : index
          %get3A_687 = tpu.vector_load %arg7[%get3A_685, %get3A_686] {strides = array<i32>} : memref<96x512xf32, #tpu.memory_space<vmem>>, vector<1x16xf32>,
          %get3A_688 = vector.shape_cast %get3A_687 : vector<1x16xf32> to vector<16xf32>
          %max3A_689 = arith.maximumf %while3A_557, %get3A_688 : vector<16xf32>
          %get3A_690 = arith.index_cast %while3A_532 : i32 to index
          %get3A_691 = arith.constant 400 : index
          %get3A_692 = tpu.vector_load %arg7[%get3A_690, %get3A_691] {strides = array<i32>} : memref<96x512xf32, #tpu.memory_space<vmem>>, vector<1x16xf32>,
          %get3A_693 = vector.shape_cast %get3A_692 : vector<1x16xf32> to vector<16xf32>
          %max3A_694 = arith.maximumf %while3A_558, %get3A_693 : vector<16xf32>
          %get3A_695 = arith.index_cast %while3A_532 : i32 to index
          %get3A_696 = arith.constant 416 : index
          %get3A_697 = tpu.vector_load %arg7[%get3A_695, %get3A_696] {strides = array<i32>} : memref<96x512xf32, #tpu.memory_space<vmem>>, vector<1x16xf32>,
          %get3A_698 = vector.shape_cast %get3A_697 : vector<1x16xf32> to vector<16xf32>
          %max3A_699 = arith.maximumf %while3A_559, %get3A_698 : vector<16xf32>
          %get3A_700 = arith.index_cast %while3A_532 : i32 to index
          %get3A_701 = arith.constant 432 : index
          %get3A_702 = tpu.vector_load %arg7[%get3A_700, %get3A_701] {strides = array<i32>} : memref<96x512xf32, #tpu.memory_space<vmem>>, vector<1x16xf32>,
          %get3A_703 = vector.shape_cast %get3A_702 : vector<1x16xf32> to vector<16xf32>
          %max3A_704 = arith.maximumf %while3A_560, %get3A_703 : vector<16xf32>
          %get3A_705 = arith.index_cast %while3A_532 : i32 to index
          %get3A_706 = arith.constant 448 : index
          %get3A_707 = tpu.vector_load %arg7[%get3A_705, %get3A_706] {strides = array<i32>} : memref<96x512xf32, #tpu.memory_space<vmem>>, vector<1x16xf32>,
          %get3A_708 = vector.shape_cast %get3A_707 : vector<1x16xf32> to vector<16xf32>
          %max3A_709 = arith.maximumf %while3A_561, %get3A_708 : vector<16xf32>
          %get3A_710 = arith.index_cast %while3A_532 : i32 to index
          %get3A_711 = arith.constant 464 : index
          %get3A_712 = tpu.vector_load %arg7[%get3A_710, %get3A_711] {strides = array<i32>} : memref<96x512xf32, #tpu.memory_space<vmem>>, vector<1x16xf32>,
          %get3A_713 = vector.shape_cast %get3A_712 : vector<1x16xf32> to vector<16xf32>
          %max3A_714 = arith.maximumf %while3A_562, %get3A_713 : vector<16xf32>
          %get3A_715 = arith.index_cast %while3A_532 : i32 to index
          %get3A_716 = arith.constant 480 : index
          %get3A_717 = tpu.vector_load %arg7[%get3A_715, %get3A_716] {strides = array<i32>} : memref<96x512xf32, #tpu.memory_space<vmem>>, vector<1x16xf32>,
          %get3A_718 = vector.shape_cast %get3A_717 : vector<1x16xf32> to vector<16xf32>
          %max3A_719 = arith.maximumf %while3A_563, %get3A_718 : vector<16xf32>
          %get3A_720 = arith.index_cast %while3A_532 : i32 to index
          %get3A_721 = arith.constant 496 : index
          %get3A_722 = tpu.vector_load %arg7[%get3A_720, %get3A_721] {strides = array<i32>} : memref<96x512xf32, #tpu.memory_space<vmem>>, vector<1x16xf32>,
          %get3A_723 = vector.shape_cast %get3A_722 : vector<1x16xf32> to vector<16xf32>
          %max3A_724 = arith.maximumf %while3A_564, %get3A_723 : vector<16xf32>
          scf.yield %max3A_569, %max3A_574, %max3A_579, %max3A_584, %max3A_589, %max3A_594, %max3A_599, %max3A_604, %max3A_609, %max3A_614, %max3A_619, %max3A_624, %max3A_629, %max3A_634, %max3A_639, %max3A_644, %max3A_649, %max3A_654, %max3A_659, %max3A_664, %max3A_669, %max3A_674, %max3A_679, %max3A_684, %max3A_689, %max3A_694, %max3A_699, %max3A_704, %max3A_709, %max3A_714, %max3A_719, %max3A_724 : vector<16xf32>, vector<16xf32>, vector<16xf32>, vector<16xf32>, vector<16xf32>, vector<16xf32>, vector<16xf32>, vector<16xf32>, vector<16xf32>, vector<16xf32>, vector<16xf32>, vector<16xf32>, vector<16xf32>, vector<16xf32>, vector<16xf32>, vector<16xf32>, vector<16xf32>, vector<16xf32>, vector<16xf32>, vector<16xf32>, vector<16xf32>, vector<16xf32>, vector<16xf32>, vector<16xf32>, vector<16xf32>, vector<16xf32>, vector<16xf32>, vector<16xf32>, vector<16xf32>, vector<16xf32>, vector<16xf32>, vector<16xf32>
        }
        %while3A_483 = arith.constant 1 : i32
        %while3A_484:32 = scf.for %while3A_532 = %while3A_480 to %while3A_476 step %while3A_483 iter_args(%while3A_533 = %while3A_482#0, %while3A_534 = %while3A_482#1, %while3A_535 = %while3A_482#2, %while3A_536 = %while3A_482#3, %while3A_537 = %while3A_482#4, %while3A_538 = %while3A_482#5, %while3A_539 = %while3A_482#6, %while3A_540 = %while3A_482#7, %while3A_541 = %while3A_482#8, %while3A_542 = %while3A_482#9, %while3A_543 = %while3A_482#10, %while3A_544 = %while3A_482#11, %while3A_545 = %while3A_482#12, %while3A_546 = %while3A_482#13, %while3A_547 = %while3A_482#14, %while3A_548 = %while3A_482#15, %while3A_549 = %while3A_482#16, %while3A_550 = %while3A_482#17, %while3A_551 = %while3A_482#18, %while3A_552 = %while3A_482#19, %while3A_553 = %while3A_482#20, %while3A_554 = %while3A_482#21, %while3A_555 = %while3A_482#22, %while3A_556 = %while3A_482#23, %while3A_557 = %while3A_482#24, %while3A_558 = %while3A_482#25, %while3A_559 = %while3A_482#26, %while3A_560 = %while3A_482#27, %while3A_561 = %while3A_482#28, %while3A_562 = %while3A_482#29, %while3A_563 = %while3A_482#30, %while3A_564 = %while3A_482#31) -> (vector<16xf32>, vector<16xf32>, vector<16xf32>, vector<16xf32>, vector<16xf32>, vector<16xf32>, vector<16xf32>, vector<16xf32>, vector<16xf32>, vector<16xf32>, vector<16xf32>, vector<16xf32>, vector<16xf32>, vector<16xf32>, vector<16xf32>, vector<16xf32>, vector<16xf32>, vector<16xf32>, vector<16xf32>, vector<16xf32>, vector<16xf32>, vector<16xf32>, vector<16xf32>, vector<16xf32>, vector<16xf32>, vector<16xf32>, vector<16xf32>, vector<16xf32>, vector<16xf32>, vector<16xf32>, vector<16xf32>, vector<16xf32>)  : i32 {
          %get3A_565 = arith.index_cast %while3A_532 : i32 to index
          %get3A_566 = arith.constant 0 : index
          %get3A_567 = tpu.vector_load %arg7[%get3A_565, %get3A_566] {strides = array<i32>} : memref<96x512xf32, #tpu.memory_space<vmem>>, vector<1x16xf32>,
          %get3A_568 = vector.shape_cast %get3A_567 : vector<1x16xf32> to vector<16xf32>
          %max3A_569 = arith.maximumf %while3A_533, %get3A_568 : vector<16xf32>
          %get3A_570 = arith.index_cast %while3A_532 : i32 to index
          %get3A_571 = arith.constant 16 : index
          %get3A_572 = tpu.vector_load %arg7[%get3A_570, %get3A_571] {strides = array<i32>} : memref<96x512xf32, #tpu.memory_space<vmem>>, vector<1x16xf32>,
          %get3A_573 = vector.shape_cast %get3A_572 : vector<1x16xf32> to vector<16xf32>
          %max3A_574 = arith.maximumf %while3A_534, %get3A_573 : vector<16xf32>
          %get3A_575 = arith.index_cast %while3A_532 : i32 to index
          %get3A_576 = arith.constant 32 : index
          %get3A_577 = tpu.vector_load %arg7[%get3A_575, %get3A_576] {strides = array<i32>} : memref<96x512xf32, #tpu.memory_space<vmem>>, vector<1x16xf32>,
          %get3A_578 = vector.shape_cast %get3A_577 : vector<1x16xf32> to vector<16xf32>
          %max3A_579 = arith.maximumf %while3A_535, %get3A_578 : vector<16xf32>
          %get3A_580 = arith.index_cast %while3A_532 : i32 to index
          %get3A_581 = arith.constant 48 : index
          %get3A_582 = tpu.vector_load %arg7[%get3A_580, %get3A_581] {strides = array<i32>} : memref<96x512xf32, #tpu.memory_space<vmem>>, vector<1x16xf32>,
          %get3A_583 = vector.shape_cast %get3A_582 : vector<1x16xf32> to vector<16xf32>
          %max3A_584 = arith.maximumf %while3A_536, %get3A_583 : vector<16xf32>
          %get3A_585 = arith.index_cast %while3A_532 : i32 to index
          %get3A_586 = arith.constant 64 : index
          %get3A_587 = tpu.vector_load %arg7[%get3A_585, %get3A_586] {strides = array<i32>} : memref<96x512xf32, #tpu.memory_space<vmem>>, vector<1x16xf32>,
          %get3A_588 = vector.shape_cast %get3A_587 : vector<1x16xf32> to vector<16xf32>
          %max3A_589 = arith.maximumf %while3A_537, %get3A_588 : vector<16xf32>
          %get3A_590 = arith.index_cast %while3A_532 : i32 to index
          %get3A_591 = arith.constant 80 : index
          %get3A_592 = tpu.vector_load %arg7[%get3A_590, %get3A_591] {strides = array<i32>} : memref<96x512xf32, #tpu.memory_space<vmem>>, vector<1x16xf32>,
          %get3A_593 = vector.shape_cast %get3A_592 : vector<1x16xf32> to vector<16xf32>
          %max3A_594 = arith.maximumf %while3A_538, %get3A_593 : vector<16xf32>
          %get3A_595 = arith.index_cast %while3A_532 : i32 to index
          %get3A_596 = arith.constant 96 : index
          %get3A_597 = tpu.vector_load %arg7[%get3A_595, %get3A_596] {strides = array<i32>} : memref<96x512xf32, #tpu.memory_space<vmem>>, vector<1x16xf32>,
          %get3A_598 = vector.shape_cast %get3A_597 : vector<1x16xf32> to vector<16xf32>
          %max3A_599 = arith.maximumf %while3A_539, %get3A_598 : vector<16xf32>
          %get3A_600 = arith.index_cast %while3A_532 : i32 to index
          %get3A_601 = arith.constant 112 : index
          %get3A_602 = tpu.vector_load %arg7[%get3A_600, %get3A_601] {strides = array<i32>} : memref<96x512xf32, #tpu.memory_space<vmem>>, vector<1x16xf32>,
          %get3A_603 = vector.shape_cast %get3A_602 : vector<1x16xf32> to vector<16xf32>
          %max3A_604 = arith.maximumf %while3A_540, %get3A_603 : vector<16xf32>
          %get3A_605 = arith.index_cast %while3A_532 : i32 to index
          %get3A_606 = arith.constant 128 : index
          %get3A_607 = tpu.vector_load %arg7[%get3A_605, %get3A_606] {strides = array<i32>} : memref<96x512xf32, #tpu.memory_space<vmem>>, vector<1x16xf32>,
          %get3A_608 = vector.shape_cast %get3A_607 : vector<1x16xf32> to vector<16xf32>
          %max3A_609 = arith.maximumf %while3A_541, %get3A_608 : vector<16xf32>
          %get3A_610 = arith.index_cast %while3A_532 : i32 to index
          %get3A_611 = arith.constant 144 : index
          %get3A_612 = tpu.vector_load %arg7[%get3A_610, %get3A_611] {strides = array<i32>} : memref<96x512xf32, #tpu.memory_space<vmem>>, vector<1x16xf32>,
          %get3A_613 = vector.shape_cast %get3A_612 : vector<1x16xf32> to vector<16xf32>
          %max3A_614 = arith.maximumf %while3A_542, %get3A_613 : vector<16xf32>
          %get3A_615 = arith.index_cast %while3A_532 : i32 to index
          %get3A_616 = arith.constant 160 : index
          %get3A_617 = tpu.vector_load %arg7[%get3A_615, %get3A_616] {strides = array<i32>} : memref<96x512xf32, #tpu.memory_space<vmem>>, vector<1x16xf32>,
          %get3A_618 = vector.shape_cast %get3A_617 : vector<1x16xf32> to vector<16xf32>
          %max3A_619 = arith.maximumf %while3A_543, %get3A_618 : vector<16xf32>
          %get3A_620 = arith.index_cast %while3A_532 : i32 to index
          %get3A_621 = arith.constant 176 : index
          %get3A_622 = tpu.vector_load %arg7[%get3A_620, %get3A_621] {strides = array<i32>} : memref<96x512xf32, #tpu.memory_space<vmem>>, vector<1x16xf32>,
          %get3A_623 = vector.shape_cast %get3A_622 : vector<1x16xf32> to vector<16xf32>
          %max3A_624 = arith.maximumf %while3A_544, %get3A_623 : vector<16xf32>
          %get3A_625 = arith.index_cast %while3A_532 : i32 to index
          %get3A_626 = arith.constant 192 : index
          %get3A_627 = tpu.vector_load %arg7[%get3A_625, %get3A_626] {strides = array<i32>} : memref<96x512xf32, #tpu.memory_space<vmem>>, vector<1x16xf32>,
          %get3A_628 = vector.shape_cast %get3A_627 : vector<1x16xf32> to vector<16xf32>
          %max3A_629 = arith.maximumf %while3A_545, %get3A_628 : vector<16xf32>
          %get3A_630 = arith.index_cast %while3A_532 : i32 to index
          %get3A_631 = arith.constant 208 : index
          %get3A_632 = tpu.vector_load %arg7[%get3A_630, %get3A_631] {strides = array<i32>} : memref<96x512xf32, #tpu.memory_space<vmem>>, vector<1x16xf32>,
          %get3A_633 = vector.shape_cast %get3A_632 : vector<1x16xf32> to vector<16xf32>
          %max3A_634 = arith.maximumf %while3A_546, %get3A_633 : vector<16xf32>
          %get3A_635 = arith.index_cast %while3A_532 : i32 to index
          %get3A_636 = arith.constant 224 : index
          %get3A_637 = tpu.vector_load %arg7[%get3A_635, %get3A_636] {strides = array<i32>} : memref<96x512xf32, #tpu.memory_space<vmem>>, vector<1x16xf32>,
          %get3A_638 = vector.shape_cast %get3A_637 : vector<1x16xf32> to vector<16xf32>
          %max3A_639 = arith.maximumf %while3A_547, %get3A_638 : vector<16xf32>
          %get3A_640 = arith.index_cast %while3A_532 : i32 to index
          %get3A_641 = arith.constant 240 : index
          %get3A_642 = tpu.vector_load %arg7[%get3A_640, %get3A_641] {strides = array<i32>} : memref<96x512xf32, #tpu.memory_space<vmem>>, vector<1x16xf32>,
          %get3A_643 = vector.shape_cast %get3A_642 : vector<1x16xf32> to vector<16xf32>
          %max3A_644 = arith.maximumf %while3A_548, %get3A_643 : vector<16xf32>
          %get3A_645 = arith.index_cast %while3A_532 : i32 to index
          %get3A_646 = arith.constant 256 : index
          %get3A_647 = tpu.vector_load %arg7[%get3A_645, %get3A_646] {strides = array<i32>} : memref<96x512xf32, #tpu.memory_space<vmem>>, vector<1x16xf32>,
          %get3A_648 = vector.shape_cast %get3A_647 : vector<1x16xf32> to vector<16xf32>
          %max3A_649 = arith.maximumf %while3A_549, %get3A_648 : vector<16xf32>
          %get3A_650 = arith.index_cast %while3A_532 : i32 to index
          %get3A_651 = arith.constant 272 : index
          %get3A_652 = tpu.vector_load %arg7[%get3A_650, %get3A_651] {strides = array<i32>} : memref<96x512xf32, #tpu.memory_space<vmem>>, vector<1x16xf32>,
          %get3A_653 = vector.shape_cast %get3A_652 : vector<1x16xf32> to vector<16xf32>
          %max3A_654 = arith.maximumf %while3A_550, %get3A_653 : vector<16xf32>
          %get3A_655 = arith.index_cast %while3A_532 : i32 to index
          %get3A_656 = arith.constant 288 : index
          %get3A_657 = tpu.vector_load %arg7[%get3A_655, %get3A_656] {strides = array<i32>} : memref<96x512xf32, #tpu.memory_space<vmem>>, vector<1x16xf32>,
          %get3A_658 = vector.shape_cast %get3A_657 : vector<1x16xf32> to vector<16xf32>
          %max3A_659 = arith.maximumf %while3A_551, %get3A_658 : vector<16xf32>
          %get3A_660 = arith.index_cast %while3A_532 : i32 to index
          %get3A_661 = arith.constant 304 : index
          %get3A_662 = tpu.vector_load %arg7[%get3A_660, %get3A_661] {strides = array<i32>} : memref<96x512xf32, #tpu.memory_space<vmem>>, vector<1x16xf32>,
          %get3A_663 = vector.shape_cast %get3A_662 : vector<1x16xf32> to vector<16xf32>
          %max3A_664 = arith.maximumf %while3A_552, %get3A_663 : vector<16xf32>
          %get3A_665 = arith.index_cast %while3A_532 : i32 to index
          %get3A_666 = arith.constant 320 : index
          %get3A_667 = tpu.vector_load %arg7[%get3A_665, %get3A_666] {strides = array<i32>} : memref<96x512xf32, #tpu.memory_space<vmem>>, vector<1x16xf32>,
          %get3A_668 = vector.shape_cast %get3A_667 : vector<1x16xf32> to vector<16xf32>
          %max3A_669 = arith.maximumf %while3A_553, %get3A_668 : vector<16xf32>
          %get3A_670 = arith.index_cast %while3A_532 : i32 to index
          %get3A_671 = arith.constant 336 : index
          %get3A_672 = tpu.vector_load %arg7[%get3A_670, %get3A_671] {strides = array<i32>} : memref<96x512xf32, #tpu.memory_space<vmem>>, vector<1x16xf32>,
          %get3A_673 = vector.shape_cast %get3A_672 : vector<1x16xf32> to vector<16xf32>
          %max3A_674 = arith.maximumf %while3A_554, %get3A_673 : vector<16xf32>
          %get3A_675 = arith.index_cast %while3A_532 : i32 to index
          %get3A_676 = arith.constant 352 : index
          %get3A_677 = tpu.vector_load %arg7[%get3A_675, %get3A_676] {strides = array<i32>} : memref<96x512xf32, #tpu.memory_space<vmem>>, vector<1x16xf32>,
          %get3A_678 = vector.shape_cast %get3A_677 : vector<1x16xf32> to vector<16xf32>
          %max3A_679 = arith.maximumf %while3A_555, %get3A_678 : vector<16xf32>
          %get3A_680 = arith.index_cast %while3A_532 : i32 to index
          %get3A_681 = arith.constant 368 : index
          %get3A_682 = tpu.vector_load %arg7[%get3A_680, %get3A_681] {strides = array<i32>} : memref<96x512xf32, #tpu.memory_space<vmem>>, vector<1x16xf32>,
          %get3A_683 = vector.shape_cast %get3A_682 : vector<1x16xf32> to vector<16xf32>
          %max3A_684 = arith.maximumf %while3A_556, %get3A_683 : vector<16xf32>
          %get3A_685 = arith.index_cast %while3A_532 : i32 to index
          %get3A_686 = arith.constant 384 : index
          %get3A_687 = tpu.vector_load %arg7[%get3A_685, %get3A_686] {strides = array<i32>} : memref<96x512xf32, #tpu.memory_space<vmem>>, vector<1x16xf32>,
          %get3A_688 = vector.shape_cast %get3A_687 : vector<1x16xf32> to vector<16xf32>
          %max3A_689 = arith.maximumf %while3A_557, %get3A_688 : vector<16xf32>
          %get3A_690 = arith.index_cast %while3A_532 : i32 to index
          %get3A_691 = arith.constant 400 : index
          %get3A_692 = tpu.vector_load %arg7[%get3A_690, %get3A_691] {strides = array<i32>} : memref<96x512xf32, #tpu.memory_space<vmem>>, vector<1x16xf32>,
          %get3A_693 = vector.shape_cast %get3A_692 : vector<1x16xf32> to vector<16xf32>
          %max3A_694 = arith.maximumf %while3A_558, %get3A_693 : vector<16xf32>
          %get3A_695 = arith.index_cast %while3A_532 : i32 to index
          %get3A_696 = arith.constant 416 : index
          %get3A_697 = tpu.vector_load %arg7[%get3A_695, %get3A_696] {strides = array<i32>} : memref<96x512xf32, #tpu.memory_space<vmem>>, vector<1x16xf32>,
          %get3A_698 = vector.shape_cast %get3A_697 : vector<1x16xf32> to vector<16xf32>
          %max3A_699 = arith.maximumf %while3A_559, %get3A_698 : vector<16xf32>
          %get3A_700 = arith.index_cast %while3A_532 : i32 to index
          %get3A_701 = arith.constant 432 : index
          %get3A_702 = tpu.vector_load %arg7[%get3A_700, %get3A_701] {strides = array<i32>} : memref<96x512xf32, #tpu.memory_space<vmem>>, vector<1x16xf32>,
          %get3A_703 = vector.shape_cast %get3A_702 : vector<1x16xf32> to vector<16xf32>
          %max3A_704 = arith.maximumf %while3A_560, %get3A_703 : vector<16xf32>
          %get3A_705 = arith.index_cast %while3A_532 : i32 to index
          %get3A_706 = arith.constant 448 : index
          %get3A_707 = tpu.vector_load %arg7[%get3A_705, %get3A_706] {strides = array<i32>} : memref<96x512xf32, #tpu.memory_space<vmem>>, vector<1x16xf32>,
          %get3A_708 = vector.shape_cast %get3A_707 : vector<1x16xf32> to vector<16xf32>
          %max3A_709 = arith.maximumf %while3A_561, %get3A_708 : vector<16xf32>
          %get3A_710 = arith.index_cast %while3A_532 : i32 to index
          %get3A_711 = arith.constant 464 : index
          %get3A_712 = tpu.vector_load %arg7[%get3A_710, %get3A_711] {strides = array<i32>} : memref<96x512xf32, #tpu.memory_space<vmem>>, vector<1x16xf32>,
          %get3A_713 = vector.shape_cast %get3A_712 : vector<1x16xf32> to vector<16xf32>
          %max3A_714 = arith.maximumf %while3A_562, %get3A_713 : vector<16xf32>
          %get3A_715 = arith.index_cast %while3A_532 : i32 to index
          %get3A_716 = arith.constant 480 : index
          %get3A_717 = tpu.vector_load %arg7[%get3A_715, %get3A_716] {strides = array<i32>} : memref<96x512xf32, #tpu.memory_space<vmem>>, vector<1x16xf32>,
          %get3A_718 = vector.shape_cast %get3A_717 : vector<1x16xf32> to vector<16xf32>
          %max3A_719 = arith.maximumf %while3A_563, %get3A_718 : vector<16xf32>
          %get3A_720 = arith.index_cast %while3A_532 : i32 to index
          %get3A_721 = arith.constant 496 : index
          %get3A_722 = tpu.vector_load %arg7[%get3A_720, %get3A_721] {strides = array<i32>} : memref<96x512xf32, #tpu.memory_space<vmem>>, vector<1x16xf32>,
          %get3A_723 = vector.shape_cast %get3A_722 : vector<1x16xf32> to vector<16xf32>
          %max3A_724 = arith.maximumf %while3A_564, %get3A_723 : vector<16xf32>
          scf.yield %max3A_569, %max3A_574, %max3A_579, %max3A_584, %max3A_589, %max3A_594, %max3A_599, %max3A_604, %max3A_609, %max3A_614, %max3A_619, %max3A_624, %max3A_629, %max3A_634, %max3A_639, %max3A_644, %max3A_649, %max3A_654, %max3A_659, %max3A_664, %max3A_669, %max3A_674, %max3A_679, %max3A_684, %max3A_689, %max3A_694, %max3A_699, %max3A_704, %max3A_709, %max3A_714, %max3A_719, %max3A_724 : vector<16xf32>, vector<16xf32>, vector<16xf32>, vector<16xf32>, vector<16xf32>, vector<16xf32>, vector<16xf32>, vector<16xf32>, vector<16xf32>, vector<16xf32>, vector<16xf32>, vector<16xf32>, vector<16xf32>, vector<16xf32>, vector<16xf32>, vector<16xf32>, vector<16xf32>, vector<16xf32>, vector<16xf32>, vector<16xf32>, vector<16xf32>, vector<16xf32>, vector<16xf32>, vector<16xf32>, vector<16xf32>, vector<16xf32>, vector<16xf32>, vector<16xf32>, vector<16xf32>, vector<16xf32>, vector<16xf32>, vector<16xf32>
        }
        %add3A_485 = arith.constant 1 : i32
        %add3A_486 = arith.addi %mul3A_436, %add3A_485 : i32
        %mul3A_487 = arith.constant 96 : i32
        %mul3A_488 = arith.muli %add3A_486, %mul3A_487 : i32
        %add3A_489 = arith.addi %mul3A_188, %mul3A_488 : i32
        %min3A_490 = arith.constant 99904 : i32
        %min3A_491 = arith.minsi %add3A_489, %min3A_490 : i32
        %dma_wait3A_492 = arith.constant 0 : i32
        %dma_wait3A_493 = tpu.memref_slice %arg2[%min3A_491, %dma_wait3A_492] : memref<100000x512xf32, #tpu.memory_space<hbm>> -> memref<96x512xf32, #tpu.memory_space<hbm>>
        %dma_wait3A_494 = arith.constant 0 : i32
        %dma_wait3A_495 = tpu.memref_slice %arg2[%min3A_491, %dma_wait3A_494] : memref<100000x512xf32, #tpu.memory_space<hbm>> -> memref<96x512xf32, #tpu.memory_space<hbm>>
        tpu.wait_dma2 semaphore(%arg13 : memref<!tpu.dma_semaphore, #tpu.memory_space<semaphore_mem>>) src(%dma_wait3A_495 : memref<96x512xf32, #tpu.memory_space<hbm>>) dst(%arg8 : memref<96x512xf32, #tpu.memory_space<vmem>>)
        %add3A_496 = arith.constant 1 : i32
        %add3A_497 = arith.addi %while3A_402, %add3A_496 : i32
        %lt3A = arith.cmpi slt, %add3A_497, %select_n3A_245 : i32
        %convert_element_type3A_498 = arith.extui %lt3A : i1 to i32
        %cond3A_499 = arith.constant 0 : i32
        %cond3A_500 = arith.cmpi ne, %convert_element_type3A_498, %cond3A_499 : i32
        scf.if %cond3A_500 {
          %add3A_532 = arith.constant 2 : i32
          %add3A_533 = arith.addi %mul3A_436, %add3A_532 : i32
          %mul3A_534 = arith.constant 96 : i32
          %mul3A_535 = arith.muli %add3A_533, %mul3A_534 : i32
          %add3A_536 = arith.addi %mul3A_188, %mul3A_535 : i32
          %min3A_537 = arith.constant 99904 : i32
          %min3A_538 = arith.minsi %add3A_536, %min3A_537 : i32
          %dma_start3A_539 = arith.constant 0 : i32
          %dma_start3A_540 = tpu.memref_slice %arg2[%min3A_538, %dma_start3A_539] : memref<100000x512xf32, #tpu.memory_space<hbm>> -> memref<96x512xf32, #tpu.memory_space<hbm>>
          %dma_start3A_541 = arith.constant 0 : i32
          %dma_start3A_542 = tpu.memref_slice %arg2[%min3A_538, %dma_start3A_541] : memref<100000x512xf32, #tpu.memory_space<hbm>> -> memref<96x512xf32, #tpu.memory_space<hbm>>
          tpu.enqueue_dma source(%dma_start3A_542 : memref<96x512xf32, #tpu.memory_space<hbm>>) target(%arg7 : memref<96x512xf32, #tpu.memory_space<vmem>>) target_semaphore(%arg12 : memref<!tpu.dma_semaphore, #tpu.memory_space<semaphore_mem>>)
        } else {
        }
        %add3A_501 = arith.constant 1 : i32
        %add3A_502 = arith.addi %mul3A_436, %add3A_501 : i32
        %mul3A_503 = arith.constant 96 : i32
        %mul3A_504 = arith.muli %add3A_502, %mul3A_503 : i32
        %add3A_505 = arith.addi %mul3A_188, %mul3A_504 : i32
        %mul3A_506 = arith.constant 96 : i32
        %mul3A_507 = arith.muli %add3A_502, %mul3A_506 : i32
        %add3A_508 = arith.addi %mul3A_188, %mul3A_507 : i32
        %min3A_509 = arith.constant 99904 : i32
        %min3A_510 = arith.minsi %add3A_508, %min3A_509 : i32
        %sub3A_511 = arith.subi %add3A_505, %min3A_510 : i32
        %sub3A_512 = arith.subi %max3A, %add3A_505 : i32
        %max3A_513 = arith.constant 0 : i32
        %max3A_514 = arith.maxsi %sub3A_512, %max3A_513 : i32
        %add3A_515 = arith.addi %sub3A_511, %max3A_514 : i32
        %sub3A_516 = arith.subi %min3A, %add3A_505 : i32
        %min3A_517 = arith.constant 96 : i32
        %min3A_518 = arith.minsi %sub3A_516, %min3A_517 : i32
        %max3A_519 = arith.constant 0 : i32
        %max3A_520 = arith.maxsi %min3A_518, %max3A_519 : i32
        %add3A_521 = arith.addi %sub3A_511, %max3A_520 : i32
        %while3A_522 = arith.subi %add3A_521, %add3A_515 : i32
        %while3A_523 = arith.addi %add3A_515, %while3A_522 : i32
        %while3A_524 = arith.constant 1 : i32
        %while3A_525 = arith.divsi %while3A_522, %while3A_524 : i32
        %while3A_526 = arith.muli %while3A_525, %while3A_524 : i32
        %while3A_527 = arith.addi %add3A_515, %while3A_526 : i32
        %while3A_528 = arith.constant 1 : i32
        %while3A_529:32 = scf.for %while3A_532 = %add3A_515 to %while3A_527 step %while3A_528 iter_args(%while3A_533 = %while3A_484#0, %while3A_534 = %while3A_484#1, %while3A_535 = %while3A_484#2, %while3A_536 = %while3A_484#3, %while3A_537 = %while3A_484#4, %while3A_538 = %while3A_484#5, %while3A_539 = %while3A_484#6, %while3A_540 = %while3A_484#7, %while3A_541 = %while3A_484#8, %while3A_542 = %while3A_484#9, %while3A_543 = %while3A_484#10, %while3A_544 = %while3A_484#11, %while3A_545 = %while3A_484#12, %while3A_546 = %while3A_484#13, %while3A_547 = %while3A_484#14, %while3A_548 = %while3A_484#15, %while3A_549 = %while3A_484#16, %while3A_550 = %while3A_484#17, %while3A_551 = %while3A_484#18, %while3A_552 = %while3A_484#19, %while3A_553 = %while3A_484#20, %while3A_554 = %while3A_484#21, %while3A_555 = %while3A_484#22, %while3A_556 = %while3A_484#23, %while3A_557 = %while3A_484#24, %while3A_558 = %while3A_484#25, %while3A_559 = %while3A_484#26, %while3A_560 = %while3A_484#27, %while3A_561 = %while3A_484#28, %while3A_562 = %while3A_484#29, %while3A_563 = %while3A_484#30, %while3A_564 = %while3A_484#31) -> (vector<16xf32>, vector<16xf32>, vector<16xf32>, vector<16xf32>, vector<16xf32>, vector<16xf32>, vector<16xf32>, vector<16xf32>, vector<16xf32>, vector<16xf32>, vector<16xf32>, vector<16xf32>, vector<16xf32>, vector<16xf32>, vector<16xf32>, vector<16xf32>, vector<16xf32>, vector<16xf32>, vector<16xf32>, vector<16xf32>, vector<16xf32>, vector<16xf32>, vector<16xf32>, vector<16xf32>, vector<16xf32>, vector<16xf32>, vector<16xf32>, vector<16xf32>, vector<16xf32>, vector<16xf32>, vector<16xf32>, vector<16xf32>)  : i32 {
          %get3A_565 = arith.index_cast %while3A_532 : i32 to index
          %get3A_566 = arith.constant 0 : index
          %get3A_567 = tpu.vector_load %arg8[%get3A_565, %get3A_566] {strides = array<i32>} : memref<96x512xf32, #tpu.memory_space<vmem>>, vector<1x16xf32>,
          %get3A_568 = vector.shape_cast %get3A_567 : vector<1x16xf32> to vector<16xf32>
          %max3A_569 = arith.maximumf %while3A_533, %get3A_568 : vector<16xf32>
          %get3A_570 = arith.index_cast %while3A_532 : i32 to index
          %get3A_571 = arith.constant 16 : index
          %get3A_572 = tpu.vector_load %arg8[%get3A_570, %get3A_571] {strides = array<i32>} : memref<96x512xf32, #tpu.memory_space<vmem>>, vector<1x16xf32>,
          %get3A_573 = vector.shape_cast %get3A_572 : vector<1x16xf32> to vector<16xf32>
          %max3A_574 = arith.maximumf %while3A_534, %get3A_573 : vector<16xf32>
          %get3A_575 = arith.index_cast %while3A_532 : i32 to index
          %get3A_576 = arith.constant 32 : index
          %get3A_577 = tpu.vector_load %arg8[%get3A_575, %get3A_576] {strides = array<i32>} : memref<96x512xf32, #tpu.memory_space<vmem>>, vector<1x16xf32>,
          %get3A_578 = vector.shape_cast %get3A_577 : vector<1x16xf32> to vector<16xf32>
          %max3A_579 = arith.maximumf %while3A_535, %get3A_578 : vector<16xf32>
          %get3A_580 = arith.index_cast %while3A_532 : i32 to index
          %get3A_581 = arith.constant 48 : index
          %get3A_582 = tpu.vector_load %arg8[%get3A_580, %get3A_581] {strides = array<i32>} : memref<96x512xf32, #tpu.memory_space<vmem>>, vector<1x16xf32>,
          %get3A_583 = vector.shape_cast %get3A_582 : vector<1x16xf32> to vector<16xf32>
          %max3A_584 = arith.maximumf %while3A_536, %get3A_583 : vector<16xf32>
          %get3A_585 = arith.index_cast %while3A_532 : i32 to index
          %get3A_586 = arith.constant 64 : index
          %get3A_587 = tpu.vector_load %arg8[%get3A_585, %get3A_586] {strides = array<i32>} : memref<96x512xf32, #tpu.memory_space<vmem>>, vector<1x16xf32>,
          %get3A_588 = vector.shape_cast %get3A_587 : vector<1x16xf32> to vector<16xf32>
          %max3A_589 = arith.maximumf %while3A_537, %get3A_588 : vector<16xf32>
          %get3A_590 = arith.index_cast %while3A_532 : i32 to index
          %get3A_591 = arith.constant 80 : index
          %get3A_592 = tpu.vector_load %arg8[%get3A_590, %get3A_591] {strides = array<i32>} : memref<96x512xf32, #tpu.memory_space<vmem>>, vector<1x16xf32>,
          %get3A_593 = vector.shape_cast %get3A_592 : vector<1x16xf32> to vector<16xf32>
          %max3A_594 = arith.maximumf %while3A_538, %get3A_593 : vector<16xf32>
          %get3A_595 = arith.index_cast %while3A_532 : i32 to index
          %get3A_596 = arith.constant 96 : index
          %get3A_597 = tpu.vector_load %arg8[%get3A_595, %get3A_596] {strides = array<i32>} : memref<96x512xf32, #tpu.memory_space<vmem>>, vector<1x16xf32>,
          %get3A_598 = vector.shape_cast %get3A_597 : vector<1x16xf32> to vector<16xf32>
          %max3A_599 = arith.maximumf %while3A_539, %get3A_598 : vector<16xf32>
          %get3A_600 = arith.index_cast %while3A_532 : i32 to index
          %get3A_601 = arith.constant 112 : index
          %get3A_602 = tpu.vector_load %arg8[%get3A_600, %get3A_601] {strides = array<i32>} : memref<96x512xf32, #tpu.memory_space<vmem>>, vector<1x16xf32>,
          %get3A_603 = vector.shape_cast %get3A_602 : vector<1x16xf32> to vector<16xf32>
          %max3A_604 = arith.maximumf %while3A_540, %get3A_603 : vector<16xf32>
          %get3A_605 = arith.index_cast %while3A_532 : i32 to index
          %get3A_606 = arith.constant 128 : index
          %get3A_607 = tpu.vector_load %arg8[%get3A_605, %get3A_606] {strides = array<i32>} : memref<96x512xf32, #tpu.memory_space<vmem>>, vector<1x16xf32>,
          %get3A_608 = vector.shape_cast %get3A_607 : vector<1x16xf32> to vector<16xf32>
          %max3A_609 = arith.maximumf %while3A_541, %get3A_608 : vector<16xf32>
          %get3A_610 = arith.index_cast %while3A_532 : i32 to index
          %get3A_611 = arith.constant 144 : index
          %get3A_612 = tpu.vector_load %arg8[%get3A_610, %get3A_611] {strides = array<i32>} : memref<96x512xf32, #tpu.memory_space<vmem>>, vector<1x16xf32>,
          %get3A_613 = vector.shape_cast %get3A_612 : vector<1x16xf32> to vector<16xf32>
          %max3A_614 = arith.maximumf %while3A_542, %get3A_613 : vector<16xf32>
          %get3A_615 = arith.index_cast %while3A_532 : i32 to index
          %get3A_616 = arith.constant 160 : index
          %get3A_617 = tpu.vector_load %arg8[%get3A_615, %get3A_616] {strides = array<i32>} : memref<96x512xf32, #tpu.memory_space<vmem>>, vector<1x16xf32>,
          %get3A_618 = vector.shape_cast %get3A_617 : vector<1x16xf32> to vector<16xf32>
          %max3A_619 = arith.maximumf %while3A_543, %get3A_618 : vector<16xf32>
          %get3A_620 = arith.index_cast %while3A_532 : i32 to index
          %get3A_621 = arith.constant 176 : index
          %get3A_622 = tpu.vector_load %arg8[%get3A_620, %get3A_621] {strides = array<i32>} : memref<96x512xf32, #tpu.memory_space<vmem>>, vector<1x16xf32>,
          %get3A_623 = vector.shape_cast %get3A_622 : vector<1x16xf32> to vector<16xf32>
          %max3A_624 = arith.maximumf %while3A_544, %get3A_623 : vector<16xf32>
          %get3A_625 = arith.index_cast %while3A_532 : i32 to index
          %get3A_626 = arith.constant 192 : index
          %get3A_627 = tpu.vector_load %arg8[%get3A_625, %get3A_626] {strides = array<i32>} : memref<96x512xf32, #tpu.memory_space<vmem>>, vector<1x16xf32>,
          %get3A_628 = vector.shape_cast %get3A_627 : vector<1x16xf32> to vector<16xf32>
          %max3A_629 = arith.maximumf %while3A_545, %get3A_628 : vector<16xf32>
          %get3A_630 = arith.index_cast %while3A_532 : i32 to index
          %get3A_631 = arith.constant 208 : index
          %get3A_632 = tpu.vector_load %arg8[%get3A_630, %get3A_631] {strides = array<i32>} : memref<96x512xf32, #tpu.memory_space<vmem>>, vector<1x16xf32>,
          %get3A_633 = vector.shape_cast %get3A_632 : vector<1x16xf32> to vector<16xf32>
          %max3A_634 = arith.maximumf %while3A_546, %get3A_633 : vector<16xf32>
          %get3A_635 = arith.index_cast %while3A_532 : i32 to index
          %get3A_636 = arith.constant 224 : index
          %get3A_637 = tpu.vector_load %arg8[%get3A_635, %get3A_636] {strides = array<i32>} : memref<96x512xf32, #tpu.memory_space<vmem>>, vector<1x16xf32>,
          %get3A_638 = vector.shape_cast %get3A_637 : vector<1x16xf32> to vector<16xf32>
          %max3A_639 = arith.maximumf %while3A_547, %get3A_638 : vector<16xf32>
          %get3A_640 = arith.index_cast %while3A_532 : i32 to index
          %get3A_641 = arith.constant 240 : index
          %get3A_642 = tpu.vector_load %arg8[%get3A_640, %get3A_641] {strides = array<i32>} : memref<96x512xf32, #tpu.memory_space<vmem>>, vector<1x16xf32>,
          %get3A_643 = vector.shape_cast %get3A_642 : vector<1x16xf32> to vector<16xf32>
          %max3A_644 = arith.maximumf %while3A_548, %get3A_643 : vector<16xf32>
          %get3A_645 = arith.index_cast %while3A_532 : i32 to index
          %get3A_646 = arith.constant 256 : index
          %get3A_647 = tpu.vector_load %arg8[%get3A_645, %get3A_646] {strides = array<i32>} : memref<96x512xf32, #tpu.memory_space<vmem>>, vector<1x16xf32>,
          %get3A_648 = vector.shape_cast %get3A_647 : vector<1x16xf32> to vector<16xf32>
          %max3A_649 = arith.maximumf %while3A_549, %get3A_648 : vector<16xf32>
          %get3A_650 = arith.index_cast %while3A_532 : i32 to index
          %get3A_651 = arith.constant 272 : index
          %get3A_652 = tpu.vector_load %arg8[%get3A_650, %get3A_651] {strides = array<i32>} : memref<96x512xf32, #tpu.memory_space<vmem>>, vector<1x16xf32>,
          %get3A_653 = vector.shape_cast %get3A_652 : vector<1x16xf32> to vector<16xf32>
          %max3A_654 = arith.maximumf %while3A_550, %get3A_653 : vector<16xf32>
          %get3A_655 = arith.index_cast %while3A_532 : i32 to index
          %get3A_656 = arith.constant 288 : index
          %get3A_657 = tpu.vector_load %arg8[%get3A_655, %get3A_656] {strides = array<i32>} : memref<96x512xf32, #tpu.memory_space<vmem>>, vector<1x16xf32>,
          %get3A_658 = vector.shape_cast %get3A_657 : vector<1x16xf32> to vector<16xf32>
          %max3A_659 = arith.maximumf %while3A_551, %get3A_658 : vector<16xf32>
          %get3A_660 = arith.index_cast %while3A_532 : i32 to index
          %get3A_661 = arith.constant 304 : index
          %get3A_662 = tpu.vector_load %arg8[%get3A_660, %get3A_661] {strides = array<i32>} : memref<96x512xf32, #tpu.memory_space<vmem>>, vector<1x16xf32>,
          %get3A_663 = vector.shape_cast %get3A_662 : vector<1x16xf32> to vector<16xf32>
          %max3A_664 = arith.maximumf %while3A_552, %get3A_663 : vector<16xf32>
          %get3A_665 = arith.index_cast %while3A_532 : i32 to index
          %get3A_666 = arith.constant 320 : index
          %get3A_667 = tpu.vector_load %arg8[%get3A_665, %get3A_666] {strides = array<i32>} : memref<96x512xf32, #tpu.memory_space<vmem>>, vector<1x16xf32>,
          %get3A_668 = vector.shape_cast %get3A_667 : vector<1x16xf32> to vector<16xf32>
          %max3A_669 = arith.maximumf %while3A_553, %get3A_668 : vector<16xf32>
          %get3A_670 = arith.index_cast %while3A_532 : i32 to index
          %get3A_671 = arith.constant 336 : index
          %get3A_672 = tpu.vector_load %arg8[%get3A_670, %get3A_671] {strides = array<i32>} : memref<96x512xf32, #tpu.memory_space<vmem>>, vector<1x16xf32>,
          %get3A_673 = vector.shape_cast %get3A_672 : vector<1x16xf32> to vector<16xf32>
          %max3A_674 = arith.maximumf %while3A_554, %get3A_673 : vector<16xf32>
          %get3A_675 = arith.index_cast %while3A_532 : i32 to index
          %get3A_676 = arith.constant 352 : index
          %get3A_677 = tpu.vector_load %arg8[%get3A_675, %get3A_676] {strides = array<i32>} : memref<96x512xf32, #tpu.memory_space<vmem>>, vector<1x16xf32>,
          %get3A_678 = vector.shape_cast %get3A_677 : vector<1x16xf32> to vector<16xf32>
          %max3A_679 = arith.maximumf %while3A_555, %get3A_678 : vector<16xf32>
          %get3A_680 = arith.index_cast %while3A_532 : i32 to index
          %get3A_681 = arith.constant 368 : index
          %get3A_682 = tpu.vector_load %arg8[%get3A_680, %get3A_681] {strides = array<i32>} : memref<96x512xf32, #tpu.memory_space<vmem>>, vector<1x16xf32>,
          %get3A_683 = vector.shape_cast %get3A_682 : vector<1x16xf32> to vector<16xf32>
          %max3A_684 = arith.maximumf %while3A_556, %get3A_683 : vector<16xf32>
          %get3A_685 = arith.index_cast %while3A_532 : i32 to index
          %get3A_686 = arith.constant 384 : index
          %get3A_687 = tpu.vector_load %arg8[%get3A_685, %get3A_686] {strides = array<i32>} : memref<96x512xf32, #tpu.memory_space<vmem>>, vector<1x16xf32>,
          %get3A_688 = vector.shape_cast %get3A_687 : vector<1x16xf32> to vector<16xf32>
          %max3A_689 = arith.maximumf %while3A_557, %get3A_688 : vector<16xf32>
          %get3A_690 = arith.index_cast %while3A_532 : i32 to index
          %get3A_691 = arith.constant 400 : index
          %get3A_692 = tpu.vector_load %arg8[%get3A_690, %get3A_691] {strides = array<i32>} : memref<96x512xf32, #tpu.memory_space<vmem>>, vector<1x16xf32>,
          %get3A_693 = vector.shape_cast %get3A_692 : vector<1x16xf32> to vector<16xf32>
          %max3A_694 = arith.maximumf %while3A_558, %get3A_693 : vector<16xf32>
          %get3A_695 = arith.index_cast %while3A_532 : i32 to index
          %get3A_696 = arith.constant 416 : index
          %get3A_697 = tpu.vector_load %arg8[%get3A_695, %get3A_696] {strides = array<i32>} : memref<96x512xf32, #tpu.memory_space<vmem>>, vector<1x16xf32>,
          %get3A_698 = vector.shape_cast %get3A_697 : vector<1x16xf32> to vector<16xf32>
          %max3A_699 = arith.maximumf %while3A_559, %get3A_698 : vector<16xf32>
          %get3A_700 = arith.index_cast %while3A_532 : i32 to index
          %get3A_701 = arith.constant 432 : index
          %get3A_702 = tpu.vector_load %arg8[%get3A_700, %get3A_701] {strides = array<i32>} : memref<96x512xf32, #tpu.memory_space<vmem>>, vector<1x16xf32>,
          %get3A_703 = vector.shape_cast %get3A_702 : vector<1x16xf32> to vector<16xf32>
          %max3A_704 = arith.maximumf %while3A_560, %get3A_703 : vector<16xf32>
          %get3A_705 = arith.index_cast %while3A_532 : i32 to index
          %get3A_706 = arith.constant 448 : index
          %get3A_707 = tpu.vector_load %arg8[%get3A_705, %get3A_706] {strides = array<i32>} : memref<96x512xf32, #tpu.memory_space<vmem>>, vector<1x16xf32>,
          %get3A_708 = vector.shape_cast %get3A_707 : vector<1x16xf32> to vector<16xf32>
          %max3A_709 = arith.maximumf %while3A_561, %get3A_708 : vector<16xf32>
          %get3A_710 = arith.index_cast %while3A_532 : i32 to index
          %get3A_711 = arith.constant 464 : index
          %get3A_712 = tpu.vector_load %arg8[%get3A_710, %get3A_711] {strides = array<i32>} : memref<96x512xf32, #tpu.memory_space<vmem>>, vector<1x16xf32>,
          %get3A_713 = vector.shape_cast %get3A_712 : vector<1x16xf32> to vector<16xf32>
          %max3A_714 = arith.maximumf %while3A_562, %get3A_713 : vector<16xf32>
          %get3A_715 = arith.index_cast %while3A_532 : i32 to index
          %get3A_716 = arith.constant 480 : index
          %get3A_717 = tpu.vector_load %arg8[%get3A_715, %get3A_716] {strides = array<i32>} : memref<96x512xf32, #tpu.memory_space<vmem>>, vector<1x16xf32>,
          %get3A_718 = vector.shape_cast %get3A_717 : vector<1x16xf32> to vector<16xf32>
          %max3A_719 = arith.maximumf %while3A_563, %get3A_718 : vector<16xf32>
          %get3A_720 = arith.index_cast %while3A_532 : i32 to index
          %get3A_721 = arith.constant 496 : index
          %get3A_722 = tpu.vector_load %arg8[%get3A_720, %get3A_721] {strides = array<i32>} : memref<96x512xf32, #tpu.memory_space<vmem>>, vector<1x16xf32>,
          %get3A_723 = vector.shape_cast %get3A_722 : vector<1x16xf32> to vector<16xf32>
          %max3A_724 = arith.maximumf %while3A_564, %get3A_723 : vector<16xf32>
          scf.yield %max3A_569, %max3A_574, %max3A_579, %max3A_584, %max3A_589, %max3A_594, %max3A_599, %max3A_604, %max3A_609, %max3A_614, %max3A_619, %max3A_624, %max3A_629, %max3A_634, %max3A_639, %max3A_644, %max3A_649, %max3A_654, %max3A_659, %max3A_664, %max3A_669, %max3A_674, %max3A_679, %max3A_684, %max3A_689, %max3A_694, %max3A_699, %max3A_704, %max3A_709, %max3A_714, %max3A_719, %max3A_724 : vector<16xf32>, vector<16xf32>, vector<16xf32>, vector<16xf32>, vector<16xf32>, vector<16xf32>, vector<16xf32>, vector<16xf32>, vector<16xf32>, vector<16xf32>, vector<16xf32>, vector<16xf32>, vector<16xf32>, vector<16xf32>, vector<16xf32>, vector<16xf32>, vector<16xf32>, vector<16xf32>, vector<16xf32>, vector<16xf32>, vector<16xf32>, vector<16xf32>, vector<16xf32>, vector<16xf32>, vector<16xf32>, vector<16xf32>, vector<16xf32>, vector<16xf32>, vector<16xf32>, vector<16xf32>, vector<16xf32>, vector<16xf32>
        }
        %while3A_530 = arith.constant 1 : i32
        %while3A_531:32 = scf.for %while3A_532 = %while3A_527 to %while3A_523 step %while3A_530 iter_args(%while3A_533 = %while3A_529#0, %while3A_534 = %while3A_529#1, %while3A_535 = %while3A_529#2, %while3A_536 = %while3A_529#3, %while3A_537 = %while3A_529#4, %while3A_538 = %while3A_529#5, %while3A_539 = %while3A_529#6, %while3A_540 = %while3A_529#7, %while3A_541 = %while3A_529#8, %while3A_542 = %while3A_529#9, %while3A_543 = %while3A_529#10, %while3A_544 = %while3A_529#11, %while3A_545 = %while3A_529#12, %while3A_546 = %while3A_529#13, %while3A_547 = %while3A_529#14, %while3A_548 = %while3A_529#15, %while3A_549 = %while3A_529#16, %while3A_550 = %while3A_529#17, %while3A_551 = %while3A_529#18, %while3A_552 = %while3A_529#19, %while3A_553 = %while3A_529#20, %while3A_554 = %while3A_529#21, %while3A_555 = %while3A_529#22, %while3A_556 = %while3A_529#23, %while3A_557 = %while3A_529#24, %while3A_558 = %while3A_529#25, %while3A_559 = %while3A_529#26, %while3A_560 = %while3A_529#27, %while3A_561 = %while3A_529#28, %while3A_562 = %while3A_529#29, %while3A_563 = %while3A_529#30, %while3A_564 = %while3A_529#31) -> (vector<16xf32>, vector<16xf32>, vector<16xf32>, vector<16xf32>, vector<16xf32>, vector<16xf32>, vector<16xf32>, vector<16xf32>, vector<16xf32>, vector<16xf32>, vector<16xf32>, vector<16xf32>, vector<16xf32>, vector<16xf32>, vector<16xf32>, vector<16xf32>, vector<16xf32>, vector<16xf32>, vector<16xf32>, vector<16xf32>, vector<16xf32>, vector<16xf32>, vector<16xf32>, vector<16xf32>, vector<16xf32>, vector<16xf32>, vector<16xf32>, vector<16xf32>, vector<16xf32>, vector<16xf32>, vector<16xf32>, vector<16xf32>)  : i32 {
          %get3A_565 = arith.index_cast %while3A_532 : i32 to index
          %get3A_566 = arith.constant 0 : index
          %get3A_567 = tpu.vector_load %arg8[%get3A_565, %get3A_566] {strides = array<i32>} : memref<96x512xf32, #tpu.memory_space<vmem>>, vector<1x16xf32>,
          %get3A_568 = vector.shape_cast %get3A_567 : vector<1x16xf32> to vector<16xf32>
          %max3A_569 = arith.maximumf %while3A_533, %get3A_568 : vector<16xf32>
          %get3A_570 = arith.index_cast %while3A_532 : i32 to index
          %get3A_571 = arith.constant 16 : index
          %get3A_572 = tpu.vector_load %arg8[%get3A_570, %get3A_571] {strides = array<i32>} : memref<96x512xf32, #tpu.memory_space<vmem>>, vector<1x16xf32>,
          %get3A_573 = vector.shape_cast %get3A_572 : vector<1x16xf32> to vector<16xf32>
          %max3A_574 = arith.maximumf %while3A_534, %get3A_573 : vector<16xf32>
          %get3A_575 = arith.index_cast %while3A_532 : i32 to index
          %get3A_576 = arith.constant 32 : index
          %get3A_577 = tpu.vector_load %arg8[%get3A_575, %get3A_576] {strides = array<i32>} : memref<96x512xf32, #tpu.memory_space<vmem>>, vector<1x16xf32>,
          %get3A_578 = vector.shape_cast %get3A_577 : vector<1x16xf32> to vector<16xf32>
          %max3A_579 = arith.maximumf %while3A_535, %get3A_578 : vector<16xf32>
          %get3A_580 = arith.index_cast %while3A_532 : i32 to index
          %get3A_581 = arith.constant 48 : index
          %get3A_582 = tpu.vector_load %arg8[%get3A_580, %get3A_581] {strides = array<i32>} : memref<96x512xf32, #tpu.memory_space<vmem>>, vector<1x16xf32>,
          %get3A_583 = vector.shape_cast %get3A_582 : vector<1x16xf32> to vector<16xf32>
          %max3A_584 = arith.maximumf %while3A_536, %get3A_583 : vector<16xf32>
          %get3A_585 = arith.index_cast %while3A_532 : i32 to index
          %get3A_586 = arith.constant 64 : index
          %get3A_587 = tpu.vector_load %arg8[%get3A_585, %get3A_586] {strides = array<i32>} : memref<96x512xf32, #tpu.memory_space<vmem>>, vector<1x16xf32>,
          %get3A_588 = vector.shape_cast %get3A_587 : vector<1x16xf32> to vector<16xf32>
          %max3A_589 = arith.maximumf %while3A_537, %get3A_588 : vector<16xf32>
          %get3A_590 = arith.index_cast %while3A_532 : i32 to index
          %get3A_591 = arith.constant 80 : index
          %get3A_592 = tpu.vector_load %arg8[%get3A_590, %get3A_591] {strides = array<i32>} : memref<96x512xf32, #tpu.memory_space<vmem>>, vector<1x16xf32>,
          %get3A_593 = vector.shape_cast %get3A_592 : vector<1x16xf32> to vector<16xf32>
          %max3A_594 = arith.maximumf %while3A_538, %get3A_593 : vector<16xf32>
          %get3A_595 = arith.index_cast %while3A_532 : i32 to index
          %get3A_596 = arith.constant 96 : index
          %get3A_597 = tpu.vector_load %arg8[%get3A_595, %get3A_596] {strides = array<i32>} : memref<96x512xf32, #tpu.memory_space<vmem>>, vector<1x16xf32>,
          %get3A_598 = vector.shape_cast %get3A_597 : vector<1x16xf32> to vector<16xf32>
          %max3A_599 = arith.maximumf %while3A_539, %get3A_598 : vector<16xf32>
          %get3A_600 = arith.index_cast %while3A_532 : i32 to index
          %get3A_601 = arith.constant 112 : index
          %get3A_602 = tpu.vector_load %arg8[%get3A_600, %get3A_601] {strides = array<i32>} : memref<96x512xf32, #tpu.memory_space<vmem>>, vector<1x16xf32>,
          %get3A_603 = vector.shape_cast %get3A_602 : vector<1x16xf32> to vector<16xf32>
          %max3A_604 = arith.maximumf %while3A_540, %get3A_603 : vector<16xf32>
          %get3A_605 = arith.index_cast %while3A_532 : i32 to index
          %get3A_606 = arith.constant 128 : index
          %get3A_607 = tpu.vector_load %arg8[%get3A_605, %get3A_606] {strides = array<i32>} : memref<96x512xf32, #tpu.memory_space<vmem>>, vector<1x16xf32>,
          %get3A_608 = vector.shape_cast %get3A_607 : vector<1x16xf32> to vector<16xf32>
          %max3A_609 = arith.maximumf %while3A_541, %get3A_608 : vector<16xf32>
          %get3A_610 = arith.index_cast %while3A_532 : i32 to index
          %get3A_611 = arith.constant 144 : index
          %get3A_612 = tpu.vector_load %arg8[%get3A_610, %get3A_611] {strides = array<i32>} : memref<96x512xf32, #tpu.memory_space<vmem>>, vector<1x16xf32>,
          %get3A_613 = vector.shape_cast %get3A_612 : vector<1x16xf32> to vector<16xf32>
          %max3A_614 = arith.maximumf %while3A_542, %get3A_613 : vector<16xf32>
          %get3A_615 = arith.index_cast %while3A_532 : i32 to index
          %get3A_616 = arith.constant 160 : index
          %get3A_617 = tpu.vector_load %arg8[%get3A_615, %get3A_616] {strides = array<i32>} : memref<96x512xf32, #tpu.memory_space<vmem>>, vector<1x16xf32>,
          %get3A_618 = vector.shape_cast %get3A_617 : vector<1x16xf32> to vector<16xf32>
          %max3A_619 = arith.maximumf %while3A_543, %get3A_618 : vector<16xf32>
          %get3A_620 = arith.index_cast %while3A_532 : i32 to index
          %get3A_621 = arith.constant 176 : index
          %get3A_622 = tpu.vector_load %arg8[%get3A_620, %get3A_621] {strides = array<i32>} : memref<96x512xf32, #tpu.memory_space<vmem>>, vector<1x16xf32>,
          %get3A_623 = vector.shape_cast %get3A_622 : vector<1x16xf32> to vector<16xf32>
          %max3A_624 = arith.maximumf %while3A_544, %get3A_623 : vector<16xf32>
          %get3A_625 = arith.index_cast %while3A_532 : i32 to index
          %get3A_626 = arith.constant 192 : index
          %get3A_627 = tpu.vector_load %arg8[%get3A_625, %get3A_626] {strides = array<i32>} : memref<96x512xf32, #tpu.memory_space<vmem>>, vector<1x16xf32>,
          %get3A_628 = vector.shape_cast %get3A_627 : vector<1x16xf32> to vector<16xf32>
          %max3A_629 = arith.maximumf %while3A_545, %get3A_628 : vector<16xf32>
          %get3A_630 = arith.index_cast %while3A_532 : i32 to index
          %get3A_631 = arith.constant 208 : index
          %get3A_632 = tpu.vector_load %arg8[%get3A_630, %get3A_631] {strides = array<i32>} : memref<96x512xf32, #tpu.memory_space<vmem>>, vector<1x16xf32>,
          %get3A_633 = vector.shape_cast %get3A_632 : vector<1x16xf32> to vector<16xf32>
          %max3A_634 = arith.maximumf %while3A_546, %get3A_633 : vector<16xf32>
          %get3A_635 = arith.index_cast %while3A_532 : i32 to index
          %get3A_636 = arith.constant 224 : index
          %get3A_637 = tpu.vector_load %arg8[%get3A_635, %get3A_636] {strides = array<i32>} : memref<96x512xf32, #tpu.memory_space<vmem>>, vector<1x16xf32>,
          %get3A_638 = vector.shape_cast %get3A_637 : vector<1x16xf32> to vector<16xf32>
          %max3A_639 = arith.maximumf %while3A_547, %get3A_638 : vector<16xf32>
          %get3A_640 = arith.index_cast %while3A_532 : i32 to index
          %get3A_641 = arith.constant 240 : index
          %get3A_642 = tpu.vector_load %arg8[%get3A_640, %get3A_641] {strides = array<i32>} : memref<96x512xf32, #tpu.memory_space<vmem>>, vector<1x16xf32>,
          %get3A_643 = vector.shape_cast %get3A_642 : vector<1x16xf32> to vector<16xf32>
          %max3A_644 = arith.maximumf %while3A_548, %get3A_643 : vector<16xf32>
          %get3A_645 = arith.index_cast %while3A_532 : i32 to index
          %get3A_646 = arith.constant 256 : index
          %get3A_647 = tpu.vector_load %arg8[%get3A_645, %get3A_646] {strides = array<i32>} : memref<96x512xf32, #tpu.memory_space<vmem>>, vector<1x16xf32>,
          %get3A_648 = vector.shape_cast %get3A_647 : vector<1x16xf32> to vector<16xf32>
          %max3A_649 = arith.maximumf %while3A_549, %get3A_648 : vector<16xf32>
          %get3A_650 = arith.index_cast %while3A_532 : i32 to index
          %get3A_651 = arith.constant 272 : index
          %get3A_652 = tpu.vector_load %arg8[%get3A_650, %get3A_651] {strides = array<i32>} : memref<96x512xf32, #tpu.memory_space<vmem>>, vector<1x16xf32>,
          %get3A_653 = vector.shape_cast %get3A_652 : vector<1x16xf32> to vector<16xf32>
          %max3A_654 = arith.maximumf %while3A_550, %get3A_653 : vector<16xf32>
          %get3A_655 = arith.index_cast %while3A_532 : i32 to index
          %get3A_656 = arith.constant 288 : index
          %get3A_657 = tpu.vector_load %arg8[%get3A_655, %get3A_656] {strides = array<i32>} : memref<96x512xf32, #tpu.memory_space<vmem>>, vector<1x16xf32>,
          %get3A_658 = vector.shape_cast %get3A_657 : vector<1x16xf32> to vector<16xf32>
          %max3A_659 = arith.maximumf %while3A_551, %get3A_658 : vector<16xf32>
          %get3A_660 = arith.index_cast %while3A_532 : i32 to index
          %get3A_661 = arith.constant 304 : index
          %get3A_662 = tpu.vector_load %arg8[%get3A_660, %get3A_661] {strides = array<i32>} : memref<96x512xf32, #tpu.memory_space<vmem>>, vector<1x16xf32>,
          %get3A_663 = vector.shape_cast %get3A_662 : vector<1x16xf32> to vector<16xf32>
          %max3A_664 = arith.maximumf %while3A_552, %get3A_663 : vector<16xf32>
          %get3A_665 = arith.index_cast %while3A_532 : i32 to index
          %get3A_666 = arith.constant 320 : index
          %get3A_667 = tpu.vector_load %arg8[%get3A_665, %get3A_666] {strides = array<i32>} : memref<96x512xf32, #tpu.memory_space<vmem>>, vector<1x16xf32>,
          %get3A_668 = vector.shape_cast %get3A_667 : vector<1x16xf32> to vector<16xf32>
          %max3A_669 = arith.maximumf %while3A_553, %get3A_668 : vector<16xf32>
          %get3A_670 = arith.index_cast %while3A_532 : i32 to index
          %get3A_671 = arith.constant 336 : index
          %get3A_672 = tpu.vector_load %arg8[%get3A_670, %get3A_671] {strides = array<i32>} : memref<96x512xf32, #tpu.memory_space<vmem>>, vector<1x16xf32>,
          %get3A_673 = vector.shape_cast %get3A_672 : vector<1x16xf32> to vector<16xf32>
          %max3A_674 = arith.maximumf %while3A_554, %get3A_673 : vector<16xf32>
          %get3A_675 = arith.index_cast %while3A_532 : i32 to index
          %get3A_676 = arith.constant 352 : index
          %get3A_677 = tpu.vector_load %arg8[%get3A_675, %get3A_676] {strides = array<i32>} : memref<96x512xf32, #tpu.memory_space<vmem>>, vector<1x16xf32>,
          %get3A_678 = vector.shape_cast %get3A_677 : vector<1x16xf32> to vector<16xf32>
          %max3A_679 = arith.maximumf %while3A_555, %get3A_678 : vector<16xf32>
          %get3A_680 = arith.index_cast %while3A_532 : i32 to index
          %get3A_681 = arith.constant 368 : index
          %get3A_682 = tpu.vector_load %arg8[%get3A_680, %get3A_681] {strides = array<i32>} : memref<96x512xf32, #tpu.memory_space<vmem>>, vector<1x16xf32>,
          %get3A_683 = vector.shape_cast %get3A_682 : vector<1x16xf32> to vector<16xf32>
          %max3A_684 = arith.maximumf %while3A_556, %get3A_683 : vector<16xf32>
          %get3A_685 = arith.index_cast %while3A_532 : i32 to index
          %get3A_686 = arith.constant 384 : index
          %get3A_687 = tpu.vector_load %arg8[%get3A_685, %get3A_686] {strides = array<i32>} : memref<96x512xf32, #tpu.memory_space<vmem>>, vector<1x16xf32>,
          %get3A_688 = vector.shape_cast %get3A_687 : vector<1x16xf32> to vector<16xf32>
          %max3A_689 = arith.maximumf %while3A_557, %get3A_688 : vector<16xf32>
          %get3A_690 = arith.index_cast %while3A_532 : i32 to index
          %get3A_691 = arith.constant 400 : index
          %get3A_692 = tpu.vector_load %arg8[%get3A_690, %get3A_691] {strides = array<i32>} : memref<96x512xf32, #tpu.memory_space<vmem>>, vector<1x16xf32>,
          %get3A_693 = vector.shape_cast %get3A_692 : vector<1x16xf32> to vector<16xf32>
          %max3A_694 = arith.maximumf %while3A_558, %get3A_693 : vector<16xf32>
          %get3A_695 = arith.index_cast %while3A_532 : i32 to index
          %get3A_696 = arith.constant 416 : index
          %get3A_697 = tpu.vector_load %arg8[%get3A_695, %get3A_696] {strides = array<i32>} : memref<96x512xf32, #tpu.memory_space<vmem>>, vector<1x16xf32>,
          %get3A_698 = vector.shape_cast %get3A_697 : vector<1x16xf32> to vector<16xf32>
          %max3A_699 = arith.maximumf %while3A_559, %get3A_698 : vector<16xf32>
          %get3A_700 = arith.index_cast %while3A_532 : i32 to index
          %get3A_701 = arith.constant 432 : index
          %get3A_702 = tpu.vector_load %arg8[%get3A_700, %get3A_701] {strides = array<i32>} : memref<96x512xf32, #tpu.memory_space<vmem>>, vector<1x16xf32>,
          %get3A_703 = vector.shape_cast %get3A_702 : vector<1x16xf32> to vector<16xf32>
          %max3A_704 = arith.maximumf %while3A_560, %get3A_703 : vector<16xf32>
          %get3A_705 = arith.index_cast %while3A_532 : i32 to index
          %get3A_706 = arith.constant 448 : index
          %get3A_707 = tpu.vector_load %arg8[%get3A_705, %get3A_706] {strides = array<i32>} : memref<96x512xf32, #tpu.memory_space<vmem>>, vector<1x16xf32>,
          %get3A_708 = vector.shape_cast %get3A_707 : vector<1x16xf32> to vector<16xf32>
          %max3A_709 = arith.maximumf %while3A_561, %get3A_708 : vector<16xf32>
          %get3A_710 = arith.index_cast %while3A_532 : i32 to index
          %get3A_711 = arith.constant 464 : index
          %get3A_712 = tpu.vector_load %arg8[%get3A_710, %get3A_711] {strides = array<i32>} : memref<96x512xf32, #tpu.memory_space<vmem>>, vector<1x16xf32>,
          %get3A_713 = vector.shape_cast %get3A_712 : vector<1x16xf32> to vector<16xf32>
          %max3A_714 = arith.maximumf %while3A_562, %get3A_713 : vector<16xf32>
          %get3A_715 = arith.index_cast %while3A_532 : i32 to index
          %get3A_716 = arith.constant 480 : index
          %get3A_717 = tpu.vector_load %arg8[%get3A_715, %get3A_716] {strides = array<i32>} : memref<96x512xf32, #tpu.memory_space<vmem>>, vector<1x16xf32>,
          %get3A_718 = vector.shape_cast %get3A_717 : vector<1x16xf32> to vector<16xf32>
          %max3A_719 = arith.maximumf %while3A_563, %get3A_718 : vector<16xf32>
          %get3A_720 = arith.index_cast %while3A_532 : i32 to index
          %get3A_721 = arith.constant 496 : index
          %get3A_722 = tpu.vector_load %arg8[%get3A_720, %get3A_721] {strides = array<i32>} : memref<96x512xf32, #tpu.memory_space<vmem>>, vector<1x16xf32>,
          %get3A_723 = vector.shape_cast %get3A_722 : vector<1x16xf32> to vector<16xf32>
          %max3A_724 = arith.maximumf %while3A_564, %get3A_723 : vector<16xf32>
          scf.yield %max3A_569, %max3A_574, %max3A_579, %max3A_584, %max3A_589, %max3A_594, %max3A_599, %max3A_604, %max3A_609, %max3A_614, %max3A_619, %max3A_624, %max3A_629, %max3A_634, %max3A_639, %max3A_644, %max3A_649, %max3A_654, %max3A_659, %max3A_664, %max3A_669, %max3A_674, %max3A_679, %max3A_684, %max3A_689, %max3A_694, %max3A_699, %max3A_704, %max3A_709, %max3A_714, %max3A_719, %max3A_724 : vector<16xf32>, vector<16xf32>, vector<16xf32>, vector<16xf32>, vector<16xf32>, vector<16xf32>, vector<16xf32>, vector<16xf32>, vector<16xf32>, vector<16xf32>, vector<16xf32>, vector<16xf32>, vector<16xf32>, vector<16xf32>, vector<16xf32>, vector<16xf32>, vector<16xf32>, vector<16xf32>, vector<16xf32>, vector<16xf32>, vector<16xf32>, vector<16xf32>, vector<16xf32>, vector<16xf32>, vector<16xf32>, vector<16xf32>, vector<16xf32>, vector<16xf32>, vector<16xf32>, vector<16xf32>, vector<16xf32>, vector<16xf32>
        }
        scf.yield %while3A_531#0, %while3A_531#1, %while3A_531#2, %while3A_531#3, %while3A_531#4, %while3A_531#5, %while3A_531#6, %while3A_531#7, %while3A_531#8, %while3A_531#9, %while3A_531#10, %while3A_531#11, %while3A_531#12, %while3A_531#13, %while3A_531#14, %while3A_531#15, %while3A_531#16, %while3A_531#17, %while3A_531#18, %while3A_531#19, %while3A_531#20, %while3A_531#21, %while3A_531#22, %while3A_531#23, %while3A_531#24, %while3A_531#25, %while3A_531#26, %while3A_531#27, %while3A_531#28, %while3A_531#29, %while3A_531#30, %while3A_531#31 : vector<16xf32>, vector<16xf32>, vector<16xf32>, vector<16xf32>, vector<16xf32>, vector<16xf32>, vector<16xf32>, vector<16xf32>, vector<16xf32>, vector<16xf32>, vector<16xf32>, vector<16xf32>, vector<16xf32>, vector<16xf32>, vector<16xf32>, vector<16xf32>, vector<16xf32>, vector<16xf32>, vector<16xf32>, vector<16xf32>, vector<16xf32>, vector<16xf32>, vector<16xf32>, vector<16xf32>, vector<16xf32>, vector<16xf32>, vector<16xf32>, vector<16xf32>, vector<16xf32>, vector<16xf32>, vector<16xf32>, vector<16xf32>
      }
      %while3A_264 = arith.constant 1 : i32
      %while3A_265:32 = scf.for %while3A_402 = %while3A_261 to %while3A_257 step %while3A_264 iter_args(%while3A_403 = %while3A_263#0, %while3A_404 = %while3A_263#1, %while3A_405 = %while3A_263#2, %while3A_406 = %while3A_263#3, %while3A_407 = %while3A_263#4, %while3A_408 = %while3A_263#5, %while3A_409 = %while3A_263#6, %while3A_410 = %while3A_263#7, %while3A_411 = %while3A_263#8, %while3A_412 = %while3A_263#9, %while3A_413 = %while3A_263#10, %while3A_414 = %while3A_263#11, %while3A_415 = %while3A_263#12, %while3A_416 = %while3A_263#13, %while3A_417 = %while3A_263#14, %while3A_418 = %while3A_263#15, %while3A_419 = %while3A_263#16, %while3A_420 = %while3A_263#17, %while3A_421 = %while3A_263#18, %while3A_422 = %while3A_263#19, %while3A_423 = %while3A_263#20, %while3A_424 = %while3A_263#21, %while3A_425 = %while3A_263#22, %while3A_426 = %while3A_263#23, %while3A_427 = %while3A_263#24, %while3A_428 = %while3A_263#25, %while3A_429 = %while3A_263#26, %while3A_430 = %while3A_263#27, %while3A_431 = %while3A_263#28, %while3A_432 = %while3A_263#29, %while3A_433 = %while3A_263#30, %while3A_434 = %while3A_263#31) -> (vector<16xf32>, vector<16xf32>, vector<16xf32>, vector<16xf32>, vector<16xf32>, vector<16xf32>, vector<16xf32>, vector<16xf32>, vector<16xf32>, vector<16xf32>, vector<16xf32>, vector<16xf32>, vector<16xf32>, vector<16xf32>, vector<16xf32>, vector<16xf32>, vector<16xf32>, vector<16xf32>, vector<16xf32>, vector<16xf32>, vector<16xf32>, vector<16xf32>, vector<16xf32>, vector<16xf32>, vector<16xf32>, vector<16xf32>, vector<16xf32>, vector<16xf32>, vector<16xf32>, vector<16xf32>, vector<16xf32>, vector<16xf32>)  : i32 {
        %mul3A_435 = arith.constant 2 : i32
        %mul3A_436 = arith.muli %mul3A_435, %while3A_402 : i32
        %mul3A_437 = arith.constant 96 : i32
        %mul3A_438 = arith.muli %mul3A_436, %mul3A_437 : i32
        %add3A_439 = arith.addi %mul3A_188, %mul3A_438 : i32
        %min3A_440 = arith.constant 99904 : i32
        %min3A_441 = arith.minsi %add3A_439, %min3A_440 : i32
        %dma_wait3A = arith.constant 0 : i32
        %dma_wait3A_442 = tpu.memref_slice %arg2[%min3A_441, %dma_wait3A] : memref<100000x512xf32, #tpu.memory_space<hbm>> -> memref<96x512xf32, #tpu.memory_space<hbm>>
        %dma_wait3A_443 = arith.constant 0 : i32
        %dma_wait3A_444 = tpu.memref_slice %arg2[%min3A_441, %dma_wait3A_443] : memref<100000x512xf32, #tpu.memory_space<hbm>> -> memref<96x512xf32, #tpu.memory_space<hbm>>
        tpu.wait_dma2 semaphore(%arg12 : memref<!tpu.dma_semaphore, #tpu.memory_space<semaphore_mem>>) src(%dma_wait3A_444 : memref<96x512xf32, #tpu.memory_space<hbm>>) dst(%arg7 : memref<96x512xf32, #tpu.memory_space<vmem>>)
        %add3A_445 = arith.constant 1 : i32
        %add3A_446 = arith.addi %mul3A_436, %add3A_445 : i32
        %mul3A_447 = arith.constant 96 : i32
        %mul3A_448 = arith.muli %add3A_446, %mul3A_447 : i32
        %add3A_449 = arith.addi %mul3A_188, %mul3A_448 : i32
        %min3A_450 = arith.constant 99904 : i32
        %min3A_451 = arith.minsi %add3A_449, %min3A_450 : i32
        %dma_start3A_452 = arith.constant 0 : i32
        %dma_start3A_453 = tpu.memref_slice %arg2[%min3A_451, %dma_start3A_452] : memref<100000x512xf32, #tpu.memory_space<hbm>> -> memref<96x512xf32, #tpu.memory_space<hbm>>
        %dma_start3A_454 = arith.constant 0 : i32
        %dma_start3A_455 = tpu.memref_slice %arg2[%min3A_451, %dma_start3A_454] : memref<100000x512xf32, #tpu.memory_space<hbm>> -> memref<96x512xf32, #tpu.memory_space<hbm>>
        tpu.enqueue_dma source(%dma_start3A_455 : memref<96x512xf32, #tpu.memory_space<hbm>>) target(%arg8 : memref<96x512xf32, #tpu.memory_space<vmem>>) target_semaphore(%arg13 : memref<!tpu.dma_semaphore, #tpu.memory_space<semaphore_mem>>)
        %mul3A_456 = arith.constant 96 : i32
        %mul3A_457 = arith.muli %mul3A_436, %mul3A_456 : i32
        %add3A_458 = arith.addi %mul3A_188, %mul3A_457 : i32
        %mul3A_459 = arith.constant 96 : i32
        %mul3A_460 = arith.muli %mul3A_436, %mul3A_459 : i32
        %add3A_461 = arith.addi %mul3A_188, %mul3A_460 : i32
        %min3A_462 = arith.constant 99904 : i32
        %min3A_463 = arith.minsi %add3A_461, %min3A_462 : i32
        %sub3A_464 = arith.subi %add3A_458, %min3A_463 : i32
        %sub3A_465 = arith.subi %max3A, %add3A_458 : i32
        %max3A_466 = arith.constant 0 : i32
        %max3A_467 = arith.maxsi %sub3A_465, %max3A_466 : i32
        %add3A_468 = arith.addi %sub3A_464, %max3A_467 : i32
        %sub3A_469 = arith.subi %min3A, %add3A_458 : i32
        %min3A_470 = arith.constant 96 : i32
        %min3A_471 = arith.minsi %sub3A_469, %min3A_470 : i32
        %max3A_472 = arith.constant 0 : i32
        %max3A_473 = arith.maxsi %min3A_471, %max3A_472 : i32
        %add3A_474 = arith.addi %sub3A_464, %max3A_473 : i32
        %while3A_475 = arith.subi %add3A_474, %add3A_468 : i32
        %while3A_476 = arith.addi %add3A_468, %while3A_475 : i32
        %while3A_477 = arith.constant 1 : i32
        %while3A_478 = arith.divsi %while3A_475, %while3A_477 : i32
        %while3A_479 = arith.muli %while3A_478, %while3A_477 : i32
        %while3A_480 = arith.addi %add3A_468, %while3A_479 : i32
        %while3A_481 = arith.constant 1 : i32
        %while3A_482:32 = scf.for %while3A_532 = %add3A_468 to %while3A_480 step %while3A_481 iter_args(%while3A_533 = %while3A_403, %while3A_534 = %while3A_404, %while3A_535 = %while3A_405, %while3A_536 = %while3A_406, %while3A_537 = %while3A_407, %while3A_538 = %while3A_408, %while3A_539 = %while3A_409, %while3A_540 = %while3A_410, %while3A_541 = %while3A_411, %while3A_542 = %while3A_412, %while3A_543 = %while3A_413, %while3A_544 = %while3A_414, %while3A_545 = %while3A_415, %while3A_546 = %while3A_416, %while3A_547 = %while3A_417, %while3A_548 = %while3A_418, %while3A_549 = %while3A_419, %while3A_550 = %while3A_420, %while3A_551 = %while3A_421, %while3A_552 = %while3A_422, %while3A_553 = %while3A_423, %while3A_554 = %while3A_424, %while3A_555 = %while3A_425, %while3A_556 = %while3A_426, %while3A_557 = %while3A_427, %while3A_558 = %while3A_428, %while3A_559 = %while3A_429, %while3A_560 = %while3A_430, %while3A_561 = %while3A_431, %while3A_562 = %while3A_432, %while3A_563 = %while3A_433, %while3A_564 = %while3A_434) -> (vector<16xf32>, vector<16xf32>, vector<16xf32>, vector<16xf32>, vector<16xf32>, vector<16xf32>, vector<16xf32>, vector<16xf32>, vector<16xf32>, vector<16xf32>, vector<16xf32>, vector<16xf32>, vector<16xf32>, vector<16xf32>, vector<16xf32>, vector<16xf32>, vector<16xf32>, vector<16xf32>, vector<16xf32>, vector<16xf32>, vector<16xf32>, vector<16xf32>, vector<16xf32>, vector<16xf32>, vector<16xf32>, vector<16xf32>, vector<16xf32>, vector<16xf32>, vector<16xf32>, vector<16xf32>, vector<16xf32>, vector<16xf32>)  : i32 {
          %get3A_565 = arith.index_cast %while3A_532 : i32 to index
          %get3A_566 = arith.constant 0 : index
          %get3A_567 = tpu.vector_load %arg7[%get3A_565, %get3A_566] {strides = array<i32>} : memref<96x512xf32, #tpu.memory_space<vmem>>, vector<1x16xf32>,
          %get3A_568 = vector.shape_cast %get3A_567 : vector<1x16xf32> to vector<16xf32>
          %max3A_569 = arith.maximumf %while3A_533, %get3A_568 : vector<16xf32>
          %get3A_570 = arith.index_cast %while3A_532 : i32 to index
          %get3A_571 = arith.constant 16 : index
          %get3A_572 = tpu.vector_load %arg7[%get3A_570, %get3A_571] {strides = array<i32>} : memref<96x512xf32, #tpu.memory_space<vmem>>, vector<1x16xf32>,
          %get3A_573 = vector.shape_cast %get3A_572 : vector<1x16xf32> to vector<16xf32>
          %max3A_574 = arith.maximumf %while3A_534, %get3A_573 : vector<16xf32>
          %get3A_575 = arith.index_cast %while3A_532 : i32 to index
          %get3A_576 = arith.constant 32 : index
          %get3A_577 = tpu.vector_load %arg7[%get3A_575, %get3A_576] {strides = array<i32>} : memref<96x512xf32, #tpu.memory_space<vmem>>, vector<1x16xf32>,
          %get3A_578 = vector.shape_cast %get3A_577 : vector<1x16xf32> to vector<16xf32>
          %max3A_579 = arith.maximumf %while3A_535, %get3A_578 : vector<16xf32>
          %get3A_580 = arith.index_cast %while3A_532 : i32 to index
          %get3A_581 = arith.constant 48 : index
          %get3A_582 = tpu.vector_load %arg7[%get3A_580, %get3A_581] {strides = array<i32>} : memref<96x512xf32, #tpu.memory_space<vmem>>, vector<1x16xf32>,
          %get3A_583 = vector.shape_cast %get3A_582 : vector<1x16xf32> to vector<16xf32>
          %max3A_584 = arith.maximumf %while3A_536, %get3A_583 : vector<16xf32>
          %get3A_585 = arith.index_cast %while3A_532 : i32 to index
          %get3A_586 = arith.constant 64 : index
          %get3A_587 = tpu.vector_load %arg7[%get3A_585, %get3A_586] {strides = array<i32>} : memref<96x512xf32, #tpu.memory_space<vmem>>, vector<1x16xf32>,
          %get3A_588 = vector.shape_cast %get3A_587 : vector<1x16xf32> to vector<16xf32>
          %max3A_589 = arith.maximumf %while3A_537, %get3A_588 : vector<16xf32>
          %get3A_590 = arith.index_cast %while3A_532 : i32 to index
          %get3A_591 = arith.constant 80 : index
          %get3A_592 = tpu.vector_load %arg7[%get3A_590, %get3A_591] {strides = array<i32>} : memref<96x512xf32, #tpu.memory_space<vmem>>, vector<1x16xf32>,
          %get3A_593 = vector.shape_cast %get3A_592 : vector<1x16xf32> to vector<16xf32>
          %max3A_594 = arith.maximumf %while3A_538, %get3A_593 : vector<16xf32>
          %get3A_595 = arith.index_cast %while3A_532 : i32 to index
          %get3A_596 = arith.constant 96 : index
          %get3A_597 = tpu.vector_load %arg7[%get3A_595, %get3A_596] {strides = array<i32>} : memref<96x512xf32, #tpu.memory_space<vmem>>, vector<1x16xf32>,
          %get3A_598 = vector.shape_cast %get3A_597 : vector<1x16xf32> to vector<16xf32>
          %max3A_599 = arith.maximumf %while3A_539, %get3A_598 : vector<16xf32>
          %get3A_600 = arith.index_cast %while3A_532 : i32 to index
          %get3A_601 = arith.constant 112 : index
          %get3A_602 = tpu.vector_load %arg7[%get3A_600, %get3A_601] {strides = array<i32>} : memref<96x512xf32, #tpu.memory_space<vmem>>, vector<1x16xf32>,
          %get3A_603 = vector.shape_cast %get3A_602 : vector<1x16xf32> to vector<16xf32>
          %max3A_604 = arith.maximumf %while3A_540, %get3A_603 : vector<16xf32>
          %get3A_605 = arith.index_cast %while3A_532 : i32 to index
          %get3A_606 = arith.constant 128 : index
          %get3A_607 = tpu.vector_load %arg7[%get3A_605, %get3A_606] {strides = array<i32>} : memref<96x512xf32, #tpu.memory_space<vmem>>, vector<1x16xf32>,
          %get3A_608 = vector.shape_cast %get3A_607 : vector<1x16xf32> to vector<16xf32>
          %max3A_609 = arith.maximumf %while3A_541, %get3A_608 : vector<16xf32>
          %get3A_610 = arith.index_cast %while3A_532 : i32 to index
          %get3A_611 = arith.constant 144 : index
          %get3A_612 = tpu.vector_load %arg7[%get3A_610, %get3A_611] {strides = array<i32>} : memref<96x512xf32, #tpu.memory_space<vmem>>, vector<1x16xf32>,
          %get3A_613 = vector.shape_cast %get3A_612 : vector<1x16xf32> to vector<16xf32>
          %max3A_614 = arith.maximumf %while3A_542, %get3A_613 : vector<16xf32>
          %get3A_615 = arith.index_cast %while3A_532 : i32 to index
          %get3A_616 = arith.constant 160 : index
          %get3A_617 = tpu.vector_load %arg7[%get3A_615, %get3A_616] {strides = array<i32>} : memref<96x512xf32, #tpu.memory_space<vmem>>, vector<1x16xf32>,
          %get3A_618 = vector.shape_cast %get3A_617 : vector<1x16xf32> to vector<16xf32>
          %max3A_619 = arith.maximumf %while3A_543, %get3A_618 : vector<16xf32>
          %get3A_620 = arith.index_cast %while3A_532 : i32 to index
          %get3A_621 = arith.constant 176 : index
          %get3A_622 = tpu.vector_load %arg7[%get3A_620, %get3A_621] {strides = array<i32>} : memref<96x512xf32, #tpu.memory_space<vmem>>, vector<1x16xf32>,
          %get3A_623 = vector.shape_cast %get3A_622 : vector<1x16xf32> to vector<16xf32>
          %max3A_624 = arith.maximumf %while3A_544, %get3A_623 : vector<16xf32>
          %get3A_625 = arith.index_cast %while3A_532 : i32 to index
          %get3A_626 = arith.constant 192 : index
          %get3A_627 = tpu.vector_load %arg7[%get3A_625, %get3A_626] {strides = array<i32>} : memref<96x512xf32, #tpu.memory_space<vmem>>, vector<1x16xf32>,
          %get3A_628 = vector.shape_cast %get3A_627 : vector<1x16xf32> to vector<16xf32>
          %max3A_629 = arith.maximumf %while3A_545, %get3A_628 : vector<16xf32>
          %get3A_630 = arith.index_cast %while3A_532 : i32 to index
          %get3A_631 = arith.constant 208 : index
          %get3A_632 = tpu.vector_load %arg7[%get3A_630, %get3A_631] {strides = array<i32>} : memref<96x512xf32, #tpu.memory_space<vmem>>, vector<1x16xf32>,
          %get3A_633 = vector.shape_cast %get3A_632 : vector<1x16xf32> to vector<16xf32>
          %max3A_634 = arith.maximumf %while3A_546, %get3A_633 : vector<16xf32>
          %get3A_635 = arith.index_cast %while3A_532 : i32 to index
          %get3A_636 = arith.constant 224 : index
          %get3A_637 = tpu.vector_load %arg7[%get3A_635, %get3A_636] {strides = array<i32>} : memref<96x512xf32, #tpu.memory_space<vmem>>, vector<1x16xf32>,
          %get3A_638 = vector.shape_cast %get3A_637 : vector<1x16xf32> to vector<16xf32>
          %max3A_639 = arith.maximumf %while3A_547, %get3A_638 : vector<16xf32>
          %get3A_640 = arith.index_cast %while3A_532 : i32 to index
          %get3A_641 = arith.constant 240 : index
          %get3A_642 = tpu.vector_load %arg7[%get3A_640, %get3A_641] {strides = array<i32>} : memref<96x512xf32, #tpu.memory_space<vmem>>, vector<1x16xf32>,
          %get3A_643 = vector.shape_cast %get3A_642 : vector<1x16xf32> to vector<16xf32>
          %max3A_644 = arith.maximumf %while3A_548, %get3A_643 : vector<16xf32>
          %get3A_645 = arith.index_cast %while3A_532 : i32 to index
          %get3A_646 = arith.constant 256 : index
          %get3A_647 = tpu.vector_load %arg7[%get3A_645, %get3A_646] {strides = array<i32>} : memref<96x512xf32, #tpu.memory_space<vmem>>, vector<1x16xf32>,
          %get3A_648 = vector.shape_cast %get3A_647 : vector<1x16xf32> to vector<16xf32>
          %max3A_649 = arith.maximumf %while3A_549, %get3A_648 : vector<16xf32>
          %get3A_650 = arith.index_cast %while3A_532 : i32 to index
          %get3A_651 = arith.constant 272 : index
          %get3A_652 = tpu.vector_load %arg7[%get3A_650, %get3A_651] {strides = array<i32>} : memref<96x512xf32, #tpu.memory_space<vmem>>, vector<1x16xf32>,
          %get3A_653 = vector.shape_cast %get3A_652 : vector<1x16xf32> to vector<16xf32>
          %max3A_654 = arith.maximumf %while3A_550, %get3A_653 : vector<16xf32>
          %get3A_655 = arith.index_cast %while3A_532 : i32 to index
          %get3A_656 = arith.constant 288 : index
          %get3A_657 = tpu.vector_load %arg7[%get3A_655, %get3A_656] {strides = array<i32>} : memref<96x512xf32, #tpu.memory_space<vmem>>, vector<1x16xf32>,
          %get3A_658 = vector.shape_cast %get3A_657 : vector<1x16xf32> to vector<16xf32>
          %max3A_659 = arith.maximumf %while3A_551, %get3A_658 : vector<16xf32>
          %get3A_660 = arith.index_cast %while3A_532 : i32 to index
          %get3A_661 = arith.constant 304 : index
          %get3A_662 = tpu.vector_load %arg7[%get3A_660, %get3A_661] {strides = array<i32>} : memref<96x512xf32, #tpu.memory_space<vmem>>, vector<1x16xf32>,
          %get3A_663 = vector.shape_cast %get3A_662 : vector<1x16xf32> to vector<16xf32>
          %max3A_664 = arith.maximumf %while3A_552, %get3A_663 : vector<16xf32>
          %get3A_665 = arith.index_cast %while3A_532 : i32 to index
          %get3A_666 = arith.constant 320 : index
          %get3A_667 = tpu.vector_load %arg7[%get3A_665, %get3A_666] {strides = array<i32>} : memref<96x512xf32, #tpu.memory_space<vmem>>, vector<1x16xf32>,
          %get3A_668 = vector.shape_cast %get3A_667 : vector<1x16xf32> to vector<16xf32>
          %max3A_669 = arith.maximumf %while3A_553, %get3A_668 : vector<16xf32>
          %get3A_670 = arith.index_cast %while3A_532 : i32 to index
          %get3A_671 = arith.constant 336 : index
          %get3A_672 = tpu.vector_load %arg7[%get3A_670, %get3A_671] {strides = array<i32>} : memref<96x512xf32, #tpu.memory_space<vmem>>, vector<1x16xf32>,
          %get3A_673 = vector.shape_cast %get3A_672 : vector<1x16xf32> to vector<16xf32>
          %max3A_674 = arith.maximumf %while3A_554, %get3A_673 : vector<16xf32>
          %get3A_675 = arith.index_cast %while3A_532 : i32 to index
          %get3A_676 = arith.constant 352 : index
          %get3A_677 = tpu.vector_load %arg7[%get3A_675, %get3A_676] {strides = array<i32>} : memref<96x512xf32, #tpu.memory_space<vmem>>, vector<1x16xf32>,
          %get3A_678 = vector.shape_cast %get3A_677 : vector<1x16xf32> to vector<16xf32>
          %max3A_679 = arith.maximumf %while3A_555, %get3A_678 : vector<16xf32>
          %get3A_680 = arith.index_cast %while3A_532 : i32 to index
          %get3A_681 = arith.constant 368 : index
          %get3A_682 = tpu.vector_load %arg7[%get3A_680, %get3A_681] {strides = array<i32>} : memref<96x512xf32, #tpu.memory_space<vmem>>, vector<1x16xf32>,
          %get3A_683 = vector.shape_cast %get3A_682 : vector<1x16xf32> to vector<16xf32>
          %max3A_684 = arith.maximumf %while3A_556, %get3A_683 : vector<16xf32>
          %get3A_685 = arith.index_cast %while3A_532 : i32 to index
          %get3A_686 = arith.constant 384 : index
          %get3A_687 = tpu.vector_load %arg7[%get3A_685, %get3A_686] {strides = array<i32>} : memref<96x512xf32, #tpu.memory_space<vmem>>, vector<1x16xf32>,
          %get3A_688 = vector.shape_cast %get3A_687 : vector<1x16xf32> to vector<16xf32>
          %max3A_689 = arith.maximumf %while3A_557, %get3A_688 : vector<16xf32>
          %get3A_690 = arith.index_cast %while3A_532 : i32 to index
          %get3A_691 = arith.constant 400 : index
          %get3A_692 = tpu.vector_load %arg7[%get3A_690, %get3A_691] {strides = array<i32>} : memref<96x512xf32, #tpu.memory_space<vmem>>, vector<1x16xf32>,
          %get3A_693 = vector.shape_cast %get3A_692 : vector<1x16xf32> to vector<16xf32>
          %max3A_694 = arith.maximumf %while3A_558, %get3A_693 : vector<16xf32>
          %get3A_695 = arith.index_cast %while3A_532 : i32 to index
          %get3A_696 = arith.constant 416 : index
          %get3A_697 = tpu.vector_load %arg7[%get3A_695, %get3A_696] {strides = array<i32>} : memref<96x512xf32, #tpu.memory_space<vmem>>, vector<1x16xf32>,
          %get3A_698 = vector.shape_cast %get3A_697 : vector<1x16xf32> to vector<16xf32>
          %max3A_699 = arith.maximumf %while3A_559, %get3A_698 : vector<16xf32>
          %get3A_700 = arith.index_cast %while3A_532 : i32 to index
          %get3A_701 = arith.constant 432 : index
          %get3A_702 = tpu.vector_load %arg7[%get3A_700, %get3A_701] {strides = array<i32>} : memref<96x512xf32, #tpu.memory_space<vmem>>, vector<1x16xf32>,
          %get3A_703 = vector.shape_cast %get3A_702 : vector<1x16xf32> to vector<16xf32>
          %max3A_704 = arith.maximumf %while3A_560, %get3A_703 : vector<16xf32>
          %get3A_705 = arith.index_cast %while3A_532 : i32 to index
          %get3A_706 = arith.constant 448 : index
          %get3A_707 = tpu.vector_load %arg7[%get3A_705, %get3A_706] {strides = array<i32>} : memref<96x512xf32, #tpu.memory_space<vmem>>, vector<1x16xf32>,
          %get3A_708 = vector.shape_cast %get3A_707 : vector<1x16xf32> to vector<16xf32>
          %max3A_709 = arith.maximumf %while3A_561, %get3A_708 : vector<16xf32>
          %get3A_710 = arith.index_cast %while3A_532 : i32 to index
          %get3A_711 = arith.constant 464 : index
          %get3A_712 = tpu.vector_load %arg7[%get3A_710, %get3A_711] {strides = array<i32>} : memref<96x512xf32, #tpu.memory_space<vmem>>, vector<1x16xf32>,
          %get3A_713 = vector.shape_cast %get3A_712 : vector<1x16xf32> to vector<16xf32>
          %max3A_714 = arith.maximumf %while3A_562, %get3A_713 : vector<16xf32>
          %get3A_715 = arith.index_cast %while3A_532 : i32 to index
          %get3A_716 = arith.constant 480 : index
          %get3A_717 = tpu.vector_load %arg7[%get3A_715, %get3A_716] {strides = array<i32>} : memref<96x512xf32, #tpu.memory_space<vmem>>, vector<1x16xf32>,
          %get3A_718 = vector.shape_cast %get3A_717 : vector<1x16xf32> to vector<16xf32>
          %max3A_719 = arith.maximumf %while3A_563, %get3A_718 : vector<16xf32>
          %get3A_720 = arith.index_cast %while3A_532 : i32 to index
          %get3A_721 = arith.constant 496 : index
          %get3A_722 = tpu.vector_load %arg7[%get3A_720, %get3A_721] {strides = array<i32>} : memref<96x512xf32, #tpu.memory_space<vmem>>, vector<1x16xf32>,
          %get3A_723 = vector.shape_cast %get3A_722 : vector<1x16xf32> to vector<16xf32>
          %max3A_724 = arith.maximumf %while3A_564, %get3A_723 : vector<16xf32>
          scf.yield %max3A_569, %max3A_574, %max3A_579, %max3A_584, %max3A_589, %max3A_594, %max3A_599, %max3A_604, %max3A_609, %max3A_614, %max3A_619, %max3A_624, %max3A_629, %max3A_634, %max3A_639, %max3A_644, %max3A_649, %max3A_654, %max3A_659, %max3A_664, %max3A_669, %max3A_674, %max3A_679, %max3A_684, %max3A_689, %max3A_694, %max3A_699, %max3A_704, %max3A_709, %max3A_714, %max3A_719, %max3A_724 : vector<16xf32>, vector<16xf32>, vector<16xf32>, vector<16xf32>, vector<16xf32>, vector<16xf32>, vector<16xf32>, vector<16xf32>, vector<16xf32>, vector<16xf32>, vector<16xf32>, vector<16xf32>, vector<16xf32>, vector<16xf32>, vector<16xf32>, vector<16xf32>, vector<16xf32>, vector<16xf32>, vector<16xf32>, vector<16xf32>, vector<16xf32>, vector<16xf32>, vector<16xf32>, vector<16xf32>, vector<16xf32>, vector<16xf32>, vector<16xf32>, vector<16xf32>, vector<16xf32>, vector<16xf32>, vector<16xf32>, vector<16xf32>
        }
        %while3A_483 = arith.constant 1 : i32
        %while3A_484:32 = scf.for %while3A_532 = %while3A_480 to %while3A_476 step %while3A_483 iter_args(%while3A_533 = %while3A_482#0, %while3A_534 = %while3A_482#1, %while3A_535 = %while3A_482#2, %while3A_536 = %while3A_482#3, %while3A_537 = %while3A_482#4, %while3A_538 = %while3A_482#5, %while3A_539 = %while3A_482#6, %while3A_540 = %while3A_482#7, %while3A_541 = %while3A_482#8, %while3A_542 = %while3A_482#9, %while3A_543 = %while3A_482#10, %while3A_544 = %while3A_482#11, %while3A_545 = %while3A_482#12, %while3A_546 = %while3A_482#13, %while3A_547 = %while3A_482#14, %while3A_548 = %while3A_482#15, %while3A_549 = %while3A_482#16, %while3A_550 = %while3A_482#17, %while3A_551 = %while3A_482#18, %while3A_552 = %while3A_482#19, %while3A_553 = %while3A_482#20, %while3A_554 = %while3A_482#21, %while3A_555 = %while3A_482#22, %while3A_556 = %while3A_482#23, %while3A_557 = %while3A_482#24, %while3A_558 = %while3A_482#25, %while3A_559 = %while3A_482#26, %while3A_560 = %while3A_482#27, %while3A_561 = %while3A_482#28, %while3A_562 = %while3A_482#29, %while3A_563 = %while3A_482#30, %while3A_564 = %while3A_482#31) -> (vector<16xf32>, vector<16xf32>, vector<16xf32>, vector<16xf32>, vector<16xf32>, vector<16xf32>, vector<16xf32>, vector<16xf32>, vector<16xf32>, vector<16xf32>, vector<16xf32>, vector<16xf32>, vector<16xf32>, vector<16xf32>, vector<16xf32>, vector<16xf32>, vector<16xf32>, vector<16xf32>, vector<16xf32>, vector<16xf32>, vector<16xf32>, vector<16xf32>, vector<16xf32>, vector<16xf32>, vector<16xf32>, vector<16xf32>, vector<16xf32>, vector<16xf32>, vector<16xf32>, vector<16xf32>, vector<16xf32>, vector<16xf32>)  : i32 {
          %get3A_565 = arith.index_cast %while3A_532 : i32 to index
          %get3A_566 = arith.constant 0 : index
          %get3A_567 = tpu.vector_load %arg7[%get3A_565, %get3A_566] {strides = array<i32>} : memref<96x512xf32, #tpu.memory_space<vmem>>, vector<1x16xf32>,
          %get3A_568 = vector.shape_cast %get3A_567 : vector<1x16xf32> to vector<16xf32>
          %max3A_569 = arith.maximumf %while3A_533, %get3A_568 : vector<16xf32>
          %get3A_570 = arith.index_cast %while3A_532 : i32 to index
          %get3A_571 = arith.constant 16 : index
          %get3A_572 = tpu.vector_load %arg7[%get3A_570, %get3A_571] {strides = array<i32>} : memref<96x512xf32, #tpu.memory_space<vmem>>, vector<1x16xf32>,
          %get3A_573 = vector.shape_cast %get3A_572 : vector<1x16xf32> to vector<16xf32>
          %max3A_574 = arith.maximumf %while3A_534, %get3A_573 : vector<16xf32>
          %get3A_575 = arith.index_cast %while3A_532 : i32 to index
          %get3A_576 = arith.constant 32 : index
          %get3A_577 = tpu.vector_load %arg7[%get3A_575, %get3A_576] {strides = array<i32>} : memref<96x512xf32, #tpu.memory_space<vmem>>, vector<1x16xf32>,
          %get3A_578 = vector.shape_cast %get3A_577 : vector<1x16xf32> to vector<16xf32>
          %max3A_579 = arith.maximumf %while3A_535, %get3A_578 : vector<16xf32>
          %get3A_580 = arith.index_cast %while3A_532 : i32 to index
          %get3A_581 = arith.constant 48 : index
          %get3A_582 = tpu.vector_load %arg7[%get3A_580, %get3A_581] {strides = array<i32>} : memref<96x512xf32, #tpu.memory_space<vmem>>, vector<1x16xf32>,
          %get3A_583 = vector.shape_cast %get3A_582 : vector<1x16xf32> to vector<16xf32>
          %max3A_584 = arith.maximumf %while3A_536, %get3A_583 : vector<16xf32>
          %get3A_585 = arith.index_cast %while3A_532 : i32 to index
          %get3A_586 = arith.constant 64 : index
          %get3A_587 = tpu.vector_load %arg7[%get3A_585, %get3A_586] {strides = array<i32>} : memref<96x512xf32, #tpu.memory_space<vmem>>, vector<1x16xf32>,
          %get3A_588 = vector.shape_cast %get3A_587 : vector<1x16xf32> to vector<16xf32>
          %max3A_589 = arith.maximumf %while3A_537, %get3A_588 : vector<16xf32>
          %get3A_590 = arith.index_cast %while3A_532 : i32 to index
          %get3A_591 = arith.constant 80 : index
          %get3A_592 = tpu.vector_load %arg7[%get3A_590, %get3A_591] {strides = array<i32>} : memref<96x512xf32, #tpu.memory_space<vmem>>, vector<1x16xf32>,
          %get3A_593 = vector.shape_cast %get3A_592 : vector<1x16xf32> to vector<16xf32>
          %max3A_594 = arith.maximumf %while3A_538, %get3A_593 : vector<16xf32>
          %get3A_595 = arith.index_cast %while3A_532 : i32 to index
          %get3A_596 = arith.constant 96 : index
          %get3A_597 = tpu.vector_load %arg7[%get3A_595, %get3A_596] {strides = array<i32>} : memref<96x512xf32, #tpu.memory_space<vmem>>, vector<1x16xf32>,
          %get3A_598 = vector.shape_cast %get3A_597 : vector<1x16xf32> to vector<16xf32>
          %max3A_599 = arith.maximumf %while3A_539, %get3A_598 : vector<16xf32>
          %get3A_600 = arith.index_cast %while3A_532 : i32 to index
          %get3A_601 = arith.constant 112 : index
          %get3A_602 = tpu.vector_load %arg7[%get3A_600, %get3A_601] {strides = array<i32>} : memref<96x512xf32, #tpu.memory_space<vmem>>, vector<1x16xf32>,
          %get3A_603 = vector.shape_cast %get3A_602 : vector<1x16xf32> to vector<16xf32>
          %max3A_604 = arith.maximumf %while3A_540, %get3A_603 : vector<16xf32>
          %get3A_605 = arith.index_cast %while3A_532 : i32 to index
          %get3A_606 = arith.constant 128 : index
          %get3A_607 = tpu.vector_load %arg7[%get3A_605, %get3A_606] {strides = array<i32>} : memref<96x512xf32, #tpu.memory_space<vmem>>, vector<1x16xf32>,
          %get3A_608 = vector.shape_cast %get3A_607 : vector<1x16xf32> to vector<16xf32>
          %max3A_609 = arith.maximumf %while3A_541, %get3A_608 : vector<16xf32>
          %get3A_610 = arith.index_cast %while3A_532 : i32 to index
          %get3A_611 = arith.constant 144 : index
          %get3A_612 = tpu.vector_load %arg7[%get3A_610, %get3A_611] {strides = array<i32>} : memref<96x512xf32, #tpu.memory_space<vmem>>, vector<1x16xf32>,
          %get3A_613 = vector.shape_cast %get3A_612 : vector<1x16xf32> to vector<16xf32>
          %max3A_614 = arith.maximumf %while3A_542, %get3A_613 : vector<16xf32>
          %get3A_615 = arith.index_cast %while3A_532 : i32 to index
          %get3A_616 = arith.constant 160 : index
          %get3A_617 = tpu.vector_load %arg7[%get3A_615, %get3A_616] {strides = array<i32>} : memref<96x512xf32, #tpu.memory_space<vmem>>, vector<1x16xf32>,
          %get3A_618 = vector.shape_cast %get3A_617 : vector<1x16xf32> to vector<16xf32>
          %max3A_619 = arith.maximumf %while3A_543, %get3A_618 : vector<16xf32>
          %get3A_620 = arith.index_cast %while3A_532 : i32 to index
          %get3A_621 = arith.constant 176 : index
          %get3A_622 = tpu.vector_load %arg7[%get3A_620, %get3A_621] {strides = array<i32>} : memref<96x512xf32, #tpu.memory_space<vmem>>, vector<1x16xf32>,
          %get3A_623 = vector.shape_cast %get3A_622 : vector<1x16xf32> to vector<16xf32>
          %max3A_624 = arith.maximumf %while3A_544, %get3A_623 : vector<16xf32>
          %get3A_625 = arith.index_cast %while3A_532 : i32 to index
          %get3A_626 = arith.constant 192 : index
          %get3A_627 = tpu.vector_load %arg7[%get3A_625, %get3A_626] {strides = array<i32>} : memref<96x512xf32, #tpu.memory_space<vmem>>, vector<1x16xf32>,
          %get3A_628 = vector.shape_cast %get3A_627 : vector<1x16xf32> to vector<16xf32>
          %max3A_629 = arith.maximumf %while3A_545, %get3A_628 : vector<16xf32>
          %get3A_630 = arith.index_cast %while3A_532 : i32 to index
          %get3A_631 = arith.constant 208 : index
          %get3A_632 = tpu.vector_load %arg7[%get3A_630, %get3A_631] {strides = array<i32>} : memref<96x512xf32, #tpu.memory_space<vmem>>, vector<1x16xf32>,
          %get3A_633 = vector.shape_cast %get3A_632 : vector<1x16xf32> to vector<16xf32>
          %max3A_634 = arith.maximumf %while3A_546, %get3A_633 : vector<16xf32>
          %get3A_635 = arith.index_cast %while3A_532 : i32 to index
          %get3A_636 = arith.constant 224 : index
          %get3A_637 = tpu.vector_load %arg7[%get3A_635, %get3A_636] {strides = array<i32>} : memref<96x512xf32, #tpu.memory_space<vmem>>, vector<1x16xf32>,
          %get3A_638 = vector.shape_cast %get3A_637 : vector<1x16xf32> to vector<16xf32>
          %max3A_639 = arith.maximumf %while3A_547, %get3A_638 : vector<16xf32>
          %get3A_640 = arith.index_cast %while3A_532 : i32 to index
          %get3A_641 = arith.constant 240 : index
          %get3A_642 = tpu.vector_load %arg7[%get3A_640, %get3A_641] {strides = array<i32>} : memref<96x512xf32, #tpu.memory_space<vmem>>, vector<1x16xf32>,
          %get3A_643 = vector.shape_cast %get3A_642 : vector<1x16xf32> to vector<16xf32>
          %max3A_644 = arith.maximumf %while3A_548, %get3A_643 : vector<16xf32>
          %get3A_645 = arith.index_cast %while3A_532 : i32 to index
          %get3A_646 = arith.constant 256 : index
          %get3A_647 = tpu.vector_load %arg7[%get3A_645, %get3A_646] {strides = array<i32>} : memref<96x512xf32, #tpu.memory_space<vmem>>, vector<1x16xf32>,
          %get3A_648 = vector.shape_cast %get3A_647 : vector<1x16xf32> to vector<16xf32>
          %max3A_649 = arith.maximumf %while3A_549, %get3A_648 : vector<16xf32>
          %get3A_650 = arith.index_cast %while3A_532 : i32 to index
          %get3A_651 = arith.constant 272 : index
          %get3A_652 = tpu.vector_load %arg7[%get3A_650, %get3A_651] {strides = array<i32>} : memref<96x512xf32, #tpu.memory_space<vmem>>, vector<1x16xf32>,
          %get3A_653 = vector.shape_cast %get3A_652 : vector<1x16xf32> to vector<16xf32>
          %max3A_654 = arith.maximumf %while3A_550, %get3A_653 : vector<16xf32>
          %get3A_655 = arith.index_cast %while3A_532 : i32 to index
          %get3A_656 = arith.constant 288 : index
          %get3A_657 = tpu.vector_load %arg7[%get3A_655, %get3A_656] {strides = array<i32>} : memref<96x512xf32, #tpu.memory_space<vmem>>, vector<1x16xf32>,
          %get3A_658 = vector.shape_cast %get3A_657 : vector<1x16xf32> to vector<16xf32>
          %max3A_659 = arith.maximumf %while3A_551, %get3A_658 : vector<16xf32>
          %get3A_660 = arith.index_cast %while3A_532 : i32 to index
          %get3A_661 = arith.constant 304 : index
          %get3A_662 = tpu.vector_load %arg7[%get3A_660, %get3A_661] {strides = array<i32>} : memref<96x512xf32, #tpu.memory_space<vmem>>, vector<1x16xf32>,
          %get3A_663 = vector.shape_cast %get3A_662 : vector<1x16xf32> to vector<16xf32>
          %max3A_664 = arith.maximumf %while3A_552, %get3A_663 : vector<16xf32>
          %get3A_665 = arith.index_cast %while3A_532 : i32 to index
          %get3A_666 = arith.constant 320 : index
          %get3A_667 = tpu.vector_load %arg7[%get3A_665, %get3A_666] {strides = array<i32>} : memref<96x512xf32, #tpu.memory_space<vmem>>, vector<1x16xf32>,
          %get3A_668 = vector.shape_cast %get3A_667 : vector<1x16xf32> to vector<16xf32>
          %max3A_669 = arith.maximumf %while3A_553, %get3A_668 : vector<16xf32>
          %get3A_670 = arith.index_cast %while3A_532 : i32 to index
          %get3A_671 = arith.constant 336 : index
          %get3A_672 = tpu.vector_load %arg7[%get3A_670, %get3A_671] {strides = array<i32>} : memref<96x512xf32, #tpu.memory_space<vmem>>, vector<1x16xf32>,
          %get3A_673 = vector.shape_cast %get3A_672 : vector<1x16xf32> to vector<16xf32>
          %max3A_674 = arith.maximumf %while3A_554, %get3A_673 : vector<16xf32>
          %get3A_675 = arith.index_cast %while3A_532 : i32 to index
          %get3A_676 = arith.constant 352 : index
          %get3A_677 = tpu.vector_load %arg7[%get3A_675, %get3A_676] {strides = array<i32>} : memref<96x512xf32, #tpu.memory_space<vmem>>, vector<1x16xf32>,
          %get3A_678 = vector.shape_cast %get3A_677 : vector<1x16xf32> to vector<16xf32>
          %max3A_679 = arith.maximumf %while3A_555, %get3A_678 : vector<16xf32>
          %get3A_680 = arith.index_cast %while3A_532 : i32 to index
          %get3A_681 = arith.constant 368 : index
          %get3A_682 = tpu.vector_load %arg7[%get3A_680, %get3A_681] {strides = array<i32>} : memref<96x512xf32, #tpu.memory_space<vmem>>, vector<1x16xf32>,
          %get3A_683 = vector.shape_cast %get3A_682 : vector<1x16xf32> to vector<16xf32>
          %max3A_684 = arith.maximumf %while3A_556, %get3A_683 : vector<16xf32>
          %get3A_685 = arith.index_cast %while3A_532 : i32 to index
          %get3A_686 = arith.constant 384 : index
          %get3A_687 = tpu.vector_load %arg7[%get3A_685, %get3A_686] {strides = array<i32>} : memref<96x512xf32, #tpu.memory_space<vmem>>, vector<1x16xf32>,
          %get3A_688 = vector.shape_cast %get3A_687 : vector<1x16xf32> to vector<16xf32>
          %max3A_689 = arith.maximumf %while3A_557, %get3A_688 : vector<16xf32>
          %get3A_690 = arith.index_cast %while3A_532 : i32 to index
          %get3A_691 = arith.constant 400 : index
          %get3A_692 = tpu.vector_load %arg7[%get3A_690, %get3A_691] {strides = array<i32>} : memref<96x512xf32, #tpu.memory_space<vmem>>, vector<1x16xf32>,
          %get3A_693 = vector.shape_cast %get3A_692 : vector<1x16xf32> to vector<16xf32>
          %max3A_694 = arith.maximumf %while3A_558, %get3A_693 : vector<16xf32>
          %get3A_695 = arith.index_cast %while3A_532 : i32 to index
          %get3A_696 = arith.constant 416 : index
          %get3A_697 = tpu.vector_load %arg7[%get3A_695, %get3A_696] {strides = array<i32>} : memref<96x512xf32, #tpu.memory_space<vmem>>, vector<1x16xf32>,
          %get3A_698 = vector.shape_cast %get3A_697 : vector<1x16xf32> to vector<16xf32>
          %max3A_699 = arith.maximumf %while3A_559, %get3A_698 : vector<16xf32>
          %get3A_700 = arith.index_cast %while3A_532 : i32 to index
          %get3A_701 = arith.constant 432 : index
          %get3A_702 = tpu.vector_load %arg7[%get3A_700, %get3A_701] {strides = array<i32>} : memref<96x512xf32, #tpu.memory_space<vmem>>, vector<1x16xf32>,
          %get3A_703 = vector.shape_cast %get3A_702 : vector<1x16xf32> to vector<16xf32>
          %max3A_704 = arith.maximumf %while3A_560, %get3A_703 : vector<16xf32>
          %get3A_705 = arith.index_cast %while3A_532 : i32 to index
          %get3A_706 = arith.constant 448 : index
          %get3A_707 = tpu.vector_load %arg7[%get3A_705, %get3A_706] {strides = array<i32>} : memref<96x512xf32, #tpu.memory_space<vmem>>, vector<1x16xf32>,
          %get3A_708 = vector.shape_cast %get3A_707 : vector<1x16xf32> to vector<16xf32>
          %max3A_709 = arith.maximumf %while3A_561, %get3A_708 : vector<16xf32>
          %get3A_710 = arith.index_cast %while3A_532 : i32 to index
          %get3A_711 = arith.constant 464 : index
          %get3A_712 = tpu.vector_load %arg7[%get3A_710, %get3A_711] {strides = array<i32>} : memref<96x512xf32, #tpu.memory_space<vmem>>, vector<1x16xf32>,
          %get3A_713 = vector.shape_cast %get3A_712 : vector<1x16xf32> to vector<16xf32>
          %max3A_714 = arith.maximumf %while3A_562, %get3A_713 : vector<16xf32>
          %get3A_715 = arith.index_cast %while3A_532 : i32 to index
          %get3A_716 = arith.constant 480 : index
          %get3A_717 = tpu.vector_load %arg7[%get3A_715, %get3A_716] {strides = array<i32>} : memref<96x512xf32, #tpu.memory_space<vmem>>, vector<1x16xf32>,
          %get3A_718 = vector.shape_cast %get3A_717 : vector<1x16xf32> to vector<16xf32>
          %max3A_719 = arith.maximumf %while3A_563, %get3A_718 : vector<16xf32>
          %get3A_720 = arith.index_cast %while3A_532 : i32 to index
          %get3A_721 = arith.constant 496 : index
          %get3A_722 = tpu.vector_load %arg7[%get3A_720, %get3A_721] {strides = array<i32>} : memref<96x512xf32, #tpu.memory_space<vmem>>, vector<1x16xf32>,
          %get3A_723 = vector.shape_cast %get3A_722 : vector<1x16xf32> to vector<16xf32>
          %max3A_724 = arith.maximumf %while3A_564, %get3A_723 : vector<16xf32>
          scf.yield %max3A_569, %max3A_574, %max3A_579, %max3A_584, %max3A_589, %max3A_594, %max3A_599, %max3A_604, %max3A_609, %max3A_614, %max3A_619, %max3A_624, %max3A_629, %max3A_634, %max3A_639, %max3A_644, %max3A_649, %max3A_654, %max3A_659, %max3A_664, %max3A_669, %max3A_674, %max3A_679, %max3A_684, %max3A_689, %max3A_694, %max3A_699, %max3A_704, %max3A_709, %max3A_714, %max3A_719, %max3A_724 : vector<16xf32>, vector<16xf32>, vector<16xf32>, vector<16xf32>, vector<16xf32>, vector<16xf32>, vector<16xf32>, vector<16xf32>, vector<16xf32>, vector<16xf32>, vector<16xf32>, vector<16xf32>, vector<16xf32>, vector<16xf32>, vector<16xf32>, vector<16xf32>, vector<16xf32>, vector<16xf32>, vector<16xf32>, vector<16xf32>, vector<16xf32>, vector<16xf32>, vector<16xf32>, vector<16xf32>, vector<16xf32>, vector<16xf32>, vector<16xf32>, vector<16xf32>, vector<16xf32>, vector<16xf32>, vector<16xf32>, vector<16xf32>
        }
        %add3A_485 = arith.constant 1 : i32
        %add3A_486 = arith.addi %mul3A_436, %add3A_485 : i32
        %mul3A_487 = arith.constant 96 : i32
        %mul3A_488 = arith.muli %add3A_486, %mul3A_487 : i32
        %add3A_489 = arith.addi %mul3A_188, %mul3A_488 : i32
        %min3A_490 = arith.constant 99904 : i32
        %min3A_491 = arith.minsi %add3A_489, %min3A_490 : i32
        %dma_wait3A_492 = arith.constant 0 : i32
        %dma_wait3A_493 = tpu.memref_slice %arg2[%min3A_491, %dma_wait3A_492] : memref<100000x512xf32, #tpu.memory_space<hbm>> -> memref<96x512xf32, #tpu.memory_space<hbm>>
        %dma_wait3A_494 = arith.constant 0 : i32
        %dma_wait3A_495 = tpu.memref_slice %arg2[%min3A_491, %dma_wait3A_494] : memref<100000x512xf32, #tpu.memory_space<hbm>> -> memref<96x512xf32, #tpu.memory_space<hbm>>
        tpu.wait_dma2 semaphore(%arg13 : memref<!tpu.dma_semaphore, #tpu.memory_space<semaphore_mem>>) src(%dma_wait3A_495 : memref<96x512xf32, #tpu.memory_space<hbm>>) dst(%arg8 : memref<96x512xf32, #tpu.memory_space<vmem>>)
        %add3A_496 = arith.constant 1 : i32
        %add3A_497 = arith.addi %while3A_402, %add3A_496 : i32
        %lt3A = arith.cmpi slt, %add3A_497, %select_n3A_245 : i32
        %convert_element_type3A_498 = arith.extui %lt3A : i1 to i32
        %cond3A_499 = arith.constant 0 : i32
        %cond3A_500 = arith.cmpi ne, %convert_element_type3A_498, %cond3A_499 : i32
        scf.if %cond3A_500 {
          %add3A_532 = arith.constant 2 : i32
          %add3A_533 = arith.addi %mul3A_436, %add3A_532 : i32
          %mul3A_534 = arith.constant 96 : i32
          %mul3A_535 = arith.muli %add3A_533, %mul3A_534 : i32
          %add3A_536 = arith.addi %mul3A_188, %mul3A_535 : i32
          %min3A_537 = arith.constant 99904 : i32
          %min3A_538 = arith.minsi %add3A_536, %min3A_537 : i32
          %dma_start3A_539 = arith.constant 0 : i32
          %dma_start3A_540 = tpu.memref_slice %arg2[%min3A_538, %dma_start3A_539] : memref<100000x512xf32, #tpu.memory_space<hbm>> -> memref<96x512xf32, #tpu.memory_space<hbm>>
          %dma_start3A_541 = arith.constant 0 : i32
          %dma_start3A_542 = tpu.memref_slice %arg2[%min3A_538, %dma_start3A_541] : memref<100000x512xf32, #tpu.memory_space<hbm>> -> memref<96x512xf32, #tpu.memory_space<hbm>>
          tpu.enqueue_dma source(%dma_start3A_542 : memref<96x512xf32, #tpu.memory_space<hbm>>) target(%arg7 : memref<96x512xf32, #tpu.memory_space<vmem>>) target_semaphore(%arg12 : memref<!tpu.dma_semaphore, #tpu.memory_space<semaphore_mem>>)
        } else {
        }
        %add3A_501 = arith.constant 1 : i32
        %add3A_502 = arith.addi %mul3A_436, %add3A_501 : i32
        %mul3A_503 = arith.constant 96 : i32
        %mul3A_504 = arith.muli %add3A_502, %mul3A_503 : i32
        %add3A_505 = arith.addi %mul3A_188, %mul3A_504 : i32
        %mul3A_506 = arith.constant 96 : i32
        %mul3A_507 = arith.muli %add3A_502, %mul3A_506 : i32
        %add3A_508 = arith.addi %mul3A_188, %mul3A_507 : i32
        %min3A_509 = arith.constant 99904 : i32
        %min3A_510 = arith.minsi %add3A_508, %min3A_509 : i32
        %sub3A_511 = arith.subi %add3A_505, %min3A_510 : i32
        %sub3A_512 = arith.subi %max3A, %add3A_505 : i32
        %max3A_513 = arith.constant 0 : i32
        %max3A_514 = arith.maxsi %sub3A_512, %max3A_513 : i32
        %add3A_515 = arith.addi %sub3A_511, %max3A_514 : i32
        %sub3A_516 = arith.subi %min3A, %add3A_505 : i32
        %min3A_517 = arith.constant 96 : i32
        %min3A_518 = arith.minsi %sub3A_516, %min3A_517 : i32
        %max3A_519 = arith.constant 0 : i32
        %max3A_520 = arith.maxsi %min3A_518, %max3A_519 : i32
        %add3A_521 = arith.addi %sub3A_511, %max3A_520 : i32
        %while3A_522 = arith.subi %add3A_521, %add3A_515 : i32
        %while3A_523 = arith.addi %add3A_515, %while3A_522 : i32
        %while3A_524 = arith.constant 1 : i32
        %while3A_525 = arith.divsi %while3A_522, %while3A_524 : i32
        %while3A_526 = arith.muli %while3A_525, %while3A_524 : i32
        %while3A_527 = arith.addi %add3A_515, %while3A_526 : i32
        %while3A_528 = arith.constant 1 : i32
        %while3A_529:32 = scf.for %while3A_532 = %add3A_515 to %while3A_527 step %while3A_528 iter_args(%while3A_533 = %while3A_484#0, %while3A_534 = %while3A_484#1, %while3A_535 = %while3A_484#2, %while3A_536 = %while3A_484#3, %while3A_537 = %while3A_484#4, %while3A_538 = %while3A_484#5, %while3A_539 = %while3A_484#6, %while3A_540 = %while3A_484#7, %while3A_541 = %while3A_484#8, %while3A_542 = %while3A_484#9, %while3A_543 = %while3A_484#10, %while3A_544 = %while3A_484#11, %while3A_545 = %while3A_484#12, %while3A_546 = %while3A_484#13, %while3A_547 = %while3A_484#14, %while3A_548 = %while3A_484#15, %while3A_549 = %while3A_484#16, %while3A_550 = %while3A_484#17, %while3A_551 = %while3A_484#18, %while3A_552 = %while3A_484#19, %while3A_553 = %while3A_484#20, %while3A_554 = %while3A_484#21, %while3A_555 = %while3A_484#22, %while3A_556 = %while3A_484#23, %while3A_557 = %while3A_484#24, %while3A_558 = %while3A_484#25, %while3A_559 = %while3A_484#26, %while3A_560 = %while3A_484#27, %while3A_561 = %while3A_484#28, %while3A_562 = %while3A_484#29, %while3A_563 = %while3A_484#30, %while3A_564 = %while3A_484#31) -> (vector<16xf32>, vector<16xf32>, vector<16xf32>, vector<16xf32>, vector<16xf32>, vector<16xf32>, vector<16xf32>, vector<16xf32>, vector<16xf32>, vector<16xf32>, vector<16xf32>, vector<16xf32>, vector<16xf32>, vector<16xf32>, vector<16xf32>, vector<16xf32>, vector<16xf32>, vector<16xf32>, vector<16xf32>, vector<16xf32>, vector<16xf32>, vector<16xf32>, vector<16xf32>, vector<16xf32>, vector<16xf32>, vector<16xf32>, vector<16xf32>, vector<16xf32>, vector<16xf32>, vector<16xf32>, vector<16xf32>, vector<16xf32>)  : i32 {
          %get3A_565 = arith.index_cast %while3A_532 : i32 to index
          %get3A_566 = arith.constant 0 : index
          %get3A_567 = tpu.vector_load %arg8[%get3A_565, %get3A_566] {strides = array<i32>} : memref<96x512xf32, #tpu.memory_space<vmem>>, vector<1x16xf32>,
          %get3A_568 = vector.shape_cast %get3A_567 : vector<1x16xf32> to vector<16xf32>
          %max3A_569 = arith.maximumf %while3A_533, %get3A_568 : vector<16xf32>
          %get3A_570 = arith.index_cast %while3A_532 : i32 to index
          %get3A_571 = arith.constant 16 : index
          %get3A_572 = tpu.vector_load %arg8[%get3A_570, %get3A_571] {strides = array<i32>} : memref<96x512xf32, #tpu.memory_space<vmem>>, vector<1x16xf32>,
          %get3A_573 = vector.shape_cast %get3A_572 : vector<1x16xf32> to vector<16xf32>
          %max3A_574 = arith.maximumf %while3A_534, %get3A_573 : vector<16xf32>
          %get3A_575 = arith.index_cast %while3A_532 : i32 to index
          %get3A_576 = arith.constant 32 : index
          %get3A_577 = tpu.vector_load %arg8[%get3A_575, %get3A_576] {strides = array<i32>} : memref<96x512xf32, #tpu.memory_space<vmem>>, vector<1x16xf32>,
          %get3A_578 = vector.shape_cast %get3A_577 : vector<1x16xf32> to vector<16xf32>
          %max3A_579 = arith.maximumf %while3A_535, %get3A_578 : vector<16xf32>
          %get3A_580 = arith.index_cast %while3A_532 : i32 to index
          %get3A_581 = arith.constant 48 : index
          %get3A_582 = tpu.vector_load %arg8[%get3A_580, %get3A_581] {strides = array<i32>} : memref<96x512xf32, #tpu.memory_space<vmem>>, vector<1x16xf32>,
          %get3A_583 = vector.shape_cast %get3A_582 : vector<1x16xf32> to vector<16xf32>
          %max3A_584 = arith.maximumf %while3A_536, %get3A_583 : vector<16xf32>
          %get3A_585 = arith.index_cast %while3A_532 : i32 to index
          %get3A_586 = arith.constant 64 : index
          %get3A_587 = tpu.vector_load %arg8[%get3A_585, %get3A_586] {strides = array<i32>} : memref<96x512xf32, #tpu.memory_space<vmem>>, vector<1x16xf32>,
          %get3A_588 = vector.shape_cast %get3A_587 : vector<1x16xf32> to vector<16xf32>
          %max3A_589 = arith.maximumf %while3A_537, %get3A_588 : vector<16xf32>
          %get3A_590 = arith.index_cast %while3A_532 : i32 to index
          %get3A_591 = arith.constant 80 : index
          %get3A_592 = tpu.vector_load %arg8[%get3A_590, %get3A_591] {strides = array<i32>} : memref<96x512xf32, #tpu.memory_space<vmem>>, vector<1x16xf32>,
          %get3A_593 = vector.shape_cast %get3A_592 : vector<1x16xf32> to vector<16xf32>
          %max3A_594 = arith.maximumf %while3A_538, %get3A_593 : vector<16xf32>
          %get3A_595 = arith.index_cast %while3A_532 : i32 to index
          %get3A_596 = arith.constant 96 : index
          %get3A_597 = tpu.vector_load %arg8[%get3A_595, %get3A_596] {strides = array<i32>} : memref<96x512xf32, #tpu.memory_space<vmem>>, vector<1x16xf32>,
          %get3A_598 = vector.shape_cast %get3A_597 : vector<1x16xf32> to vector<16xf32>
          %max3A_599 = arith.maximumf %while3A_539, %get3A_598 : vector<16xf32>
          %get3A_600 = arith.index_cast %while3A_532 : i32 to index
          %get3A_601 = arith.constant 112 : index
          %get3A_602 = tpu.vector_load %arg8[%get3A_600, %get3A_601] {strides = array<i32>} : memref<96x512xf32, #tpu.memory_space<vmem>>, vector<1x16xf32>,
          %get3A_603 = vector.shape_cast %get3A_602 : vector<1x16xf32> to vector<16xf32>
          %max3A_604 = arith.maximumf %while3A_540, %get3A_603 : vector<16xf32>
          %get3A_605 = arith.index_cast %while3A_532 : i32 to index
          %get3A_606 = arith.constant 128 : index
          %get3A_607 = tpu.vector_load %arg8[%get3A_605, %get3A_606] {strides = array<i32>} : memref<96x512xf32, #tpu.memory_space<vmem>>, vector<1x16xf32>,
          %get3A_608 = vector.shape_cast %get3A_607 : vector<1x16xf32> to vector<16xf32>
          %max3A_609 = arith.maximumf %while3A_541, %get3A_608 : vector<16xf32>
          %get3A_610 = arith.index_cast %while3A_532 : i32 to index
          %get3A_611 = arith.constant 144 : index
          %get3A_612 = tpu.vector_load %arg8[%get3A_610, %get3A_611] {strides = array<i32>} : memref<96x512xf32, #tpu.memory_space<vmem>>, vector<1x16xf32>,
          %get3A_613 = vector.shape_cast %get3A_612 : vector<1x16xf32> to vector<16xf32>
          %max3A_614 = arith.maximumf %while3A_542, %get3A_613 : vector<16xf32>
          %get3A_615 = arith.index_cast %while3A_532 : i32 to index
          %get3A_616 = arith.constant 160 : index
          %get3A_617 = tpu.vector_load %arg8[%get3A_615, %get3A_616] {strides = array<i32>} : memref<96x512xf32, #tpu.memory_space<vmem>>, vector<1x16xf32>,
          %get3A_618 = vector.shape_cast %get3A_617 : vector<1x16xf32> to vector<16xf32>
          %max3A_619 = arith.maximumf %while3A_543, %get3A_618 : vector<16xf32>
          %get3A_620 = arith.index_cast %while3A_532 : i32 to index
          %get3A_621 = arith.constant 176 : index
          %get3A_622 = tpu.vector_load %arg8[%get3A_620, %get3A_621] {strides = array<i32>} : memref<96x512xf32, #tpu.memory_space<vmem>>, vector<1x16xf32>,
          %get3A_623 = vector.shape_cast %get3A_622 : vector<1x16xf32> to vector<16xf32>
          %max3A_624 = arith.maximumf %while3A_544, %get3A_623 : vector<16xf32>
          %get3A_625 = arith.index_cast %while3A_532 : i32 to index
          %get3A_626 = arith.constant 192 : index
          %get3A_627 = tpu.vector_load %arg8[%get3A_625, %get3A_626] {strides = array<i32>} : memref<96x512xf32, #tpu.memory_space<vmem>>, vector<1x16xf32>,
          %get3A_628 = vector.shape_cast %get3A_627 : vector<1x16xf32> to vector<16xf32>
          %max3A_629 = arith.maximumf %while3A_545, %get3A_628 : vector<16xf32>
          %get3A_630 = arith.index_cast %while3A_532 : i32 to index
          %get3A_631 = arith.constant 208 : index
          %get3A_632 = tpu.vector_load %arg8[%get3A_630, %get3A_631] {strides = array<i32>} : memref<96x512xf32, #tpu.memory_space<vmem>>, vector<1x16xf32>,
          %get3A_633 = vector.shape_cast %get3A_632 : vector<1x16xf32> to vector<16xf32>
          %max3A_634 = arith.maximumf %while3A_546, %get3A_633 : vector<16xf32>
          %get3A_635 = arith.index_cast %while3A_532 : i32 to index
          %get3A_636 = arith.constant 224 : index
          %get3A_637 = tpu.vector_load %arg8[%get3A_635, %get3A_636] {strides = array<i32>} : memref<96x512xf32, #tpu.memory_space<vmem>>, vector<1x16xf32>,
          %get3A_638 = vector.shape_cast %get3A_637 : vector<1x16xf32> to vector<16xf32>
          %max3A_639 = arith.maximumf %while3A_547, %get3A_638 : vector<16xf32>
          %get3A_640 = arith.index_cast %while3A_532 : i32 to index
          %get3A_641 = arith.constant 240 : index
          %get3A_642 = tpu.vector_load %arg8[%get3A_640, %get3A_641] {strides = array<i32>} : memref<96x512xf32, #tpu.memory_space<vmem>>, vector<1x16xf32>,
          %get3A_643 = vector.shape_cast %get3A_642 : vector<1x16xf32> to vector<16xf32>
          %max3A_644 = arith.maximumf %while3A_548, %get3A_643 : vector<16xf32>
          %get3A_645 = arith.index_cast %while3A_532 : i32 to index
          %get3A_646 = arith.constant 256 : index
          %get3A_647 = tpu.vector_load %arg8[%get3A_645, %get3A_646] {strides = array<i32>} : memref<96x512xf32, #tpu.memory_space<vmem>>, vector<1x16xf32>,
          %get3A_648 = vector.shape_cast %get3A_647 : vector<1x16xf32> to vector<16xf32>
          %max3A_649 = arith.maximumf %while3A_549, %get3A_648 : vector<16xf32>
          %get3A_650 = arith.index_cast %while3A_532 : i32 to index
          %get3A_651 = arith.constant 272 : index
          %get3A_652 = tpu.vector_load %arg8[%get3A_650, %get3A_651] {strides = array<i32>} : memref<96x512xf32, #tpu.memory_space<vmem>>, vector<1x16xf32>,
          %get3A_653 = vector.shape_cast %get3A_652 : vector<1x16xf32> to vector<16xf32>
          %max3A_654 = arith.maximumf %while3A_550, %get3A_653 : vector<16xf32>
          %get3A_655 = arith.index_cast %while3A_532 : i32 to index
          %get3A_656 = arith.constant 288 : index
          %get3A_657 = tpu.vector_load %arg8[%get3A_655, %get3A_656] {strides = array<i32>} : memref<96x512xf32, #tpu.memory_space<vmem>>, vector<1x16xf32>,
          %get3A_658 = vector.shape_cast %get3A_657 : vector<1x16xf32> to vector<16xf32>
          %max3A_659 = arith.maximumf %while3A_551, %get3A_658 : vector<16xf32>
          %get3A_660 = arith.index_cast %while3A_532 : i32 to index
          %get3A_661 = arith.constant 304 : index
          %get3A_662 = tpu.vector_load %arg8[%get3A_660, %get3A_661] {strides = array<i32>} : memref<96x512xf32, #tpu.memory_space<vmem>>, vector<1x16xf32>,
          %get3A_663 = vector.shape_cast %get3A_662 : vector<1x16xf32> to vector<16xf32>
          %max3A_664 = arith.maximumf %while3A_552, %get3A_663 : vector<16xf32>
          %get3A_665 = arith.index_cast %while3A_532 : i32 to index
          %get3A_666 = arith.constant 320 : index
          %get3A_667 = tpu.vector_load %arg8[%get3A_665, %get3A_666] {strides = array<i32>} : memref<96x512xf32, #tpu.memory_space<vmem>>, vector<1x16xf32>,
          %get3A_668 = vector.shape_cast %get3A_667 : vector<1x16xf32> to vector<16xf32>
          %max3A_669 = arith.maximumf %while3A_553, %get3A_668 : vector<16xf32>
          %get3A_670 = arith.index_cast %while3A_532 : i32 to index
          %get3A_671 = arith.constant 336 : index
          %get3A_672 = tpu.vector_load %arg8[%get3A_670, %get3A_671] {strides = array<i32>} : memref<96x512xf32, #tpu.memory_space<vmem>>, vector<1x16xf32>,
          %get3A_673 = vector.shape_cast %get3A_672 : vector<1x16xf32> to vector<16xf32>
          %max3A_674 = arith.maximumf %while3A_554, %get3A_673 : vector<16xf32>
          %get3A_675 = arith.index_cast %while3A_532 : i32 to index
          %get3A_676 = arith.constant 352 : index
          %get3A_677 = tpu.vector_load %arg8[%get3A_675, %get3A_676] {strides = array<i32>} : memref<96x512xf32, #tpu.memory_space<vmem>>, vector<1x16xf32>,
          %get3A_678 = vector.shape_cast %get3A_677 : vector<1x16xf32> to vector<16xf32>
          %max3A_679 = arith.maximumf %while3A_555, %get3A_678 : vector<16xf32>
          %get3A_680 = arith.index_cast %while3A_532 : i32 to index
          %get3A_681 = arith.constant 368 : index
          %get3A_682 = tpu.vector_load %arg8[%get3A_680, %get3A_681] {strides = array<i32>} : memref<96x512xf32, #tpu.memory_space<vmem>>, vector<1x16xf32>,
          %get3A_683 = vector.shape_cast %get3A_682 : vector<1x16xf32> to vector<16xf32>
          %max3A_684 = arith.maximumf %while3A_556, %get3A_683 : vector<16xf32>
          %get3A_685 = arith.index_cast %while3A_532 : i32 to index
          %get3A_686 = arith.constant 384 : index
          %get3A_687 = tpu.vector_load %arg8[%get3A_685, %get3A_686] {strides = array<i32>} : memref<96x512xf32, #tpu.memory_space<vmem>>, vector<1x16xf32>,
          %get3A_688 = vector.shape_cast %get3A_687 : vector<1x16xf32> to vector<16xf32>
          %max3A_689 = arith.maximumf %while3A_557, %get3A_688 : vector<16xf32>
          %get3A_690 = arith.index_cast %while3A_532 : i32 to index
          %get3A_691 = arith.constant 400 : index
          %get3A_692 = tpu.vector_load %arg8[%get3A_690, %get3A_691] {strides = array<i32>} : memref<96x512xf32, #tpu.memory_space<vmem>>, vector<1x16xf32>,
          %get3A_693 = vector.shape_cast %get3A_692 : vector<1x16xf32> to vector<16xf32>
          %max3A_694 = arith.maximumf %while3A_558, %get3A_693 : vector<16xf32>
          %get3A_695 = arith.index_cast %while3A_532 : i32 to index
          %get3A_696 = arith.constant 416 : index
          %get3A_697 = tpu.vector_load %arg8[%get3A_695, %get3A_696] {strides = array<i32>} : memref<96x512xf32, #tpu.memory_space<vmem>>, vector<1x16xf32>,
          %get3A_698 = vector.shape_cast %get3A_697 : vector<1x16xf32> to vector<16xf32>
          %max3A_699 = arith.maximumf %while3A_559, %get3A_698 : vector<16xf32>
          %get3A_700 = arith.index_cast %while3A_532 : i32 to index
          %get3A_701 = arith.constant 432 : index
          %get3A_702 = tpu.vector_load %arg8[%get3A_700, %get3A_701] {strides = array<i32>} : memref<96x512xf32, #tpu.memory_space<vmem>>, vector<1x16xf32>,
          %get3A_703 = vector.shape_cast %get3A_702 : vector<1x16xf32> to vector<16xf32>
          %max3A_704 = arith.maximumf %while3A_560, %get3A_703 : vector<16xf32>
          %get3A_705 = arith.index_cast %while3A_532 : i32 to index
          %get3A_706 = arith.constant 448 : index
          %get3A_707 = tpu.vector_load %arg8[%get3A_705, %get3A_706] {strides = array<i32>} : memref<96x512xf32, #tpu.memory_space<vmem>>, vector<1x16xf32>,
          %get3A_708 = vector.shape_cast %get3A_707 : vector<1x16xf32> to vector<16xf32>
          %max3A_709 = arith.maximumf %while3A_561, %get3A_708 : vector<16xf32>
          %get3A_710 = arith.index_cast %while3A_532 : i32 to index
          %get3A_711 = arith.constant 464 : index
          %get3A_712 = tpu.vector_load %arg8[%get3A_710, %get3A_711] {strides = array<i32>} : memref<96x512xf32, #tpu.memory_space<vmem>>, vector<1x16xf32>,
          %get3A_713 = vector.shape_cast %get3A_712 : vector<1x16xf32> to vector<16xf32>
          %max3A_714 = arith.maximumf %while3A_562, %get3A_713 : vector<16xf32>
          %get3A_715 = arith.index_cast %while3A_532 : i32 to index
          %get3A_716 = arith.constant 480 : index
          %get3A_717 = tpu.vector_load %arg8[%get3A_715, %get3A_716] {strides = array<i32>} : memref<96x512xf32, #tpu.memory_space<vmem>>, vector<1x16xf32>,
          %get3A_718 = vector.shape_cast %get3A_717 : vector<1x16xf32> to vector<16xf32>
          %max3A_719 = arith.maximumf %while3A_563, %get3A_718 : vector<16xf32>
          %get3A_720 = arith.index_cast %while3A_532 : i32 to index
          %get3A_721 = arith.constant 496 : index
          %get3A_722 = tpu.vector_load %arg8[%get3A_720, %get3A_721] {strides = array<i32>} : memref<96x512xf32, #tpu.memory_space<vmem>>, vector<1x16xf32>,
          %get3A_723 = vector.shape_cast %get3A_722 : vector<1x16xf32> to vector<16xf32>
          %max3A_724 = arith.maximumf %while3A_564, %get3A_723 : vector<16xf32>
          scf.yield %max3A_569, %max3A_574, %max3A_579, %max3A_584, %max3A_589, %max3A_594, %max3A_599, %max3A_604, %max3A_609, %max3A_614, %max3A_619, %max3A_624, %max3A_629, %max3A_634, %max3A_639, %max3A_644, %max3A_649, %max3A_654, %max3A_659, %max3A_664, %max3A_669, %max3A_674, %max3A_679, %max3A_684, %max3A_689, %max3A_694, %max3A_699, %max3A_704, %max3A_709, %max3A_714, %max3A_719, %max3A_724 : vector<16xf32>, vector<16xf32>, vector<16xf32>, vector<16xf32>, vector<16xf32>, vector<16xf32>, vector<16xf32>, vector<16xf32>, vector<16xf32>, vector<16xf32>, vector<16xf32>, vector<16xf32>, vector<16xf32>, vector<16xf32>, vector<16xf32>, vector<16xf32>, vector<16xf32>, vector<16xf32>, vector<16xf32>, vector<16xf32>, vector<16xf32>, vector<16xf32>, vector<16xf32>, vector<16xf32>, vector<16xf32>, vector<16xf32>, vector<16xf32>, vector<16xf32>, vector<16xf32>, vector<16xf32>, vector<16xf32>, vector<16xf32>
        }
        %while3A_530 = arith.constant 1 : i32
        %while3A_531:32 = scf.for %while3A_532 = %while3A_527 to %while3A_523 step %while3A_530 iter_args(%while3A_533 = %while3A_529#0, %while3A_534 = %while3A_529#1, %while3A_535 = %while3A_529#2, %while3A_536 = %while3A_529#3, %while3A_537 = %while3A_529#4, %while3A_538 = %while3A_529#5, %while3A_539 = %while3A_529#6, %while3A_540 = %while3A_529#7, %while3A_541 = %while3A_529#8, %while3A_542 = %while3A_529#9, %while3A_543 = %while3A_529#10, %while3A_544 = %while3A_529#11, %while3A_545 = %while3A_529#12, %while3A_546 = %while3A_529#13, %while3A_547 = %while3A_529#14, %while3A_548 = %while3A_529#15, %while3A_549 = %while3A_529#16, %while3A_550 = %while3A_529#17, %while3A_551 = %while3A_529#18, %while3A_552 = %while3A_529#19, %while3A_553 = %while3A_529#20, %while3A_554 = %while3A_529#21, %while3A_555 = %while3A_529#22, %while3A_556 = %while3A_529#23, %while3A_557 = %while3A_529#24, %while3A_558 = %while3A_529#25, %while3A_559 = %while3A_529#26, %while3A_560 = %while3A_529#27, %while3A_561 = %while3A_529#28, %while3A_562 = %while3A_529#29, %while3A_563 = %while3A_529#30, %while3A_564 = %while3A_529#31) -> (vector<16xf32>, vector<16xf32>, vector<16xf32>, vector<16xf32>, vector<16xf32>, vector<16xf32>, vector<16xf32>, vector<16xf32>, vector<16xf32>, vector<16xf32>, vector<16xf32>, vector<16xf32>, vector<16xf32>, vector<16xf32>, vector<16xf32>, vector<16xf32>, vector<16xf32>, vector<16xf32>, vector<16xf32>, vector<16xf32>, vector<16xf32>, vector<16xf32>, vector<16xf32>, vector<16xf32>, vector<16xf32>, vector<16xf32>, vector<16xf32>, vector<16xf32>, vector<16xf32>, vector<16xf32>, vector<16xf32>, vector<16xf32>)  : i32 {
          %get3A_565 = arith.index_cast %while3A_532 : i32 to index
          %get3A_566 = arith.constant 0 : index
          %get3A_567 = tpu.vector_load %arg8[%get3A_565, %get3A_566] {strides = array<i32>} : memref<96x512xf32, #tpu.memory_space<vmem>>, vector<1x16xf32>,
          %get3A_568 = vector.shape_cast %get3A_567 : vector<1x16xf32> to vector<16xf32>
          %max3A_569 = arith.maximumf %while3A_533, %get3A_568 : vector<16xf32>
          %get3A_570 = arith.index_cast %while3A_532 : i32 to index
          %get3A_571 = arith.constant 16 : index
          %get3A_572 = tpu.vector_load %arg8[%get3A_570, %get3A_571] {strides = array<i32>} : memref<96x512xf32, #tpu.memory_space<vmem>>, vector<1x16xf32>,
          %get3A_573 = vector.shape_cast %get3A_572 : vector<1x16xf32> to vector<16xf32>
          %max3A_574 = arith.maximumf %while3A_534, %get3A_573 : vector<16xf32>
          %get3A_575 = arith.index_cast %while3A_532 : i32 to index
          %get3A_576 = arith.constant 32 : index
          %get3A_577 = tpu.vector_load %arg8[%get3A_575, %get3A_576] {strides = array<i32>} : memref<96x512xf32, #tpu.memory_space<vmem>>, vector<1x16xf32>,
          %get3A_578 = vector.shape_cast %get3A_577 : vector<1x16xf32> to vector<16xf32>
          %max3A_579 = arith.maximumf %while3A_535, %get3A_578 : vector<16xf32>
          %get3A_580 = arith.index_cast %while3A_532 : i32 to index
          %get3A_581 = arith.constant 48 : index
          %get3A_582 = tpu.vector_load %arg8[%get3A_580, %get3A_581] {strides = array<i32>} : memref<96x512xf32, #tpu.memory_space<vmem>>, vector<1x16xf32>,
          %get3A_583 = vector.shape_cast %get3A_582 : vector<1x16xf32> to vector<16xf32>
          %max3A_584 = arith.maximumf %while3A_536, %get3A_583 : vector<16xf32>
          %get3A_585 = arith.index_cast %while3A_532 : i32 to index
          %get3A_586 = arith.constant 64 : index
          %get3A_587 = tpu.vector_load %arg8[%get3A_585, %get3A_586] {strides = array<i32>} : memref<96x512xf32, #tpu.memory_space<vmem>>, vector<1x16xf32>,
          %get3A_588 = vector.shape_cast %get3A_587 : vector<1x16xf32> to vector<16xf32>
          %max3A_589 = arith.maximumf %while3A_537, %get3A_588 : vector<16xf32>
          %get3A_590 = arith.index_cast %while3A_532 : i32 to index
          %get3A_591 = arith.constant 80 : index
          %get3A_592 = tpu.vector_load %arg8[%get3A_590, %get3A_591] {strides = array<i32>} : memref<96x512xf32, #tpu.memory_space<vmem>>, vector<1x16xf32>,
          %get3A_593 = vector.shape_cast %get3A_592 : vector<1x16xf32> to vector<16xf32>
          %max3A_594 = arith.maximumf %while3A_538, %get3A_593 : vector<16xf32>
          %get3A_595 = arith.index_cast %while3A_532 : i32 to index
          %get3A_596 = arith.constant 96 : index
          %get3A_597 = tpu.vector_load %arg8[%get3A_595, %get3A_596] {strides = array<i32>} : memref<96x512xf32, #tpu.memory_space<vmem>>, vector<1x16xf32>,
          %get3A_598 = vector.shape_cast %get3A_597 : vector<1x16xf32> to vector<16xf32>
          %max3A_599 = arith.maximumf %while3A_539, %get3A_598 : vector<16xf32>
          %get3A_600 = arith.index_cast %while3A_532 : i32 to index
          %get3A_601 = arith.constant 112 : index
          %get3A_602 = tpu.vector_load %arg8[%get3A_600, %get3A_601] {strides = array<i32>} : memref<96x512xf32, #tpu.memory_space<vmem>>, vector<1x16xf32>,
          %get3A_603 = vector.shape_cast %get3A_602 : vector<1x16xf32> to vector<16xf32>
          %max3A_604 = arith.maximumf %while3A_540, %get3A_603 : vector<16xf32>
          %get3A_605 = arith.index_cast %while3A_532 : i32 to index
          %get3A_606 = arith.constant 128 : index
          %get3A_607 = tpu.vector_load %arg8[%get3A_605, %get3A_606] {strides = array<i32>} : memref<96x512xf32, #tpu.memory_space<vmem>>, vector<1x16xf32>,
          %get3A_608 = vector.shape_cast %get3A_607 : vector<1x16xf32> to vector<16xf32>
          %max3A_609 = arith.maximumf %while3A_541, %get3A_608 : vector<16xf32>
          %get3A_610 = arith.index_cast %while3A_532 : i32 to index
          %get3A_611 = arith.constant 144 : index
          %get3A_612 = tpu.vector_load %arg8[%get3A_610, %get3A_611] {strides = array<i32>} : memref<96x512xf32, #tpu.memory_space<vmem>>, vector<1x16xf32>,
          %get3A_613 = vector.shape_cast %get3A_612 : vector<1x16xf32> to vector<16xf32>
          %max3A_614 = arith.maximumf %while3A_542, %get3A_613 : vector<16xf32>
          %get3A_615 = arith.index_cast %while3A_532 : i32 to index
          %get3A_616 = arith.constant 160 : index
          %get3A_617 = tpu.vector_load %arg8[%get3A_615, %get3A_616] {strides = array<i32>} : memref<96x512xf32, #tpu.memory_space<vmem>>, vector<1x16xf32>,
          %get3A_618 = vector.shape_cast %get3A_617 : vector<1x16xf32> to vector<16xf32>
          %max3A_619 = arith.maximumf %while3A_543, %get3A_618 : vector<16xf32>
          %get3A_620 = arith.index_cast %while3A_532 : i32 to index
          %get3A_621 = arith.constant 176 : index
          %get3A_622 = tpu.vector_load %arg8[%get3A_620, %get3A_621] {strides = array<i32>} : memref<96x512xf32, #tpu.memory_space<vmem>>, vector<1x16xf32>,
          %get3A_623 = vector.shape_cast %get3A_622 : vector<1x16xf32> to vector<16xf32>
          %max3A_624 = arith.maximumf %while3A_544, %get3A_623 : vector<16xf32>
          %get3A_625 = arith.index_cast %while3A_532 : i32 to index
          %get3A_626 = arith.constant 192 : index
          %get3A_627 = tpu.vector_load %arg8[%get3A_625, %get3A_626] {strides = array<i32>} : memref<96x512xf32, #tpu.memory_space<vmem>>, vector<1x16xf32>,
          %get3A_628 = vector.shape_cast %get3A_627 : vector<1x16xf32> to vector<16xf32>
          %max3A_629 = arith.maximumf %while3A_545, %get3A_628 : vector<16xf32>
          %get3A_630 = arith.index_cast %while3A_532 : i32 to index
          %get3A_631 = arith.constant 208 : index
          %get3A_632 = tpu.vector_load %arg8[%get3A_630, %get3A_631] {strides = array<i32>} : memref<96x512xf32, #tpu.memory_space<vmem>>, vector<1x16xf32>,
          %get3A_633 = vector.shape_cast %get3A_632 : vector<1x16xf32> to vector<16xf32>
          %max3A_634 = arith.maximumf %while3A_546, %get3A_633 : vector<16xf32>
          %get3A_635 = arith.index_cast %while3A_532 : i32 to index
          %get3A_636 = arith.constant 224 : index
          %get3A_637 = tpu.vector_load %arg8[%get3A_635, %get3A_636] {strides = array<i32>} : memref<96x512xf32, #tpu.memory_space<vmem>>, vector<1x16xf32>,
          %get3A_638 = vector.shape_cast %get3A_637 : vector<1x16xf32> to vector<16xf32>
          %max3A_639 = arith.maximumf %while3A_547, %get3A_638 : vector<16xf32>
          %get3A_640 = arith.index_cast %while3A_532 : i32 to index
          %get3A_641 = arith.constant 240 : index
          %get3A_642 = tpu.vector_load %arg8[%get3A_640, %get3A_641] {strides = array<i32>} : memref<96x512xf32, #tpu.memory_space<vmem>>, vector<1x16xf32>,
          %get3A_643 = vector.shape_cast %get3A_642 : vector<1x16xf32> to vector<16xf32>
          %max3A_644 = arith.maximumf %while3A_548, %get3A_643 : vector<16xf32>
          %get3A_645 = arith.index_cast %while3A_532 : i32 to index
          %get3A_646 = arith.constant 256 : index
          %get3A_647 = tpu.vector_load %arg8[%get3A_645, %get3A_646] {strides = array<i32>} : memref<96x512xf32, #tpu.memory_space<vmem>>, vector<1x16xf32>,
          %get3A_648 = vector.shape_cast %get3A_647 : vector<1x16xf32> to vector<16xf32>
          %max3A_649 = arith.maximumf %while3A_549, %get3A_648 : vector<16xf32>
          %get3A_650 = arith.index_cast %while3A_532 : i32 to index
          %get3A_651 = arith.constant 272 : index
          %get3A_652 = tpu.vector_load %arg8[%get3A_650, %get3A_651] {strides = array<i32>} : memref<96x512xf32, #tpu.memory_space<vmem>>, vector<1x16xf32>,
          %get3A_653 = vector.shape_cast %get3A_652 : vector<1x16xf32> to vector<16xf32>
          %max3A_654 = arith.maximumf %while3A_550, %get3A_653 : vector<16xf32>
          %get3A_655 = arith.index_cast %while3A_532 : i32 to index
          %get3A_656 = arith.constant 288 : index
          %get3A_657 = tpu.vector_load %arg8[%get3A_655, %get3A_656] {strides = array<i32>} : memref<96x512xf32, #tpu.memory_space<vmem>>, vector<1x16xf32>,
          %get3A_658 = vector.shape_cast %get3A_657 : vector<1x16xf32> to vector<16xf32>
          %max3A_659 = arith.maximumf %while3A_551, %get3A_658 : vector<16xf32>
          %get3A_660 = arith.index_cast %while3A_532 : i32 to index
          %get3A_661 = arith.constant 304 : index
          %get3A_662 = tpu.vector_load %arg8[%get3A_660, %get3A_661] {strides = array<i32>} : memref<96x512xf32, #tpu.memory_space<vmem>>, vector<1x16xf32>,
          %get3A_663 = vector.shape_cast %get3A_662 : vector<1x16xf32> to vector<16xf32>
          %max3A_664 = arith.maximumf %while3A_552, %get3A_663 : vector<16xf32>
          %get3A_665 = arith.index_cast %while3A_532 : i32 to index
          %get3A_666 = arith.constant 320 : index
          %get3A_667 = tpu.vector_load %arg8[%get3A_665, %get3A_666] {strides = array<i32>} : memref<96x512xf32, #tpu.memory_space<vmem>>, vector<1x16xf32>,
          %get3A_668 = vector.shape_cast %get3A_667 : vector<1x16xf32> to vector<16xf32>
          %max3A_669 = arith.maximumf %while3A_553, %get3A_668 : vector<16xf32>
          %get3A_670 = arith.index_cast %while3A_532 : i32 to index
          %get3A_671 = arith.constant 336 : index
          %get3A_672 = tpu.vector_load %arg8[%get3A_670, %get3A_671] {strides = array<i32>} : memref<96x512xf32, #tpu.memory_space<vmem>>, vector<1x16xf32>,
          %get3A_673 = vector.shape_cast %get3A_672 : vector<1x16xf32> to vector<16xf32>
          %max3A_674 = arith.maximumf %while3A_554, %get3A_673 : vector<16xf32>
          %get3A_675 = arith.index_cast %while3A_532 : i32 to index
          %get3A_676 = arith.constant 352 : index
          %get3A_677 = tpu.vector_load %arg8[%get3A_675, %get3A_676] {strides = array<i32>} : memref<96x512xf32, #tpu.memory_space<vmem>>, vector<1x16xf32>,
          %get3A_678 = vector.shape_cast %get3A_677 : vector<1x16xf32> to vector<16xf32>
          %max3A_679 = arith.maximumf %while3A_555, %get3A_678 : vector<16xf32>
          %get3A_680 = arith.index_cast %while3A_532 : i32 to index
          %get3A_681 = arith.constant 368 : index
          %get3A_682 = tpu.vector_load %arg8[%get3A_680, %get3A_681] {strides = array<i32>} : memref<96x512xf32, #tpu.memory_space<vmem>>, vector<1x16xf32>,
          %get3A_683 = vector.shape_cast %get3A_682 : vector<1x16xf32> to vector<16xf32>
          %max3A_684 = arith.maximumf %while3A_556, %get3A_683 : vector<16xf32>
          %get3A_685 = arith.index_cast %while3A_532 : i32 to index
          %get3A_686 = arith.constant 384 : index
          %get3A_687 = tpu.vector_load %arg8[%get3A_685, %get3A_686] {strides = array<i32>} : memref<96x512xf32, #tpu.memory_space<vmem>>, vector<1x16xf32>,
          %get3A_688 = vector.shape_cast %get3A_687 : vector<1x16xf32> to vector<16xf32>
          %max3A_689 = arith.maximumf %while3A_557, %get3A_688 : vector<16xf32>
          %get3A_690 = arith.index_cast %while3A_532 : i32 to index
          %get3A_691 = arith.constant 400 : index
          %get3A_692 = tpu.vector_load %arg8[%get3A_690, %get3A_691] {strides = array<i32>} : memref<96x512xf32, #tpu.memory_space<vmem>>, vector<1x16xf32>,
          %get3A_693 = vector.shape_cast %get3A_692 : vector<1x16xf32> to vector<16xf32>
          %max3A_694 = arith.maximumf %while3A_558, %get3A_693 : vector<16xf32>
          %get3A_695 = arith.index_cast %while3A_532 : i32 to index
          %get3A_696 = arith.constant 416 : index
          %get3A_697 = tpu.vector_load %arg8[%get3A_695, %get3A_696] {strides = array<i32>} : memref<96x512xf32, #tpu.memory_space<vmem>>, vector<1x16xf32>,
          %get3A_698 = vector.shape_cast %get3A_697 : vector<1x16xf32> to vector<16xf32>
          %max3A_699 = arith.maximumf %while3A_559, %get3A_698 : vector<16xf32>
          %get3A_700 = arith.index_cast %while3A_532 : i32 to index
          %get3A_701 = arith.constant 432 : index
          %get3A_702 = tpu.vector_load %arg8[%get3A_700, %get3A_701] {strides = array<i32>} : memref<96x512xf32, #tpu.memory_space<vmem>>, vector<1x16xf32>,
          %get3A_703 = vector.shape_cast %get3A_702 : vector<1x16xf32> to vector<16xf32>
          %max3A_704 = arith.maximumf %while3A_560, %get3A_703 : vector<16xf32>
          %get3A_705 = arith.index_cast %while3A_532 : i32 to index
          %get3A_706 = arith.constant 448 : index
          %get3A_707 = tpu.vector_load %arg8[%get3A_705, %get3A_706] {strides = array<i32>} : memref<96x512xf32, #tpu.memory_space<vmem>>, vector<1x16xf32>,
          %get3A_708 = vector.shape_cast %get3A_707 : vector<1x16xf32> to vector<16xf32>
          %max3A_709 = arith.maximumf %while3A_561, %get3A_708 : vector<16xf32>
          %get3A_710 = arith.index_cast %while3A_532 : i32 to index
          %get3A_711 = arith.constant 464 : index
          %get3A_712 = tpu.vector_load %arg8[%get3A_710, %get3A_711] {strides = array<i32>} : memref<96x512xf32, #tpu.memory_space<vmem>>, vector<1x16xf32>,
          %get3A_713 = vector.shape_cast %get3A_712 : vector<1x16xf32> to vector<16xf32>
          %max3A_714 = arith.maximumf %while3A_562, %get3A_713 : vector<16xf32>
          %get3A_715 = arith.index_cast %while3A_532 : i32 to index
          %get3A_716 = arith.constant 480 : index
          %get3A_717 = tpu.vector_load %arg8[%get3A_715, %get3A_716] {strides = array<i32>} : memref<96x512xf32, #tpu.memory_space<vmem>>, vector<1x16xf32>,
          %get3A_718 = vector.shape_cast %get3A_717 : vector<1x16xf32> to vector<16xf32>
          %max3A_719 = arith.maximumf %while3A_563, %get3A_718 : vector<16xf32>
          %get3A_720 = arith.index_cast %while3A_532 : i32 to index
          %get3A_721 = arith.constant 496 : index
          %get3A_722 = tpu.vector_load %arg8[%get3A_720, %get3A_721] {strides = array<i32>} : memref<96x512xf32, #tpu.memory_space<vmem>>, vector<1x16xf32>,
          %get3A_723 = vector.shape_cast %get3A_722 : vector<1x16xf32> to vector<16xf32>
          %max3A_724 = arith.maximumf %while3A_564, %get3A_723 : vector<16xf32>
          scf.yield %max3A_569, %max3A_574, %max3A_579, %max3A_584, %max3A_589, %max3A_594, %max3A_599, %max3A_604, %max3A_609, %max3A_614, %max3A_619, %max3A_624, %max3A_629, %max3A_634, %max3A_639, %max3A_644, %max3A_649, %max3A_654, %max3A_659, %max3A_664, %max3A_669, %max3A_674, %max3A_679, %max3A_684, %max3A_689, %max3A_694, %max3A_699, %max3A_704, %max3A_709, %max3A_714, %max3A_719, %max3A_724 : vector<16xf32>, vector<16xf32>, vector<16xf32>, vector<16xf32>, vector<16xf32>, vector<16xf32>, vector<16xf32>, vector<16xf32>, vector<16xf32>, vector<16xf32>, vector<16xf32>, vector<16xf32>, vector<16xf32>, vector<16xf32>, vector<16xf32>, vector<16xf32>, vector<16xf32>, vector<16xf32>, vector<16xf32>, vector<16xf32>, vector<16xf32>, vector<16xf32>, vector<16xf32>, vector<16xf32>, vector<16xf32>, vector<16xf32>, vector<16xf32>, vector<16xf32>, vector<16xf32>, vector<16xf32>, vector<16xf32>, vector<16xf32>
        }
        scf.yield %while3A_531#0, %while3A_531#1, %while3A_531#2, %while3A_531#3, %while3A_531#4, %while3A_531#5, %while3A_531#6, %while3A_531#7, %while3A_531#8, %while3A_531#9, %while3A_531#10, %while3A_531#11, %while3A_531#12, %while3A_531#13, %while3A_531#14, %while3A_531#15, %while3A_531#16, %while3A_531#17, %while3A_531#18, %while3A_531#19, %while3A_531#20, %while3A_531#21, %while3A_531#22, %while3A_531#23, %while3A_531#24, %while3A_531#25, %while3A_531#26, %while3A_531#27, %while3A_531#28, %while3A_531#29, %while3A_531#30, %while3A_531#31 : vector<16xf32>, vector<16xf32>, vector<16xf32>, vector<16xf32>, vector<16xf32>, vector<16xf32>, vector<16xf32>, vector<16xf32>, vector<16xf32>, vector<16xf32>, vector<16xf32>, vector<16xf32>, vector<16xf32>, vector<16xf32>, vector<16xf32>, vector<16xf32>, vector<16xf32>, vector<16xf32>, vector<16xf32>, vector<16xf32>, vector<16xf32>, vector<16xf32>, vector<16xf32>, vector<16xf32>, vector<16xf32>, vector<16xf32>, vector<16xf32>, vector<16xf32>, vector<16xf32>, vector<16xf32>, vector<16xf32>, vector<16xf32>
      }
      %swap3A_266 = arith.constant 0 : index
      %swap3A_267 = tpu.vector_load %arg10[%swap3A_266] {strides = array<i32>} : memref<512xf32, #tpu.memory_space<vmem>>, vector<16xf32>,
      %swap3A_268 = vector.shape_cast %swap3A_267 : vector<16xf32> to vector<16xf32>
      %swap3A_269 = vector.shape_cast %while3A_265#0 : vector<16xf32> to vector<16xf32>
      tpu.vector_store %arg10[%swap3A_266], %swap3A_269 {strides = array<i32>} : memref<512xf32, #tpu.memory_space<vmem>>, vector<16xf32>,
      %swap3A_270 = arith.constant 16 : index
      %swap3A_271 = tpu.vector_load %arg10[%swap3A_270] {strides = array<i32>} : memref<512xf32, #tpu.memory_space<vmem>>, vector<16xf32>,
      %swap3A_272 = vector.shape_cast %swap3A_271 : vector<16xf32> to vector<16xf32>
      %swap3A_273 = vector.shape_cast %while3A_265#1 : vector<16xf32> to vector<16xf32>
      tpu.vector_store %arg10[%swap3A_270], %swap3A_273 {strides = array<i32>} : memref<512xf32, #tpu.memory_space<vmem>>, vector<16xf32>,
      %swap3A_274 = arith.constant 32 : index
      %swap3A_275 = tpu.vector_load %arg10[%swap3A_274] {strides = array<i32>} : memref<512xf32, #tpu.memory_space<vmem>>, vector<16xf32>,
      %swap3A_276 = vector.shape_cast %swap3A_275 : vector<16xf32> to vector<16xf32>
      %swap3A_277 = vector.shape_cast %while3A_265#2 : vector<16xf32> to vector<16xf32>
      tpu.vector_store %arg10[%swap3A_274], %swap3A_277 {strides = array<i32>} : memref<512xf32, #tpu.memory_space<vmem>>, vector<16xf32>,
      %swap3A_278 = arith.constant 48 : index
      %swap3A_279 = tpu.vector_load %arg10[%swap3A_278] {strides = array<i32>} : memref<512xf32, #tpu.memory_space<vmem>>, vector<16xf32>,
      %swap3A_280 = vector.shape_cast %swap3A_279 : vector<16xf32> to vector<16xf32>
      %swap3A_281 = vector.shape_cast %while3A_265#3 : vector<16xf32> to vector<16xf32>
      tpu.vector_store %arg10[%swap3A_278], %swap3A_281 {strides = array<i32>} : memref<512xf32, #tpu.memory_space<vmem>>, vector<16xf32>,
      %swap3A_282 = arith.constant 64 : index
      %swap3A_283 = tpu.vector_load %arg10[%swap3A_282] {strides = array<i32>} : memref<512xf32, #tpu.memory_space<vmem>>, vector<16xf32>,
      %swap3A_284 = vector.shape_cast %swap3A_283 : vector<16xf32> to vector<16xf32>
      %swap3A_285 = vector.shape_cast %while3A_265#4 : vector<16xf32> to vector<16xf32>
      tpu.vector_store %arg10[%swap3A_282], %swap3A_285 {strides = array<i32>} : memref<512xf32, #tpu.memory_space<vmem>>, vector<16xf32>,
      %swap3A_286 = arith.constant 80 : index
      %swap3A_287 = tpu.vector_load %arg10[%swap3A_286] {strides = array<i32>} : memref<512xf32, #tpu.memory_space<vmem>>, vector<16xf32>,
      %swap3A_288 = vector.shape_cast %swap3A_287 : vector<16xf32> to vector<16xf32>
      %swap3A_289 = vector.shape_cast %while3A_265#5 : vector<16xf32> to vector<16xf32>
      tpu.vector_store %arg10[%swap3A_286], %swap3A_289 {strides = array<i32>} : memref<512xf32, #tpu.memory_space<vmem>>, vector<16xf32>,
      %swap3A_290 = arith.constant 96 : index
      %swap3A_291 = tpu.vector_load %arg10[%swap3A_290] {strides = array<i32>} : memref<512xf32, #tpu.memory_space<vmem>>, vector<16xf32>,
      %swap3A_292 = vector.shape_cast %swap3A_291 : vector<16xf32> to vector<16xf32>
      %swap3A_293 = vector.shape_cast %while3A_265#6 : vector<16xf32> to vector<16xf32>
      tpu.vector_store %arg10[%swap3A_290], %swap3A_293 {strides = array<i32>} : memref<512xf32, #tpu.memory_space<vmem>>, vector<16xf32>,
      %swap3A_294 = arith.constant 112 : index
      %swap3A_295 = tpu.vector_load %arg10[%swap3A_294] {strides = array<i32>} : memref<512xf32, #tpu.memory_space<vmem>>, vector<16xf32>,
      %swap3A_296 = vector.shape_cast %swap3A_295 : vector<16xf32> to vector<16xf32>
      %swap3A_297 = vector.shape_cast %while3A_265#7 : vector<16xf32> to vector<16xf32>
      tpu.vector_store %arg10[%swap3A_294], %swap3A_297 {strides = array<i32>} : memref<512xf32, #tpu.memory_space<vmem>>, vector<16xf32>,
      %swap3A_298 = arith.constant 128 : index
      %swap3A_299 = tpu.vector_load %arg10[%swap3A_298] {strides = array<i32>} : memref<512xf32, #tpu.memory_space<vmem>>, vector<16xf32>,
      %swap3A_300 = vector.shape_cast %swap3A_299 : vector<16xf32> to vector<16xf32>
      %swap3A_301 = vector.shape_cast %while3A_265#8 : vector<16xf32> to vector<16xf32>
      tpu.vector_store %arg10[%swap3A_298], %swap3A_301 {strides = array<i32>} : memref<512xf32, #tpu.memory_space<vmem>>, vector<16xf32>,
      %swap3A_302 = arith.constant 144 : index
      %swap3A_303 = tpu.vector_load %arg10[%swap3A_302] {strides = array<i32>} : memref<512xf32, #tpu.memory_space<vmem>>, vector<16xf32>,
      %swap3A_304 = vector.shape_cast %swap3A_303 : vector<16xf32> to vector<16xf32>
      %swap3A_305 = vector.shape_cast %while3A_265#9 : vector<16xf32> to vector<16xf32>
      tpu.vector_store %arg10[%swap3A_302], %swap3A_305 {strides = array<i32>} : memref<512xf32, #tpu.memory_space<vmem>>, vector<16xf32>,
      %swap3A_306 = arith.constant 160 : index
      %swap3A_307 = tpu.vector_load %arg10[%swap3A_306] {strides = array<i32>} : memref<512xf32, #tpu.memory_space<vmem>>, vector<16xf32>,
      %swap3A_308 = vector.shape_cast %swap3A_307 : vector<16xf32> to vector<16xf32>
      %swap3A_309 = vector.shape_cast %while3A_265#10 : vector<16xf32> to vector<16xf32>
      tpu.vector_store %arg10[%swap3A_306], %swap3A_309 {strides = array<i32>} : memref<512xf32, #tpu.memory_space<vmem>>, vector<16xf32>,
      %swap3A_310 = arith.constant 176 : index
      %swap3A_311 = tpu.vector_load %arg10[%swap3A_310] {strides = array<i32>} : memref<512xf32, #tpu.memory_space<vmem>>, vector<16xf32>,
      %swap3A_312 = vector.shape_cast %swap3A_311 : vector<16xf32> to vector<16xf32>
      %swap3A_313 = vector.shape_cast %while3A_265#11 : vector<16xf32> to vector<16xf32>
      tpu.vector_store %arg10[%swap3A_310], %swap3A_313 {strides = array<i32>} : memref<512xf32, #tpu.memory_space<vmem>>, vector<16xf32>,
      %swap3A_314 = arith.constant 192 : index
      %swap3A_315 = tpu.vector_load %arg10[%swap3A_314] {strides = array<i32>} : memref<512xf32, #tpu.memory_space<vmem>>, vector<16xf32>,
      %swap3A_316 = vector.shape_cast %swap3A_315 : vector<16xf32> to vector<16xf32>
      %swap3A_317 = vector.shape_cast %while3A_265#12 : vector<16xf32> to vector<16xf32>
      tpu.vector_store %arg10[%swap3A_314], %swap3A_317 {strides = array<i32>} : memref<512xf32, #tpu.memory_space<vmem>>, vector<16xf32>,
      %swap3A_318 = arith.constant 208 : index
      %swap3A_319 = tpu.vector_load %arg10[%swap3A_318] {strides = array<i32>} : memref<512xf32, #tpu.memory_space<vmem>>, vector<16xf32>,
      %swap3A_320 = vector.shape_cast %swap3A_319 : vector<16xf32> to vector<16xf32>
      %swap3A_321 = vector.shape_cast %while3A_265#13 : vector<16xf32> to vector<16xf32>
      tpu.vector_store %arg10[%swap3A_318], %swap3A_321 {strides = array<i32>} : memref<512xf32, #tpu.memory_space<vmem>>, vector<16xf32>,
      %swap3A_322 = arith.constant 224 : index
      %swap3A_323 = tpu.vector_load %arg10[%swap3A_322] {strides = array<i32>} : memref<512xf32, #tpu.memory_space<vmem>>, vector<16xf32>,
      %swap3A_324 = vector.shape_cast %swap3A_323 : vector<16xf32> to vector<16xf32>
      %swap3A_325 = vector.shape_cast %while3A_265#14 : vector<16xf32> to vector<16xf32>
      tpu.vector_store %arg10[%swap3A_322], %swap3A_325 {strides = array<i32>} : memref<512xf32, #tpu.memory_space<vmem>>, vector<16xf32>,
      %swap3A_326 = arith.constant 240 : index
      %swap3A_327 = tpu.vector_load %arg10[%swap3A_326] {strides = array<i32>} : memref<512xf32, #tpu.memory_space<vmem>>, vector<16xf32>,
      %swap3A_328 = vector.shape_cast %swap3A_327 : vector<16xf32> to vector<16xf32>
      %swap3A_329 = vector.shape_cast %while3A_265#15 : vector<16xf32> to vector<16xf32>
      tpu.vector_store %arg10[%swap3A_326], %swap3A_329 {strides = array<i32>} : memref<512xf32, #tpu.memory_space<vmem>>, vector<16xf32>,
      %swap3A_330 = arith.constant 256 : index
      %swap3A_331 = tpu.vector_load %arg10[%swap3A_330] {strides = array<i32>} : memref<512xf32, #tpu.memory_space<vmem>>, vector<16xf32>,
      %swap3A_332 = vector.shape_cast %swap3A_331 : vector<16xf32> to vector<16xf32>
      %swap3A_333 = vector.shape_cast %while3A_265#16 : vector<16xf32> to vector<16xf32>
      tpu.vector_store %arg10[%swap3A_330], %swap3A_333 {strides = array<i32>} : memref<512xf32, #tpu.memory_space<vmem>>, vector<16xf32>,
      %swap3A_334 = arith.constant 272 : index
      %swap3A_335 = tpu.vector_load %arg10[%swap3A_334] {strides = array<i32>} : memref<512xf32, #tpu.memory_space<vmem>>, vector<16xf32>,
      %swap3A_336 = vector.shape_cast %swap3A_335 : vector<16xf32> to vector<16xf32>
      %swap3A_337 = vector.shape_cast %while3A_265#17 : vector<16xf32> to vector<16xf32>
      tpu.vector_store %arg10[%swap3A_334], %swap3A_337 {strides = array<i32>} : memref<512xf32, #tpu.memory_space<vmem>>, vector<16xf32>,
      %swap3A_338 = arith.constant 288 : index
      %swap3A_339 = tpu.vector_load %arg10[%swap3A_338] {strides = array<i32>} : memref<512xf32, #tpu.memory_space<vmem>>, vector<16xf32>,
      %swap3A_340 = vector.shape_cast %swap3A_339 : vector<16xf32> to vector<16xf32>
      %swap3A_341 = vector.shape_cast %while3A_265#18 : vector<16xf32> to vector<16xf32>
      tpu.vector_store %arg10[%swap3A_338], %swap3A_341 {strides = array<i32>} : memref<512xf32, #tpu.memory_space<vmem>>, vector<16xf32>,
      %swap3A_342 = arith.constant 304 : index
      %swap3A_343 = tpu.vector_load %arg10[%swap3A_342] {strides = array<i32>} : memref<512xf32, #tpu.memory_space<vmem>>, vector<16xf32>,
      %swap3A_344 = vector.shape_cast %swap3A_343 : vector<16xf32> to vector<16xf32>
      %swap3A_345 = vector.shape_cast %while3A_265#19 : vector<16xf32> to vector<16xf32>
      tpu.vector_store %arg10[%swap3A_342], %swap3A_345 {strides = array<i32>} : memref<512xf32, #tpu.memory_space<vmem>>, vector<16xf32>,
      %swap3A_346 = arith.constant 320 : index
      %swap3A_347 = tpu.vector_load %arg10[%swap3A_346] {strides = array<i32>} : memref<512xf32, #tpu.memory_space<vmem>>, vector<16xf32>,
      %swap3A_348 = vector.shape_cast %swap3A_347 : vector<16xf32> to vector<16xf32>
      %swap3A_349 = vector.shape_cast %while3A_265#20 : vector<16xf32> to vector<16xf32>
      tpu.vector_store %arg10[%swap3A_346], %swap3A_349 {strides = array<i32>} : memref<512xf32, #tpu.memory_space<vmem>>, vector<16xf32>,
      %swap3A_350 = arith.constant 336 : index
      %swap3A_351 = tpu.vector_load %arg10[%swap3A_350] {strides = array<i32>} : memref<512xf32, #tpu.memory_space<vmem>>, vector<16xf32>,
      %swap3A_352 = vector.shape_cast %swap3A_351 : vector<16xf32> to vector<16xf32>
      %swap3A_353 = vector.shape_cast %while3A_265#21 : vector<16xf32> to vector<16xf32>
      tpu.vector_store %arg10[%swap3A_350], %swap3A_353 {strides = array<i32>} : memref<512xf32, #tpu.memory_space<vmem>>, vector<16xf32>,
      %swap3A_354 = arith.constant 352 : index
      %swap3A_355 = tpu.vector_load %arg10[%swap3A_354] {strides = array<i32>} : memref<512xf32, #tpu.memory_space<vmem>>, vector<16xf32>,
      %swap3A_356 = vector.shape_cast %swap3A_355 : vector<16xf32> to vector<16xf32>
      %swap3A_357 = vector.shape_cast %while3A_265#22 : vector<16xf32> to vector<16xf32>
      tpu.vector_store %arg10[%swap3A_354], %swap3A_357 {strides = array<i32>} : memref<512xf32, #tpu.memory_space<vmem>>, vector<16xf32>,
      %swap3A_358 = arith.constant 368 : index
      %swap3A_359 = tpu.vector_load %arg10[%swap3A_358] {strides = array<i32>} : memref<512xf32, #tpu.memory_space<vmem>>, vector<16xf32>,
      %swap3A_360 = vector.shape_cast %swap3A_359 : vector<16xf32> to vector<16xf32>
      %swap3A_361 = vector.shape_cast %while3A_265#23 : vector<16xf32> to vector<16xf32>
      tpu.vector_store %arg10[%swap3A_358], %swap3A_361 {strides = array<i32>} : memref<512xf32, #tpu.memory_space<vmem>>, vector<16xf32>,
      %swap3A_362 = arith.constant 384 : index
      %swap3A_363 = tpu.vector_load %arg10[%swap3A_362] {strides = array<i32>} : memref<512xf32, #tpu.memory_space<vmem>>, vector<16xf32>,
      %swap3A_364 = vector.shape_cast %swap3A_363 : vector<16xf32> to vector<16xf32>
      %swap3A_365 = vector.shape_cast %while3A_265#24 : vector<16xf32> to vector<16xf32>
      tpu.vector_store %arg10[%swap3A_362], %swap3A_365 {strides = array<i32>} : memref<512xf32, #tpu.memory_space<vmem>>, vector<16xf32>,
      %swap3A_366 = arith.constant 400 : index
      %swap3A_367 = tpu.vector_load %arg10[%swap3A_366] {strides = array<i32>} : memref<512xf32, #tpu.memory_space<vmem>>, vector<16xf32>,
      %swap3A_368 = vector.shape_cast %swap3A_367 : vector<16xf32> to vector<16xf32>
      %swap3A_369 = vector.shape_cast %while3A_265#25 : vector<16xf32> to vector<16xf32>
      tpu.vector_store %arg10[%swap3A_366], %swap3A_369 {strides = array<i32>} : memref<512xf32, #tpu.memory_space<vmem>>, vector<16xf32>,
      %swap3A_370 = arith.constant 416 : index
      %swap3A_371 = tpu.vector_load %arg10[%swap3A_370] {strides = array<i32>} : memref<512xf32, #tpu.memory_space<vmem>>, vector<16xf32>,
      %swap3A_372 = vector.shape_cast %swap3A_371 : vector<16xf32> to vector<16xf32>
      %swap3A_373 = vector.shape_cast %while3A_265#26 : vector<16xf32> to vector<16xf32>
      tpu.vector_store %arg10[%swap3A_370], %swap3A_373 {strides = array<i32>} : memref<512xf32, #tpu.memory_space<vmem>>, vector<16xf32>,
      %swap3A_374 = arith.constant 432 : index
      %swap3A_375 = tpu.vector_load %arg10[%swap3A_374] {strides = array<i32>} : memref<512xf32, #tpu.memory_space<vmem>>, vector<16xf32>,
      %swap3A_376 = vector.shape_cast %swap3A_375 : vector<16xf32> to vector<16xf32>
      %swap3A_377 = vector.shape_cast %while3A_265#27 : vector<16xf32> to vector<16xf32>
      tpu.vector_store %arg10[%swap3A_374], %swap3A_377 {strides = array<i32>} : memref<512xf32, #tpu.memory_space<vmem>>, vector<16xf32>,
      %swap3A_378 = arith.constant 448 : index
      %swap3A_379 = tpu.vector_load %arg10[%swap3A_378] {strides = array<i32>} : memref<512xf32, #tpu.memory_space<vmem>>, vector<16xf32>,
      %swap3A_380 = vector.shape_cast %swap3A_379 : vector<16xf32> to vector<16xf32>
      %swap3A_381 = vector.shape_cast %while3A_265#28 : vector<16xf32> to vector<16xf32>
      tpu.vector_store %arg10[%swap3A_378], %swap3A_381 {strides = array<i32>} : memref<512xf32, #tpu.memory_space<vmem>>, vector<16xf32>,
      %swap3A_382 = arith.constant 464 : index
      %swap3A_383 = tpu.vector_load %arg10[%swap3A_382] {strides = array<i32>} : memref<512xf32, #tpu.memory_space<vmem>>, vector<16xf32>,
      %swap3A_384 = vector.shape_cast %swap3A_383 : vector<16xf32> to vector<16xf32>
      %swap3A_385 = vector.shape_cast %while3A_265#29 : vector<16xf32> to vector<16xf32>
      tpu.vector_store %arg10[%swap3A_382], %swap3A_385 {strides = array<i32>} : memref<512xf32, #tpu.memory_space<vmem>>, vector<16xf32>,
      %swap3A_386 = arith.constant 480 : index
      %swap3A_387 = tpu.vector_load %arg10[%swap3A_386] {strides = array<i32>} : memref<512xf32, #tpu.memory_space<vmem>>, vector<16xf32>,
      %swap3A_388 = vector.shape_cast %swap3A_387 : vector<16xf32> to vector<16xf32>
      %swap3A_389 = vector.shape_cast %while3A_265#30 : vector<16xf32> to vector<16xf32>
      tpu.vector_store %arg10[%swap3A_386], %swap3A_389 {strides = array<i32>} : memref<512xf32, #tpu.memory_space<vmem>>, vector<16xf32>,
      %swap3A_390 = arith.constant 496 : index
      %swap3A_391 = tpu.vector_load %arg10[%swap3A_390] {strides = array<i32>} : memref<512xf32, #tpu.memory_space<vmem>>, vector<16xf32>,
      %swap3A_392 = vector.shape_cast %swap3A_391 : vector<16xf32> to vector<16xf32>
      %swap3A_393 = vector.shape_cast %while3A_265#31 : vector<16xf32> to vector<16xf32>
      tpu.vector_store %arg10[%swap3A_390], %swap3A_393 {strides = array<i32>} : memref<512xf32, #tpu.memory_space<vmem>>, vector<16xf32>,
      %mul3A_394 = arith.constant 512 : i32
      %mul3A_395 = arith.muli %while3A_155, %mul3A_394 : i32
      "tpu.region"() ({
        %run_scoped3A = tpu.sem_alloc : memref<!tpu.dma_semaphore, #tpu.memory_space<semaphore_mem>>
        %dma_start3A_402 = tpu.memref_slice %arg4[%mul3A_395] : memref<65536xf32, #tpu.memory_space<hbm>> -> memref<512xf32, #tpu.memory_space<hbm>>
        %dma_start3A_403 = tpu.memref_slice %arg4[%mul3A_395] : memref<65536xf32, #tpu.memory_space<hbm>> -> memref<512xf32, #tpu.memory_space<hbm>>
        tpu.enqueue_dma source(%arg10 : memref<512xf32, #tpu.memory_space<vmem>>) target(%dma_start3A_403 : memref<512xf32, #tpu.memory_space<hbm>>) target_semaphore(%run_scoped3A : memref<!tpu.dma_semaphore, #tpu.memory_space<semaphore_mem>>)
        %dma_wait3A = tpu.memref_slice %arg4[%mul3A_395] : memref<65536xf32, #tpu.memory_space<hbm>> -> memref<512xf32, #tpu.memory_space<hbm>>
        %dma_wait3A_404 = tpu.memref_slice %arg4[%mul3A_395] : memref<65536xf32, #tpu.memory_space<hbm>> -> memref<512xf32, #tpu.memory_space<hbm>>
        tpu.wait_dma2 semaphore(%run_scoped3A : memref<!tpu.dma_semaphore, #tpu.memory_space<semaphore_mem>>) src(%arg10 : memref<512xf32, #tpu.memory_space<vmem>>) dst(%dma_wait3A_404 : memref<512xf32, #tpu.memory_space<hbm>>)
        tpu.yield
      }) : () -> ()
      %eq3A_396 = arith.cmpi eq, %while3A_155, %select_n3A_63 : i32
      %convert_element_type3A = arith.extui %eq3A_396 : i1 to i32
      %cond3A = arith.constant 0 : i32
      %cond3A_397 = arith.cmpi ne, %convert_element_type3A, %cond3A : i32
      scf.if %cond3A_397 {
        %mul3A_402 = arith.constant 2 : i32
        %mul3A_403 = arith.muli %mul3A_402, %add3A : i32
        %mul3A_404 = arith.constant 512 : i32
        %mul3A_405 = arith.muli %mul3A_403, %mul3A_404 : i32
        "tpu.region"() ({
          %run_scoped3A = tpu.sem_alloc : memref<!tpu.dma_semaphore, #tpu.memory_space<semaphore_mem>>
          %dma_start3A_406 = tpu.memref_slice %arg5[%mul3A_405] : memref<32768xf32, #tpu.memory_space<hbm>> -> memref<512xf32, #tpu.memory_space<hbm>>
          %dma_start3A_407 = tpu.memref_slice %arg5[%mul3A_405] : memref<32768xf32, #tpu.memory_space<hbm>> -> memref<512xf32, #tpu.memory_space<hbm>>
          tpu.enqueue_dma source(%arg10 : memref<512xf32, #tpu.memory_space<vmem>>) target(%dma_start3A_407 : memref<512xf32, #tpu.memory_space<hbm>>) target_semaphore(%run_scoped3A : memref<!tpu.dma_semaphore, #tpu.memory_space<semaphore_mem>>)
          %dma_wait3A = tpu.memref_slice %arg5[%mul3A_405] : memref<32768xf32, #tpu.memory_space<hbm>> -> memref<512xf32, #tpu.memory_space<hbm>>
          %dma_wait3A_408 = tpu.memref_slice %arg5[%mul3A_405] : memref<32768xf32, #tpu.memory_space<hbm>> -> memref<512xf32, #tpu.memory_space<hbm>>
          tpu.wait_dma2 semaphore(%run_scoped3A : memref<!tpu.dma_semaphore, #tpu.memory_space<semaphore_mem>>) src(%arg10 : memref<512xf32, #tpu.memory_space<vmem>>) dst(%dma_wait3A_408 : memref<512xf32, #tpu.memory_space<hbm>>)
          tpu.yield
        }) : () -> ()
      } else {
      }
      %eq3A_398 = arith.cmpi eq, %while3A_155, %select_n3A_129 : i32
      %convert_element_type3A_399 = arith.extui %eq3A_398 : i1 to i32
      %cond3A_400 = arith.constant 0 : i32
      %cond3A_401 = arith.cmpi ne, %convert_element_type3A_399, %cond3A_400 : i32
      scf.if %cond3A_401 {
        %mul3A_402 = arith.constant 2 : i32
        %mul3A_403 = arith.muli %mul3A_402, %add3A : i32
        %add3A_404 = arith.constant 1 : i32
        %add3A_405 = arith.addi %mul3A_403, %add3A_404 : i32
        %mul3A_406 = arith.constant 512 : i32
        %mul3A_407 = arith.muli %add3A_405, %mul3A_406 : i32
        "tpu.region"() ({
          %run_scoped3A = tpu.sem_alloc : memref<!tpu.dma_semaphore, #tpu.memory_space<semaphore_mem>>
          %dma_start3A_408 = tpu.memref_slice %arg5[%mul3A_407] : memref<32768xf32, #tpu.memory_space<hbm>> -> memref<512xf32, #tpu.memory_space<hbm>>
          %dma_start3A_409 = tpu.memref_slice %arg5[%mul3A_407] : memref<32768xf32, #tpu.memory_space<hbm>> -> memref<512xf32, #tpu.memory_space<hbm>>
          tpu.enqueue_dma source(%arg10 : memref<512xf32, #tpu.memory_space<vmem>>) target(%dma_start3A_409 : memref<512xf32, #tpu.memory_space<hbm>>) target_semaphore(%run_scoped3A : memref<!tpu.dma_semaphore, #tpu.memory_space<semaphore_mem>>)
          %dma_wait3A = tpu.memref_slice %arg5[%mul3A_407] : memref<32768xf32, #tpu.memory_space<hbm>> -> memref<512xf32, #tpu.memory_space<hbm>>
          %dma_wait3A_410 = tpu.memref_slice %arg5[%mul3A_407] : memref<32768xf32, #tpu.memory_space<hbm>> -> memref<512xf32, #tpu.memory_space<hbm>>
          tpu.wait_dma2 semaphore(%run_scoped3A : memref<!tpu.dma_semaphore, #tpu.memory_space<semaphore_mem>>) src(%arg10 : memref<512xf32, #tpu.memory_space<vmem>>) dst(%dma_wait3A_410 : memref<512xf32, #tpu.memory_space<hbm>>)
          tpu.yield
        }) : () -> ()
      } else {
      }
    }
    %while3A_139 = arith.constant 1 : i32
    scf.for %while3A_155 = %while3A_137 to %while3A_133 step %while3A_139  : i32 {
      %get3A_156 = arith.index_cast %while3A_155 : i32 to index
      %get3A_157 = tpu.vector_load %arg9[%get3A_156] {strides = array<i32>} : memref<160xi32, #tpu.memory_space<vmem>>, vector<16xi32>,
      %get3A_158 = vector.shape_cast %get3A_157 : vector<16xi32> to vector<16xi32>
      %slice3A_159 = vector.extract_strided_slice %get3A_158 {offsets = [0], sizes = [1], strides = [1]} : vector<16xi32> to vector<1xi32>
      %squeeze3A_160 = vector.extract %slice3A_159[0] : i32 from vector<1xi32>
      %max3A = arith.maxsi %squeeze3A_160, %mul3A_2 : i32
      %add3A_161 = arith.constant 1 : i32
      %add3A_162 = arith.addi %while3A_155, %add3A_161 : i32
      %get3A_163 = arith.index_cast %add3A_162 : i32 to index
      %get3A_164 = tpu.vector_load %arg9[%get3A_163] {strides = array<i32>} : memref<160xi32, #tpu.memory_space<vmem>>, vector<16xi32>,
      %get3A_165 = vector.shape_cast %get3A_164 : vector<16xi32> to vector<16xi32>
      %slice3A_166 = vector.extract_strided_slice %get3A_165 {offsets = [0], sizes = [1], strides = [1]} : vector<16xi32> to vector<1xi32>
      %squeeze3A_167 = vector.extract %slice3A_166[0] : i32 from vector<1xi32>
      %min3A = arith.minsi %squeeze3A_167, %add3A_4 : i32
      %jit3A_168 = arith.constant 8 : i32
      %div3A = arith.divsi %max3A, %jit3A_168 : i32
      %sign3A = arith.constant 0 : i32
      %sign3A_169 = arith.cmpi sgt, %max3A, %sign3A : i32
      %sign3A_170 = arith.extui %sign3A_169 : i1 to i32
      %sign3A_171 = arith.constant 0 : i32
      %sign3A_172 = arith.cmpi slt, %max3A, %sign3A_171 : i32
      %sign3A_173 = arith.extui %sign3A_172 : i1 to i32
      %sign3A_174 = arith.subi %sign3A_170, %sign3A_173 : i32
      %sign3A_175 = arith.constant 0 : i32
      %sign3A_176 = arith.cmpi sgt, %jit3A_168, %sign3A_175 : i32
      %sign3A_177 = arith.extui %sign3A_176 : i1 to i32
      %sign3A_178 = arith.constant 0 : i32
      %sign3A_179 = arith.cmpi slt, %jit3A_168, %sign3A_178 : i32
      %sign3A_180 = arith.extui %sign3A_179 : i1 to i32
      %sign3A_181 = arith.subi %sign3A_177, %sign3A_180 : i32
      %ne3A = arith.cmpi ne, %sign3A_174, %sign3A_181 : i32
      %rem3A = arith.remsi %max3A, %jit3A_168 : i32
      %ne3A_182 = arith.constant 0 : i32
      %ne3A_183 = arith.cmpi ne, %rem3A, %ne3A_182 : i32
      %and3A = arith.andi %ne3A, %ne3A_183 : i1
      %sub3A_184 = arith.constant 1 : i32
      %sub3A_185 = arith.subi %div3A, %sub3A_184 : i32
      %select_n3A_186 = arith.select %and3A, %sub3A_185, %div3A : i32
      %mul3A_187 = arith.constant 8 : i32
      %mul3A_188 = arith.muli %select_n3A_186, %mul3A_187 : i32
      %sub3A_189 = arith.subi %min3A, %mul3A_188 : i32
      %add3A_190 = arith.constant 96 : i32
      %add3A_191 = arith.addi %sub3A_189, %add3A_190 : i32
      %sub3A_192 = arith.constant 1 : i32
      %sub3A_193 = arith.subi %add3A_191, %sub3A_192 : i32
      %jit3A_194 = arith.constant 96 : i32
      %div3A_195 = arith.divsi %sub3A_193, %jit3A_194 : i32
      %sign3A_196 = arith.constant 0 : i32
      %sign3A_197 = arith.cmpi sgt, %sub3A_193, %sign3A_196 : i32
      %sign3A_198 = arith.extui %sign3A_197 : i1 to i32
      %sign3A_199 = arith.constant 0 : i32
      %sign3A_200 = arith.cmpi slt, %sub3A_193, %sign3A_199 : i32
      %sign3A_201 = arith.extui %sign3A_200 : i1 to i32
      %sign3A_202 = arith.subi %sign3A_198, %sign3A_201 : i32
      %sign3A_203 = arith.constant 0 : i32
      %sign3A_204 = arith.cmpi sgt, %jit3A_194, %sign3A_203 : i32
      %sign3A_205 = arith.extui %sign3A_204 : i1 to i32
      %sign3A_206 = arith.constant 0 : i32
      %sign3A_207 = arith.cmpi slt, %jit3A_194, %sign3A_206 : i32
      %sign3A_208 = arith.extui %sign3A_207 : i1 to i32
      %sign3A_209 = arith.subi %sign3A_205, %sign3A_208 : i32
      %ne3A_210 = arith.cmpi ne, %sign3A_202, %sign3A_209 : i32
      %rem3A_211 = arith.remsi %sub3A_193, %jit3A_194 : i32
      %ne3A_212 = arith.constant 0 : i32
      %ne3A_213 = arith.cmpi ne, %rem3A_211, %ne3A_212 : i32
      %and3A_214 = arith.andi %ne3A_210, %ne3A_213 : i1
      %sub3A_215 = arith.constant 1 : i32
      %sub3A_216 = arith.subi %div3A_195, %sub3A_215 : i32
      %select_n3A_217 = arith.select %and3A_214, %sub3A_216, %div3A_195 : i32
      %max3A_218 = arith.constant 1 : i32
      %max3A_219 = arith.maxsi %select_n3A_217, %max3A_218 : i32
      %add3A_220 = arith.constant 1 : i32
      %add3A_221 = arith.addi %max3A_219, %add3A_220 : i32
      %jit3A_222 = arith.constant 2 : i32
      %div3A_223 = arith.divsi %add3A_221, %jit3A_222 : i32
      %sign3A_224 = arith.constant 0 : i32
      %sign3A_225 = arith.cmpi sgt, %add3A_221, %sign3A_224 : i32
      %sign3A_226 = arith.extui %sign3A_225 : i1 to i32
      %sign3A_227 = arith.constant 0 : i32
      %sign3A_228 = arith.cmpi slt, %add3A_221, %sign3A_227 : i32
      %sign3A_229 = arith.extui %sign3A_228 : i1 to i32
      %sign3A_230 = arith.subi %sign3A_226, %sign3A_229 : i32
      %sign3A_231 = arith.constant 0 : i32
      %sign3A_232 = arith.cmpi sgt, %jit3A_222, %sign3A_231 : i32
      %sign3A_233 = arith.extui %sign3A_232 : i1 to i32
      %sign3A_234 = arith.constant 0 : i32
      %sign3A_235 = arith.cmpi slt, %jit3A_222, %sign3A_234 : i32
      %sign3A_236 = arith.extui %sign3A_235 : i1 to i32
      %sign3A_237 = arith.subi %sign3A_233, %sign3A_236 : i32
      %ne3A_238 = arith.cmpi ne, %sign3A_230, %sign3A_237 : i32
      %rem3A_239 = arith.remsi %add3A_221, %jit3A_222 : i32
      %ne3A_240 = arith.constant 0 : i32
      %ne3A_241 = arith.cmpi ne, %rem3A_239, %ne3A_240 : i32
      %and3A_242 = arith.andi %ne3A_238, %ne3A_241 : i1
      %sub3A_243 = arith.constant 1 : i32
      %sub3A_244 = arith.subi %div3A_223, %sub3A_243 : i32
      %select_n3A_245 = arith.select %and3A_242, %sub3A_244, %div3A_223 : i32
      %broadcast_in_dim3A_246 = arith.constant 0xFF800000 : f32
      %broadcast_in_dim3A_247 = vector.broadcast %broadcast_in_dim3A_246 : f32 to vector<16xf32>
      %add3A_248 = arith.constant 0 : i32
      %add3A_249 = arith.addi %mul3A_188, %add3A_248 : i32
      %min3A_250 = arith.constant 99904 : i32
      %min3A_251 = arith.minsi %add3A_249, %min3A_250 : i32
      %dma_start3A = arith.constant 0 : i32
      %dma_start3A_252 = tpu.memref_slice %arg2[%min3A_251, %dma_start3A] : memref<100000x512xf32, #tpu.memory_space<hbm>> -> memref<96x512xf32, #tpu.memory_space<hbm>>
      %dma_start3A_253 = arith.constant 0 : i32
      %dma_start3A_254 = tpu.memref_slice %arg2[%min3A_251, %dma_start3A_253] : memref<100000x512xf32, #tpu.memory_space<hbm>> -> memref<96x512xf32, #tpu.memory_space<hbm>>
      tpu.enqueue_dma source(%dma_start3A_254 : memref<96x512xf32, #tpu.memory_space<hbm>>) target(%arg7 : memref<96x512xf32, #tpu.memory_space<vmem>>) target_semaphore(%arg12 : memref<!tpu.dma_semaphore, #tpu.memory_space<semaphore_mem>>)
      %while3A_255 = arith.constant 0 : i32
      %while3A_256 = arith.subi %select_n3A_245, %while3A_255 : i32
      %while3A_257 = arith.addi %while3A_255, %while3A_256 : i32
      %while3A_258 = arith.constant 1 : i32
      %while3A_259 = arith.divsi %while3A_256, %while3A_258 : i32
      %while3A_260 = arith.muli %while3A_259, %while3A_258 : i32
      %while3A_261 = arith.addi %while3A_255, %while3A_260 : i32
      %while3A_262 = arith.constant 1 : i32
      %while3A_263:32 = scf.for %while3A_402 = %while3A_255 to %while3A_261 step %while3A_262 iter_args(%while3A_403 = %broadcast_in_dim3A_247, %while3A_404 = %broadcast_in_dim3A_247, %while3A_405 = %broadcast_in_dim3A_247, %while3A_406 = %broadcast_in_dim3A_247, %while3A_407 = %broadcast_in_dim3A_247, %while3A_408 = %broadcast_in_dim3A_247, %while3A_409 = %broadcast_in_dim3A_247, %while3A_410 = %broadcast_in_dim3A_247, %while3A_411 = %broadcast_in_dim3A_247, %while3A_412 = %broadcast_in_dim3A_247, %while3A_413 = %broadcast_in_dim3A_247, %while3A_414 = %broadcast_in_dim3A_247, %while3A_415 = %broadcast_in_dim3A_247, %while3A_416 = %broadcast_in_dim3A_247, %while3A_417 = %broadcast_in_dim3A_247, %while3A_418 = %broadcast_in_dim3A_247, %while3A_419 = %broadcast_in_dim3A_247, %while3A_420 = %broadcast_in_dim3A_247, %while3A_421 = %broadcast_in_dim3A_247, %while3A_422 = %broadcast_in_dim3A_247, %while3A_423 = %broadcast_in_dim3A_247, %while3A_424 = %broadcast_in_dim3A_247, %while3A_425 = %broadcast_in_dim3A_247, %while3A_426 = %broadcast_in_dim3A_247, %while3A_427 = %broadcast_in_dim3A_247, %while3A_428 = %broadcast_in_dim3A_247, %while3A_429 = %broadcast_in_dim3A_247, %while3A_430 = %broadcast_in_dim3A_247, %while3A_431 = %broadcast_in_dim3A_247, %while3A_432 = %broadcast_in_dim3A_247, %while3A_433 = %broadcast_in_dim3A_247, %while3A_434 = %broadcast_in_dim3A_247) -> (vector<16xf32>, vector<16xf32>, vector<16xf32>, vector<16xf32>, vector<16xf32>, vector<16xf32>, vector<16xf32>, vector<16xf32>, vector<16xf32>, vector<16xf32>, vector<16xf32>, vector<16xf32>, vector<16xf32>, vector<16xf32>, vector<16xf32>, vector<16xf32>, vector<16xf32>, vector<16xf32>, vector<16xf32>, vector<16xf32>, vector<16xf32>, vector<16xf32>, vector<16xf32>, vector<16xf32>, vector<16xf32>, vector<16xf32>, vector<16xf32>, vector<16xf32>, vector<16xf32>, vector<16xf32>, vector<16xf32>, vector<16xf32>)  : i32 {
        %mul3A_435 = arith.constant 2 : i32
        %mul3A_436 = arith.muli %mul3A_435, %while3A_402 : i32
        %mul3A_437 = arith.constant 96 : i32
        %mul3A_438 = arith.muli %mul3A_436, %mul3A_437 : i32
        %add3A_439 = arith.addi %mul3A_188, %mul3A_438 : i32
        %min3A_440 = arith.constant 99904 : i32
        %min3A_441 = arith.minsi %add3A_439, %min3A_440 : i32
        %dma_wait3A = arith.constant 0 : i32
        %dma_wait3A_442 = tpu.memref_slice %arg2[%min3A_441, %dma_wait3A] : memref<100000x512xf32, #tpu.memory_space<hbm>> -> memref<96x512xf32, #tpu.memory_space<hbm>>
        %dma_wait3A_443 = arith.constant 0 : i32
        %dma_wait3A_444 = tpu.memref_slice %arg2[%min3A_441, %dma_wait3A_443] : memref<100000x512xf32, #tpu.memory_space<hbm>> -> memref<96x512xf32, #tpu.memory_space<hbm>>
        tpu.wait_dma2 semaphore(%arg12 : memref<!tpu.dma_semaphore, #tpu.memory_space<semaphore_mem>>) src(%dma_wait3A_444 : memref<96x512xf32, #tpu.memory_space<hbm>>) dst(%arg7 : memref<96x512xf32, #tpu.memory_space<vmem>>)
        %add3A_445 = arith.constant 1 : i32
        %add3A_446 = arith.addi %mul3A_436, %add3A_445 : i32
        %mul3A_447 = arith.constant 96 : i32
        %mul3A_448 = arith.muli %add3A_446, %mul3A_447 : i32
        %add3A_449 = arith.addi %mul3A_188, %mul3A_448 : i32
        %min3A_450 = arith.constant 99904 : i32
        %min3A_451 = arith.minsi %add3A_449, %min3A_450 : i32
        %dma_start3A_452 = arith.constant 0 : i32
        %dma_start3A_453 = tpu.memref_slice %arg2[%min3A_451, %dma_start3A_452] : memref<100000x512xf32, #tpu.memory_space<hbm>> -> memref<96x512xf32, #tpu.memory_space<hbm>>
        %dma_start3A_454 = arith.constant 0 : i32
        %dma_start3A_455 = tpu.memref_slice %arg2[%min3A_451, %dma_start3A_454] : memref<100000x512xf32, #tpu.memory_space<hbm>> -> memref<96x512xf32, #tpu.memory_space<hbm>>
        tpu.enqueue_dma source(%dma_start3A_455 : memref<96x512xf32, #tpu.memory_space<hbm>>) target(%arg8 : memref<96x512xf32, #tpu.memory_space<vmem>>) target_semaphore(%arg13 : memref<!tpu.dma_semaphore, #tpu.memory_space<semaphore_mem>>)
        %mul3A_456 = arith.constant 96 : i32
        %mul3A_457 = arith.muli %mul3A_436, %mul3A_456 : i32
        %add3A_458 = arith.addi %mul3A_188, %mul3A_457 : i32
        %mul3A_459 = arith.constant 96 : i32
        %mul3A_460 = arith.muli %mul3A_436, %mul3A_459 : i32
        %add3A_461 = arith.addi %mul3A_188, %mul3A_460 : i32
        %min3A_462 = arith.constant 99904 : i32
        %min3A_463 = arith.minsi %add3A_461, %min3A_462 : i32
        %sub3A_464 = arith.subi %add3A_458, %min3A_463 : i32
        %sub3A_465 = arith.subi %max3A, %add3A_458 : i32
        %max3A_466 = arith.constant 0 : i32
        %max3A_467 = arith.maxsi %sub3A_465, %max3A_466 : i32
        %add3A_468 = arith.addi %sub3A_464, %max3A_467 : i32
        %sub3A_469 = arith.subi %min3A, %add3A_458 : i32
        %min3A_470 = arith.constant 96 : i32
        %min3A_471 = arith.minsi %sub3A_469, %min3A_470 : i32
        %max3A_472 = arith.constant 0 : i32
        %max3A_473 = arith.maxsi %min3A_471, %max3A_472 : i32
        %add3A_474 = arith.addi %sub3A_464, %max3A_473 : i32
        %while3A_475 = arith.subi %add3A_474, %add3A_468 : i32
        %while3A_476 = arith.addi %add3A_468, %while3A_475 : i32
        %while3A_477 = arith.constant 1 : i32
        %while3A_478 = arith.divsi %while3A_475, %while3A_477 : i32
        %while3A_479 = arith.muli %while3A_478, %while3A_477 : i32
        %while3A_480 = arith.addi %add3A_468, %while3A_479 : i32
        %while3A_481 = arith.constant 1 : i32
        %while3A_482:32 = scf.for %while3A_532 = %add3A_468 to %while3A_480 step %while3A_481 iter_args(%while3A_533 = %while3A_403, %while3A_534 = %while3A_404, %while3A_535 = %while3A_405, %while3A_536 = %while3A_406, %while3A_537 = %while3A_407, %while3A_538 = %while3A_408, %while3A_539 = %while3A_409, %while3A_540 = %while3A_410, %while3A_541 = %while3A_411, %while3A_542 = %while3A_412, %while3A_543 = %while3A_413, %while3A_544 = %while3A_414, %while3A_545 = %while3A_415, %while3A_546 = %while3A_416, %while3A_547 = %while3A_417, %while3A_548 = %while3A_418, %while3A_549 = %while3A_419, %while3A_550 = %while3A_420, %while3A_551 = %while3A_421, %while3A_552 = %while3A_422, %while3A_553 = %while3A_423, %while3A_554 = %while3A_424, %while3A_555 = %while3A_425, %while3A_556 = %while3A_426, %while3A_557 = %while3A_427, %while3A_558 = %while3A_428, %while3A_559 = %while3A_429, %while3A_560 = %while3A_430, %while3A_561 = %while3A_431, %while3A_562 = %while3A_432, %while3A_563 = %while3A_433, %while3A_564 = %while3A_434) -> (vector<16xf32>, vector<16xf32>, vector<16xf32>, vector<16xf32>, vector<16xf32>, vector<16xf32>, vector<16xf32>, vector<16xf32>, vector<16xf32>, vector<16xf32>, vector<16xf32>, vector<16xf32>, vector<16xf32>, vector<16xf32>, vector<16xf32>, vector<16xf32>, vector<16xf32>, vector<16xf32>, vector<16xf32>, vector<16xf32>, vector<16xf32>, vector<16xf32>, vector<16xf32>, vector<16xf32>, vector<16xf32>, vector<16xf32>, vector<16xf32>, vector<16xf32>, vector<16xf32>, vector<16xf32>, vector<16xf32>, vector<16xf32>)  : i32 {
          %get3A_565 = arith.index_cast %while3A_532 : i32 to index
          %get3A_566 = arith.constant 0 : index
          %get3A_567 = tpu.vector_load %arg7[%get3A_565, %get3A_566] {strides = array<i32>} : memref<96x512xf32, #tpu.memory_space<vmem>>, vector<1x16xf32>,
          %get3A_568 = vector.shape_cast %get3A_567 : vector<1x16xf32> to vector<16xf32>
          %max3A_569 = arith.maximumf %while3A_533, %get3A_568 : vector<16xf32>
          %get3A_570 = arith.index_cast %while3A_532 : i32 to index
          %get3A_571 = arith.constant 16 : index
          %get3A_572 = tpu.vector_load %arg7[%get3A_570, %get3A_571] {strides = array<i32>} : memref<96x512xf32, #tpu.memory_space<vmem>>, vector<1x16xf32>,
          %get3A_573 = vector.shape_cast %get3A_572 : vector<1x16xf32> to vector<16xf32>
          %max3A_574 = arith.maximumf %while3A_534, %get3A_573 : vector<16xf32>
          %get3A_575 = arith.index_cast %while3A_532 : i32 to index
          %get3A_576 = arith.constant 32 : index
          %get3A_577 = tpu.vector_load %arg7[%get3A_575, %get3A_576] {strides = array<i32>} : memref<96x512xf32, #tpu.memory_space<vmem>>, vector<1x16xf32>,
          %get3A_578 = vector.shape_cast %get3A_577 : vector<1x16xf32> to vector<16xf32>
          %max3A_579 = arith.maximumf %while3A_535, %get3A_578 : vector<16xf32>
          %get3A_580 = arith.index_cast %while3A_532 : i32 to index
          %get3A_581 = arith.constant 48 : index
          %get3A_582 = tpu.vector_load %arg7[%get3A_580, %get3A_581] {strides = array<i32>} : memref<96x512xf32, #tpu.memory_space<vmem>>, vector<1x16xf32>,
          %get3A_583 = vector.shape_cast %get3A_582 : vector<1x16xf32> to vector<16xf32>
          %max3A_584 = arith.maximumf %while3A_536, %get3A_583 : vector<16xf32>
          %get3A_585 = arith.index_cast %while3A_532 : i32 to index
          %get3A_586 = arith.constant 64 : index
          %get3A_587 = tpu.vector_load %arg7[%get3A_585, %get3A_586] {strides = array<i32>} : memref<96x512xf32, #tpu.memory_space<vmem>>, vector<1x16xf32>,
          %get3A_588 = vector.shape_cast %get3A_587 : vector<1x16xf32> to vector<16xf32>
          %max3A_589 = arith.maximumf %while3A_537, %get3A_588 : vector<16xf32>
          %get3A_590 = arith.index_cast %while3A_532 : i32 to index
          %get3A_591 = arith.constant 80 : index
          %get3A_592 = tpu.vector_load %arg7[%get3A_590, %get3A_591] {strides = array<i32>} : memref<96x512xf32, #tpu.memory_space<vmem>>, vector<1x16xf32>,
          %get3A_593 = vector.shape_cast %get3A_592 : vector<1x16xf32> to vector<16xf32>
          %max3A_594 = arith.maximumf %while3A_538, %get3A_593 : vector<16xf32>
          %get3A_595 = arith.index_cast %while3A_532 : i32 to index
          %get3A_596 = arith.constant 96 : index
          %get3A_597 = tpu.vector_load %arg7[%get3A_595, %get3A_596] {strides = array<i32>} : memref<96x512xf32, #tpu.memory_space<vmem>>, vector<1x16xf32>,
          %get3A_598 = vector.shape_cast %get3A_597 : vector<1x16xf32> to vector<16xf32>
          %max3A_599 = arith.maximumf %while3A_539, %get3A_598 : vector<16xf32>
          %get3A_600 = arith.index_cast %while3A_532 : i32 to index
          %get3A_601 = arith.constant 112 : index
          %get3A_602 = tpu.vector_load %arg7[%get3A_600, %get3A_601] {strides = array<i32>} : memref<96x512xf32, #tpu.memory_space<vmem>>, vector<1x16xf32>,
          %get3A_603 = vector.shape_cast %get3A_602 : vector<1x16xf32> to vector<16xf32>
          %max3A_604 = arith.maximumf %while3A_540, %get3A_603 : vector<16xf32>
          %get3A_605 = arith.index_cast %while3A_532 : i32 to index
          %get3A_606 = arith.constant 128 : index
          %get3A_607 = tpu.vector_load %arg7[%get3A_605, %get3A_606] {strides = array<i32>} : memref<96x512xf32, #tpu.memory_space<vmem>>, vector<1x16xf32>,
          %get3A_608 = vector.shape_cast %get3A_607 : vector<1x16xf32> to vector<16xf32>
          %max3A_609 = arith.maximumf %while3A_541, %get3A_608 : vector<16xf32>
          %get3A_610 = arith.index_cast %while3A_532 : i32 to index
          %get3A_611 = arith.constant 144 : index
          %get3A_612 = tpu.vector_load %arg7[%get3A_610, %get3A_611] {strides = array<i32>} : memref<96x512xf32, #tpu.memory_space<vmem>>, vector<1x16xf32>,
          %get3A_613 = vector.shape_cast %get3A_612 : vector<1x16xf32> to vector<16xf32>
          %max3A_614 = arith.maximumf %while3A_542, %get3A_613 : vector<16xf32>
          %get3A_615 = arith.index_cast %while3A_532 : i32 to index
          %get3A_616 = arith.constant 160 : index
          %get3A_617 = tpu.vector_load %arg7[%get3A_615, %get3A_616] {strides = array<i32>} : memref<96x512xf32, #tpu.memory_space<vmem>>, vector<1x16xf32>,
          %get3A_618 = vector.shape_cast %get3A_617 : vector<1x16xf32> to vector<16xf32>
          %max3A_619 = arith.maximumf %while3A_543, %get3A_618 : vector<16xf32>
          %get3A_620 = arith.index_cast %while3A_532 : i32 to index
          %get3A_621 = arith.constant 176 : index
          %get3A_622 = tpu.vector_load %arg7[%get3A_620, %get3A_621] {strides = array<i32>} : memref<96x512xf32, #tpu.memory_space<vmem>>, vector<1x16xf32>,
          %get3A_623 = vector.shape_cast %get3A_622 : vector<1x16xf32> to vector<16xf32>
          %max3A_624 = arith.maximumf %while3A_544, %get3A_623 : vector<16xf32>
          %get3A_625 = arith.index_cast %while3A_532 : i32 to index
          %get3A_626 = arith.constant 192 : index
          %get3A_627 = tpu.vector_load %arg7[%get3A_625, %get3A_626] {strides = array<i32>} : memref<96x512xf32, #tpu.memory_space<vmem>>, vector<1x16xf32>,
          %get3A_628 = vector.shape_cast %get3A_627 : vector<1x16xf32> to vector<16xf32>
          %max3A_629 = arith.maximumf %while3A_545, %get3A_628 : vector<16xf32>
          %get3A_630 = arith.index_cast %while3A_532 : i32 to index
          %get3A_631 = arith.constant 208 : index
          %get3A_632 = tpu.vector_load %arg7[%get3A_630, %get3A_631] {strides = array<i32>} : memref<96x512xf32, #tpu.memory_space<vmem>>, vector<1x16xf32>,
          %get3A_633 = vector.shape_cast %get3A_632 : vector<1x16xf32> to vector<16xf32>
          %max3A_634 = arith.maximumf %while3A_546, %get3A_633 : vector<16xf32>
          %get3A_635 = arith.index_cast %while3A_532 : i32 to index
          %get3A_636 = arith.constant 224 : index
          %get3A_637 = tpu.vector_load %arg7[%get3A_635, %get3A_636] {strides = array<i32>} : memref<96x512xf32, #tpu.memory_space<vmem>>, vector<1x16xf32>,
          %get3A_638 = vector.shape_cast %get3A_637 : vector<1x16xf32> to vector<16xf32>
          %max3A_639 = arith.maximumf %while3A_547, %get3A_638 : vector<16xf32>
          %get3A_640 = arith.index_cast %while3A_532 : i32 to index
          %get3A_641 = arith.constant 240 : index
          %get3A_642 = tpu.vector_load %arg7[%get3A_640, %get3A_641] {strides = array<i32>} : memref<96x512xf32, #tpu.memory_space<vmem>>, vector<1x16xf32>,
          %get3A_643 = vector.shape_cast %get3A_642 : vector<1x16xf32> to vector<16xf32>
          %max3A_644 = arith.maximumf %while3A_548, %get3A_643 : vector<16xf32>
          %get3A_645 = arith.index_cast %while3A_532 : i32 to index
          %get3A_646 = arith.constant 256 : index
          %get3A_647 = tpu.vector_load %arg7[%get3A_645, %get3A_646] {strides = array<i32>} : memref<96x512xf32, #tpu.memory_space<vmem>>, vector<1x16xf32>,
          %get3A_648 = vector.shape_cast %get3A_647 : vector<1x16xf32> to vector<16xf32>
          %max3A_649 = arith.maximumf %while3A_549, %get3A_648 : vector<16xf32>
          %get3A_650 = arith.index_cast %while3A_532 : i32 to index
          %get3A_651 = arith.constant 272 : index
          %get3A_652 = tpu.vector_load %arg7[%get3A_650, %get3A_651] {strides = array<i32>} : memref<96x512xf32, #tpu.memory_space<vmem>>, vector<1x16xf32>,
          %get3A_653 = vector.shape_cast %get3A_652 : vector<1x16xf32> to vector<16xf32>
          %max3A_654 = arith.maximumf %while3A_550, %get3A_653 : vector<16xf32>
          %get3A_655 = arith.index_cast %while3A_532 : i32 to index
          %get3A_656 = arith.constant 288 : index
          %get3A_657 = tpu.vector_load %arg7[%get3A_655, %get3A_656] {strides = array<i32>} : memref<96x512xf32, #tpu.memory_space<vmem>>, vector<1x16xf32>,
          %get3A_658 = vector.shape_cast %get3A_657 : vector<1x16xf32> to vector<16xf32>
          %max3A_659 = arith.maximumf %while3A_551, %get3A_658 : vector<16xf32>
          %get3A_660 = arith.index_cast %while3A_532 : i32 to index
          %get3A_661 = arith.constant 304 : index
          %get3A_662 = tpu.vector_load %arg7[%get3A_660, %get3A_661] {strides = array<i32>} : memref<96x512xf32, #tpu.memory_space<vmem>>, vector<1x16xf32>,
          %get3A_663 = vector.shape_cast %get3A_662 : vector<1x16xf32> to vector<16xf32>
          %max3A_664 = arith.maximumf %while3A_552, %get3A_663 : vector<16xf32>
          %get3A_665 = arith.index_cast %while3A_532 : i32 to index
          %get3A_666 = arith.constant 320 : index
          %get3A_667 = tpu.vector_load %arg7[%get3A_665, %get3A_666] {strides = array<i32>} : memref<96x512xf32, #tpu.memory_space<vmem>>, vector<1x16xf32>,
          %get3A_668 = vector.shape_cast %get3A_667 : vector<1x16xf32> to vector<16xf32>
          %max3A_669 = arith.maximumf %while3A_553, %get3A_668 : vector<16xf32>
          %get3A_670 = arith.index_cast %while3A_532 : i32 to index
          %get3A_671 = arith.constant 336 : index
          %get3A_672 = tpu.vector_load %arg7[%get3A_670, %get3A_671] {strides = array<i32>} : memref<96x512xf32, #tpu.memory_space<vmem>>, vector<1x16xf32>,
          %get3A_673 = vector.shape_cast %get3A_672 : vector<1x16xf32> to vector<16xf32>
          %max3A_674 = arith.maximumf %while3A_554, %get3A_673 : vector<16xf32>
          %get3A_675 = arith.index_cast %while3A_532 : i32 to index
          %get3A_676 = arith.constant 352 : index
          %get3A_677 = tpu.vector_load %arg7[%get3A_675, %get3A_676] {strides = array<i32>} : memref<96x512xf32, #tpu.memory_space<vmem>>, vector<1x16xf32>,
          %get3A_678 = vector.shape_cast %get3A_677 : vector<1x16xf32> to vector<16xf32>
          %max3A_679 = arith.maximumf %while3A_555, %get3A_678 : vector<16xf32>
          %get3A_680 = arith.index_cast %while3A_532 : i32 to index
          %get3A_681 = arith.constant 368 : index
          %get3A_682 = tpu.vector_load %arg7[%get3A_680, %get3A_681] {strides = array<i32>} : memref<96x512xf32, #tpu.memory_space<vmem>>, vector<1x16xf32>,
          %get3A_683 = vector.shape_cast %get3A_682 : vector<1x16xf32> to vector<16xf32>
          %max3A_684 = arith.maximumf %while3A_556, %get3A_683 : vector<16xf32>
          %get3A_685 = arith.index_cast %while3A_532 : i32 to index
          %get3A_686 = arith.constant 384 : index
          %get3A_687 = tpu.vector_load %arg7[%get3A_685, %get3A_686] {strides = array<i32>} : memref<96x512xf32, #tpu.memory_space<vmem>>, vector<1x16xf32>,
          %get3A_688 = vector.shape_cast %get3A_687 : vector<1x16xf32> to vector<16xf32>
          %max3A_689 = arith.maximumf %while3A_557, %get3A_688 : vector<16xf32>
          %get3A_690 = arith.index_cast %while3A_532 : i32 to index
          %get3A_691 = arith.constant 400 : index
          %get3A_692 = tpu.vector_load %arg7[%get3A_690, %get3A_691] {strides = array<i32>} : memref<96x512xf32, #tpu.memory_space<vmem>>, vector<1x16xf32>,
          %get3A_693 = vector.shape_cast %get3A_692 : vector<1x16xf32> to vector<16xf32>
          %max3A_694 = arith.maximumf %while3A_558, %get3A_693 : vector<16xf32>
          %get3A_695 = arith.index_cast %while3A_532 : i32 to index
          %get3A_696 = arith.constant 416 : index
          %get3A_697 = tpu.vector_load %arg7[%get3A_695, %get3A_696] {strides = array<i32>} : memref<96x512xf32, #tpu.memory_space<vmem>>, vector<1x16xf32>,
          %get3A_698 = vector.shape_cast %get3A_697 : vector<1x16xf32> to vector<16xf32>
          %max3A_699 = arith.maximumf %while3A_559, %get3A_698 : vector<16xf32>
          %get3A_700 = arith.index_cast %while3A_532 : i32 to index
          %get3A_701 = arith.constant 432 : index
          %get3A_702 = tpu.vector_load %arg7[%get3A_700, %get3A_701] {strides = array<i32>} : memref<96x512xf32, #tpu.memory_space<vmem>>, vector<1x16xf32>,
          %get3A_703 = vector.shape_cast %get3A_702 : vector<1x16xf32> to vector<16xf32>
          %max3A_704 = arith.maximumf %while3A_560, %get3A_703 : vector<16xf32>
          %get3A_705 = arith.index_cast %while3A_532 : i32 to index
          %get3A_706 = arith.constant 448 : index
          %get3A_707 = tpu.vector_load %arg7[%get3A_705, %get3A_706] {strides = array<i32>} : memref<96x512xf32, #tpu.memory_space<vmem>>, vector<1x16xf32>,
          %get3A_708 = vector.shape_cast %get3A_707 : vector<1x16xf32> to vector<16xf32>
          %max3A_709 = arith.maximumf %while3A_561, %get3A_708 : vector<16xf32>
          %get3A_710 = arith.index_cast %while3A_532 : i32 to index
          %get3A_711 = arith.constant 464 : index
          %get3A_712 = tpu.vector_load %arg7[%get3A_710, %get3A_711] {strides = array<i32>} : memref<96x512xf32, #tpu.memory_space<vmem>>, vector<1x16xf32>,
          %get3A_713 = vector.shape_cast %get3A_712 : vector<1x16xf32> to vector<16xf32>
          %max3A_714 = arith.maximumf %while3A_562, %get3A_713 : vector<16xf32>
          %get3A_715 = arith.index_cast %while3A_532 : i32 to index
          %get3A_716 = arith.constant 480 : index
          %get3A_717 = tpu.vector_load %arg7[%get3A_715, %get3A_716] {strides = array<i32>} : memref<96x512xf32, #tpu.memory_space<vmem>>, vector<1x16xf32>,
          %get3A_718 = vector.shape_cast %get3A_717 : vector<1x16xf32> to vector<16xf32>
          %max3A_719 = arith.maximumf %while3A_563, %get3A_718 : vector<16xf32>
          %get3A_720 = arith.index_cast %while3A_532 : i32 to index
          %get3A_721 = arith.constant 496 : index
          %get3A_722 = tpu.vector_load %arg7[%get3A_720, %get3A_721] {strides = array<i32>} : memref<96x512xf32, #tpu.memory_space<vmem>>, vector<1x16xf32>,
          %get3A_723 = vector.shape_cast %get3A_722 : vector<1x16xf32> to vector<16xf32>
          %max3A_724 = arith.maximumf %while3A_564, %get3A_723 : vector<16xf32>
          scf.yield %max3A_569, %max3A_574, %max3A_579, %max3A_584, %max3A_589, %max3A_594, %max3A_599, %max3A_604, %max3A_609, %max3A_614, %max3A_619, %max3A_624, %max3A_629, %max3A_634, %max3A_639, %max3A_644, %max3A_649, %max3A_654, %max3A_659, %max3A_664, %max3A_669, %max3A_674, %max3A_679, %max3A_684, %max3A_689, %max3A_694, %max3A_699, %max3A_704, %max3A_709, %max3A_714, %max3A_719, %max3A_724 : vector<16xf32>, vector<16xf32>, vector<16xf32>, vector<16xf32>, vector<16xf32>, vector<16xf32>, vector<16xf32>, vector<16xf32>, vector<16xf32>, vector<16xf32>, vector<16xf32>, vector<16xf32>, vector<16xf32>, vector<16xf32>, vector<16xf32>, vector<16xf32>, vector<16xf32>, vector<16xf32>, vector<16xf32>, vector<16xf32>, vector<16xf32>, vector<16xf32>, vector<16xf32>, vector<16xf32>, vector<16xf32>, vector<16xf32>, vector<16xf32>, vector<16xf32>, vector<16xf32>, vector<16xf32>, vector<16xf32>, vector<16xf32>
        }
        %while3A_483 = arith.constant 1 : i32
        %while3A_484:32 = scf.for %while3A_532 = %while3A_480 to %while3A_476 step %while3A_483 iter_args(%while3A_533 = %while3A_482#0, %while3A_534 = %while3A_482#1, %while3A_535 = %while3A_482#2, %while3A_536 = %while3A_482#3, %while3A_537 = %while3A_482#4, %while3A_538 = %while3A_482#5, %while3A_539 = %while3A_482#6, %while3A_540 = %while3A_482#7, %while3A_541 = %while3A_482#8, %while3A_542 = %while3A_482#9, %while3A_543 = %while3A_482#10, %while3A_544 = %while3A_482#11, %while3A_545 = %while3A_482#12, %while3A_546 = %while3A_482#13, %while3A_547 = %while3A_482#14, %while3A_548 = %while3A_482#15, %while3A_549 = %while3A_482#16, %while3A_550 = %while3A_482#17, %while3A_551 = %while3A_482#18, %while3A_552 = %while3A_482#19, %while3A_553 = %while3A_482#20, %while3A_554 = %while3A_482#21, %while3A_555 = %while3A_482#22, %while3A_556 = %while3A_482#23, %while3A_557 = %while3A_482#24, %while3A_558 = %while3A_482#25, %while3A_559 = %while3A_482#26, %while3A_560 = %while3A_482#27, %while3A_561 = %while3A_482#28, %while3A_562 = %while3A_482#29, %while3A_563 = %while3A_482#30, %while3A_564 = %while3A_482#31) -> (vector<16xf32>, vector<16xf32>, vector<16xf32>, vector<16xf32>, vector<16xf32>, vector<16xf32>, vector<16xf32>, vector<16xf32>, vector<16xf32>, vector<16xf32>, vector<16xf32>, vector<16xf32>, vector<16xf32>, vector<16xf32>, vector<16xf32>, vector<16xf32>, vector<16xf32>, vector<16xf32>, vector<16xf32>, vector<16xf32>, vector<16xf32>, vector<16xf32>, vector<16xf32>, vector<16xf32>, vector<16xf32>, vector<16xf32>, vector<16xf32>, vector<16xf32>, vector<16xf32>, vector<16xf32>, vector<16xf32>, vector<16xf32>)  : i32 {
          %get3A_565 = arith.index_cast %while3A_532 : i32 to index
          %get3A_566 = arith.constant 0 : index
          %get3A_567 = tpu.vector_load %arg7[%get3A_565, %get3A_566] {strides = array<i32>} : memref<96x512xf32, #tpu.memory_space<vmem>>, vector<1x16xf32>,
          %get3A_568 = vector.shape_cast %get3A_567 : vector<1x16xf32> to vector<16xf32>
          %max3A_569 = arith.maximumf %while3A_533, %get3A_568 : vector<16xf32>
          %get3A_570 = arith.index_cast %while3A_532 : i32 to index
          %get3A_571 = arith.constant 16 : index
          %get3A_572 = tpu.vector_load %arg7[%get3A_570, %get3A_571] {strides = array<i32>} : memref<96x512xf32, #tpu.memory_space<vmem>>, vector<1x16xf32>,
          %get3A_573 = vector.shape_cast %get3A_572 : vector<1x16xf32> to vector<16xf32>
          %max3A_574 = arith.maximumf %while3A_534, %get3A_573 : vector<16xf32>
          %get3A_575 = arith.index_cast %while3A_532 : i32 to index
          %get3A_576 = arith.constant 32 : index
          %get3A_577 = tpu.vector_load %arg7[%get3A_575, %get3A_576] {strides = array<i32>} : memref<96x512xf32, #tpu.memory_space<vmem>>, vector<1x16xf32>,
          %get3A_578 = vector.shape_cast %get3A_577 : vector<1x16xf32> to vector<16xf32>
          %max3A_579 = arith.maximumf %while3A_535, %get3A_578 : vector<16xf32>
          %get3A_580 = arith.index_cast %while3A_532 : i32 to index
          %get3A_581 = arith.constant 48 : index
          %get3A_582 = tpu.vector_load %arg7[%get3A_580, %get3A_581] {strides = array<i32>} : memref<96x512xf32, #tpu.memory_space<vmem>>, vector<1x16xf32>,
          %get3A_583 = vector.shape_cast %get3A_582 : vector<1x16xf32> to vector<16xf32>
          %max3A_584 = arith.maximumf %while3A_536, %get3A_583 : vector<16xf32>
          %get3A_585 = arith.index_cast %while3A_532 : i32 to index
          %get3A_586 = arith.constant 64 : index
          %get3A_587 = tpu.vector_load %arg7[%get3A_585, %get3A_586] {strides = array<i32>} : memref<96x512xf32, #tpu.memory_space<vmem>>, vector<1x16xf32>,
          %get3A_588 = vector.shape_cast %get3A_587 : vector<1x16xf32> to vector<16xf32>
          %max3A_589 = arith.maximumf %while3A_537, %get3A_588 : vector<16xf32>
          %get3A_590 = arith.index_cast %while3A_532 : i32 to index
          %get3A_591 = arith.constant 80 : index
          %get3A_592 = tpu.vector_load %arg7[%get3A_590, %get3A_591] {strides = array<i32>} : memref<96x512xf32, #tpu.memory_space<vmem>>, vector<1x16xf32>,
          %get3A_593 = vector.shape_cast %get3A_592 : vector<1x16xf32> to vector<16xf32>
          %max3A_594 = arith.maximumf %while3A_538, %get3A_593 : vector<16xf32>
          %get3A_595 = arith.index_cast %while3A_532 : i32 to index
          %get3A_596 = arith.constant 96 : index
          %get3A_597 = tpu.vector_load %arg7[%get3A_595, %get3A_596] {strides = array<i32>} : memref<96x512xf32, #tpu.memory_space<vmem>>, vector<1x16xf32>,
          %get3A_598 = vector.shape_cast %get3A_597 : vector<1x16xf32> to vector<16xf32>
          %max3A_599 = arith.maximumf %while3A_539, %get3A_598 : vector<16xf32>
          %get3A_600 = arith.index_cast %while3A_532 : i32 to index
          %get3A_601 = arith.constant 112 : index
          %get3A_602 = tpu.vector_load %arg7[%get3A_600, %get3A_601] {strides = array<i32>} : memref<96x512xf32, #tpu.memory_space<vmem>>, vector<1x16xf32>,
          %get3A_603 = vector.shape_cast %get3A_602 : vector<1x16xf32> to vector<16xf32>
          %max3A_604 = arith.maximumf %while3A_540, %get3A_603 : vector<16xf32>
          %get3A_605 = arith.index_cast %while3A_532 : i32 to index
          %get3A_606 = arith.constant 128 : index
          %get3A_607 = tpu.vector_load %arg7[%get3A_605, %get3A_606] {strides = array<i32>} : memref<96x512xf32, #tpu.memory_space<vmem>>, vector<1x16xf32>,
          %get3A_608 = vector.shape_cast %get3A_607 : vector<1x16xf32> to vector<16xf32>
          %max3A_609 = arith.maximumf %while3A_541, %get3A_608 : vector<16xf32>
          %get3A_610 = arith.index_cast %while3A_532 : i32 to index
          %get3A_611 = arith.constant 144 : index
          %get3A_612 = tpu.vector_load %arg7[%get3A_610, %get3A_611] {strides = array<i32>} : memref<96x512xf32, #tpu.memory_space<vmem>>, vector<1x16xf32>,
          %get3A_613 = vector.shape_cast %get3A_612 : vector<1x16xf32> to vector<16xf32>
          %max3A_614 = arith.maximumf %while3A_542, %get3A_613 : vector<16xf32>
          %get3A_615 = arith.index_cast %while3A_532 : i32 to index
          %get3A_616 = arith.constant 160 : index
          %get3A_617 = tpu.vector_load %arg7[%get3A_615, %get3A_616] {strides = array<i32>} : memref<96x512xf32, #tpu.memory_space<vmem>>, vector<1x16xf32>,
          %get3A_618 = vector.shape_cast %get3A_617 : vector<1x16xf32> to vector<16xf32>
          %max3A_619 = arith.maximumf %while3A_543, %get3A_618 : vector<16xf32>
          %get3A_620 = arith.index_cast %while3A_532 : i32 to index
          %get3A_621 = arith.constant 176 : index
          %get3A_622 = tpu.vector_load %arg7[%get3A_620, %get3A_621] {strides = array<i32>} : memref<96x512xf32, #tpu.memory_space<vmem>>, vector<1x16xf32>,
          %get3A_623 = vector.shape_cast %get3A_622 : vector<1x16xf32> to vector<16xf32>
          %max3A_624 = arith.maximumf %while3A_544, %get3A_623 : vector<16xf32>
          %get3A_625 = arith.index_cast %while3A_532 : i32 to index
          %get3A_626 = arith.constant 192 : index
          %get3A_627 = tpu.vector_load %arg7[%get3A_625, %get3A_626] {strides = array<i32>} : memref<96x512xf32, #tpu.memory_space<vmem>>, vector<1x16xf32>,
          %get3A_628 = vector.shape_cast %get3A_627 : vector<1x16xf32> to vector<16xf32>
          %max3A_629 = arith.maximumf %while3A_545, %get3A_628 : vector<16xf32>
          %get3A_630 = arith.index_cast %while3A_532 : i32 to index
          %get3A_631 = arith.constant 208 : index
          %get3A_632 = tpu.vector_load %arg7[%get3A_630, %get3A_631] {strides = array<i32>} : memref<96x512xf32, #tpu.memory_space<vmem>>, vector<1x16xf32>,
          %get3A_633 = vector.shape_cast %get3A_632 : vector<1x16xf32> to vector<16xf32>
          %max3A_634 = arith.maximumf %while3A_546, %get3A_633 : vector<16xf32>
          %get3A_635 = arith.index_cast %while3A_532 : i32 to index
          %get3A_636 = arith.constant 224 : index
          %get3A_637 = tpu.vector_load %arg7[%get3A_635, %get3A_636] {strides = array<i32>} : memref<96x512xf32, #tpu.memory_space<vmem>>, vector<1x16xf32>,
          %get3A_638 = vector.shape_cast %get3A_637 : vector<1x16xf32> to vector<16xf32>
          %max3A_639 = arith.maximumf %while3A_547, %get3A_638 : vector<16xf32>
          %get3A_640 = arith.index_cast %while3A_532 : i32 to index
          %get3A_641 = arith.constant 240 : index
          %get3A_642 = tpu.vector_load %arg7[%get3A_640, %get3A_641] {strides = array<i32>} : memref<96x512xf32, #tpu.memory_space<vmem>>, vector<1x16xf32>,
          %get3A_643 = vector.shape_cast %get3A_642 : vector<1x16xf32> to vector<16xf32>
          %max3A_644 = arith.maximumf %while3A_548, %get3A_643 : vector<16xf32>
          %get3A_645 = arith.index_cast %while3A_532 : i32 to index
          %get3A_646 = arith.constant 256 : index
          %get3A_647 = tpu.vector_load %arg7[%get3A_645, %get3A_646] {strides = array<i32>} : memref<96x512xf32, #tpu.memory_space<vmem>>, vector<1x16xf32>,
          %get3A_648 = vector.shape_cast %get3A_647 : vector<1x16xf32> to vector<16xf32>
          %max3A_649 = arith.maximumf %while3A_549, %get3A_648 : vector<16xf32>
          %get3A_650 = arith.index_cast %while3A_532 : i32 to index
          %get3A_651 = arith.constant 272 : index
          %get3A_652 = tpu.vector_load %arg7[%get3A_650, %get3A_651] {strides = array<i32>} : memref<96x512xf32, #tpu.memory_space<vmem>>, vector<1x16xf32>,
          %get3A_653 = vector.shape_cast %get3A_652 : vector<1x16xf32> to vector<16xf32>
          %max3A_654 = arith.maximumf %while3A_550, %get3A_653 : vector<16xf32>
          %get3A_655 = arith.index_cast %while3A_532 : i32 to index
          %get3A_656 = arith.constant 288 : index
          %get3A_657 = tpu.vector_load %arg7[%get3A_655, %get3A_656] {strides = array<i32>} : memref<96x512xf32, #tpu.memory_space<vmem>>, vector<1x16xf32>,
          %get3A_658 = vector.shape_cast %get3A_657 : vector<1x16xf32> to vector<16xf32>
          %max3A_659 = arith.maximumf %while3A_551, %get3A_658 : vector<16xf32>
          %get3A_660 = arith.index_cast %while3A_532 : i32 to index
          %get3A_661 = arith.constant 304 : index
          %get3A_662 = tpu.vector_load %arg7[%get3A_660, %get3A_661] {strides = array<i32>} : memref<96x512xf32, #tpu.memory_space<vmem>>, vector<1x16xf32>,
          %get3A_663 = vector.shape_cast %get3A_662 : vector<1x16xf32> to vector<16xf32>
          %max3A_664 = arith.maximumf %while3A_552, %get3A_663 : vector<16xf32>
          %get3A_665 = arith.index_cast %while3A_532 : i32 to index
          %get3A_666 = arith.constant 320 : index
          %get3A_667 = tpu.vector_load %arg7[%get3A_665, %get3A_666] {strides = array<i32>} : memref<96x512xf32, #tpu.memory_space<vmem>>, vector<1x16xf32>,
          %get3A_668 = vector.shape_cast %get3A_667 : vector<1x16xf32> to vector<16xf32>
          %max3A_669 = arith.maximumf %while3A_553, %get3A_668 : vector<16xf32>
          %get3A_670 = arith.index_cast %while3A_532 : i32 to index
          %get3A_671 = arith.constant 336 : index
          %get3A_672 = tpu.vector_load %arg7[%get3A_670, %get3A_671] {strides = array<i32>} : memref<96x512xf32, #tpu.memory_space<vmem>>, vector<1x16xf32>,
          %get3A_673 = vector.shape_cast %get3A_672 : vector<1x16xf32> to vector<16xf32>
          %max3A_674 = arith.maximumf %while3A_554, %get3A_673 : vector<16xf32>
          %get3A_675 = arith.index_cast %while3A_532 : i32 to index
          %get3A_676 = arith.constant 352 : index
          %get3A_677 = tpu.vector_load %arg7[%get3A_675, %get3A_676] {strides = array<i32>} : memref<96x512xf32, #tpu.memory_space<vmem>>, vector<1x16xf32>,
          %get3A_678 = vector.shape_cast %get3A_677 : vector<1x16xf32> to vector<16xf32>
          %max3A_679 = arith.maximumf %while3A_555, %get3A_678 : vector<16xf32>
          %get3A_680 = arith.index_cast %while3A_532 : i32 to index
          %get3A_681 = arith.constant 368 : index
          %get3A_682 = tpu.vector_load %arg7[%get3A_680, %get3A_681] {strides = array<i32>} : memref<96x512xf32, #tpu.memory_space<vmem>>, vector<1x16xf32>,
          %get3A_683 = vector.shape_cast %get3A_682 : vector<1x16xf32> to vector<16xf32>
          %max3A_684 = arith.maximumf %while3A_556, %get3A_683 : vector<16xf32>
          %get3A_685 = arith.index_cast %while3A_532 : i32 to index
          %get3A_686 = arith.constant 384 : index
          %get3A_687 = tpu.vector_load %arg7[%get3A_685, %get3A_686] {strides = array<i32>} : memref<96x512xf32, #tpu.memory_space<vmem>>, vector<1x16xf32>,
          %get3A_688 = vector.shape_cast %get3A_687 : vector<1x16xf32> to vector<16xf32>
          %max3A_689 = arith.maximumf %while3A_557, %get3A_688 : vector<16xf32>
          %get3A_690 = arith.index_cast %while3A_532 : i32 to index
          %get3A_691 = arith.constant 400 : index
          %get3A_692 = tpu.vector_load %arg7[%get3A_690, %get3A_691] {strides = array<i32>} : memref<96x512xf32, #tpu.memory_space<vmem>>, vector<1x16xf32>,
          %get3A_693 = vector.shape_cast %get3A_692 : vector<1x16xf32> to vector<16xf32>
          %max3A_694 = arith.maximumf %while3A_558, %get3A_693 : vector<16xf32>
          %get3A_695 = arith.index_cast %while3A_532 : i32 to index
          %get3A_696 = arith.constant 416 : index
          %get3A_697 = tpu.vector_load %arg7[%get3A_695, %get3A_696] {strides = array<i32>} : memref<96x512xf32, #tpu.memory_space<vmem>>, vector<1x16xf32>,
          %get3A_698 = vector.shape_cast %get3A_697 : vector<1x16xf32> to vector<16xf32>
          %max3A_699 = arith.maximumf %while3A_559, %get3A_698 : vector<16xf32>
          %get3A_700 = arith.index_cast %while3A_532 : i32 to index
          %get3A_701 = arith.constant 432 : index
          %get3A_702 = tpu.vector_load %arg7[%get3A_700, %get3A_701] {strides = array<i32>} : memref<96x512xf32, #tpu.memory_space<vmem>>, vector<1x16xf32>,
          %get3A_703 = vector.shape_cast %get3A_702 : vector<1x16xf32> to vector<16xf32>
          %max3A_704 = arith.maximumf %while3A_560, %get3A_703 : vector<16xf32>
          %get3A_705 = arith.index_cast %while3A_532 : i32 to index
          %get3A_706 = arith.constant 448 : index
          %get3A_707 = tpu.vector_load %arg7[%get3A_705, %get3A_706] {strides = array<i32>} : memref<96x512xf32, #tpu.memory_space<vmem>>, vector<1x16xf32>,
          %get3A_708 = vector.shape_cast %get3A_707 : vector<1x16xf32> to vector<16xf32>
          %max3A_709 = arith.maximumf %while3A_561, %get3A_708 : vector<16xf32>
          %get3A_710 = arith.index_cast %while3A_532 : i32 to index
          %get3A_711 = arith.constant 464 : index
          %get3A_712 = tpu.vector_load %arg7[%get3A_710, %get3A_711] {strides = array<i32>} : memref<96x512xf32, #tpu.memory_space<vmem>>, vector<1x16xf32>,
          %get3A_713 = vector.shape_cast %get3A_712 : vector<1x16xf32> to vector<16xf32>
          %max3A_714 = arith.maximumf %while3A_562, %get3A_713 : vector<16xf32>
          %get3A_715 = arith.index_cast %while3A_532 : i32 to index
          %get3A_716 = arith.constant 480 : index
          %get3A_717 = tpu.vector_load %arg7[%get3A_715, %get3A_716] {strides = array<i32>} : memref<96x512xf32, #tpu.memory_space<vmem>>, vector<1x16xf32>,
          %get3A_718 = vector.shape_cast %get3A_717 : vector<1x16xf32> to vector<16xf32>
          %max3A_719 = arith.maximumf %while3A_563, %get3A_718 : vector<16xf32>
          %get3A_720 = arith.index_cast %while3A_532 : i32 to index
          %get3A_721 = arith.constant 496 : index
          %get3A_722 = tpu.vector_load %arg7[%get3A_720, %get3A_721] {strides = array<i32>} : memref<96x512xf32, #tpu.memory_space<vmem>>, vector<1x16xf32>,
          %get3A_723 = vector.shape_cast %get3A_722 : vector<1x16xf32> to vector<16xf32>
          %max3A_724 = arith.maximumf %while3A_564, %get3A_723 : vector<16xf32>
          scf.yield %max3A_569, %max3A_574, %max3A_579, %max3A_584, %max3A_589, %max3A_594, %max3A_599, %max3A_604, %max3A_609, %max3A_614, %max3A_619, %max3A_624, %max3A_629, %max3A_634, %max3A_639, %max3A_644, %max3A_649, %max3A_654, %max3A_659, %max3A_664, %max3A_669, %max3A_674, %max3A_679, %max3A_684, %max3A_689, %max3A_694, %max3A_699, %max3A_704, %max3A_709, %max3A_714, %max3A_719, %max3A_724 : vector<16xf32>, vector<16xf32>, vector<16xf32>, vector<16xf32>, vector<16xf32>, vector<16xf32>, vector<16xf32>, vector<16xf32>, vector<16xf32>, vector<16xf32>, vector<16xf32>, vector<16xf32>, vector<16xf32>, vector<16xf32>, vector<16xf32>, vector<16xf32>, vector<16xf32>, vector<16xf32>, vector<16xf32>, vector<16xf32>, vector<16xf32>, vector<16xf32>, vector<16xf32>, vector<16xf32>, vector<16xf32>, vector<16xf32>, vector<16xf32>, vector<16xf32>, vector<16xf32>, vector<16xf32>, vector<16xf32>, vector<16xf32>
        }
        %add3A_485 = arith.constant 1 : i32
        %add3A_486 = arith.addi %mul3A_436, %add3A_485 : i32
        %mul3A_487 = arith.constant 96 : i32
        %mul3A_488 = arith.muli %add3A_486, %mul3A_487 : i32
        %add3A_489 = arith.addi %mul3A_188, %mul3A_488 : i32
        %min3A_490 = arith.constant 99904 : i32
        %min3A_491 = arith.minsi %add3A_489, %min3A_490 : i32
        %dma_wait3A_492 = arith.constant 0 : i32
        %dma_wait3A_493 = tpu.memref_slice %arg2[%min3A_491, %dma_wait3A_492] : memref<100000x512xf32, #tpu.memory_space<hbm>> -> memref<96x512xf32, #tpu.memory_space<hbm>>
        %dma_wait3A_494 = arith.constant 0 : i32
        %dma_wait3A_495 = tpu.memref_slice %arg2[%min3A_491, %dma_wait3A_494] : memref<100000x512xf32, #tpu.memory_space<hbm>> -> memref<96x512xf32, #tpu.memory_space<hbm>>
        tpu.wait_dma2 semaphore(%arg13 : memref<!tpu.dma_semaphore, #tpu.memory_space<semaphore_mem>>) src(%dma_wait3A_495 : memref<96x512xf32, #tpu.memory_space<hbm>>) dst(%arg8 : memref<96x512xf32, #tpu.memory_space<vmem>>)
        %add3A_496 = arith.constant 1 : i32
        %add3A_497 = arith.addi %while3A_402, %add3A_496 : i32
        %lt3A = arith.cmpi slt, %add3A_497, %select_n3A_245 : i32
        %convert_element_type3A_498 = arith.extui %lt3A : i1 to i32
        %cond3A_499 = arith.constant 0 : i32
        %cond3A_500 = arith.cmpi ne, %convert_element_type3A_498, %cond3A_499 : i32
        scf.if %cond3A_500 {
          %add3A_532 = arith.constant 2 : i32
          %add3A_533 = arith.addi %mul3A_436, %add3A_532 : i32
          %mul3A_534 = arith.constant 96 : i32
          %mul3A_535 = arith.muli %add3A_533, %mul3A_534 : i32
          %add3A_536 = arith.addi %mul3A_188, %mul3A_535 : i32
          %min3A_537 = arith.constant 99904 : i32
          %min3A_538 = arith.minsi %add3A_536, %min3A_537 : i32
          %dma_start3A_539 = arith.constant 0 : i32
          %dma_start3A_540 = tpu.memref_slice %arg2[%min3A_538, %dma_start3A_539] : memref<100000x512xf32, #tpu.memory_space<hbm>> -> memref<96x512xf32, #tpu.memory_space<hbm>>
          %dma_start3A_541 = arith.constant 0 : i32
          %dma_start3A_542 = tpu.memref_slice %arg2[%min3A_538, %dma_start3A_541] : memref<100000x512xf32, #tpu.memory_space<hbm>> -> memref<96x512xf32, #tpu.memory_space<hbm>>
          tpu.enqueue_dma source(%dma_start3A_542 : memref<96x512xf32, #tpu.memory_space<hbm>>) target(%arg7 : memref<96x512xf32, #tpu.memory_space<vmem>>) target_semaphore(%arg12 : memref<!tpu.dma_semaphore, #tpu.memory_space<semaphore_mem>>)
        } else {
        }
        %add3A_501 = arith.constant 1 : i32
        %add3A_502 = arith.addi %mul3A_436, %add3A_501 : i32
        %mul3A_503 = arith.constant 96 : i32
        %mul3A_504 = arith.muli %add3A_502, %mul3A_503 : i32
        %add3A_505 = arith.addi %mul3A_188, %mul3A_504 : i32
        %mul3A_506 = arith.constant 96 : i32
        %mul3A_507 = arith.muli %add3A_502, %mul3A_506 : i32
        %add3A_508 = arith.addi %mul3A_188, %mul3A_507 : i32
        %min3A_509 = arith.constant 99904 : i32
        %min3A_510 = arith.minsi %add3A_508, %min3A_509 : i32
        %sub3A_511 = arith.subi %add3A_505, %min3A_510 : i32
        %sub3A_512 = arith.subi %max3A, %add3A_505 : i32
        %max3A_513 = arith.constant 0 : i32
        %max3A_514 = arith.maxsi %sub3A_512, %max3A_513 : i32
        %add3A_515 = arith.addi %sub3A_511, %max3A_514 : i32
        %sub3A_516 = arith.subi %min3A, %add3A_505 : i32
        %min3A_517 = arith.constant 96 : i32
        %min3A_518 = arith.minsi %sub3A_516, %min3A_517 : i32
        %max3A_519 = arith.constant 0 : i32
        %max3A_520 = arith.maxsi %min3A_518, %max3A_519 : i32
        %add3A_521 = arith.addi %sub3A_511, %max3A_520 : i32
        %while3A_522 = arith.subi %add3A_521, %add3A_515 : i32
        %while3A_523 = arith.addi %add3A_515, %while3A_522 : i32
        %while3A_524 = arith.constant 1 : i32
        %while3A_525 = arith.divsi %while3A_522, %while3A_524 : i32
        %while3A_526 = arith.muli %while3A_525, %while3A_524 : i32
        %while3A_527 = arith.addi %add3A_515, %while3A_526 : i32
        %while3A_528 = arith.constant 1 : i32
        %while3A_529:32 = scf.for %while3A_532 = %add3A_515 to %while3A_527 step %while3A_528 iter_args(%while3A_533 = %while3A_484#0, %while3A_534 = %while3A_484#1, %while3A_535 = %while3A_484#2, %while3A_536 = %while3A_484#3, %while3A_537 = %while3A_484#4, %while3A_538 = %while3A_484#5, %while3A_539 = %while3A_484#6, %while3A_540 = %while3A_484#7, %while3A_541 = %while3A_484#8, %while3A_542 = %while3A_484#9, %while3A_543 = %while3A_484#10, %while3A_544 = %while3A_484#11, %while3A_545 = %while3A_484#12, %while3A_546 = %while3A_484#13, %while3A_547 = %while3A_484#14, %while3A_548 = %while3A_484#15, %while3A_549 = %while3A_484#16, %while3A_550 = %while3A_484#17, %while3A_551 = %while3A_484#18, %while3A_552 = %while3A_484#19, %while3A_553 = %while3A_484#20, %while3A_554 = %while3A_484#21, %while3A_555 = %while3A_484#22, %while3A_556 = %while3A_484#23, %while3A_557 = %while3A_484#24, %while3A_558 = %while3A_484#25, %while3A_559 = %while3A_484#26, %while3A_560 = %while3A_484#27, %while3A_561 = %while3A_484#28, %while3A_562 = %while3A_484#29, %while3A_563 = %while3A_484#30, %while3A_564 = %while3A_484#31) -> (vector<16xf32>, vector<16xf32>, vector<16xf32>, vector<16xf32>, vector<16xf32>, vector<16xf32>, vector<16xf32>, vector<16xf32>, vector<16xf32>, vector<16xf32>, vector<16xf32>, vector<16xf32>, vector<16xf32>, vector<16xf32>, vector<16xf32>, vector<16xf32>, vector<16xf32>, vector<16xf32>, vector<16xf32>, vector<16xf32>, vector<16xf32>, vector<16xf32>, vector<16xf32>, vector<16xf32>, vector<16xf32>, vector<16xf32>, vector<16xf32>, vector<16xf32>, vector<16xf32>, vector<16xf32>, vector<16xf32>, vector<16xf32>)  : i32 {
          %get3A_565 = arith.index_cast %while3A_532 : i32 to index
          %get3A_566 = arith.constant 0 : index
          %get3A_567 = tpu.vector_load %arg8[%get3A_565, %get3A_566] {strides = array<i32>} : memref<96x512xf32, #tpu.memory_space<vmem>>, vector<1x16xf32>,
          %get3A_568 = vector.shape_cast %get3A_567 : vector<1x16xf32> to vector<16xf32>
          %max3A_569 = arith.maximumf %while3A_533, %get3A_568 : vector<16xf32>
          %get3A_570 = arith.index_cast %while3A_532 : i32 to index
          %get3A_571 = arith.constant 16 : index
          %get3A_572 = tpu.vector_load %arg8[%get3A_570, %get3A_571] {strides = array<i32>} : memref<96x512xf32, #tpu.memory_space<vmem>>, vector<1x16xf32>,
          %get3A_573 = vector.shape_cast %get3A_572 : vector<1x16xf32> to vector<16xf32>
          %max3A_574 = arith.maximumf %while3A_534, %get3A_573 : vector<16xf32>
          %get3A_575 = arith.index_cast %while3A_532 : i32 to index
          %get3A_576 = arith.constant 32 : index
          %get3A_577 = tpu.vector_load %arg8[%get3A_575, %get3A_576] {strides = array<i32>} : memref<96x512xf32, #tpu.memory_space<vmem>>, vector<1x16xf32>,
          %get3A_578 = vector.shape_cast %get3A_577 : vector<1x16xf32> to vector<16xf32>
          %max3A_579 = arith.maximumf %while3A_535, %get3A_578 : vector<16xf32>
          %get3A_580 = arith.index_cast %while3A_532 : i32 to index
          %get3A_581 = arith.constant 48 : index
          %get3A_582 = tpu.vector_load %arg8[%get3A_580, %get3A_581] {strides = array<i32>} : memref<96x512xf32, #tpu.memory_space<vmem>>, vector<1x16xf32>,
          %get3A_583 = vector.shape_cast %get3A_582 : vector<1x16xf32> to vector<16xf32>
          %max3A_584 = arith.maximumf %while3A_536, %get3A_583 : vector<16xf32>
          %get3A_585 = arith.index_cast %while3A_532 : i32 to index
          %get3A_586 = arith.constant 64 : index
          %get3A_587 = tpu.vector_load %arg8[%get3A_585, %get3A_586] {strides = array<i32>} : memref<96x512xf32, #tpu.memory_space<vmem>>, vector<1x16xf32>,
          %get3A_588 = vector.shape_cast %get3A_587 : vector<1x16xf32> to vector<16xf32>
          %max3A_589 = arith.maximumf %while3A_537, %get3A_588 : vector<16xf32>
          %get3A_590 = arith.index_cast %while3A_532 : i32 to index
          %get3A_591 = arith.constant 80 : index
          %get3A_592 = tpu.vector_load %arg8[%get3A_590, %get3A_591] {strides = array<i32>} : memref<96x512xf32, #tpu.memory_space<vmem>>, vector<1x16xf32>,
          %get3A_593 = vector.shape_cast %get3A_592 : vector<1x16xf32> to vector<16xf32>
          %max3A_594 = arith.maximumf %while3A_538, %get3A_593 : vector<16xf32>
          %get3A_595 = arith.index_cast %while3A_532 : i32 to index
          %get3A_596 = arith.constant 96 : index
          %get3A_597 = tpu.vector_load %arg8[%get3A_595, %get3A_596] {strides = array<i32>} : memref<96x512xf32, #tpu.memory_space<vmem>>, vector<1x16xf32>,
          %get3A_598 = vector.shape_cast %get3A_597 : vector<1x16xf32> to vector<16xf32>
          %max3A_599 = arith.maximumf %while3A_539, %get3A_598 : vector<16xf32>
          %get3A_600 = arith.index_cast %while3A_532 : i32 to index
          %get3A_601 = arith.constant 112 : index
          %get3A_602 = tpu.vector_load %arg8[%get3A_600, %get3A_601] {strides = array<i32>} : memref<96x512xf32, #tpu.memory_space<vmem>>, vector<1x16xf32>,
          %get3A_603 = vector.shape_cast %get3A_602 : vector<1x16xf32> to vector<16xf32>
          %max3A_604 = arith.maximumf %while3A_540, %get3A_603 : vector<16xf32>
          %get3A_605 = arith.index_cast %while3A_532 : i32 to index
          %get3A_606 = arith.constant 128 : index
          %get3A_607 = tpu.vector_load %arg8[%get3A_605, %get3A_606] {strides = array<i32>} : memref<96x512xf32, #tpu.memory_space<vmem>>, vector<1x16xf32>,
          %get3A_608 = vector.shape_cast %get3A_607 : vector<1x16xf32> to vector<16xf32>
          %max3A_609 = arith.maximumf %while3A_541, %get3A_608 : vector<16xf32>
          %get3A_610 = arith.index_cast %while3A_532 : i32 to index
          %get3A_611 = arith.constant 144 : index
          %get3A_612 = tpu.vector_load %arg8[%get3A_610, %get3A_611] {strides = array<i32>} : memref<96x512xf32, #tpu.memory_space<vmem>>, vector<1x16xf32>,
          %get3A_613 = vector.shape_cast %get3A_612 : vector<1x16xf32> to vector<16xf32>
          %max3A_614 = arith.maximumf %while3A_542, %get3A_613 : vector<16xf32>
          %get3A_615 = arith.index_cast %while3A_532 : i32 to index
          %get3A_616 = arith.constant 160 : index
          %get3A_617 = tpu.vector_load %arg8[%get3A_615, %get3A_616] {strides = array<i32>} : memref<96x512xf32, #tpu.memory_space<vmem>>, vector<1x16xf32>,
          %get3A_618 = vector.shape_cast %get3A_617 : vector<1x16xf32> to vector<16xf32>
          %max3A_619 = arith.maximumf %while3A_543, %get3A_618 : vector<16xf32>
          %get3A_620 = arith.index_cast %while3A_532 : i32 to index
          %get3A_621 = arith.constant 176 : index
          %get3A_622 = tpu.vector_load %arg8[%get3A_620, %get3A_621] {strides = array<i32>} : memref<96x512xf32, #tpu.memory_space<vmem>>, vector<1x16xf32>,
          %get3A_623 = vector.shape_cast %get3A_622 : vector<1x16xf32> to vector<16xf32>
          %max3A_624 = arith.maximumf %while3A_544, %get3A_623 : vector<16xf32>
          %get3A_625 = arith.index_cast %while3A_532 : i32 to index
          %get3A_626 = arith.constant 192 : index
          %get3A_627 = tpu.vector_load %arg8[%get3A_625, %get3A_626] {strides = array<i32>} : memref<96x512xf32, #tpu.memory_space<vmem>>, vector<1x16xf32>,
          %get3A_628 = vector.shape_cast %get3A_627 : vector<1x16xf32> to vector<16xf32>
          %max3A_629 = arith.maximumf %while3A_545, %get3A_628 : vector<16xf32>
          %get3A_630 = arith.index_cast %while3A_532 : i32 to index
          %get3A_631 = arith.constant 208 : index
          %get3A_632 = tpu.vector_load %arg8[%get3A_630, %get3A_631] {strides = array<i32>} : memref<96x512xf32, #tpu.memory_space<vmem>>, vector<1x16xf32>,
          %get3A_633 = vector.shape_cast %get3A_632 : vector<1x16xf32> to vector<16xf32>
          %max3A_634 = arith.maximumf %while3A_546, %get3A_633 : vector<16xf32>
          %get3A_635 = arith.index_cast %while3A_532 : i32 to index
          %get3A_636 = arith.constant 224 : index
          %get3A_637 = tpu.vector_load %arg8[%get3A_635, %get3A_636] {strides = array<i32>} : memref<96x512xf32, #tpu.memory_space<vmem>>, vector<1x16xf32>,
          %get3A_638 = vector.shape_cast %get3A_637 : vector<1x16xf32> to vector<16xf32>
          %max3A_639 = arith.maximumf %while3A_547, %get3A_638 : vector<16xf32>
          %get3A_640 = arith.index_cast %while3A_532 : i32 to index
          %get3A_641 = arith.constant 240 : index
          %get3A_642 = tpu.vector_load %arg8[%get3A_640, %get3A_641] {strides = array<i32>} : memref<96x512xf32, #tpu.memory_space<vmem>>, vector<1x16xf32>,
          %get3A_643 = vector.shape_cast %get3A_642 : vector<1x16xf32> to vector<16xf32>
          %max3A_644 = arith.maximumf %while3A_548, %get3A_643 : vector<16xf32>
          %get3A_645 = arith.index_cast %while3A_532 : i32 to index
          %get3A_646 = arith.constant 256 : index
          %get3A_647 = tpu.vector_load %arg8[%get3A_645, %get3A_646] {strides = array<i32>} : memref<96x512xf32, #tpu.memory_space<vmem>>, vector<1x16xf32>,
          %get3A_648 = vector.shape_cast %get3A_647 : vector<1x16xf32> to vector<16xf32>
          %max3A_649 = arith.maximumf %while3A_549, %get3A_648 : vector<16xf32>
          %get3A_650 = arith.index_cast %while3A_532 : i32 to index
          %get3A_651 = arith.constant 272 : index
          %get3A_652 = tpu.vector_load %arg8[%get3A_650, %get3A_651] {strides = array<i32>} : memref<96x512xf32, #tpu.memory_space<vmem>>, vector<1x16xf32>,
          %get3A_653 = vector.shape_cast %get3A_652 : vector<1x16xf32> to vector<16xf32>
          %max3A_654 = arith.maximumf %while3A_550, %get3A_653 : vector<16xf32>
          %get3A_655 = arith.index_cast %while3A_532 : i32 to index
          %get3A_656 = arith.constant 288 : index
          %get3A_657 = tpu.vector_load %arg8[%get3A_655, %get3A_656] {strides = array<i32>} : memref<96x512xf32, #tpu.memory_space<vmem>>, vector<1x16xf32>,
          %get3A_658 = vector.shape_cast %get3A_657 : vector<1x16xf32> to vector<16xf32>
          %max3A_659 = arith.maximumf %while3A_551, %get3A_658 : vector<16xf32>
          %get3A_660 = arith.index_cast %while3A_532 : i32 to index
          %get3A_661 = arith.constant 304 : index
          %get3A_662 = tpu.vector_load %arg8[%get3A_660, %get3A_661] {strides = array<i32>} : memref<96x512xf32, #tpu.memory_space<vmem>>, vector<1x16xf32>,
          %get3A_663 = vector.shape_cast %get3A_662 : vector<1x16xf32> to vector<16xf32>
          %max3A_664 = arith.maximumf %while3A_552, %get3A_663 : vector<16xf32>
          %get3A_665 = arith.index_cast %while3A_532 : i32 to index
          %get3A_666 = arith.constant 320 : index
          %get3A_667 = tpu.vector_load %arg8[%get3A_665, %get3A_666] {strides = array<i32>} : memref<96x512xf32, #tpu.memory_space<vmem>>, vector<1x16xf32>,
          %get3A_668 = vector.shape_cast %get3A_667 : vector<1x16xf32> to vector<16xf32>
          %max3A_669 = arith.maximumf %while3A_553, %get3A_668 : vector<16xf32>
          %get3A_670 = arith.index_cast %while3A_532 : i32 to index
          %get3A_671 = arith.constant 336 : index
          %get3A_672 = tpu.vector_load %arg8[%get3A_670, %get3A_671] {strides = array<i32>} : memref<96x512xf32, #tpu.memory_space<vmem>>, vector<1x16xf32>,
          %get3A_673 = vector.shape_cast %get3A_672 : vector<1x16xf32> to vector<16xf32>
          %max3A_674 = arith.maximumf %while3A_554, %get3A_673 : vector<16xf32>
          %get3A_675 = arith.index_cast %while3A_532 : i32 to index
          %get3A_676 = arith.constant 352 : index
          %get3A_677 = tpu.vector_load %arg8[%get3A_675, %get3A_676] {strides = array<i32>} : memref<96x512xf32, #tpu.memory_space<vmem>>, vector<1x16xf32>,
          %get3A_678 = vector.shape_cast %get3A_677 : vector<1x16xf32> to vector<16xf32>
          %max3A_679 = arith.maximumf %while3A_555, %get3A_678 : vector<16xf32>
          %get3A_680 = arith.index_cast %while3A_532 : i32 to index
          %get3A_681 = arith.constant 368 : index
          %get3A_682 = tpu.vector_load %arg8[%get3A_680, %get3A_681] {strides = array<i32>} : memref<96x512xf32, #tpu.memory_space<vmem>>, vector<1x16xf32>,
          %get3A_683 = vector.shape_cast %get3A_682 : vector<1x16xf32> to vector<16xf32>
          %max3A_684 = arith.maximumf %while3A_556, %get3A_683 : vector<16xf32>
          %get3A_685 = arith.index_cast %while3A_532 : i32 to index
          %get3A_686 = arith.constant 384 : index
          %get3A_687 = tpu.vector_load %arg8[%get3A_685, %get3A_686] {strides = array<i32>} : memref<96x512xf32, #tpu.memory_space<vmem>>, vector<1x16xf32>,
          %get3A_688 = vector.shape_cast %get3A_687 : vector<1x16xf32> to vector<16xf32>
          %max3A_689 = arith.maximumf %while3A_557, %get3A_688 : vector<16xf32>
          %get3A_690 = arith.index_cast %while3A_532 : i32 to index
          %get3A_691 = arith.constant 400 : index
          %get3A_692 = tpu.vector_load %arg8[%get3A_690, %get3A_691] {strides = array<i32>} : memref<96x512xf32, #tpu.memory_space<vmem>>, vector<1x16xf32>,
          %get3A_693 = vector.shape_cast %get3A_692 : vector<1x16xf32> to vector<16xf32>
          %max3A_694 = arith.maximumf %while3A_558, %get3A_693 : vector<16xf32>
          %get3A_695 = arith.index_cast %while3A_532 : i32 to index
          %get3A_696 = arith.constant 416 : index
          %get3A_697 = tpu.vector_load %arg8[%get3A_695, %get3A_696] {strides = array<i32>} : memref<96x512xf32, #tpu.memory_space<vmem>>, vector<1x16xf32>,
          %get3A_698 = vector.shape_cast %get3A_697 : vector<1x16xf32> to vector<16xf32>
          %max3A_699 = arith.maximumf %while3A_559, %get3A_698 : vector<16xf32>
          %get3A_700 = arith.index_cast %while3A_532 : i32 to index
          %get3A_701 = arith.constant 432 : index
          %get3A_702 = tpu.vector_load %arg8[%get3A_700, %get3A_701] {strides = array<i32>} : memref<96x512xf32, #tpu.memory_space<vmem>>, vector<1x16xf32>,
          %get3A_703 = vector.shape_cast %get3A_702 : vector<1x16xf32> to vector<16xf32>
          %max3A_704 = arith.maximumf %while3A_560, %get3A_703 : vector<16xf32>
          %get3A_705 = arith.index_cast %while3A_532 : i32 to index
          %get3A_706 = arith.constant 448 : index
          %get3A_707 = tpu.vector_load %arg8[%get3A_705, %get3A_706] {strides = array<i32>} : memref<96x512xf32, #tpu.memory_space<vmem>>, vector<1x16xf32>,
          %get3A_708 = vector.shape_cast %get3A_707 : vector<1x16xf32> to vector<16xf32>
          %max3A_709 = arith.maximumf %while3A_561, %get3A_708 : vector<16xf32>
          %get3A_710 = arith.index_cast %while3A_532 : i32 to index
          %get3A_711 = arith.constant 464 : index
          %get3A_712 = tpu.vector_load %arg8[%get3A_710, %get3A_711] {strides = array<i32>} : memref<96x512xf32, #tpu.memory_space<vmem>>, vector<1x16xf32>,
          %get3A_713 = vector.shape_cast %get3A_712 : vector<1x16xf32> to vector<16xf32>
          %max3A_714 = arith.maximumf %while3A_562, %get3A_713 : vector<16xf32>
          %get3A_715 = arith.index_cast %while3A_532 : i32 to index
          %get3A_716 = arith.constant 480 : index
          %get3A_717 = tpu.vector_load %arg8[%get3A_715, %get3A_716] {strides = array<i32>} : memref<96x512xf32, #tpu.memory_space<vmem>>, vector<1x16xf32>,
          %get3A_718 = vector.shape_cast %get3A_717 : vector<1x16xf32> to vector<16xf32>
          %max3A_719 = arith.maximumf %while3A_563, %get3A_718 : vector<16xf32>
          %get3A_720 = arith.index_cast %while3A_532 : i32 to index
          %get3A_721 = arith.constant 496 : index
          %get3A_722 = tpu.vector_load %arg8[%get3A_720, %get3A_721] {strides = array<i32>} : memref<96x512xf32, #tpu.memory_space<vmem>>, vector<1x16xf32>,
          %get3A_723 = vector.shape_cast %get3A_722 : vector<1x16xf32> to vector<16xf32>
          %max3A_724 = arith.maximumf %while3A_564, %get3A_723 : vector<16xf32>
          scf.yield %max3A_569, %max3A_574, %max3A_579, %max3A_584, %max3A_589, %max3A_594, %max3A_599, %max3A_604, %max3A_609, %max3A_614, %max3A_619, %max3A_624, %max3A_629, %max3A_634, %max3A_639, %max3A_644, %max3A_649, %max3A_654, %max3A_659, %max3A_664, %max3A_669, %max3A_674, %max3A_679, %max3A_684, %max3A_689, %max3A_694, %max3A_699, %max3A_704, %max3A_709, %max3A_714, %max3A_719, %max3A_724 : vector<16xf32>, vector<16xf32>, vector<16xf32>, vector<16xf32>, vector<16xf32>, vector<16xf32>, vector<16xf32>, vector<16xf32>, vector<16xf32>, vector<16xf32>, vector<16xf32>, vector<16xf32>, vector<16xf32>, vector<16xf32>, vector<16xf32>, vector<16xf32>, vector<16xf32>, vector<16xf32>, vector<16xf32>, vector<16xf32>, vector<16xf32>, vector<16xf32>, vector<16xf32>, vector<16xf32>, vector<16xf32>, vector<16xf32>, vector<16xf32>, vector<16xf32>, vector<16xf32>, vector<16xf32>, vector<16xf32>, vector<16xf32>
        }
        %while3A_530 = arith.constant 1 : i32
        %while3A_531:32 = scf.for %while3A_532 = %while3A_527 to %while3A_523 step %while3A_530 iter_args(%while3A_533 = %while3A_529#0, %while3A_534 = %while3A_529#1, %while3A_535 = %while3A_529#2, %while3A_536 = %while3A_529#3, %while3A_537 = %while3A_529#4, %while3A_538 = %while3A_529#5, %while3A_539 = %while3A_529#6, %while3A_540 = %while3A_529#7, %while3A_541 = %while3A_529#8, %while3A_542 = %while3A_529#9, %while3A_543 = %while3A_529#10, %while3A_544 = %while3A_529#11, %while3A_545 = %while3A_529#12, %while3A_546 = %while3A_529#13, %while3A_547 = %while3A_529#14, %while3A_548 = %while3A_529#15, %while3A_549 = %while3A_529#16, %while3A_550 = %while3A_529#17, %while3A_551 = %while3A_529#18, %while3A_552 = %while3A_529#19, %while3A_553 = %while3A_529#20, %while3A_554 = %while3A_529#21, %while3A_555 = %while3A_529#22, %while3A_556 = %while3A_529#23, %while3A_557 = %while3A_529#24, %while3A_558 = %while3A_529#25, %while3A_559 = %while3A_529#26, %while3A_560 = %while3A_529#27, %while3A_561 = %while3A_529#28, %while3A_562 = %while3A_529#29, %while3A_563 = %while3A_529#30, %while3A_564 = %while3A_529#31) -> (vector<16xf32>, vector<16xf32>, vector<16xf32>, vector<16xf32>, vector<16xf32>, vector<16xf32>, vector<16xf32>, vector<16xf32>, vector<16xf32>, vector<16xf32>, vector<16xf32>, vector<16xf32>, vector<16xf32>, vector<16xf32>, vector<16xf32>, vector<16xf32>, vector<16xf32>, vector<16xf32>, vector<16xf32>, vector<16xf32>, vector<16xf32>, vector<16xf32>, vector<16xf32>, vector<16xf32>, vector<16xf32>, vector<16xf32>, vector<16xf32>, vector<16xf32>, vector<16xf32>, vector<16xf32>, vector<16xf32>, vector<16xf32>)  : i32 {
          %get3A_565 = arith.index_cast %while3A_532 : i32 to index
          %get3A_566 = arith.constant 0 : index
          %get3A_567 = tpu.vector_load %arg8[%get3A_565, %get3A_566] {strides = array<i32>} : memref<96x512xf32, #tpu.memory_space<vmem>>, vector<1x16xf32>,
          %get3A_568 = vector.shape_cast %get3A_567 : vector<1x16xf32> to vector<16xf32>
          %max3A_569 = arith.maximumf %while3A_533, %get3A_568 : vector<16xf32>
          %get3A_570 = arith.index_cast %while3A_532 : i32 to index
          %get3A_571 = arith.constant 16 : index
          %get3A_572 = tpu.vector_load %arg8[%get3A_570, %get3A_571] {strides = array<i32>} : memref<96x512xf32, #tpu.memory_space<vmem>>, vector<1x16xf32>,
          %get3A_573 = vector.shape_cast %get3A_572 : vector<1x16xf32> to vector<16xf32>
          %max3A_574 = arith.maximumf %while3A_534, %get3A_573 : vector<16xf32>
          %get3A_575 = arith.index_cast %while3A_532 : i32 to index
          %get3A_576 = arith.constant 32 : index
          %get3A_577 = tpu.vector_load %arg8[%get3A_575, %get3A_576] {strides = array<i32>} : memref<96x512xf32, #tpu.memory_space<vmem>>, vector<1x16xf32>,
          %get3A_578 = vector.shape_cast %get3A_577 : vector<1x16xf32> to vector<16xf32>
          %max3A_579 = arith.maximumf %while3A_535, %get3A_578 : vector<16xf32>
          %get3A_580 = arith.index_cast %while3A_532 : i32 to index
          %get3A_581 = arith.constant 48 : index
          %get3A_582 = tpu.vector_load %arg8[%get3A_580, %get3A_581] {strides = array<i32>} : memref<96x512xf32, #tpu.memory_space<vmem>>, vector<1x16xf32>,
          %get3A_583 = vector.shape_cast %get3A_582 : vector<1x16xf32> to vector<16xf32>
          %max3A_584 = arith.maximumf %while3A_536, %get3A_583 : vector<16xf32>
          %get3A_585 = arith.index_cast %while3A_532 : i32 to index
          %get3A_586 = arith.constant 64 : index
          %get3A_587 = tpu.vector_load %arg8[%get3A_585, %get3A_586] {strides = array<i32>} : memref<96x512xf32, #tpu.memory_space<vmem>>, vector<1x16xf32>,
          %get3A_588 = vector.shape_cast %get3A_587 : vector<1x16xf32> to vector<16xf32>
          %max3A_589 = arith.maximumf %while3A_537, %get3A_588 : vector<16xf32>
          %get3A_590 = arith.index_cast %while3A_532 : i32 to index
          %get3A_591 = arith.constant 80 : index
          %get3A_592 = tpu.vector_load %arg8[%get3A_590, %get3A_591] {strides = array<i32>} : memref<96x512xf32, #tpu.memory_space<vmem>>, vector<1x16xf32>,
          %get3A_593 = vector.shape_cast %get3A_592 : vector<1x16xf32> to vector<16xf32>
          %max3A_594 = arith.maximumf %while3A_538, %get3A_593 : vector<16xf32>
          %get3A_595 = arith.index_cast %while3A_532 : i32 to index
          %get3A_596 = arith.constant 96 : index
          %get3A_597 = tpu.vector_load %arg8[%get3A_595, %get3A_596] {strides = array<i32>} : memref<96x512xf32, #tpu.memory_space<vmem>>, vector<1x16xf32>,
          %get3A_598 = vector.shape_cast %get3A_597 : vector<1x16xf32> to vector<16xf32>
          %max3A_599 = arith.maximumf %while3A_539, %get3A_598 : vector<16xf32>
          %get3A_600 = arith.index_cast %while3A_532 : i32 to index
          %get3A_601 = arith.constant 112 : index
          %get3A_602 = tpu.vector_load %arg8[%get3A_600, %get3A_601] {strides = array<i32>} : memref<96x512xf32, #tpu.memory_space<vmem>>, vector<1x16xf32>,
          %get3A_603 = vector.shape_cast %get3A_602 : vector<1x16xf32> to vector<16xf32>
          %max3A_604 = arith.maximumf %while3A_540, %get3A_603 : vector<16xf32>
          %get3A_605 = arith.index_cast %while3A_532 : i32 to index
          %get3A_606 = arith.constant 128 : index
          %get3A_607 = tpu.vector_load %arg8[%get3A_605, %get3A_606] {strides = array<i32>} : memref<96x512xf32, #tpu.memory_space<vmem>>, vector<1x16xf32>,
          %get3A_608 = vector.shape_cast %get3A_607 : vector<1x16xf32> to vector<16xf32>
          %max3A_609 = arith.maximumf %while3A_541, %get3A_608 : vector<16xf32>
          %get3A_610 = arith.index_cast %while3A_532 : i32 to index
          %get3A_611 = arith.constant 144 : index
          %get3A_612 = tpu.vector_load %arg8[%get3A_610, %get3A_611] {strides = array<i32>} : memref<96x512xf32, #tpu.memory_space<vmem>>, vector<1x16xf32>,
          %get3A_613 = vector.shape_cast %get3A_612 : vector<1x16xf32> to vector<16xf32>
          %max3A_614 = arith.maximumf %while3A_542, %get3A_613 : vector<16xf32>
          %get3A_615 = arith.index_cast %while3A_532 : i32 to index
          %get3A_616 = arith.constant 160 : index
          %get3A_617 = tpu.vector_load %arg8[%get3A_615, %get3A_616] {strides = array<i32>} : memref<96x512xf32, #tpu.memory_space<vmem>>, vector<1x16xf32>,
          %get3A_618 = vector.shape_cast %get3A_617 : vector<1x16xf32> to vector<16xf32>
          %max3A_619 = arith.maximumf %while3A_543, %get3A_618 : vector<16xf32>
          %get3A_620 = arith.index_cast %while3A_532 : i32 to index
          %get3A_621 = arith.constant 176 : index
          %get3A_622 = tpu.vector_load %arg8[%get3A_620, %get3A_621] {strides = array<i32>} : memref<96x512xf32, #tpu.memory_space<vmem>>, vector<1x16xf32>,
          %get3A_623 = vector.shape_cast %get3A_622 : vector<1x16xf32> to vector<16xf32>
          %max3A_624 = arith.maximumf %while3A_544, %get3A_623 : vector<16xf32>
          %get3A_625 = arith.index_cast %while3A_532 : i32 to index
          %get3A_626 = arith.constant 192 : index
          %get3A_627 = tpu.vector_load %arg8[%get3A_625, %get3A_626] {strides = array<i32>} : memref<96x512xf32, #tpu.memory_space<vmem>>, vector<1x16xf32>,
          %get3A_628 = vector.shape_cast %get3A_627 : vector<1x16xf32> to vector<16xf32>
          %max3A_629 = arith.maximumf %while3A_545, %get3A_628 : vector<16xf32>
          %get3A_630 = arith.index_cast %while3A_532 : i32 to index
          %get3A_631 = arith.constant 208 : index
          %get3A_632 = tpu.vector_load %arg8[%get3A_630, %get3A_631] {strides = array<i32>} : memref<96x512xf32, #tpu.memory_space<vmem>>, vector<1x16xf32>,
          %get3A_633 = vector.shape_cast %get3A_632 : vector<1x16xf32> to vector<16xf32>
          %max3A_634 = arith.maximumf %while3A_546, %get3A_633 : vector<16xf32>
          %get3A_635 = arith.index_cast %while3A_532 : i32 to index
          %get3A_636 = arith.constant 224 : index
          %get3A_637 = tpu.vector_load %arg8[%get3A_635, %get3A_636] {strides = array<i32>} : memref<96x512xf32, #tpu.memory_space<vmem>>, vector<1x16xf32>,
          %get3A_638 = vector.shape_cast %get3A_637 : vector<1x16xf32> to vector<16xf32>
          %max3A_639 = arith.maximumf %while3A_547, %get3A_638 : vector<16xf32>
          %get3A_640 = arith.index_cast %while3A_532 : i32 to index
          %get3A_641 = arith.constant 240 : index
          %get3A_642 = tpu.vector_load %arg8[%get3A_640, %get3A_641] {strides = array<i32>} : memref<96x512xf32, #tpu.memory_space<vmem>>, vector<1x16xf32>,
          %get3A_643 = vector.shape_cast %get3A_642 : vector<1x16xf32> to vector<16xf32>
          %max3A_644 = arith.maximumf %while3A_548, %get3A_643 : vector<16xf32>
          %get3A_645 = arith.index_cast %while3A_532 : i32 to index
          %get3A_646 = arith.constant 256 : index
          %get3A_647 = tpu.vector_load %arg8[%get3A_645, %get3A_646] {strides = array<i32>} : memref<96x512xf32, #tpu.memory_space<vmem>>, vector<1x16xf32>,
          %get3A_648 = vector.shape_cast %get3A_647 : vector<1x16xf32> to vector<16xf32>
          %max3A_649 = arith.maximumf %while3A_549, %get3A_648 : vector<16xf32>
          %get3A_650 = arith.index_cast %while3A_532 : i32 to index
          %get3A_651 = arith.constant 272 : index
          %get3A_652 = tpu.vector_load %arg8[%get3A_650, %get3A_651] {strides = array<i32>} : memref<96x512xf32, #tpu.memory_space<vmem>>, vector<1x16xf32>,
          %get3A_653 = vector.shape_cast %get3A_652 : vector<1x16xf32> to vector<16xf32>
          %max3A_654 = arith.maximumf %while3A_550, %get3A_653 : vector<16xf32>
          %get3A_655 = arith.index_cast %while3A_532 : i32 to index
          %get3A_656 = arith.constant 288 : index
          %get3A_657 = tpu.vector_load %arg8[%get3A_655, %get3A_656] {strides = array<i32>} : memref<96x512xf32, #tpu.memory_space<vmem>>, vector<1x16xf32>,
          %get3A_658 = vector.shape_cast %get3A_657 : vector<1x16xf32> to vector<16xf32>
          %max3A_659 = arith.maximumf %while3A_551, %get3A_658 : vector<16xf32>
          %get3A_660 = arith.index_cast %while3A_532 : i32 to index
          %get3A_661 = arith.constant 304 : index
          %get3A_662 = tpu.vector_load %arg8[%get3A_660, %get3A_661] {strides = array<i32>} : memref<96x512xf32, #tpu.memory_space<vmem>>, vector<1x16xf32>,
          %get3A_663 = vector.shape_cast %get3A_662 : vector<1x16xf32> to vector<16xf32>
          %max3A_664 = arith.maximumf %while3A_552, %get3A_663 : vector<16xf32>
          %get3A_665 = arith.index_cast %while3A_532 : i32 to index
          %get3A_666 = arith.constant 320 : index
          %get3A_667 = tpu.vector_load %arg8[%get3A_665, %get3A_666] {strides = array<i32>} : memref<96x512xf32, #tpu.memory_space<vmem>>, vector<1x16xf32>,
          %get3A_668 = vector.shape_cast %get3A_667 : vector<1x16xf32> to vector<16xf32>
          %max3A_669 = arith.maximumf %while3A_553, %get3A_668 : vector<16xf32>
          %get3A_670 = arith.index_cast %while3A_532 : i32 to index
          %get3A_671 = arith.constant 336 : index
          %get3A_672 = tpu.vector_load %arg8[%get3A_670, %get3A_671] {strides = array<i32>} : memref<96x512xf32, #tpu.memory_space<vmem>>, vector<1x16xf32>,
          %get3A_673 = vector.shape_cast %get3A_672 : vector<1x16xf32> to vector<16xf32>
          %max3A_674 = arith.maximumf %while3A_554, %get3A_673 : vector<16xf32>
          %get3A_675 = arith.index_cast %while3A_532 : i32 to index
          %get3A_676 = arith.constant 352 : index
          %get3A_677 = tpu.vector_load %arg8[%get3A_675, %get3A_676] {strides = array<i32>} : memref<96x512xf32, #tpu.memory_space<vmem>>, vector<1x16xf32>,
          %get3A_678 = vector.shape_cast %get3A_677 : vector<1x16xf32> to vector<16xf32>
          %max3A_679 = arith.maximumf %while3A_555, %get3A_678 : vector<16xf32>
          %get3A_680 = arith.index_cast %while3A_532 : i32 to index
          %get3A_681 = arith.constant 368 : index
          %get3A_682 = tpu.vector_load %arg8[%get3A_680, %get3A_681] {strides = array<i32>} : memref<96x512xf32, #tpu.memory_space<vmem>>, vector<1x16xf32>,
          %get3A_683 = vector.shape_cast %get3A_682 : vector<1x16xf32> to vector<16xf32>
          %max3A_684 = arith.maximumf %while3A_556, %get3A_683 : vector<16xf32>
          %get3A_685 = arith.index_cast %while3A_532 : i32 to index
          %get3A_686 = arith.constant 384 : index
          %get3A_687 = tpu.vector_load %arg8[%get3A_685, %get3A_686] {strides = array<i32>} : memref<96x512xf32, #tpu.memory_space<vmem>>, vector<1x16xf32>,
          %get3A_688 = vector.shape_cast %get3A_687 : vector<1x16xf32> to vector<16xf32>
          %max3A_689 = arith.maximumf %while3A_557, %get3A_688 : vector<16xf32>
          %get3A_690 = arith.index_cast %while3A_532 : i32 to index
          %get3A_691 = arith.constant 400 : index
          %get3A_692 = tpu.vector_load %arg8[%get3A_690, %get3A_691] {strides = array<i32>} : memref<96x512xf32, #tpu.memory_space<vmem>>, vector<1x16xf32>,
          %get3A_693 = vector.shape_cast %get3A_692 : vector<1x16xf32> to vector<16xf32>
          %max3A_694 = arith.maximumf %while3A_558, %get3A_693 : vector<16xf32>
          %get3A_695 = arith.index_cast %while3A_532 : i32 to index
          %get3A_696 = arith.constant 416 : index
          %get3A_697 = tpu.vector_load %arg8[%get3A_695, %get3A_696] {strides = array<i32>} : memref<96x512xf32, #tpu.memory_space<vmem>>, vector<1x16xf32>,
          %get3A_698 = vector.shape_cast %get3A_697 : vector<1x16xf32> to vector<16xf32>
          %max3A_699 = arith.maximumf %while3A_559, %get3A_698 : vector<16xf32>
          %get3A_700 = arith.index_cast %while3A_532 : i32 to index
          %get3A_701 = arith.constant 432 : index
          %get3A_702 = tpu.vector_load %arg8[%get3A_700, %get3A_701] {strides = array<i32>} : memref<96x512xf32, #tpu.memory_space<vmem>>, vector<1x16xf32>,
          %get3A_703 = vector.shape_cast %get3A_702 : vector<1x16xf32> to vector<16xf32>
          %max3A_704 = arith.maximumf %while3A_560, %get3A_703 : vector<16xf32>
          %get3A_705 = arith.index_cast %while3A_532 : i32 to index
          %get3A_706 = arith.constant 448 : index
          %get3A_707 = tpu.vector_load %arg8[%get3A_705, %get3A_706] {strides = array<i32>} : memref<96x512xf32, #tpu.memory_space<vmem>>, vector<1x16xf32>,
          %get3A_708 = vector.shape_cast %get3A_707 : vector<1x16xf32> to vector<16xf32>
          %max3A_709 = arith.maximumf %while3A_561, %get3A_708 : vector<16xf32>
          %get3A_710 = arith.index_cast %while3A_532 : i32 to index
          %get3A_711 = arith.constant 464 : index
          %get3A_712 = tpu.vector_load %arg8[%get3A_710, %get3A_711] {strides = array<i32>} : memref<96x512xf32, #tpu.memory_space<vmem>>, vector<1x16xf32>,
          %get3A_713 = vector.shape_cast %get3A_712 : vector<1x16xf32> to vector<16xf32>
          %max3A_714 = arith.maximumf %while3A_562, %get3A_713 : vector<16xf32>
          %get3A_715 = arith.index_cast %while3A_532 : i32 to index
          %get3A_716 = arith.constant 480 : index
          %get3A_717 = tpu.vector_load %arg8[%get3A_715, %get3A_716] {strides = array<i32>} : memref<96x512xf32, #tpu.memory_space<vmem>>, vector<1x16xf32>,
          %get3A_718 = vector.shape_cast %get3A_717 : vector<1x16xf32> to vector<16xf32>
          %max3A_719 = arith.maximumf %while3A_563, %get3A_718 : vector<16xf32>
          %get3A_720 = arith.index_cast %while3A_532 : i32 to index
          %get3A_721 = arith.constant 496 : index
          %get3A_722 = tpu.vector_load %arg8[%get3A_720, %get3A_721] {strides = array<i32>} : memref<96x512xf32, #tpu.memory_space<vmem>>, vector<1x16xf32>,
          %get3A_723 = vector.shape_cast %get3A_722 : vector<1x16xf32> to vector<16xf32>
          %max3A_724 = arith.maximumf %while3A_564, %get3A_723 : vector<16xf32>
          scf.yield %max3A_569, %max3A_574, %max3A_579, %max3A_584, %max3A_589, %max3A_594, %max3A_599, %max3A_604, %max3A_609, %max3A_614, %max3A_619, %max3A_624, %max3A_629, %max3A_634, %max3A_639, %max3A_644, %max3A_649, %max3A_654, %max3A_659, %max3A_664, %max3A_669, %max3A_674, %max3A_679, %max3A_684, %max3A_689, %max3A_694, %max3A_699, %max3A_704, %max3A_709, %max3A_714, %max3A_719, %max3A_724 : vector<16xf32>, vector<16xf32>, vector<16xf32>, vector<16xf32>, vector<16xf32>, vector<16xf32>, vector<16xf32>, vector<16xf32>, vector<16xf32>, vector<16xf32>, vector<16xf32>, vector<16xf32>, vector<16xf32>, vector<16xf32>, vector<16xf32>, vector<16xf32>, vector<16xf32>, vector<16xf32>, vector<16xf32>, vector<16xf32>, vector<16xf32>, vector<16xf32>, vector<16xf32>, vector<16xf32>, vector<16xf32>, vector<16xf32>, vector<16xf32>, vector<16xf32>, vector<16xf32>, vector<16xf32>, vector<16xf32>, vector<16xf32>
        }
        scf.yield %while3A_531#0, %while3A_531#1, %while3A_531#2, %while3A_531#3, %while3A_531#4, %while3A_531#5, %while3A_531#6, %while3A_531#7, %while3A_531#8, %while3A_531#9, %while3A_531#10, %while3A_531#11, %while3A_531#12, %while3A_531#13, %while3A_531#14, %while3A_531#15, %while3A_531#16, %while3A_531#17, %while3A_531#18, %while3A_531#19, %while3A_531#20, %while3A_531#21, %while3A_531#22, %while3A_531#23, %while3A_531#24, %while3A_531#25, %while3A_531#26, %while3A_531#27, %while3A_531#28, %while3A_531#29, %while3A_531#30, %while3A_531#31 : vector<16xf32>, vector<16xf32>, vector<16xf32>, vector<16xf32>, vector<16xf32>, vector<16xf32>, vector<16xf32>, vector<16xf32>, vector<16xf32>, vector<16xf32>, vector<16xf32>, vector<16xf32>, vector<16xf32>, vector<16xf32>, vector<16xf32>, vector<16xf32>, vector<16xf32>, vector<16xf32>, vector<16xf32>, vector<16xf32>, vector<16xf32>, vector<16xf32>, vector<16xf32>, vector<16xf32>, vector<16xf32>, vector<16xf32>, vector<16xf32>, vector<16xf32>, vector<16xf32>, vector<16xf32>, vector<16xf32>, vector<16xf32>
      }
      %while3A_264 = arith.constant 1 : i32
      %while3A_265:32 = scf.for %while3A_402 = %while3A_261 to %while3A_257 step %while3A_264 iter_args(%while3A_403 = %while3A_263#0, %while3A_404 = %while3A_263#1, %while3A_405 = %while3A_263#2, %while3A_406 = %while3A_263#3, %while3A_407 = %while3A_263#4, %while3A_408 = %while3A_263#5, %while3A_409 = %while3A_263#6, %while3A_410 = %while3A_263#7, %while3A_411 = %while3A_263#8, %while3A_412 = %while3A_263#9, %while3A_413 = %while3A_263#10, %while3A_414 = %while3A_263#11, %while3A_415 = %while3A_263#12, %while3A_416 = %while3A_263#13, %while3A_417 = %while3A_263#14, %while3A_418 = %while3A_263#15, %while3A_419 = %while3A_263#16, %while3A_420 = %while3A_263#17, %while3A_421 = %while3A_263#18, %while3A_422 = %while3A_263#19, %while3A_423 = %while3A_263#20, %while3A_424 = %while3A_263#21, %while3A_425 = %while3A_263#22, %while3A_426 = %while3A_263#23, %while3A_427 = %while3A_263#24, %while3A_428 = %while3A_263#25, %while3A_429 = %while3A_263#26, %while3A_430 = %while3A_263#27, %while3A_431 = %while3A_263#28, %while3A_432 = %while3A_263#29, %while3A_433 = %while3A_263#30, %while3A_434 = %while3A_263#31) -> (vector<16xf32>, vector<16xf32>, vector<16xf32>, vector<16xf32>, vector<16xf32>, vector<16xf32>, vector<16xf32>, vector<16xf32>, vector<16xf32>, vector<16xf32>, vector<16xf32>, vector<16xf32>, vector<16xf32>, vector<16xf32>, vector<16xf32>, vector<16xf32>, vector<16xf32>, vector<16xf32>, vector<16xf32>, vector<16xf32>, vector<16xf32>, vector<16xf32>, vector<16xf32>, vector<16xf32>, vector<16xf32>, vector<16xf32>, vector<16xf32>, vector<16xf32>, vector<16xf32>, vector<16xf32>, vector<16xf32>, vector<16xf32>)  : i32 {
        %mul3A_435 = arith.constant 2 : i32
        %mul3A_436 = arith.muli %mul3A_435, %while3A_402 : i32
        %mul3A_437 = arith.constant 96 : i32
        %mul3A_438 = arith.muli %mul3A_436, %mul3A_437 : i32
        %add3A_439 = arith.addi %mul3A_188, %mul3A_438 : i32
        %min3A_440 = arith.constant 99904 : i32
        %min3A_441 = arith.minsi %add3A_439, %min3A_440 : i32
        %dma_wait3A = arith.constant 0 : i32
        %dma_wait3A_442 = tpu.memref_slice %arg2[%min3A_441, %dma_wait3A] : memref<100000x512xf32, #tpu.memory_space<hbm>> -> memref<96x512xf32, #tpu.memory_space<hbm>>
        %dma_wait3A_443 = arith.constant 0 : i32
        %dma_wait3A_444 = tpu.memref_slice %arg2[%min3A_441, %dma_wait3A_443] : memref<100000x512xf32, #tpu.memory_space<hbm>> -> memref<96x512xf32, #tpu.memory_space<hbm>>
        tpu.wait_dma2 semaphore(%arg12 : memref<!tpu.dma_semaphore, #tpu.memory_space<semaphore_mem>>) src(%dma_wait3A_444 : memref<96x512xf32, #tpu.memory_space<hbm>>) dst(%arg7 : memref<96x512xf32, #tpu.memory_space<vmem>>)
        %add3A_445 = arith.constant 1 : i32
        %add3A_446 = arith.addi %mul3A_436, %add3A_445 : i32
        %mul3A_447 = arith.constant 96 : i32
        %mul3A_448 = arith.muli %add3A_446, %mul3A_447 : i32
        %add3A_449 = arith.addi %mul3A_188, %mul3A_448 : i32
        %min3A_450 = arith.constant 99904 : i32
        %min3A_451 = arith.minsi %add3A_449, %min3A_450 : i32
        %dma_start3A_452 = arith.constant 0 : i32
        %dma_start3A_453 = tpu.memref_slice %arg2[%min3A_451, %dma_start3A_452] : memref<100000x512xf32, #tpu.memory_space<hbm>> -> memref<96x512xf32, #tpu.memory_space<hbm>>
        %dma_start3A_454 = arith.constant 0 : i32
        %dma_start3A_455 = tpu.memref_slice %arg2[%min3A_451, %dma_start3A_454] : memref<100000x512xf32, #tpu.memory_space<hbm>> -> memref<96x512xf32, #tpu.memory_space<hbm>>
        tpu.enqueue_dma source(%dma_start3A_455 : memref<96x512xf32, #tpu.memory_space<hbm>>) target(%arg8 : memref<96x512xf32, #tpu.memory_space<vmem>>) target_semaphore(%arg13 : memref<!tpu.dma_semaphore, #tpu.memory_space<semaphore_mem>>)
        %mul3A_456 = arith.constant 96 : i32
        %mul3A_457 = arith.muli %mul3A_436, %mul3A_456 : i32
        %add3A_458 = arith.addi %mul3A_188, %mul3A_457 : i32
        %mul3A_459 = arith.constant 96 : i32
        %mul3A_460 = arith.muli %mul3A_436, %mul3A_459 : i32
        %add3A_461 = arith.addi %mul3A_188, %mul3A_460 : i32
        %min3A_462 = arith.constant 99904 : i32
        %min3A_463 = arith.minsi %add3A_461, %min3A_462 : i32
        %sub3A_464 = arith.subi %add3A_458, %min3A_463 : i32
        %sub3A_465 = arith.subi %max3A, %add3A_458 : i32
        %max3A_466 = arith.constant 0 : i32
        %max3A_467 = arith.maxsi %sub3A_465, %max3A_466 : i32
        %add3A_468 = arith.addi %sub3A_464, %max3A_467 : i32
        %sub3A_469 = arith.subi %min3A, %add3A_458 : i32
        %min3A_470 = arith.constant 96 : i32
        %min3A_471 = arith.minsi %sub3A_469, %min3A_470 : i32
        %max3A_472 = arith.constant 0 : i32
        %max3A_473 = arith.maxsi %min3A_471, %max3A_472 : i32
        %add3A_474 = arith.addi %sub3A_464, %max3A_473 : i32
        %while3A_475 = arith.subi %add3A_474, %add3A_468 : i32
        %while3A_476 = arith.addi %add3A_468, %while3A_475 : i32
        %while3A_477 = arith.constant 1 : i32
        %while3A_478 = arith.divsi %while3A_475, %while3A_477 : i32
        %while3A_479 = arith.muli %while3A_478, %while3A_477 : i32
        %while3A_480 = arith.addi %add3A_468, %while3A_479 : i32
        %while3A_481 = arith.constant 1 : i32
        %while3A_482:32 = scf.for %while3A_532 = %add3A_468 to %while3A_480 step %while3A_481 iter_args(%while3A_533 = %while3A_403, %while3A_534 = %while3A_404, %while3A_535 = %while3A_405, %while3A_536 = %while3A_406, %while3A_537 = %while3A_407, %while3A_538 = %while3A_408, %while3A_539 = %while3A_409, %while3A_540 = %while3A_410, %while3A_541 = %while3A_411, %while3A_542 = %while3A_412, %while3A_543 = %while3A_413, %while3A_544 = %while3A_414, %while3A_545 = %while3A_415, %while3A_546 = %while3A_416, %while3A_547 = %while3A_417, %while3A_548 = %while3A_418, %while3A_549 = %while3A_419, %while3A_550 = %while3A_420, %while3A_551 = %while3A_421, %while3A_552 = %while3A_422, %while3A_553 = %while3A_423, %while3A_554 = %while3A_424, %while3A_555 = %while3A_425, %while3A_556 = %while3A_426, %while3A_557 = %while3A_427, %while3A_558 = %while3A_428, %while3A_559 = %while3A_429, %while3A_560 = %while3A_430, %while3A_561 = %while3A_431, %while3A_562 = %while3A_432, %while3A_563 = %while3A_433, %while3A_564 = %while3A_434) -> (vector<16xf32>, vector<16xf32>, vector<16xf32>, vector<16xf32>, vector<16xf32>, vector<16xf32>, vector<16xf32>, vector<16xf32>, vector<16xf32>, vector<16xf32>, vector<16xf32>, vector<16xf32>, vector<16xf32>, vector<16xf32>, vector<16xf32>, vector<16xf32>, vector<16xf32>, vector<16xf32>, vector<16xf32>, vector<16xf32>, vector<16xf32>, vector<16xf32>, vector<16xf32>, vector<16xf32>, vector<16xf32>, vector<16xf32>, vector<16xf32>, vector<16xf32>, vector<16xf32>, vector<16xf32>, vector<16xf32>, vector<16xf32>)  : i32 {
          %get3A_565 = arith.index_cast %while3A_532 : i32 to index
          %get3A_566 = arith.constant 0 : index
          %get3A_567 = tpu.vector_load %arg7[%get3A_565, %get3A_566] {strides = array<i32>} : memref<96x512xf32, #tpu.memory_space<vmem>>, vector<1x16xf32>,
          %get3A_568 = vector.shape_cast %get3A_567 : vector<1x16xf32> to vector<16xf32>
          %max3A_569 = arith.maximumf %while3A_533, %get3A_568 : vector<16xf32>
          %get3A_570 = arith.index_cast %while3A_532 : i32 to index
          %get3A_571 = arith.constant 16 : index
          %get3A_572 = tpu.vector_load %arg7[%get3A_570, %get3A_571] {strides = array<i32>} : memref<96x512xf32, #tpu.memory_space<vmem>>, vector<1x16xf32>,
          %get3A_573 = vector.shape_cast %get3A_572 : vector<1x16xf32> to vector<16xf32>
          %max3A_574 = arith.maximumf %while3A_534, %get3A_573 : vector<16xf32>
          %get3A_575 = arith.index_cast %while3A_532 : i32 to index
          %get3A_576 = arith.constant 32 : index
          %get3A_577 = tpu.vector_load %arg7[%get3A_575, %get3A_576] {strides = array<i32>} : memref<96x512xf32, #tpu.memory_space<vmem>>, vector<1x16xf32>,
          %get3A_578 = vector.shape_cast %get3A_577 : vector<1x16xf32> to vector<16xf32>
          %max3A_579 = arith.maximumf %while3A_535, %get3A_578 : vector<16xf32>
          %get3A_580 = arith.index_cast %while3A_532 : i32 to index
          %get3A_581 = arith.constant 48 : index
          %get3A_582 = tpu.vector_load %arg7[%get3A_580, %get3A_581] {strides = array<i32>} : memref<96x512xf32, #tpu.memory_space<vmem>>, vector<1x16xf32>,
          %get3A_583 = vector.shape_cast %get3A_582 : vector<1x16xf32> to vector<16xf32>
          %max3A_584 = arith.maximumf %while3A_536, %get3A_583 : vector<16xf32>
          %get3A_585 = arith.index_cast %while3A_532 : i32 to index
          %get3A_586 = arith.constant 64 : index
          %get3A_587 = tpu.vector_load %arg7[%get3A_585, %get3A_586] {strides = array<i32>} : memref<96x512xf32, #tpu.memory_space<vmem>>, vector<1x16xf32>,
          %get3A_588 = vector.shape_cast %get3A_587 : vector<1x16xf32> to vector<16xf32>
          %max3A_589 = arith.maximumf %while3A_537, %get3A_588 : vector<16xf32>
          %get3A_590 = arith.index_cast %while3A_532 : i32 to index
          %get3A_591 = arith.constant 80 : index
          %get3A_592 = tpu.vector_load %arg7[%get3A_590, %get3A_591] {strides = array<i32>} : memref<96x512xf32, #tpu.memory_space<vmem>>, vector<1x16xf32>,
          %get3A_593 = vector.shape_cast %get3A_592 : vector<1x16xf32> to vector<16xf32>
          %max3A_594 = arith.maximumf %while3A_538, %get3A_593 : vector<16xf32>
          %get3A_595 = arith.index_cast %while3A_532 : i32 to index
          %get3A_596 = arith.constant 96 : index
          %get3A_597 = tpu.vector_load %arg7[%get3A_595, %get3A_596] {strides = array<i32>} : memref<96x512xf32, #tpu.memory_space<vmem>>, vector<1x16xf32>,
          %get3A_598 = vector.shape_cast %get3A_597 : vector<1x16xf32> to vector<16xf32>
          %max3A_599 = arith.maximumf %while3A_539, %get3A_598 : vector<16xf32>
          %get3A_600 = arith.index_cast %while3A_532 : i32 to index
          %get3A_601 = arith.constant 112 : index
          %get3A_602 = tpu.vector_load %arg7[%get3A_600, %get3A_601] {strides = array<i32>} : memref<96x512xf32, #tpu.memory_space<vmem>>, vector<1x16xf32>,
          %get3A_603 = vector.shape_cast %get3A_602 : vector<1x16xf32> to vector<16xf32>
          %max3A_604 = arith.maximumf %while3A_540, %get3A_603 : vector<16xf32>
          %get3A_605 = arith.index_cast %while3A_532 : i32 to index
          %get3A_606 = arith.constant 128 : index
          %get3A_607 = tpu.vector_load %arg7[%get3A_605, %get3A_606] {strides = array<i32>} : memref<96x512xf32, #tpu.memory_space<vmem>>, vector<1x16xf32>,
          %get3A_608 = vector.shape_cast %get3A_607 : vector<1x16xf32> to vector<16xf32>
          %max3A_609 = arith.maximumf %while3A_541, %get3A_608 : vector<16xf32>
          %get3A_610 = arith.index_cast %while3A_532 : i32 to index
          %get3A_611 = arith.constant 144 : index
          %get3A_612 = tpu.vector_load %arg7[%get3A_610, %get3A_611] {strides = array<i32>} : memref<96x512xf32, #tpu.memory_space<vmem>>, vector<1x16xf32>,
          %get3A_613 = vector.shape_cast %get3A_612 : vector<1x16xf32> to vector<16xf32>
          %max3A_614 = arith.maximumf %while3A_542, %get3A_613 : vector<16xf32>
          %get3A_615 = arith.index_cast %while3A_532 : i32 to index
          %get3A_616 = arith.constant 160 : index
          %get3A_617 = tpu.vector_load %arg7[%get3A_615, %get3A_616] {strides = array<i32>} : memref<96x512xf32, #tpu.memory_space<vmem>>, vector<1x16xf32>,
          %get3A_618 = vector.shape_cast %get3A_617 : vector<1x16xf32> to vector<16xf32>
          %max3A_619 = arith.maximumf %while3A_543, %get3A_618 : vector<16xf32>
          %get3A_620 = arith.index_cast %while3A_532 : i32 to index
          %get3A_621 = arith.constant 176 : index
          %get3A_622 = tpu.vector_load %arg7[%get3A_620, %get3A_621] {strides = array<i32>} : memref<96x512xf32, #tpu.memory_space<vmem>>, vector<1x16xf32>,
          %get3A_623 = vector.shape_cast %get3A_622 : vector<1x16xf32> to vector<16xf32>
          %max3A_624 = arith.maximumf %while3A_544, %get3A_623 : vector<16xf32>
          %get3A_625 = arith.index_cast %while3A_532 : i32 to index
          %get3A_626 = arith.constant 192 : index
          %get3A_627 = tpu.vector_load %arg7[%get3A_625, %get3A_626] {strides = array<i32>} : memref<96x512xf32, #tpu.memory_space<vmem>>, vector<1x16xf32>,
          %get3A_628 = vector.shape_cast %get3A_627 : vector<1x16xf32> to vector<16xf32>
          %max3A_629 = arith.maximumf %while3A_545, %get3A_628 : vector<16xf32>
          %get3A_630 = arith.index_cast %while3A_532 : i32 to index
          %get3A_631 = arith.constant 208 : index
          %get3A_632 = tpu.vector_load %arg7[%get3A_630, %get3A_631] {strides = array<i32>} : memref<96x512xf32, #tpu.memory_space<vmem>>, vector<1x16xf32>,
          %get3A_633 = vector.shape_cast %get3A_632 : vector<1x16xf32> to vector<16xf32>
          %max3A_634 = arith.maximumf %while3A_546, %get3A_633 : vector<16xf32>
          %get3A_635 = arith.index_cast %while3A_532 : i32 to index
          %get3A_636 = arith.constant 224 : index
          %get3A_637 = tpu.vector_load %arg7[%get3A_635, %get3A_636] {strides = array<i32>} : memref<96x512xf32, #tpu.memory_space<vmem>>, vector<1x16xf32>,
          %get3A_638 = vector.shape_cast %get3A_637 : vector<1x16xf32> to vector<16xf32>
          %max3A_639 = arith.maximumf %while3A_547, %get3A_638 : vector<16xf32>
          %get3A_640 = arith.index_cast %while3A_532 : i32 to index
          %get3A_641 = arith.constant 240 : index
          %get3A_642 = tpu.vector_load %arg7[%get3A_640, %get3A_641] {strides = array<i32>} : memref<96x512xf32, #tpu.memory_space<vmem>>, vector<1x16xf32>,
          %get3A_643 = vector.shape_cast %get3A_642 : vector<1x16xf32> to vector<16xf32>
          %max3A_644 = arith.maximumf %while3A_548, %get3A_643 : vector<16xf32>
          %get3A_645 = arith.index_cast %while3A_532 : i32 to index
          %get3A_646 = arith.constant 256 : index
          %get3A_647 = tpu.vector_load %arg7[%get3A_645, %get3A_646] {strides = array<i32>} : memref<96x512xf32, #tpu.memory_space<vmem>>, vector<1x16xf32>,
          %get3A_648 = vector.shape_cast %get3A_647 : vector<1x16xf32> to vector<16xf32>
          %max3A_649 = arith.maximumf %while3A_549, %get3A_648 : vector<16xf32>
          %get3A_650 = arith.index_cast %while3A_532 : i32 to index
          %get3A_651 = arith.constant 272 : index
          %get3A_652 = tpu.vector_load %arg7[%get3A_650, %get3A_651] {strides = array<i32>} : memref<96x512xf32, #tpu.memory_space<vmem>>, vector<1x16xf32>,
          %get3A_653 = vector.shape_cast %get3A_652 : vector<1x16xf32> to vector<16xf32>
          %max3A_654 = arith.maximumf %while3A_550, %get3A_653 : vector<16xf32>
          %get3A_655 = arith.index_cast %while3A_532 : i32 to index
          %get3A_656 = arith.constant 288 : index
          %get3A_657 = tpu.vector_load %arg7[%get3A_655, %get3A_656] {strides = array<i32>} : memref<96x512xf32, #tpu.memory_space<vmem>>, vector<1x16xf32>,
          %get3A_658 = vector.shape_cast %get3A_657 : vector<1x16xf32> to vector<16xf32>
          %max3A_659 = arith.maximumf %while3A_551, %get3A_658 : vector<16xf32>
          %get3A_660 = arith.index_cast %while3A_532 : i32 to index
          %get3A_661 = arith.constant 304 : index
          %get3A_662 = tpu.vector_load %arg7[%get3A_660, %get3A_661] {strides = array<i32>} : memref<96x512xf32, #tpu.memory_space<vmem>>, vector<1x16xf32>,
          %get3A_663 = vector.shape_cast %get3A_662 : vector<1x16xf32> to vector<16xf32>
          %max3A_664 = arith.maximumf %while3A_552, %get3A_663 : vector<16xf32>
          %get3A_665 = arith.index_cast %while3A_532 : i32 to index
          %get3A_666 = arith.constant 320 : index
          %get3A_667 = tpu.vector_load %arg7[%get3A_665, %get3A_666] {strides = array<i32>} : memref<96x512xf32, #tpu.memory_space<vmem>>, vector<1x16xf32>,
          %get3A_668 = vector.shape_cast %get3A_667 : vector<1x16xf32> to vector<16xf32>
          %max3A_669 = arith.maximumf %while3A_553, %get3A_668 : vector<16xf32>
          %get3A_670 = arith.index_cast %while3A_532 : i32 to index
          %get3A_671 = arith.constant 336 : index
          %get3A_672 = tpu.vector_load %arg7[%get3A_670, %get3A_671] {strides = array<i32>} : memref<96x512xf32, #tpu.memory_space<vmem>>, vector<1x16xf32>,
          %get3A_673 = vector.shape_cast %get3A_672 : vector<1x16xf32> to vector<16xf32>
          %max3A_674 = arith.maximumf %while3A_554, %get3A_673 : vector<16xf32>
          %get3A_675 = arith.index_cast %while3A_532 : i32 to index
          %get3A_676 = arith.constant 352 : index
          %get3A_677 = tpu.vector_load %arg7[%get3A_675, %get3A_676] {strides = array<i32>} : memref<96x512xf32, #tpu.memory_space<vmem>>, vector<1x16xf32>,
          %get3A_678 = vector.shape_cast %get3A_677 : vector<1x16xf32> to vector<16xf32>
          %max3A_679 = arith.maximumf %while3A_555, %get3A_678 : vector<16xf32>
          %get3A_680 = arith.index_cast %while3A_532 : i32 to index
          %get3A_681 = arith.constant 368 : index
          %get3A_682 = tpu.vector_load %arg7[%get3A_680, %get3A_681] {strides = array<i32>} : memref<96x512xf32, #tpu.memory_space<vmem>>, vector<1x16xf32>,
          %get3A_683 = vector.shape_cast %get3A_682 : vector<1x16xf32> to vector<16xf32>
          %max3A_684 = arith.maximumf %while3A_556, %get3A_683 : vector<16xf32>
          %get3A_685 = arith.index_cast %while3A_532 : i32 to index
          %get3A_686 = arith.constant 384 : index
          %get3A_687 = tpu.vector_load %arg7[%get3A_685, %get3A_686] {strides = array<i32>} : memref<96x512xf32, #tpu.memory_space<vmem>>, vector<1x16xf32>,
          %get3A_688 = vector.shape_cast %get3A_687 : vector<1x16xf32> to vector<16xf32>
          %max3A_689 = arith.maximumf %while3A_557, %get3A_688 : vector<16xf32>
          %get3A_690 = arith.index_cast %while3A_532 : i32 to index
          %get3A_691 = arith.constant 400 : index
          %get3A_692 = tpu.vector_load %arg7[%get3A_690, %get3A_691] {strides = array<i32>} : memref<96x512xf32, #tpu.memory_space<vmem>>, vector<1x16xf32>,
          %get3A_693 = vector.shape_cast %get3A_692 : vector<1x16xf32> to vector<16xf32>
          %max3A_694 = arith.maximumf %while3A_558, %get3A_693 : vector<16xf32>
          %get3A_695 = arith.index_cast %while3A_532 : i32 to index
          %get3A_696 = arith.constant 416 : index
          %get3A_697 = tpu.vector_load %arg7[%get3A_695, %get3A_696] {strides = array<i32>} : memref<96x512xf32, #tpu.memory_space<vmem>>, vector<1x16xf32>,
          %get3A_698 = vector.shape_cast %get3A_697 : vector<1x16xf32> to vector<16xf32>
          %max3A_699 = arith.maximumf %while3A_559, %get3A_698 : vector<16xf32>
          %get3A_700 = arith.index_cast %while3A_532 : i32 to index
          %get3A_701 = arith.constant 432 : index
          %get3A_702 = tpu.vector_load %arg7[%get3A_700, %get3A_701] {strides = array<i32>} : memref<96x512xf32, #tpu.memory_space<vmem>>, vector<1x16xf32>,
          %get3A_703 = vector.shape_cast %get3A_702 : vector<1x16xf32> to vector<16xf32>
          %max3A_704 = arith.maximumf %while3A_560, %get3A_703 : vector<16xf32>
          %get3A_705 = arith.index_cast %while3A_532 : i32 to index
          %get3A_706 = arith.constant 448 : index
          %get3A_707 = tpu.vector_load %arg7[%get3A_705, %get3A_706] {strides = array<i32>} : memref<96x512xf32, #tpu.memory_space<vmem>>, vector<1x16xf32>,
          %get3A_708 = vector.shape_cast %get3A_707 : vector<1x16xf32> to vector<16xf32>
          %max3A_709 = arith.maximumf %while3A_561, %get3A_708 : vector<16xf32>
          %get3A_710 = arith.index_cast %while3A_532 : i32 to index
          %get3A_711 = arith.constant 464 : index
          %get3A_712 = tpu.vector_load %arg7[%get3A_710, %get3A_711] {strides = array<i32>} : memref<96x512xf32, #tpu.memory_space<vmem>>, vector<1x16xf32>,
          %get3A_713 = vector.shape_cast %get3A_712 : vector<1x16xf32> to vector<16xf32>
          %max3A_714 = arith.maximumf %while3A_562, %get3A_713 : vector<16xf32>
          %get3A_715 = arith.index_cast %while3A_532 : i32 to index
          %get3A_716 = arith.constant 480 : index
          %get3A_717 = tpu.vector_load %arg7[%get3A_715, %get3A_716] {strides = array<i32>} : memref<96x512xf32, #tpu.memory_space<vmem>>, vector<1x16xf32>,
          %get3A_718 = vector.shape_cast %get3A_717 : vector<1x16xf32> to vector<16xf32>
          %max3A_719 = arith.maximumf %while3A_563, %get3A_718 : vector<16xf32>
          %get3A_720 = arith.index_cast %while3A_532 : i32 to index
          %get3A_721 = arith.constant 496 : index
          %get3A_722 = tpu.vector_load %arg7[%get3A_720, %get3A_721] {strides = array<i32>} : memref<96x512xf32, #tpu.memory_space<vmem>>, vector<1x16xf32>,
          %get3A_723 = vector.shape_cast %get3A_722 : vector<1x16xf32> to vector<16xf32>
          %max3A_724 = arith.maximumf %while3A_564, %get3A_723 : vector<16xf32>
          scf.yield %max3A_569, %max3A_574, %max3A_579, %max3A_584, %max3A_589, %max3A_594, %max3A_599, %max3A_604, %max3A_609, %max3A_614, %max3A_619, %max3A_624, %max3A_629, %max3A_634, %max3A_639, %max3A_644, %max3A_649, %max3A_654, %max3A_659, %max3A_664, %max3A_669, %max3A_674, %max3A_679, %max3A_684, %max3A_689, %max3A_694, %max3A_699, %max3A_704, %max3A_709, %max3A_714, %max3A_719, %max3A_724 : vector<16xf32>, vector<16xf32>, vector<16xf32>, vector<16xf32>, vector<16xf32>, vector<16xf32>, vector<16xf32>, vector<16xf32>, vector<16xf32>, vector<16xf32>, vector<16xf32>, vector<16xf32>, vector<16xf32>, vector<16xf32>, vector<16xf32>, vector<16xf32>, vector<16xf32>, vector<16xf32>, vector<16xf32>, vector<16xf32>, vector<16xf32>, vector<16xf32>, vector<16xf32>, vector<16xf32>, vector<16xf32>, vector<16xf32>, vector<16xf32>, vector<16xf32>, vector<16xf32>, vector<16xf32>, vector<16xf32>, vector<16xf32>
        }
        %while3A_483 = arith.constant 1 : i32
        %while3A_484:32 = scf.for %while3A_532 = %while3A_480 to %while3A_476 step %while3A_483 iter_args(%while3A_533 = %while3A_482#0, %while3A_534 = %while3A_482#1, %while3A_535 = %while3A_482#2, %while3A_536 = %while3A_482#3, %while3A_537 = %while3A_482#4, %while3A_538 = %while3A_482#5, %while3A_539 = %while3A_482#6, %while3A_540 = %while3A_482#7, %while3A_541 = %while3A_482#8, %while3A_542 = %while3A_482#9, %while3A_543 = %while3A_482#10, %while3A_544 = %while3A_482#11, %while3A_545 = %while3A_482#12, %while3A_546 = %while3A_482#13, %while3A_547 = %while3A_482#14, %while3A_548 = %while3A_482#15, %while3A_549 = %while3A_482#16, %while3A_550 = %while3A_482#17, %while3A_551 = %while3A_482#18, %while3A_552 = %while3A_482#19, %while3A_553 = %while3A_482#20, %while3A_554 = %while3A_482#21, %while3A_555 = %while3A_482#22, %while3A_556 = %while3A_482#23, %while3A_557 = %while3A_482#24, %while3A_558 = %while3A_482#25, %while3A_559 = %while3A_482#26, %while3A_560 = %while3A_482#27, %while3A_561 = %while3A_482#28, %while3A_562 = %while3A_482#29, %while3A_563 = %while3A_482#30, %while3A_564 = %while3A_482#31) -> (vector<16xf32>, vector<16xf32>, vector<16xf32>, vector<16xf32>, vector<16xf32>, vector<16xf32>, vector<16xf32>, vector<16xf32>, vector<16xf32>, vector<16xf32>, vector<16xf32>, vector<16xf32>, vector<16xf32>, vector<16xf32>, vector<16xf32>, vector<16xf32>, vector<16xf32>, vector<16xf32>, vector<16xf32>, vector<16xf32>, vector<16xf32>, vector<16xf32>, vector<16xf32>, vector<16xf32>, vector<16xf32>, vector<16xf32>, vector<16xf32>, vector<16xf32>, vector<16xf32>, vector<16xf32>, vector<16xf32>, vector<16xf32>)  : i32 {
          %get3A_565 = arith.index_cast %while3A_532 : i32 to index
          %get3A_566 = arith.constant 0 : index
          %get3A_567 = tpu.vector_load %arg7[%get3A_565, %get3A_566] {strides = array<i32>} : memref<96x512xf32, #tpu.memory_space<vmem>>, vector<1x16xf32>,
          %get3A_568 = vector.shape_cast %get3A_567 : vector<1x16xf32> to vector<16xf32>
          %max3A_569 = arith.maximumf %while3A_533, %get3A_568 : vector<16xf32>
          %get3A_570 = arith.index_cast %while3A_532 : i32 to index
          %get3A_571 = arith.constant 16 : index
          %get3A_572 = tpu.vector_load %arg7[%get3A_570, %get3A_571] {strides = array<i32>} : memref<96x512xf32, #tpu.memory_space<vmem>>, vector<1x16xf32>,
          %get3A_573 = vector.shape_cast %get3A_572 : vector<1x16xf32> to vector<16xf32>
          %max3A_574 = arith.maximumf %while3A_534, %get3A_573 : vector<16xf32>
          %get3A_575 = arith.index_cast %while3A_532 : i32 to index
          %get3A_576 = arith.constant 32 : index
          %get3A_577 = tpu.vector_load %arg7[%get3A_575, %get3A_576] {strides = array<i32>} : memref<96x512xf32, #tpu.memory_space<vmem>>, vector<1x16xf32>,
          %get3A_578 = vector.shape_cast %get3A_577 : vector<1x16xf32> to vector<16xf32>
          %max3A_579 = arith.maximumf %while3A_535, %get3A_578 : vector<16xf32>
          %get3A_580 = arith.index_cast %while3A_532 : i32 to index
          %get3A_581 = arith.constant 48 : index
          %get3A_582 = tpu.vector_load %arg7[%get3A_580, %get3A_581] {strides = array<i32>} : memref<96x512xf32, #tpu.memory_space<vmem>>, vector<1x16xf32>,
          %get3A_583 = vector.shape_cast %get3A_582 : vector<1x16xf32> to vector<16xf32>
          %max3A_584 = arith.maximumf %while3A_536, %get3A_583 : vector<16xf32>
          %get3A_585 = arith.index_cast %while3A_532 : i32 to index
          %get3A_586 = arith.constant 64 : index
          %get3A_587 = tpu.vector_load %arg7[%get3A_585, %get3A_586] {strides = array<i32>} : memref<96x512xf32, #tpu.memory_space<vmem>>, vector<1x16xf32>,
          %get3A_588 = vector.shape_cast %get3A_587 : vector<1x16xf32> to vector<16xf32>
          %max3A_589 = arith.maximumf %while3A_537, %get3A_588 : vector<16xf32>
          %get3A_590 = arith.index_cast %while3A_532 : i32 to index
          %get3A_591 = arith.constant 80 : index
          %get3A_592 = tpu.vector_load %arg7[%get3A_590, %get3A_591] {strides = array<i32>} : memref<96x512xf32, #tpu.memory_space<vmem>>, vector<1x16xf32>,
          %get3A_593 = vector.shape_cast %get3A_592 : vector<1x16xf32> to vector<16xf32>
          %max3A_594 = arith.maximumf %while3A_538, %get3A_593 : vector<16xf32>
          %get3A_595 = arith.index_cast %while3A_532 : i32 to index
          %get3A_596 = arith.constant 96 : index
          %get3A_597 = tpu.vector_load %arg7[%get3A_595, %get3A_596] {strides = array<i32>} : memref<96x512xf32, #tpu.memory_space<vmem>>, vector<1x16xf32>,
          %get3A_598 = vector.shape_cast %get3A_597 : vector<1x16xf32> to vector<16xf32>
          %max3A_599 = arith.maximumf %while3A_539, %get3A_598 : vector<16xf32>
          %get3A_600 = arith.index_cast %while3A_532 : i32 to index
          %get3A_601 = arith.constant 112 : index
          %get3A_602 = tpu.vector_load %arg7[%get3A_600, %get3A_601] {strides = array<i32>} : memref<96x512xf32, #tpu.memory_space<vmem>>, vector<1x16xf32>,
          %get3A_603 = vector.shape_cast %get3A_602 : vector<1x16xf32> to vector<16xf32>
          %max3A_604 = arith.maximumf %while3A_540, %get3A_603 : vector<16xf32>
          %get3A_605 = arith.index_cast %while3A_532 : i32 to index
          %get3A_606 = arith.constant 128 : index
          %get3A_607 = tpu.vector_load %arg7[%get3A_605, %get3A_606] {strides = array<i32>} : memref<96x512xf32, #tpu.memory_space<vmem>>, vector<1x16xf32>,
          %get3A_608 = vector.shape_cast %get3A_607 : vector<1x16xf32> to vector<16xf32>
          %max3A_609 = arith.maximumf %while3A_541, %get3A_608 : vector<16xf32>
          %get3A_610 = arith.index_cast %while3A_532 : i32 to index
          %get3A_611 = arith.constant 144 : index
          %get3A_612 = tpu.vector_load %arg7[%get3A_610, %get3A_611] {strides = array<i32>} : memref<96x512xf32, #tpu.memory_space<vmem>>, vector<1x16xf32>,
          %get3A_613 = vector.shape_cast %get3A_612 : vector<1x16xf32> to vector<16xf32>
          %max3A_614 = arith.maximumf %while3A_542, %get3A_613 : vector<16xf32>
          %get3A_615 = arith.index_cast %while3A_532 : i32 to index
          %get3A_616 = arith.constant 160 : index
          %get3A_617 = tpu.vector_load %arg7[%get3A_615, %get3A_616] {strides = array<i32>} : memref<96x512xf32, #tpu.memory_space<vmem>>, vector<1x16xf32>,
          %get3A_618 = vector.shape_cast %get3A_617 : vector<1x16xf32> to vector<16xf32>
          %max3A_619 = arith.maximumf %while3A_543, %get3A_618 : vector<16xf32>
          %get3A_620 = arith.index_cast %while3A_532 : i32 to index
          %get3A_621 = arith.constant 176 : index
          %get3A_622 = tpu.vector_load %arg7[%get3A_620, %get3A_621] {strides = array<i32>} : memref<96x512xf32, #tpu.memory_space<vmem>>, vector<1x16xf32>,
          %get3A_623 = vector.shape_cast %get3A_622 : vector<1x16xf32> to vector<16xf32>
          %max3A_624 = arith.maximumf %while3A_544, %get3A_623 : vector<16xf32>
          %get3A_625 = arith.index_cast %while3A_532 : i32 to index
          %get3A_626 = arith.constant 192 : index
          %get3A_627 = tpu.vector_load %arg7[%get3A_625, %get3A_626] {strides = array<i32>} : memref<96x512xf32, #tpu.memory_space<vmem>>, vector<1x16xf32>,
          %get3A_628 = vector.shape_cast %get3A_627 : vector<1x16xf32> to vector<16xf32>
          %max3A_629 = arith.maximumf %while3A_545, %get3A_628 : vector<16xf32>
          %get3A_630 = arith.index_cast %while3A_532 : i32 to index
          %get3A_631 = arith.constant 208 : index
          %get3A_632 = tpu.vector_load %arg7[%get3A_630, %get3A_631] {strides = array<i32>} : memref<96x512xf32, #tpu.memory_space<vmem>>, vector<1x16xf32>,
          %get3A_633 = vector.shape_cast %get3A_632 : vector<1x16xf32> to vector<16xf32>
          %max3A_634 = arith.maximumf %while3A_546, %get3A_633 : vector<16xf32>
          %get3A_635 = arith.index_cast %while3A_532 : i32 to index
          %get3A_636 = arith.constant 224 : index
          %get3A_637 = tpu.vector_load %arg7[%get3A_635, %get3A_636] {strides = array<i32>} : memref<96x512xf32, #tpu.memory_space<vmem>>, vector<1x16xf32>,
          %get3A_638 = vector.shape_cast %get3A_637 : vector<1x16xf32> to vector<16xf32>
          %max3A_639 = arith.maximumf %while3A_547, %get3A_638 : vector<16xf32>
          %get3A_640 = arith.index_cast %while3A_532 : i32 to index
          %get3A_641 = arith.constant 240 : index
          %get3A_642 = tpu.vector_load %arg7[%get3A_640, %get3A_641] {strides = array<i32>} : memref<96x512xf32, #tpu.memory_space<vmem>>, vector<1x16xf32>,
          %get3A_643 = vector.shape_cast %get3A_642 : vector<1x16xf32> to vector<16xf32>
          %max3A_644 = arith.maximumf %while3A_548, %get3A_643 : vector<16xf32>
          %get3A_645 = arith.index_cast %while3A_532 : i32 to index
          %get3A_646 = arith.constant 256 : index
          %get3A_647 = tpu.vector_load %arg7[%get3A_645, %get3A_646] {strides = array<i32>} : memref<96x512xf32, #tpu.memory_space<vmem>>, vector<1x16xf32>,
          %get3A_648 = vector.shape_cast %get3A_647 : vector<1x16xf32> to vector<16xf32>
          %max3A_649 = arith.maximumf %while3A_549, %get3A_648 : vector<16xf32>
          %get3A_650 = arith.index_cast %while3A_532 : i32 to index
          %get3A_651 = arith.constant 272 : index
          %get3A_652 = tpu.vector_load %arg7[%get3A_650, %get3A_651] {strides = array<i32>} : memref<96x512xf32, #tpu.memory_space<vmem>>, vector<1x16xf32>,
          %get3A_653 = vector.shape_cast %get3A_652 : vector<1x16xf32> to vector<16xf32>
          %max3A_654 = arith.maximumf %while3A_550, %get3A_653 : vector<16xf32>
          %get3A_655 = arith.index_cast %while3A_532 : i32 to index
          %get3A_656 = arith.constant 288 : index
          %get3A_657 = tpu.vector_load %arg7[%get3A_655, %get3A_656] {strides = array<i32>} : memref<96x512xf32, #tpu.memory_space<vmem>>, vector<1x16xf32>,
          %get3A_658 = vector.shape_cast %get3A_657 : vector<1x16xf32> to vector<16xf32>
          %max3A_659 = arith.maximumf %while3A_551, %get3A_658 : vector<16xf32>
          %get3A_660 = arith.index_cast %while3A_532 : i32 to index
          %get3A_661 = arith.constant 304 : index
          %get3A_662 = tpu.vector_load %arg7[%get3A_660, %get3A_661] {strides = array<i32>} : memref<96x512xf32, #tpu.memory_space<vmem>>, vector<1x16xf32>,
          %get3A_663 = vector.shape_cast %get3A_662 : vector<1x16xf32> to vector<16xf32>
          %max3A_664 = arith.maximumf %while3A_552, %get3A_663 : vector<16xf32>
          %get3A_665 = arith.index_cast %while3A_532 : i32 to index
          %get3A_666 = arith.constant 320 : index
          %get3A_667 = tpu.vector_load %arg7[%get3A_665, %get3A_666] {strides = array<i32>} : memref<96x512xf32, #tpu.memory_space<vmem>>, vector<1x16xf32>,
          %get3A_668 = vector.shape_cast %get3A_667 : vector<1x16xf32> to vector<16xf32>
          %max3A_669 = arith.maximumf %while3A_553, %get3A_668 : vector<16xf32>
          %get3A_670 = arith.index_cast %while3A_532 : i32 to index
          %get3A_671 = arith.constant 336 : index
          %get3A_672 = tpu.vector_load %arg7[%get3A_670, %get3A_671] {strides = array<i32>} : memref<96x512xf32, #tpu.memory_space<vmem>>, vector<1x16xf32>,
          %get3A_673 = vector.shape_cast %get3A_672 : vector<1x16xf32> to vector<16xf32>
          %max3A_674 = arith.maximumf %while3A_554, %get3A_673 : vector<16xf32>
          %get3A_675 = arith.index_cast %while3A_532 : i32 to index
          %get3A_676 = arith.constant 352 : index
          %get3A_677 = tpu.vector_load %arg7[%get3A_675, %get3A_676] {strides = array<i32>} : memref<96x512xf32, #tpu.memory_space<vmem>>, vector<1x16xf32>,
          %get3A_678 = vector.shape_cast %get3A_677 : vector<1x16xf32> to vector<16xf32>
          %max3A_679 = arith.maximumf %while3A_555, %get3A_678 : vector<16xf32>
          %get3A_680 = arith.index_cast %while3A_532 : i32 to index
          %get3A_681 = arith.constant 368 : index
          %get3A_682 = tpu.vector_load %arg7[%get3A_680, %get3A_681] {strides = array<i32>} : memref<96x512xf32, #tpu.memory_space<vmem>>, vector<1x16xf32>,
          %get3A_683 = vector.shape_cast %get3A_682 : vector<1x16xf32> to vector<16xf32>
          %max3A_684 = arith.maximumf %while3A_556, %get3A_683 : vector<16xf32>
          %get3A_685 = arith.index_cast %while3A_532 : i32 to index
          %get3A_686 = arith.constant 384 : index
          %get3A_687 = tpu.vector_load %arg7[%get3A_685, %get3A_686] {strides = array<i32>} : memref<96x512xf32, #tpu.memory_space<vmem>>, vector<1x16xf32>,
          %get3A_688 = vector.shape_cast %get3A_687 : vector<1x16xf32> to vector<16xf32>
          %max3A_689 = arith.maximumf %while3A_557, %get3A_688 : vector<16xf32>
          %get3A_690 = arith.index_cast %while3A_532 : i32 to index
          %get3A_691 = arith.constant 400 : index
          %get3A_692 = tpu.vector_load %arg7[%get3A_690, %get3A_691] {strides = array<i32>} : memref<96x512xf32, #tpu.memory_space<vmem>>, vector<1x16xf32>,
          %get3A_693 = vector.shape_cast %get3A_692 : vector<1x16xf32> to vector<16xf32>
          %max3A_694 = arith.maximumf %while3A_558, %get3A_693 : vector<16xf32>
          %get3A_695 = arith.index_cast %while3A_532 : i32 to index
          %get3A_696 = arith.constant 416 : index
          %get3A_697 = tpu.vector_load %arg7[%get3A_695, %get3A_696] {strides = array<i32>} : memref<96x512xf32, #tpu.memory_space<vmem>>, vector<1x16xf32>,
          %get3A_698 = vector.shape_cast %get3A_697 : vector<1x16xf32> to vector<16xf32>
          %max3A_699 = arith.maximumf %while3A_559, %get3A_698 : vector<16xf32>
          %get3A_700 = arith.index_cast %while3A_532 : i32 to index
          %get3A_701 = arith.constant 432 : index
          %get3A_702 = tpu.vector_load %arg7[%get3A_700, %get3A_701] {strides = array<i32>} : memref<96x512xf32, #tpu.memory_space<vmem>>, vector<1x16xf32>,
          %get3A_703 = vector.shape_cast %get3A_702 : vector<1x16xf32> to vector<16xf32>
          %max3A_704 = arith.maximumf %while3A_560, %get3A_703 : vector<16xf32>
          %get3A_705 = arith.index_cast %while3A_532 : i32 to index
          %get3A_706 = arith.constant 448 : index
          %get3A_707 = tpu.vector_load %arg7[%get3A_705, %get3A_706] {strides = array<i32>} : memref<96x512xf32, #tpu.memory_space<vmem>>, vector<1x16xf32>,
          %get3A_708 = vector.shape_cast %get3A_707 : vector<1x16xf32> to vector<16xf32>
          %max3A_709 = arith.maximumf %while3A_561, %get3A_708 : vector<16xf32>
          %get3A_710 = arith.index_cast %while3A_532 : i32 to index
          %get3A_711 = arith.constant 464 : index
          %get3A_712 = tpu.vector_load %arg7[%get3A_710, %get3A_711] {strides = array<i32>} : memref<96x512xf32, #tpu.memory_space<vmem>>, vector<1x16xf32>,
          %get3A_713 = vector.shape_cast %get3A_712 : vector<1x16xf32> to vector<16xf32>
          %max3A_714 = arith.maximumf %while3A_562, %get3A_713 : vector<16xf32>
          %get3A_715 = arith.index_cast %while3A_532 : i32 to index
          %get3A_716 = arith.constant 480 : index
          %get3A_717 = tpu.vector_load %arg7[%get3A_715, %get3A_716] {strides = array<i32>} : memref<96x512xf32, #tpu.memory_space<vmem>>, vector<1x16xf32>,
          %get3A_718 = vector.shape_cast %get3A_717 : vector<1x16xf32> to vector<16xf32>
          %max3A_719 = arith.maximumf %while3A_563, %get3A_718 : vector<16xf32>
          %get3A_720 = arith.index_cast %while3A_532 : i32 to index
          %get3A_721 = arith.constant 496 : index
          %get3A_722 = tpu.vector_load %arg7[%get3A_720, %get3A_721] {strides = array<i32>} : memref<96x512xf32, #tpu.memory_space<vmem>>, vector<1x16xf32>,
          %get3A_723 = vector.shape_cast %get3A_722 : vector<1x16xf32> to vector<16xf32>
          %max3A_724 = arith.maximumf %while3A_564, %get3A_723 : vector<16xf32>
          scf.yield %max3A_569, %max3A_574, %max3A_579, %max3A_584, %max3A_589, %max3A_594, %max3A_599, %max3A_604, %max3A_609, %max3A_614, %max3A_619, %max3A_624, %max3A_629, %max3A_634, %max3A_639, %max3A_644, %max3A_649, %max3A_654, %max3A_659, %max3A_664, %max3A_669, %max3A_674, %max3A_679, %max3A_684, %max3A_689, %max3A_694, %max3A_699, %max3A_704, %max3A_709, %max3A_714, %max3A_719, %max3A_724 : vector<16xf32>, vector<16xf32>, vector<16xf32>, vector<16xf32>, vector<16xf32>, vector<16xf32>, vector<16xf32>, vector<16xf32>, vector<16xf32>, vector<16xf32>, vector<16xf32>, vector<16xf32>, vector<16xf32>, vector<16xf32>, vector<16xf32>, vector<16xf32>, vector<16xf32>, vector<16xf32>, vector<16xf32>, vector<16xf32>, vector<16xf32>, vector<16xf32>, vector<16xf32>, vector<16xf32>, vector<16xf32>, vector<16xf32>, vector<16xf32>, vector<16xf32>, vector<16xf32>, vector<16xf32>, vector<16xf32>, vector<16xf32>
        }
        %add3A_485 = arith.constant 1 : i32
        %add3A_486 = arith.addi %mul3A_436, %add3A_485 : i32
        %mul3A_487 = arith.constant 96 : i32
        %mul3A_488 = arith.muli %add3A_486, %mul3A_487 : i32
        %add3A_489 = arith.addi %mul3A_188, %mul3A_488 : i32
        %min3A_490 = arith.constant 99904 : i32
        %min3A_491 = arith.minsi %add3A_489, %min3A_490 : i32
        %dma_wait3A_492 = arith.constant 0 : i32
        %dma_wait3A_493 = tpu.memref_slice %arg2[%min3A_491, %dma_wait3A_492] : memref<100000x512xf32, #tpu.memory_space<hbm>> -> memref<96x512xf32, #tpu.memory_space<hbm>>
        %dma_wait3A_494 = arith.constant 0 : i32
        %dma_wait3A_495 = tpu.memref_slice %arg2[%min3A_491, %dma_wait3A_494] : memref<100000x512xf32, #tpu.memory_space<hbm>> -> memref<96x512xf32, #tpu.memory_space<hbm>>
        tpu.wait_dma2 semaphore(%arg13 : memref<!tpu.dma_semaphore, #tpu.memory_space<semaphore_mem>>) src(%dma_wait3A_495 : memref<96x512xf32, #tpu.memory_space<hbm>>) dst(%arg8 : memref<96x512xf32, #tpu.memory_space<vmem>>)
        %add3A_496 = arith.constant 1 : i32
        %add3A_497 = arith.addi %while3A_402, %add3A_496 : i32
        %lt3A = arith.cmpi slt, %add3A_497, %select_n3A_245 : i32
        %convert_element_type3A_498 = arith.extui %lt3A : i1 to i32
        %cond3A_499 = arith.constant 0 : i32
        %cond3A_500 = arith.cmpi ne, %convert_element_type3A_498, %cond3A_499 : i32
        scf.if %cond3A_500 {
          %add3A_532 = arith.constant 2 : i32
          %add3A_533 = arith.addi %mul3A_436, %add3A_532 : i32
          %mul3A_534 = arith.constant 96 : i32
          %mul3A_535 = arith.muli %add3A_533, %mul3A_534 : i32
          %add3A_536 = arith.addi %mul3A_188, %mul3A_535 : i32
          %min3A_537 = arith.constant 99904 : i32
          %min3A_538 = arith.minsi %add3A_536, %min3A_537 : i32
          %dma_start3A_539 = arith.constant 0 : i32
          %dma_start3A_540 = tpu.memref_slice %arg2[%min3A_538, %dma_start3A_539] : memref<100000x512xf32, #tpu.memory_space<hbm>> -> memref<96x512xf32, #tpu.memory_space<hbm>>
          %dma_start3A_541 = arith.constant 0 : i32
          %dma_start3A_542 = tpu.memref_slice %arg2[%min3A_538, %dma_start3A_541] : memref<100000x512xf32, #tpu.memory_space<hbm>> -> memref<96x512xf32, #tpu.memory_space<hbm>>
          tpu.enqueue_dma source(%dma_start3A_542 : memref<96x512xf32, #tpu.memory_space<hbm>>) target(%arg7 : memref<96x512xf32, #tpu.memory_space<vmem>>) target_semaphore(%arg12 : memref<!tpu.dma_semaphore, #tpu.memory_space<semaphore_mem>>)
        } else {
        }
        %add3A_501 = arith.constant 1 : i32
        %add3A_502 = arith.addi %mul3A_436, %add3A_501 : i32
        %mul3A_503 = arith.constant 96 : i32
        %mul3A_504 = arith.muli %add3A_502, %mul3A_503 : i32
        %add3A_505 = arith.addi %mul3A_188, %mul3A_504 : i32
        %mul3A_506 = arith.constant 96 : i32
        %mul3A_507 = arith.muli %add3A_502, %mul3A_506 : i32
        %add3A_508 = arith.addi %mul3A_188, %mul3A_507 : i32
        %min3A_509 = arith.constant 99904 : i32
        %min3A_510 = arith.minsi %add3A_508, %min3A_509 : i32
        %sub3A_511 = arith.subi %add3A_505, %min3A_510 : i32
        %sub3A_512 = arith.subi %max3A, %add3A_505 : i32
        %max3A_513 = arith.constant 0 : i32
        %max3A_514 = arith.maxsi %sub3A_512, %max3A_513 : i32
        %add3A_515 = arith.addi %sub3A_511, %max3A_514 : i32
        %sub3A_516 = arith.subi %min3A, %add3A_505 : i32
        %min3A_517 = arith.constant 96 : i32
        %min3A_518 = arith.minsi %sub3A_516, %min3A_517 : i32
        %max3A_519 = arith.constant 0 : i32
        %max3A_520 = arith.maxsi %min3A_518, %max3A_519 : i32
        %add3A_521 = arith.addi %sub3A_511, %max3A_520 : i32
        %while3A_522 = arith.subi %add3A_521, %add3A_515 : i32
        %while3A_523 = arith.addi %add3A_515, %while3A_522 : i32
        %while3A_524 = arith.constant 1 : i32
        %while3A_525 = arith.divsi %while3A_522, %while3A_524 : i32
        %while3A_526 = arith.muli %while3A_525, %while3A_524 : i32
        %while3A_527 = arith.addi %add3A_515, %while3A_526 : i32
        %while3A_528 = arith.constant 1 : i32
        %while3A_529:32 = scf.for %while3A_532 = %add3A_515 to %while3A_527 step %while3A_528 iter_args(%while3A_533 = %while3A_484#0, %while3A_534 = %while3A_484#1, %while3A_535 = %while3A_484#2, %while3A_536 = %while3A_484#3, %while3A_537 = %while3A_484#4, %while3A_538 = %while3A_484#5, %while3A_539 = %while3A_484#6, %while3A_540 = %while3A_484#7, %while3A_541 = %while3A_484#8, %while3A_542 = %while3A_484#9, %while3A_543 = %while3A_484#10, %while3A_544 = %while3A_484#11, %while3A_545 = %while3A_484#12, %while3A_546 = %while3A_484#13, %while3A_547 = %while3A_484#14, %while3A_548 = %while3A_484#15, %while3A_549 = %while3A_484#16, %while3A_550 = %while3A_484#17, %while3A_551 = %while3A_484#18, %while3A_552 = %while3A_484#19, %while3A_553 = %while3A_484#20, %while3A_554 = %while3A_484#21, %while3A_555 = %while3A_484#22, %while3A_556 = %while3A_484#23, %while3A_557 = %while3A_484#24, %while3A_558 = %while3A_484#25, %while3A_559 = %while3A_484#26, %while3A_560 = %while3A_484#27, %while3A_561 = %while3A_484#28, %while3A_562 = %while3A_484#29, %while3A_563 = %while3A_484#30, %while3A_564 = %while3A_484#31) -> (vector<16xf32>, vector<16xf32>, vector<16xf32>, vector<16xf32>, vector<16xf32>, vector<16xf32>, vector<16xf32>, vector<16xf32>, vector<16xf32>, vector<16xf32>, vector<16xf32>, vector<16xf32>, vector<16xf32>, vector<16xf32>, vector<16xf32>, vector<16xf32>, vector<16xf32>, vector<16xf32>, vector<16xf32>, vector<16xf32>, vector<16xf32>, vector<16xf32>, vector<16xf32>, vector<16xf32>, vector<16xf32>, vector<16xf32>, vector<16xf32>, vector<16xf32>, vector<16xf32>, vector<16xf32>, vector<16xf32>, vector<16xf32>)  : i32 {
          %get3A_565 = arith.index_cast %while3A_532 : i32 to index
          %get3A_566 = arith.constant 0 : index
          %get3A_567 = tpu.vector_load %arg8[%get3A_565, %get3A_566] {strides = array<i32>} : memref<96x512xf32, #tpu.memory_space<vmem>>, vector<1x16xf32>,
          %get3A_568 = vector.shape_cast %get3A_567 : vector<1x16xf32> to vector<16xf32>
          %max3A_569 = arith.maximumf %while3A_533, %get3A_568 : vector<16xf32>
          %get3A_570 = arith.index_cast %while3A_532 : i32 to index
          %get3A_571 = arith.constant 16 : index
          %get3A_572 = tpu.vector_load %arg8[%get3A_570, %get3A_571] {strides = array<i32>} : memref<96x512xf32, #tpu.memory_space<vmem>>, vector<1x16xf32>,
          %get3A_573 = vector.shape_cast %get3A_572 : vector<1x16xf32> to vector<16xf32>
          %max3A_574 = arith.maximumf %while3A_534, %get3A_573 : vector<16xf32>
          %get3A_575 = arith.index_cast %while3A_532 : i32 to index
          %get3A_576 = arith.constant 32 : index
          %get3A_577 = tpu.vector_load %arg8[%get3A_575, %get3A_576] {strides = array<i32>} : memref<96x512xf32, #tpu.memory_space<vmem>>, vector<1x16xf32>,
          %get3A_578 = vector.shape_cast %get3A_577 : vector<1x16xf32> to vector<16xf32>
          %max3A_579 = arith.maximumf %while3A_535, %get3A_578 : vector<16xf32>
          %get3A_580 = arith.index_cast %while3A_532 : i32 to index
          %get3A_581 = arith.constant 48 : index
          %get3A_582 = tpu.vector_load %arg8[%get3A_580, %get3A_581] {strides = array<i32>} : memref<96x512xf32, #tpu.memory_space<vmem>>, vector<1x16xf32>,
          %get3A_583 = vector.shape_cast %get3A_582 : vector<1x16xf32> to vector<16xf32>
          %max3A_584 = arith.maximumf %while3A_536, %get3A_583 : vector<16xf32>
          %get3A_585 = arith.index_cast %while3A_532 : i32 to index
          %get3A_586 = arith.constant 64 : index
          %get3A_587 = tpu.vector_load %arg8[%get3A_585, %get3A_586] {strides = array<i32>} : memref<96x512xf32, #tpu.memory_space<vmem>>, vector<1x16xf32>,
          %get3A_588 = vector.shape_cast %get3A_587 : vector<1x16xf32> to vector<16xf32>
          %max3A_589 = arith.maximumf %while3A_537, %get3A_588 : vector<16xf32>
          %get3A_590 = arith.index_cast %while3A_532 : i32 to index
          %get3A_591 = arith.constant 80 : index
          %get3A_592 = tpu.vector_load %arg8[%get3A_590, %get3A_591] {strides = array<i32>} : memref<96x512xf32, #tpu.memory_space<vmem>>, vector<1x16xf32>,
          %get3A_593 = vector.shape_cast %get3A_592 : vector<1x16xf32> to vector<16xf32>
          %max3A_594 = arith.maximumf %while3A_538, %get3A_593 : vector<16xf32>
          %get3A_595 = arith.index_cast %while3A_532 : i32 to index
          %get3A_596 = arith.constant 96 : index
          %get3A_597 = tpu.vector_load %arg8[%get3A_595, %get3A_596] {strides = array<i32>} : memref<96x512xf32, #tpu.memory_space<vmem>>, vector<1x16xf32>,
          %get3A_598 = vector.shape_cast %get3A_597 : vector<1x16xf32> to vector<16xf32>
          %max3A_599 = arith.maximumf %while3A_539, %get3A_598 : vector<16xf32>
          %get3A_600 = arith.index_cast %while3A_532 : i32 to index
          %get3A_601 = arith.constant 112 : index
          %get3A_602 = tpu.vector_load %arg8[%get3A_600, %get3A_601] {strides = array<i32>} : memref<96x512xf32, #tpu.memory_space<vmem>>, vector<1x16xf32>,
          %get3A_603 = vector.shape_cast %get3A_602 : vector<1x16xf32> to vector<16xf32>
          %max3A_604 = arith.maximumf %while3A_540, %get3A_603 : vector<16xf32>
          %get3A_605 = arith.index_cast %while3A_532 : i32 to index
          %get3A_606 = arith.constant 128 : index
          %get3A_607 = tpu.vector_load %arg8[%get3A_605, %get3A_606] {strides = array<i32>} : memref<96x512xf32, #tpu.memory_space<vmem>>, vector<1x16xf32>,
          %get3A_608 = vector.shape_cast %get3A_607 : vector<1x16xf32> to vector<16xf32>
          %max3A_609 = arith.maximumf %while3A_541, %get3A_608 : vector<16xf32>
          %get3A_610 = arith.index_cast %while3A_532 : i32 to index
          %get3A_611 = arith.constant 144 : index
          %get3A_612 = tpu.vector_load %arg8[%get3A_610, %get3A_611] {strides = array<i32>} : memref<96x512xf32, #tpu.memory_space<vmem>>, vector<1x16xf32>,
          %get3A_613 = vector.shape_cast %get3A_612 : vector<1x16xf32> to vector<16xf32>
          %max3A_614 = arith.maximumf %while3A_542, %get3A_613 : vector<16xf32>
          %get3A_615 = arith.index_cast %while3A_532 : i32 to index
          %get3A_616 = arith.constant 160 : index
          %get3A_617 = tpu.vector_load %arg8[%get3A_615, %get3A_616] {strides = array<i32>} : memref<96x512xf32, #tpu.memory_space<vmem>>, vector<1x16xf32>,
          %get3A_618 = vector.shape_cast %get3A_617 : vector<1x16xf32> to vector<16xf32>
          %max3A_619 = arith.maximumf %while3A_543, %get3A_618 : vector<16xf32>
          %get3A_620 = arith.index_cast %while3A_532 : i32 to index
          %get3A_621 = arith.constant 176 : index
          %get3A_622 = tpu.vector_load %arg8[%get3A_620, %get3A_621] {strides = array<i32>} : memref<96x512xf32, #tpu.memory_space<vmem>>, vector<1x16xf32>,
          %get3A_623 = vector.shape_cast %get3A_622 : vector<1x16xf32> to vector<16xf32>
          %max3A_624 = arith.maximumf %while3A_544, %get3A_623 : vector<16xf32>
          %get3A_625 = arith.index_cast %while3A_532 : i32 to index
          %get3A_626 = arith.constant 192 : index
          %get3A_627 = tpu.vector_load %arg8[%get3A_625, %get3A_626] {strides = array<i32>} : memref<96x512xf32, #tpu.memory_space<vmem>>, vector<1x16xf32>,
          %get3A_628 = vector.shape_cast %get3A_627 : vector<1x16xf32> to vector<16xf32>
          %max3A_629 = arith.maximumf %while3A_545, %get3A_628 : vector<16xf32>
          %get3A_630 = arith.index_cast %while3A_532 : i32 to index
          %get3A_631 = arith.constant 208 : index
          %get3A_632 = tpu.vector_load %arg8[%get3A_630, %get3A_631] {strides = array<i32>} : memref<96x512xf32, #tpu.memory_space<vmem>>, vector<1x16xf32>,
          %get3A_633 = vector.shape_cast %get3A_632 : vector<1x16xf32> to vector<16xf32>
          %max3A_634 = arith.maximumf %while3A_546, %get3A_633 : vector<16xf32>
          %get3A_635 = arith.index_cast %while3A_532 : i32 to index
          %get3A_636 = arith.constant 224 : index
          %get3A_637 = tpu.vector_load %arg8[%get3A_635, %get3A_636] {strides = array<i32>} : memref<96x512xf32, #tpu.memory_space<vmem>>, vector<1x16xf32>,
          %get3A_638 = vector.shape_cast %get3A_637 : vector<1x16xf32> to vector<16xf32>
          %max3A_639 = arith.maximumf %while3A_547, %get3A_638 : vector<16xf32>
          %get3A_640 = arith.index_cast %while3A_532 : i32 to index
          %get3A_641 = arith.constant 240 : index
          %get3A_642 = tpu.vector_load %arg8[%get3A_640, %get3A_641] {strides = array<i32>} : memref<96x512xf32, #tpu.memory_space<vmem>>, vector<1x16xf32>,
          %get3A_643 = vector.shape_cast %get3A_642 : vector<1x16xf32> to vector<16xf32>
          %max3A_644 = arith.maximumf %while3A_548, %get3A_643 : vector<16xf32>
          %get3A_645 = arith.index_cast %while3A_532 : i32 to index
          %get3A_646 = arith.constant 256 : index
          %get3A_647 = tpu.vector_load %arg8[%get3A_645, %get3A_646] {strides = array<i32>} : memref<96x512xf32, #tpu.memory_space<vmem>>, vector<1x16xf32>,
          %get3A_648 = vector.shape_cast %get3A_647 : vector<1x16xf32> to vector<16xf32>
          %max3A_649 = arith.maximumf %while3A_549, %get3A_648 : vector<16xf32>
          %get3A_650 = arith.index_cast %while3A_532 : i32 to index
          %get3A_651 = arith.constant 272 : index
          %get3A_652 = tpu.vector_load %arg8[%get3A_650, %get3A_651] {strides = array<i32>} : memref<96x512xf32, #tpu.memory_space<vmem>>, vector<1x16xf32>,
          %get3A_653 = vector.shape_cast %get3A_652 : vector<1x16xf32> to vector<16xf32>
          %max3A_654 = arith.maximumf %while3A_550, %get3A_653 : vector<16xf32>
          %get3A_655 = arith.index_cast %while3A_532 : i32 to index
          %get3A_656 = arith.constant 288 : index
          %get3A_657 = tpu.vector_load %arg8[%get3A_655, %get3A_656] {strides = array<i32>} : memref<96x512xf32, #tpu.memory_space<vmem>>, vector<1x16xf32>,
          %get3A_658 = vector.shape_cast %get3A_657 : vector<1x16xf32> to vector<16xf32>
          %max3A_659 = arith.maximumf %while3A_551, %get3A_658 : vector<16xf32>
          %get3A_660 = arith.index_cast %while3A_532 : i32 to index
          %get3A_661 = arith.constant 304 : index
          %get3A_662 = tpu.vector_load %arg8[%get3A_660, %get3A_661] {strides = array<i32>} : memref<96x512xf32, #tpu.memory_space<vmem>>, vector<1x16xf32>,
          %get3A_663 = vector.shape_cast %get3A_662 : vector<1x16xf32> to vector<16xf32>
          %max3A_664 = arith.maximumf %while3A_552, %get3A_663 : vector<16xf32>
          %get3A_665 = arith.index_cast %while3A_532 : i32 to index
          %get3A_666 = arith.constant 320 : index
          %get3A_667 = tpu.vector_load %arg8[%get3A_665, %get3A_666] {strides = array<i32>} : memref<96x512xf32, #tpu.memory_space<vmem>>, vector<1x16xf32>,
          %get3A_668 = vector.shape_cast %get3A_667 : vector<1x16xf32> to vector<16xf32>
          %max3A_669 = arith.maximumf %while3A_553, %get3A_668 : vector<16xf32>
          %get3A_670 = arith.index_cast %while3A_532 : i32 to index
          %get3A_671 = arith.constant 336 : index
          %get3A_672 = tpu.vector_load %arg8[%get3A_670, %get3A_671] {strides = array<i32>} : memref<96x512xf32, #tpu.memory_space<vmem>>, vector<1x16xf32>,
          %get3A_673 = vector.shape_cast %get3A_672 : vector<1x16xf32> to vector<16xf32>
          %max3A_674 = arith.maximumf %while3A_554, %get3A_673 : vector<16xf32>
          %get3A_675 = arith.index_cast %while3A_532 : i32 to index
          %get3A_676 = arith.constant 352 : index
          %get3A_677 = tpu.vector_load %arg8[%get3A_675, %get3A_676] {strides = array<i32>} : memref<96x512xf32, #tpu.memory_space<vmem>>, vector<1x16xf32>,
          %get3A_678 = vector.shape_cast %get3A_677 : vector<1x16xf32> to vector<16xf32>
          %max3A_679 = arith.maximumf %while3A_555, %get3A_678 : vector<16xf32>
          %get3A_680 = arith.index_cast %while3A_532 : i32 to index
          %get3A_681 = arith.constant 368 : index
          %get3A_682 = tpu.vector_load %arg8[%get3A_680, %get3A_681] {strides = array<i32>} : memref<96x512xf32, #tpu.memory_space<vmem>>, vector<1x16xf32>,
          %get3A_683 = vector.shape_cast %get3A_682 : vector<1x16xf32> to vector<16xf32>
          %max3A_684 = arith.maximumf %while3A_556, %get3A_683 : vector<16xf32>
          %get3A_685 = arith.index_cast %while3A_532 : i32 to index
          %get3A_686 = arith.constant 384 : index
          %get3A_687 = tpu.vector_load %arg8[%get3A_685, %get3A_686] {strides = array<i32>} : memref<96x512xf32, #tpu.memory_space<vmem>>, vector<1x16xf32>,
          %get3A_688 = vector.shape_cast %get3A_687 : vector<1x16xf32> to vector<16xf32>
          %max3A_689 = arith.maximumf %while3A_557, %get3A_688 : vector<16xf32>
          %get3A_690 = arith.index_cast %while3A_532 : i32 to index
          %get3A_691 = arith.constant 400 : index
          %get3A_692 = tpu.vector_load %arg8[%get3A_690, %get3A_691] {strides = array<i32>} : memref<96x512xf32, #tpu.memory_space<vmem>>, vector<1x16xf32>,
          %get3A_693 = vector.shape_cast %get3A_692 : vector<1x16xf32> to vector<16xf32>
          %max3A_694 = arith.maximumf %while3A_558, %get3A_693 : vector<16xf32>
          %get3A_695 = arith.index_cast %while3A_532 : i32 to index
          %get3A_696 = arith.constant 416 : index
          %get3A_697 = tpu.vector_load %arg8[%get3A_695, %get3A_696] {strides = array<i32>} : memref<96x512xf32, #tpu.memory_space<vmem>>, vector<1x16xf32>,
          %get3A_698 = vector.shape_cast %get3A_697 : vector<1x16xf32> to vector<16xf32>
          %max3A_699 = arith.maximumf %while3A_559, %get3A_698 : vector<16xf32>
          %get3A_700 = arith.index_cast %while3A_532 : i32 to index
          %get3A_701 = arith.constant 432 : index
          %get3A_702 = tpu.vector_load %arg8[%get3A_700, %get3A_701] {strides = array<i32>} : memref<96x512xf32, #tpu.memory_space<vmem>>, vector<1x16xf32>,
          %get3A_703 = vector.shape_cast %get3A_702 : vector<1x16xf32> to vector<16xf32>
          %max3A_704 = arith.maximumf %while3A_560, %get3A_703 : vector<16xf32>
          %get3A_705 = arith.index_cast %while3A_532 : i32 to index
          %get3A_706 = arith.constant 448 : index
          %get3A_707 = tpu.vector_load %arg8[%get3A_705, %get3A_706] {strides = array<i32>} : memref<96x512xf32, #tpu.memory_space<vmem>>, vector<1x16xf32>,
          %get3A_708 = vector.shape_cast %get3A_707 : vector<1x16xf32> to vector<16xf32>
          %max3A_709 = arith.maximumf %while3A_561, %get3A_708 : vector<16xf32>
          %get3A_710 = arith.index_cast %while3A_532 : i32 to index
          %get3A_711 = arith.constant 464 : index
          %get3A_712 = tpu.vector_load %arg8[%get3A_710, %get3A_711] {strides = array<i32>} : memref<96x512xf32, #tpu.memory_space<vmem>>, vector<1x16xf32>,
          %get3A_713 = vector.shape_cast %get3A_712 : vector<1x16xf32> to vector<16xf32>
          %max3A_714 = arith.maximumf %while3A_562, %get3A_713 : vector<16xf32>
          %get3A_715 = arith.index_cast %while3A_532 : i32 to index
          %get3A_716 = arith.constant 480 : index
          %get3A_717 = tpu.vector_load %arg8[%get3A_715, %get3A_716] {strides = array<i32>} : memref<96x512xf32, #tpu.memory_space<vmem>>, vector<1x16xf32>,
          %get3A_718 = vector.shape_cast %get3A_717 : vector<1x16xf32> to vector<16xf32>
          %max3A_719 = arith.maximumf %while3A_563, %get3A_718 : vector<16xf32>
          %get3A_720 = arith.index_cast %while3A_532 : i32 to index
          %get3A_721 = arith.constant 496 : index
          %get3A_722 = tpu.vector_load %arg8[%get3A_720, %get3A_721] {strides = array<i32>} : memref<96x512xf32, #tpu.memory_space<vmem>>, vector<1x16xf32>,
          %get3A_723 = vector.shape_cast %get3A_722 : vector<1x16xf32> to vector<16xf32>
          %max3A_724 = arith.maximumf %while3A_564, %get3A_723 : vector<16xf32>
          scf.yield %max3A_569, %max3A_574, %max3A_579, %max3A_584, %max3A_589, %max3A_594, %max3A_599, %max3A_604, %max3A_609, %max3A_614, %max3A_619, %max3A_624, %max3A_629, %max3A_634, %max3A_639, %max3A_644, %max3A_649, %max3A_654, %max3A_659, %max3A_664, %max3A_669, %max3A_674, %max3A_679, %max3A_684, %max3A_689, %max3A_694, %max3A_699, %max3A_704, %max3A_709, %max3A_714, %max3A_719, %max3A_724 : vector<16xf32>, vector<16xf32>, vector<16xf32>, vector<16xf32>, vector<16xf32>, vector<16xf32>, vector<16xf32>, vector<16xf32>, vector<16xf32>, vector<16xf32>, vector<16xf32>, vector<16xf32>, vector<16xf32>, vector<16xf32>, vector<16xf32>, vector<16xf32>, vector<16xf32>, vector<16xf32>, vector<16xf32>, vector<16xf32>, vector<16xf32>, vector<16xf32>, vector<16xf32>, vector<16xf32>, vector<16xf32>, vector<16xf32>, vector<16xf32>, vector<16xf32>, vector<16xf32>, vector<16xf32>, vector<16xf32>, vector<16xf32>
        }
        %while3A_530 = arith.constant 1 : i32
        %while3A_531:32 = scf.for %while3A_532 = %while3A_527 to %while3A_523 step %while3A_530 iter_args(%while3A_533 = %while3A_529#0, %while3A_534 = %while3A_529#1, %while3A_535 = %while3A_529#2, %while3A_536 = %while3A_529#3, %while3A_537 = %while3A_529#4, %while3A_538 = %while3A_529#5, %while3A_539 = %while3A_529#6, %while3A_540 = %while3A_529#7, %while3A_541 = %while3A_529#8, %while3A_542 = %while3A_529#9, %while3A_543 = %while3A_529#10, %while3A_544 = %while3A_529#11, %while3A_545 = %while3A_529#12, %while3A_546 = %while3A_529#13, %while3A_547 = %while3A_529#14, %while3A_548 = %while3A_529#15, %while3A_549 = %while3A_529#16, %while3A_550 = %while3A_529#17, %while3A_551 = %while3A_529#18, %while3A_552 = %while3A_529#19, %while3A_553 = %while3A_529#20, %while3A_554 = %while3A_529#21, %while3A_555 = %while3A_529#22, %while3A_556 = %while3A_529#23, %while3A_557 = %while3A_529#24, %while3A_558 = %while3A_529#25, %while3A_559 = %while3A_529#26, %while3A_560 = %while3A_529#27, %while3A_561 = %while3A_529#28, %while3A_562 = %while3A_529#29, %while3A_563 = %while3A_529#30, %while3A_564 = %while3A_529#31) -> (vector<16xf32>, vector<16xf32>, vector<16xf32>, vector<16xf32>, vector<16xf32>, vector<16xf32>, vector<16xf32>, vector<16xf32>, vector<16xf32>, vector<16xf32>, vector<16xf32>, vector<16xf32>, vector<16xf32>, vector<16xf32>, vector<16xf32>, vector<16xf32>, vector<16xf32>, vector<16xf32>, vector<16xf32>, vector<16xf32>, vector<16xf32>, vector<16xf32>, vector<16xf32>, vector<16xf32>, vector<16xf32>, vector<16xf32>, vector<16xf32>, vector<16xf32>, vector<16xf32>, vector<16xf32>, vector<16xf32>, vector<16xf32>)  : i32 {
          %get3A_565 = arith.index_cast %while3A_532 : i32 to index
          %get3A_566 = arith.constant 0 : index
          %get3A_567 = tpu.vector_load %arg8[%get3A_565, %get3A_566] {strides = array<i32>} : memref<96x512xf32, #tpu.memory_space<vmem>>, vector<1x16xf32>,
          %get3A_568 = vector.shape_cast %get3A_567 : vector<1x16xf32> to vector<16xf32>
          %max3A_569 = arith.maximumf %while3A_533, %get3A_568 : vector<16xf32>
          %get3A_570 = arith.index_cast %while3A_532 : i32 to index
          %get3A_571 = arith.constant 16 : index
          %get3A_572 = tpu.vector_load %arg8[%get3A_570, %get3A_571] {strides = array<i32>} : memref<96x512xf32, #tpu.memory_space<vmem>>, vector<1x16xf32>,
          %get3A_573 = vector.shape_cast %get3A_572 : vector<1x16xf32> to vector<16xf32>
          %max3A_574 = arith.maximumf %while3A_534, %get3A_573 : vector<16xf32>
          %get3A_575 = arith.index_cast %while3A_532 : i32 to index
          %get3A_576 = arith.constant 32 : index
          %get3A_577 = tpu.vector_load %arg8[%get3A_575, %get3A_576] {strides = array<i32>} : memref<96x512xf32, #tpu.memory_space<vmem>>, vector<1x16xf32>,
          %get3A_578 = vector.shape_cast %get3A_577 : vector<1x16xf32> to vector<16xf32>
          %max3A_579 = arith.maximumf %while3A_535, %get3A_578 : vector<16xf32>
          %get3A_580 = arith.index_cast %while3A_532 : i32 to index
          %get3A_581 = arith.constant 48 : index
          %get3A_582 = tpu.vector_load %arg8[%get3A_580, %get3A_581] {strides = array<i32>} : memref<96x512xf32, #tpu.memory_space<vmem>>, vector<1x16xf32>,
          %get3A_583 = vector.shape_cast %get3A_582 : vector<1x16xf32> to vector<16xf32>
          %max3A_584 = arith.maximumf %while3A_536, %get3A_583 : vector<16xf32>
          %get3A_585 = arith.index_cast %while3A_532 : i32 to index
          %get3A_586 = arith.constant 64 : index
          %get3A_587 = tpu.vector_load %arg8[%get3A_585, %get3A_586] {strides = array<i32>} : memref<96x512xf32, #tpu.memory_space<vmem>>, vector<1x16xf32>,
          %get3A_588 = vector.shape_cast %get3A_587 : vector<1x16xf32> to vector<16xf32>
          %max3A_589 = arith.maximumf %while3A_537, %get3A_588 : vector<16xf32>
          %get3A_590 = arith.index_cast %while3A_532 : i32 to index
          %get3A_591 = arith.constant 80 : index
          %get3A_592 = tpu.vector_load %arg8[%get3A_590, %get3A_591] {strides = array<i32>} : memref<96x512xf32, #tpu.memory_space<vmem>>, vector<1x16xf32>,
          %get3A_593 = vector.shape_cast %get3A_592 : vector<1x16xf32> to vector<16xf32>
          %max3A_594 = arith.maximumf %while3A_538, %get3A_593 : vector<16xf32>
          %get3A_595 = arith.index_cast %while3A_532 : i32 to index
          %get3A_596 = arith.constant 96 : index
          %get3A_597 = tpu.vector_load %arg8[%get3A_595, %get3A_596] {strides = array<i32>} : memref<96x512xf32, #tpu.memory_space<vmem>>, vector<1x16xf32>,
          %get3A_598 = vector.shape_cast %get3A_597 : vector<1x16xf32> to vector<16xf32>
          %max3A_599 = arith.maximumf %while3A_539, %get3A_598 : vector<16xf32>
          %get3A_600 = arith.index_cast %while3A_532 : i32 to index
          %get3A_601 = arith.constant 112 : index
          %get3A_602 = tpu.vector_load %arg8[%get3A_600, %get3A_601] {strides = array<i32>} : memref<96x512xf32, #tpu.memory_space<vmem>>, vector<1x16xf32>,
          %get3A_603 = vector.shape_cast %get3A_602 : vector<1x16xf32> to vector<16xf32>
          %max3A_604 = arith.maximumf %while3A_540, %get3A_603 : vector<16xf32>
          %get3A_605 = arith.index_cast %while3A_532 : i32 to index
          %get3A_606 = arith.constant 128 : index
          %get3A_607 = tpu.vector_load %arg8[%get3A_605, %get3A_606] {strides = array<i32>} : memref<96x512xf32, #tpu.memory_space<vmem>>, vector<1x16xf32>,
          %get3A_608 = vector.shape_cast %get3A_607 : vector<1x16xf32> to vector<16xf32>
          %max3A_609 = arith.maximumf %while3A_541, %get3A_608 : vector<16xf32>
          %get3A_610 = arith.index_cast %while3A_532 : i32 to index
          %get3A_611 = arith.constant 144 : index
          %get3A_612 = tpu.vector_load %arg8[%get3A_610, %get3A_611] {strides = array<i32>} : memref<96x512xf32, #tpu.memory_space<vmem>>, vector<1x16xf32>,
          %get3A_613 = vector.shape_cast %get3A_612 : vector<1x16xf32> to vector<16xf32>
          %max3A_614 = arith.maximumf %while3A_542, %get3A_613 : vector<16xf32>
          %get3A_615 = arith.index_cast %while3A_532 : i32 to index
          %get3A_616 = arith.constant 160 : index
          %get3A_617 = tpu.vector_load %arg8[%get3A_615, %get3A_616] {strides = array<i32>} : memref<96x512xf32, #tpu.memory_space<vmem>>, vector<1x16xf32>,
          %get3A_618 = vector.shape_cast %get3A_617 : vector<1x16xf32> to vector<16xf32>
          %max3A_619 = arith.maximumf %while3A_543, %get3A_618 : vector<16xf32>
          %get3A_620 = arith.index_cast %while3A_532 : i32 to index
          %get3A_621 = arith.constant 176 : index
          %get3A_622 = tpu.vector_load %arg8[%get3A_620, %get3A_621] {strides = array<i32>} : memref<96x512xf32, #tpu.memory_space<vmem>>, vector<1x16xf32>,
          %get3A_623 = vector.shape_cast %get3A_622 : vector<1x16xf32> to vector<16xf32>
          %max3A_624 = arith.maximumf %while3A_544, %get3A_623 : vector<16xf32>
          %get3A_625 = arith.index_cast %while3A_532 : i32 to index
          %get3A_626 = arith.constant 192 : index
          %get3A_627 = tpu.vector_load %arg8[%get3A_625, %get3A_626] {strides = array<i32>} : memref<96x512xf32, #tpu.memory_space<vmem>>, vector<1x16xf32>,
          %get3A_628 = vector.shape_cast %get3A_627 : vector<1x16xf32> to vector<16xf32>
          %max3A_629 = arith.maximumf %while3A_545, %get3A_628 : vector<16xf32>
          %get3A_630 = arith.index_cast %while3A_532 : i32 to index
          %get3A_631 = arith.constant 208 : index
          %get3A_632 = tpu.vector_load %arg8[%get3A_630, %get3A_631] {strides = array<i32>} : memref<96x512xf32, #tpu.memory_space<vmem>>, vector<1x16xf32>,
          %get3A_633 = vector.shape_cast %get3A_632 : vector<1x16xf32> to vector<16xf32>
          %max3A_634 = arith.maximumf %while3A_546, %get3A_633 : vector<16xf32>
          %get3A_635 = arith.index_cast %while3A_532 : i32 to index
          %get3A_636 = arith.constant 224 : index
          %get3A_637 = tpu.vector_load %arg8[%get3A_635, %get3A_636] {strides = array<i32>} : memref<96x512xf32, #tpu.memory_space<vmem>>, vector<1x16xf32>,
          %get3A_638 = vector.shape_cast %get3A_637 : vector<1x16xf32> to vector<16xf32>
          %max3A_639 = arith.maximumf %while3A_547, %get3A_638 : vector<16xf32>
          %get3A_640 = arith.index_cast %while3A_532 : i32 to index
          %get3A_641 = arith.constant 240 : index
          %get3A_642 = tpu.vector_load %arg8[%get3A_640, %get3A_641] {strides = array<i32>} : memref<96x512xf32, #tpu.memory_space<vmem>>, vector<1x16xf32>,
          %get3A_643 = vector.shape_cast %get3A_642 : vector<1x16xf32> to vector<16xf32>
          %max3A_644 = arith.maximumf %while3A_548, %get3A_643 : vector<16xf32>
          %get3A_645 = arith.index_cast %while3A_532 : i32 to index
          %get3A_646 = arith.constant 256 : index
          %get3A_647 = tpu.vector_load %arg8[%get3A_645, %get3A_646] {strides = array<i32>} : memref<96x512xf32, #tpu.memory_space<vmem>>, vector<1x16xf32>,
          %get3A_648 = vector.shape_cast %get3A_647 : vector<1x16xf32> to vector<16xf32>
          %max3A_649 = arith.maximumf %while3A_549, %get3A_648 : vector<16xf32>
          %get3A_650 = arith.index_cast %while3A_532 : i32 to index
          %get3A_651 = arith.constant 272 : index
          %get3A_652 = tpu.vector_load %arg8[%get3A_650, %get3A_651] {strides = array<i32>} : memref<96x512xf32, #tpu.memory_space<vmem>>, vector<1x16xf32>,
          %get3A_653 = vector.shape_cast %get3A_652 : vector<1x16xf32> to vector<16xf32>
          %max3A_654 = arith.maximumf %while3A_550, %get3A_653 : vector<16xf32>
          %get3A_655 = arith.index_cast %while3A_532 : i32 to index
          %get3A_656 = arith.constant 288 : index
          %get3A_657 = tpu.vector_load %arg8[%get3A_655, %get3A_656] {strides = array<i32>} : memref<96x512xf32, #tpu.memory_space<vmem>>, vector<1x16xf32>,
          %get3A_658 = vector.shape_cast %get3A_657 : vector<1x16xf32> to vector<16xf32>
          %max3A_659 = arith.maximumf %while3A_551, %get3A_658 : vector<16xf32>
          %get3A_660 = arith.index_cast %while3A_532 : i32 to index
          %get3A_661 = arith.constant 304 : index
          %get3A_662 = tpu.vector_load %arg8[%get3A_660, %get3A_661] {strides = array<i32>} : memref<96x512xf32, #tpu.memory_space<vmem>>, vector<1x16xf32>,
          %get3A_663 = vector.shape_cast %get3A_662 : vector<1x16xf32> to vector<16xf32>
          %max3A_664 = arith.maximumf %while3A_552, %get3A_663 : vector<16xf32>
          %get3A_665 = arith.index_cast %while3A_532 : i32 to index
          %get3A_666 = arith.constant 320 : index
          %get3A_667 = tpu.vector_load %arg8[%get3A_665, %get3A_666] {strides = array<i32>} : memref<96x512xf32, #tpu.memory_space<vmem>>, vector<1x16xf32>,
          %get3A_668 = vector.shape_cast %get3A_667 : vector<1x16xf32> to vector<16xf32>
          %max3A_669 = arith.maximumf %while3A_553, %get3A_668 : vector<16xf32>
          %get3A_670 = arith.index_cast %while3A_532 : i32 to index
          %get3A_671 = arith.constant 336 : index
          %get3A_672 = tpu.vector_load %arg8[%get3A_670, %get3A_671] {strides = array<i32>} : memref<96x512xf32, #tpu.memory_space<vmem>>, vector<1x16xf32>,
          %get3A_673 = vector.shape_cast %get3A_672 : vector<1x16xf32> to vector<16xf32>
          %max3A_674 = arith.maximumf %while3A_554, %get3A_673 : vector<16xf32>
          %get3A_675 = arith.index_cast %while3A_532 : i32 to index
          %get3A_676 = arith.constant 352 : index
          %get3A_677 = tpu.vector_load %arg8[%get3A_675, %get3A_676] {strides = array<i32>} : memref<96x512xf32, #tpu.memory_space<vmem>>, vector<1x16xf32>,
          %get3A_678 = vector.shape_cast %get3A_677 : vector<1x16xf32> to vector<16xf32>
          %max3A_679 = arith.maximumf %while3A_555, %get3A_678 : vector<16xf32>
          %get3A_680 = arith.index_cast %while3A_532 : i32 to index
          %get3A_681 = arith.constant 368 : index
          %get3A_682 = tpu.vector_load %arg8[%get3A_680, %get3A_681] {strides = array<i32>} : memref<96x512xf32, #tpu.memory_space<vmem>>, vector<1x16xf32>,
          %get3A_683 = vector.shape_cast %get3A_682 : vector<1x16xf32> to vector<16xf32>
          %max3A_684 = arith.maximumf %while3A_556, %get3A_683 : vector<16xf32>
          %get3A_685 = arith.index_cast %while3A_532 : i32 to index
          %get3A_686 = arith.constant 384 : index
          %get3A_687 = tpu.vector_load %arg8[%get3A_685, %get3A_686] {strides = array<i32>} : memref<96x512xf32, #tpu.memory_space<vmem>>, vector<1x16xf32>,
          %get3A_688 = vector.shape_cast %get3A_687 : vector<1x16xf32> to vector<16xf32>
          %max3A_689 = arith.maximumf %while3A_557, %get3A_688 : vector<16xf32>
          %get3A_690 = arith.index_cast %while3A_532 : i32 to index
          %get3A_691 = arith.constant 400 : index
          %get3A_692 = tpu.vector_load %arg8[%get3A_690, %get3A_691] {strides = array<i32>} : memref<96x512xf32, #tpu.memory_space<vmem>>, vector<1x16xf32>,
          %get3A_693 = vector.shape_cast %get3A_692 : vector<1x16xf32> to vector<16xf32>
          %max3A_694 = arith.maximumf %while3A_558, %get3A_693 : vector<16xf32>
          %get3A_695 = arith.index_cast %while3A_532 : i32 to index
          %get3A_696 = arith.constant 416 : index
          %get3A_697 = tpu.vector_load %arg8[%get3A_695, %get3A_696] {strides = array<i32>} : memref<96x512xf32, #tpu.memory_space<vmem>>, vector<1x16xf32>,
          %get3A_698 = vector.shape_cast %get3A_697 : vector<1x16xf32> to vector<16xf32>
          %max3A_699 = arith.maximumf %while3A_559, %get3A_698 : vector<16xf32>
          %get3A_700 = arith.index_cast %while3A_532 : i32 to index
          %get3A_701 = arith.constant 432 : index
          %get3A_702 = tpu.vector_load %arg8[%get3A_700, %get3A_701] {strides = array<i32>} : memref<96x512xf32, #tpu.memory_space<vmem>>, vector<1x16xf32>,
          %get3A_703 = vector.shape_cast %get3A_702 : vector<1x16xf32> to vector<16xf32>
          %max3A_704 = arith.maximumf %while3A_560, %get3A_703 : vector<16xf32>
          %get3A_705 = arith.index_cast %while3A_532 : i32 to index
          %get3A_706 = arith.constant 448 : index
          %get3A_707 = tpu.vector_load %arg8[%get3A_705, %get3A_706] {strides = array<i32>} : memref<96x512xf32, #tpu.memory_space<vmem>>, vector<1x16xf32>,
          %get3A_708 = vector.shape_cast %get3A_707 : vector<1x16xf32> to vector<16xf32>
          %max3A_709 = arith.maximumf %while3A_561, %get3A_708 : vector<16xf32>
          %get3A_710 = arith.index_cast %while3A_532 : i32 to index
          %get3A_711 = arith.constant 464 : index
          %get3A_712 = tpu.vector_load %arg8[%get3A_710, %get3A_711] {strides = array<i32>} : memref<96x512xf32, #tpu.memory_space<vmem>>, vector<1x16xf32>,
          %get3A_713 = vector.shape_cast %get3A_712 : vector<1x16xf32> to vector<16xf32>
          %max3A_714 = arith.maximumf %while3A_562, %get3A_713 : vector<16xf32>
          %get3A_715 = arith.index_cast %while3A_532 : i32 to index
          %get3A_716 = arith.constant 480 : index
          %get3A_717 = tpu.vector_load %arg8[%get3A_715, %get3A_716] {strides = array<i32>} : memref<96x512xf32, #tpu.memory_space<vmem>>, vector<1x16xf32>,
          %get3A_718 = vector.shape_cast %get3A_717 : vector<1x16xf32> to vector<16xf32>
          %max3A_719 = arith.maximumf %while3A_563, %get3A_718 : vector<16xf32>
          %get3A_720 = arith.index_cast %while3A_532 : i32 to index
          %get3A_721 = arith.constant 496 : index
          %get3A_722 = tpu.vector_load %arg8[%get3A_720, %get3A_721] {strides = array<i32>} : memref<96x512xf32, #tpu.memory_space<vmem>>, vector<1x16xf32>,
          %get3A_723 = vector.shape_cast %get3A_722 : vector<1x16xf32> to vector<16xf32>
          %max3A_724 = arith.maximumf %while3A_564, %get3A_723 : vector<16xf32>
          scf.yield %max3A_569, %max3A_574, %max3A_579, %max3A_584, %max3A_589, %max3A_594, %max3A_599, %max3A_604, %max3A_609, %max3A_614, %max3A_619, %max3A_624, %max3A_629, %max3A_634, %max3A_639, %max3A_644, %max3A_649, %max3A_654, %max3A_659, %max3A_664, %max3A_669, %max3A_674, %max3A_679, %max3A_684, %max3A_689, %max3A_694, %max3A_699, %max3A_704, %max3A_709, %max3A_714, %max3A_719, %max3A_724 : vector<16xf32>, vector<16xf32>, vector<16xf32>, vector<16xf32>, vector<16xf32>, vector<16xf32>, vector<16xf32>, vector<16xf32>, vector<16xf32>, vector<16xf32>, vector<16xf32>, vector<16xf32>, vector<16xf32>, vector<16xf32>, vector<16xf32>, vector<16xf32>, vector<16xf32>, vector<16xf32>, vector<16xf32>, vector<16xf32>, vector<16xf32>, vector<16xf32>, vector<16xf32>, vector<16xf32>, vector<16xf32>, vector<16xf32>, vector<16xf32>, vector<16xf32>, vector<16xf32>, vector<16xf32>, vector<16xf32>, vector<16xf32>
        }
        scf.yield %while3A_531#0, %while3A_531#1, %while3A_531#2, %while3A_531#3, %while3A_531#4, %while3A_531#5, %while3A_531#6, %while3A_531#7, %while3A_531#8, %while3A_531#9, %while3A_531#10, %while3A_531#11, %while3A_531#12, %while3A_531#13, %while3A_531#14, %while3A_531#15, %while3A_531#16, %while3A_531#17, %while3A_531#18, %while3A_531#19, %while3A_531#20, %while3A_531#21, %while3A_531#22, %while3A_531#23, %while3A_531#24, %while3A_531#25, %while3A_531#26, %while3A_531#27, %while3A_531#28, %while3A_531#29, %while3A_531#30, %while3A_531#31 : vector<16xf32>, vector<16xf32>, vector<16xf32>, vector<16xf32>, vector<16xf32>, vector<16xf32>, vector<16xf32>, vector<16xf32>, vector<16xf32>, vector<16xf32>, vector<16xf32>, vector<16xf32>, vector<16xf32>, vector<16xf32>, vector<16xf32>, vector<16xf32>, vector<16xf32>, vector<16xf32>, vector<16xf32>, vector<16xf32>, vector<16xf32>, vector<16xf32>, vector<16xf32>, vector<16xf32>, vector<16xf32>, vector<16xf32>, vector<16xf32>, vector<16xf32>, vector<16xf32>, vector<16xf32>, vector<16xf32>, vector<16xf32>
      }
      %swap3A_266 = arith.constant 0 : index
      %swap3A_267 = tpu.vector_load %arg10[%swap3A_266] {strides = array<i32>} : memref<512xf32, #tpu.memory_space<vmem>>, vector<16xf32>,
      %swap3A_268 = vector.shape_cast %swap3A_267 : vector<16xf32> to vector<16xf32>
      %swap3A_269 = vector.shape_cast %while3A_265#0 : vector<16xf32> to vector<16xf32>
      tpu.vector_store %arg10[%swap3A_266], %swap3A_269 {strides = array<i32>} : memref<512xf32, #tpu.memory_space<vmem>>, vector<16xf32>,
      %swap3A_270 = arith.constant 16 : index
      %swap3A_271 = tpu.vector_load %arg10[%swap3A_270] {strides = array<i32>} : memref<512xf32, #tpu.memory_space<vmem>>, vector<16xf32>,
      %swap3A_272 = vector.shape_cast %swap3A_271 : vector<16xf32> to vector<16xf32>
      %swap3A_273 = vector.shape_cast %while3A_265#1 : vector<16xf32> to vector<16xf32>
      tpu.vector_store %arg10[%swap3A_270], %swap3A_273 {strides = array<i32>} : memref<512xf32, #tpu.memory_space<vmem>>, vector<16xf32>,
      %swap3A_274 = arith.constant 32 : index
      %swap3A_275 = tpu.vector_load %arg10[%swap3A_274] {strides = array<i32>} : memref<512xf32, #tpu.memory_space<vmem>>, vector<16xf32>,
      %swap3A_276 = vector.shape_cast %swap3A_275 : vector<16xf32> to vector<16xf32>
      %swap3A_277 = vector.shape_cast %while3A_265#2 : vector<16xf32> to vector<16xf32>
      tpu.vector_store %arg10[%swap3A_274], %swap3A_277 {strides = array<i32>} : memref<512xf32, #tpu.memory_space<vmem>>, vector<16xf32>,
      %swap3A_278 = arith.constant 48 : index
      %swap3A_279 = tpu.vector_load %arg10[%swap3A_278] {strides = array<i32>} : memref<512xf32, #tpu.memory_space<vmem>>, vector<16xf32>,
      %swap3A_280 = vector.shape_cast %swap3A_279 : vector<16xf32> to vector<16xf32>
      %swap3A_281 = vector.shape_cast %while3A_265#3 : vector<16xf32> to vector<16xf32>
      tpu.vector_store %arg10[%swap3A_278], %swap3A_281 {strides = array<i32>} : memref<512xf32, #tpu.memory_space<vmem>>, vector<16xf32>,
      %swap3A_282 = arith.constant 64 : index
      %swap3A_283 = tpu.vector_load %arg10[%swap3A_282] {strides = array<i32>} : memref<512xf32, #tpu.memory_space<vmem>>, vector<16xf32>,
      %swap3A_284 = vector.shape_cast %swap3A_283 : vector<16xf32> to vector<16xf32>
      %swap3A_285 = vector.shape_cast %while3A_265#4 : vector<16xf32> to vector<16xf32>
      tpu.vector_store %arg10[%swap3A_282], %swap3A_285 {strides = array<i32>} : memref<512xf32, #tpu.memory_space<vmem>>, vector<16xf32>,
      %swap3A_286 = arith.constant 80 : index
      %swap3A_287 = tpu.vector_load %arg10[%swap3A_286] {strides = array<i32>} : memref<512xf32, #tpu.memory_space<vmem>>, vector<16xf32>,
      %swap3A_288 = vector.shape_cast %swap3A_287 : vector<16xf32> to vector<16xf32>
      %swap3A_289 = vector.shape_cast %while3A_265#5 : vector<16xf32> to vector<16xf32>
      tpu.vector_store %arg10[%swap3A_286], %swap3A_289 {strides = array<i32>} : memref<512xf32, #tpu.memory_space<vmem>>, vector<16xf32>,
      %swap3A_290 = arith.constant 96 : index
      %swap3A_291 = tpu.vector_load %arg10[%swap3A_290] {strides = array<i32>} : memref<512xf32, #tpu.memory_space<vmem>>, vector<16xf32>,
      %swap3A_292 = vector.shape_cast %swap3A_291 : vector<16xf32> to vector<16xf32>
      %swap3A_293 = vector.shape_cast %while3A_265#6 : vector<16xf32> to vector<16xf32>
      tpu.vector_store %arg10[%swap3A_290], %swap3A_293 {strides = array<i32>} : memref<512xf32, #tpu.memory_space<vmem>>, vector<16xf32>,
      %swap3A_294 = arith.constant 112 : index
      %swap3A_295 = tpu.vector_load %arg10[%swap3A_294] {strides = array<i32>} : memref<512xf32, #tpu.memory_space<vmem>>, vector<16xf32>,
      %swap3A_296 = vector.shape_cast %swap3A_295 : vector<16xf32> to vector<16xf32>
      %swap3A_297 = vector.shape_cast %while3A_265#7 : vector<16xf32> to vector<16xf32>
      tpu.vector_store %arg10[%swap3A_294], %swap3A_297 {strides = array<i32>} : memref<512xf32, #tpu.memory_space<vmem>>, vector<16xf32>,
      %swap3A_298 = arith.constant 128 : index
      %swap3A_299 = tpu.vector_load %arg10[%swap3A_298] {strides = array<i32>} : memref<512xf32, #tpu.memory_space<vmem>>, vector<16xf32>,
      %swap3A_300 = vector.shape_cast %swap3A_299 : vector<16xf32> to vector<16xf32>
      %swap3A_301 = vector.shape_cast %while3A_265#8 : vector<16xf32> to vector<16xf32>
      tpu.vector_store %arg10[%swap3A_298], %swap3A_301 {strides = array<i32>} : memref<512xf32, #tpu.memory_space<vmem>>, vector<16xf32>,
      %swap3A_302 = arith.constant 144 : index
      %swap3A_303 = tpu.vector_load %arg10[%swap3A_302] {strides = array<i32>} : memref<512xf32, #tpu.memory_space<vmem>>, vector<16xf32>,
      %swap3A_304 = vector.shape_cast %swap3A_303 : vector<16xf32> to vector<16xf32>
      %swap3A_305 = vector.shape_cast %while3A_265#9 : vector<16xf32> to vector<16xf32>
      tpu.vector_store %arg10[%swap3A_302], %swap3A_305 {strides = array<i32>} : memref<512xf32, #tpu.memory_space<vmem>>, vector<16xf32>,
      %swap3A_306 = arith.constant 160 : index
      %swap3A_307 = tpu.vector_load %arg10[%swap3A_306] {strides = array<i32>} : memref<512xf32, #tpu.memory_space<vmem>>, vector<16xf32>,
      %swap3A_308 = vector.shape_cast %swap3A_307 : vector<16xf32> to vector<16xf32>
      %swap3A_309 = vector.shape_cast %while3A_265#10 : vector<16xf32> to vector<16xf32>
      tpu.vector_store %arg10[%swap3A_306], %swap3A_309 {strides = array<i32>} : memref<512xf32, #tpu.memory_space<vmem>>, vector<16xf32>,
      %swap3A_310 = arith.constant 176 : index
      %swap3A_311 = tpu.vector_load %arg10[%swap3A_310] {strides = array<i32>} : memref<512xf32, #tpu.memory_space<vmem>>, vector<16xf32>,
      %swap3A_312 = vector.shape_cast %swap3A_311 : vector<16xf32> to vector<16xf32>
      %swap3A_313 = vector.shape_cast %while3A_265#11 : vector<16xf32> to vector<16xf32>
      tpu.vector_store %arg10[%swap3A_310], %swap3A_313 {strides = array<i32>} : memref<512xf32, #tpu.memory_space<vmem>>, vector<16xf32>,
      %swap3A_314 = arith.constant 192 : index
      %swap3A_315 = tpu.vector_load %arg10[%swap3A_314] {strides = array<i32>} : memref<512xf32, #tpu.memory_space<vmem>>, vector<16xf32>,
      %swap3A_316 = vector.shape_cast %swap3A_315 : vector<16xf32> to vector<16xf32>
      %swap3A_317 = vector.shape_cast %while3A_265#12 : vector<16xf32> to vector<16xf32>
      tpu.vector_store %arg10[%swap3A_314], %swap3A_317 {strides = array<i32>} : memref<512xf32, #tpu.memory_space<vmem>>, vector<16xf32>,
      %swap3A_318 = arith.constant 208 : index
      %swap3A_319 = tpu.vector_load %arg10[%swap3A_318] {strides = array<i32>} : memref<512xf32, #tpu.memory_space<vmem>>, vector<16xf32>,
      %swap3A_320 = vector.shape_cast %swap3A_319 : vector<16xf32> to vector<16xf32>
      %swap3A_321 = vector.shape_cast %while3A_265#13 : vector<16xf32> to vector<16xf32>
      tpu.vector_store %arg10[%swap3A_318], %swap3A_321 {strides = array<i32>} : memref<512xf32, #tpu.memory_space<vmem>>, vector<16xf32>,
      %swap3A_322 = arith.constant 224 : index
      %swap3A_323 = tpu.vector_load %arg10[%swap3A_322] {strides = array<i32>} : memref<512xf32, #tpu.memory_space<vmem>>, vector<16xf32>,
      %swap3A_324 = vector.shape_cast %swap3A_323 : vector<16xf32> to vector<16xf32>
      %swap3A_325 = vector.shape_cast %while3A_265#14 : vector<16xf32> to vector<16xf32>
      tpu.vector_store %arg10[%swap3A_322], %swap3A_325 {strides = array<i32>} : memref<512xf32, #tpu.memory_space<vmem>>, vector<16xf32>,
      %swap3A_326 = arith.constant 240 : index
      %swap3A_327 = tpu.vector_load %arg10[%swap3A_326] {strides = array<i32>} : memref<512xf32, #tpu.memory_space<vmem>>, vector<16xf32>,
      %swap3A_328 = vector.shape_cast %swap3A_327 : vector<16xf32> to vector<16xf32>
      %swap3A_329 = vector.shape_cast %while3A_265#15 : vector<16xf32> to vector<16xf32>
      tpu.vector_store %arg10[%swap3A_326], %swap3A_329 {strides = array<i32>} : memref<512xf32, #tpu.memory_space<vmem>>, vector<16xf32>,
      %swap3A_330 = arith.constant 256 : index
      %swap3A_331 = tpu.vector_load %arg10[%swap3A_330] {strides = array<i32>} : memref<512xf32, #tpu.memory_space<vmem>>, vector<16xf32>,
      %swap3A_332 = vector.shape_cast %swap3A_331 : vector<16xf32> to vector<16xf32>
      %swap3A_333 = vector.shape_cast %while3A_265#16 : vector<16xf32> to vector<16xf32>
      tpu.vector_store %arg10[%swap3A_330], %swap3A_333 {strides = array<i32>} : memref<512xf32, #tpu.memory_space<vmem>>, vector<16xf32>,
      %swap3A_334 = arith.constant 272 : index
      %swap3A_335 = tpu.vector_load %arg10[%swap3A_334] {strides = array<i32>} : memref<512xf32, #tpu.memory_space<vmem>>, vector<16xf32>,
      %swap3A_336 = vector.shape_cast %swap3A_335 : vector<16xf32> to vector<16xf32>
      %swap3A_337 = vector.shape_cast %while3A_265#17 : vector<16xf32> to vector<16xf32>
      tpu.vector_store %arg10[%swap3A_334], %swap3A_337 {strides = array<i32>} : memref<512xf32, #tpu.memory_space<vmem>>, vector<16xf32>,
      %swap3A_338 = arith.constant 288 : index
      %swap3A_339 = tpu.vector_load %arg10[%swap3A_338] {strides = array<i32>} : memref<512xf32, #tpu.memory_space<vmem>>, vector<16xf32>,
      %swap3A_340 = vector.shape_cast %swap3A_339 : vector<16xf32> to vector<16xf32>
      %swap3A_341 = vector.shape_cast %while3A_265#18 : vector<16xf32> to vector<16xf32>
      tpu.vector_store %arg10[%swap3A_338], %swap3A_341 {strides = array<i32>} : memref<512xf32, #tpu.memory_space<vmem>>, vector<16xf32>,
      %swap3A_342 = arith.constant 304 : index
      %swap3A_343 = tpu.vector_load %arg10[%swap3A_342] {strides = array<i32>} : memref<512xf32, #tpu.memory_space<vmem>>, vector<16xf32>,
      %swap3A_344 = vector.shape_cast %swap3A_343 : vector<16xf32> to vector<16xf32>
      %swap3A_345 = vector.shape_cast %while3A_265#19 : vector<16xf32> to vector<16xf32>
      tpu.vector_store %arg10[%swap3A_342], %swap3A_345 {strides = array<i32>} : memref<512xf32, #tpu.memory_space<vmem>>, vector<16xf32>,
      %swap3A_346 = arith.constant 320 : index
      %swap3A_347 = tpu.vector_load %arg10[%swap3A_346] {strides = array<i32>} : memref<512xf32, #tpu.memory_space<vmem>>, vector<16xf32>,
      %swap3A_348 = vector.shape_cast %swap3A_347 : vector<16xf32> to vector<16xf32>
      %swap3A_349 = vector.shape_cast %while3A_265#20 : vector<16xf32> to vector<16xf32>
      tpu.vector_store %arg10[%swap3A_346], %swap3A_349 {strides = array<i32>} : memref<512xf32, #tpu.memory_space<vmem>>, vector<16xf32>,
      %swap3A_350 = arith.constant 336 : index
      %swap3A_351 = tpu.vector_load %arg10[%swap3A_350] {strides = array<i32>} : memref<512xf32, #tpu.memory_space<vmem>>, vector<16xf32>,
      %swap3A_352 = vector.shape_cast %swap3A_351 : vector<16xf32> to vector<16xf32>
      %swap3A_353 = vector.shape_cast %while3A_265#21 : vector<16xf32> to vector<16xf32>
      tpu.vector_store %arg10[%swap3A_350], %swap3A_353 {strides = array<i32>} : memref<512xf32, #tpu.memory_space<vmem>>, vector<16xf32>,
      %swap3A_354 = arith.constant 352 : index
      %swap3A_355 = tpu.vector_load %arg10[%swap3A_354] {strides = array<i32>} : memref<512xf32, #tpu.memory_space<vmem>>, vector<16xf32>,
      %swap3A_356 = vector.shape_cast %swap3A_355 : vector<16xf32> to vector<16xf32>
      %swap3A_357 = vector.shape_cast %while3A_265#22 : vector<16xf32> to vector<16xf32>
      tpu.vector_store %arg10[%swap3A_354], %swap3A_357 {strides = array<i32>} : memref<512xf32, #tpu.memory_space<vmem>>, vector<16xf32>,
      %swap3A_358 = arith.constant 368 : index
      %swap3A_359 = tpu.vector_load %arg10[%swap3A_358] {strides = array<i32>} : memref<512xf32, #tpu.memory_space<vmem>>, vector<16xf32>,
      %swap3A_360 = vector.shape_cast %swap3A_359 : vector<16xf32> to vector<16xf32>
      %swap3A_361 = vector.shape_cast %while3A_265#23 : vector<16xf32> to vector<16xf32>
      tpu.vector_store %arg10[%swap3A_358], %swap3A_361 {strides = array<i32>} : memref<512xf32, #tpu.memory_space<vmem>>, vector<16xf32>,
      %swap3A_362 = arith.constant 384 : index
      %swap3A_363 = tpu.vector_load %arg10[%swap3A_362] {strides = array<i32>} : memref<512xf32, #tpu.memory_space<vmem>>, vector<16xf32>,
      %swap3A_364 = vector.shape_cast %swap3A_363 : vector<16xf32> to vector<16xf32>
      %swap3A_365 = vector.shape_cast %while3A_265#24 : vector<16xf32> to vector<16xf32>
      tpu.vector_store %arg10[%swap3A_362], %swap3A_365 {strides = array<i32>} : memref<512xf32, #tpu.memory_space<vmem>>, vector<16xf32>,
      %swap3A_366 = arith.constant 400 : index
      %swap3A_367 = tpu.vector_load %arg10[%swap3A_366] {strides = array<i32>} : memref<512xf32, #tpu.memory_space<vmem>>, vector<16xf32>,
      %swap3A_368 = vector.shape_cast %swap3A_367 : vector<16xf32> to vector<16xf32>
      %swap3A_369 = vector.shape_cast %while3A_265#25 : vector<16xf32> to vector<16xf32>
      tpu.vector_store %arg10[%swap3A_366], %swap3A_369 {strides = array<i32>} : memref<512xf32, #tpu.memory_space<vmem>>, vector<16xf32>,
      %swap3A_370 = arith.constant 416 : index
      %swap3A_371 = tpu.vector_load %arg10[%swap3A_370] {strides = array<i32>} : memref<512xf32, #tpu.memory_space<vmem>>, vector<16xf32>,
      %swap3A_372 = vector.shape_cast %swap3A_371 : vector<16xf32> to vector<16xf32>
      %swap3A_373 = vector.shape_cast %while3A_265#26 : vector<16xf32> to vector<16xf32>
      tpu.vector_store %arg10[%swap3A_370], %swap3A_373 {strides = array<i32>} : memref<512xf32, #tpu.memory_space<vmem>>, vector<16xf32>,
      %swap3A_374 = arith.constant 432 : index
      %swap3A_375 = tpu.vector_load %arg10[%swap3A_374] {strides = array<i32>} : memref<512xf32, #tpu.memory_space<vmem>>, vector<16xf32>,
      %swap3A_376 = vector.shape_cast %swap3A_375 : vector<16xf32> to vector<16xf32>
      %swap3A_377 = vector.shape_cast %while3A_265#27 : vector<16xf32> to vector<16xf32>
      tpu.vector_store %arg10[%swap3A_374], %swap3A_377 {strides = array<i32>} : memref<512xf32, #tpu.memory_space<vmem>>, vector<16xf32>,
      %swap3A_378 = arith.constant 448 : index
      %swap3A_379 = tpu.vector_load %arg10[%swap3A_378] {strides = array<i32>} : memref<512xf32, #tpu.memory_space<vmem>>, vector<16xf32>,
      %swap3A_380 = vector.shape_cast %swap3A_379 : vector<16xf32> to vector<16xf32>
      %swap3A_381 = vector.shape_cast %while3A_265#28 : vector<16xf32> to vector<16xf32>
      tpu.vector_store %arg10[%swap3A_378], %swap3A_381 {strides = array<i32>} : memref<512xf32, #tpu.memory_space<vmem>>, vector<16xf32>,
      %swap3A_382 = arith.constant 464 : index
      %swap3A_383 = tpu.vector_load %arg10[%swap3A_382] {strides = array<i32>} : memref<512xf32, #tpu.memory_space<vmem>>, vector<16xf32>,
      %swap3A_384 = vector.shape_cast %swap3A_383 : vector<16xf32> to vector<16xf32>
      %swap3A_385 = vector.shape_cast %while3A_265#29 : vector<16xf32> to vector<16xf32>
      tpu.vector_store %arg10[%swap3A_382], %swap3A_385 {strides = array<i32>} : memref<512xf32, #tpu.memory_space<vmem>>, vector<16xf32>,
      %swap3A_386 = arith.constant 480 : index
      %swap3A_387 = tpu.vector_load %arg10[%swap3A_386] {strides = array<i32>} : memref<512xf32, #tpu.memory_space<vmem>>, vector<16xf32>,
      %swap3A_388 = vector.shape_cast %swap3A_387 : vector<16xf32> to vector<16xf32>
      %swap3A_389 = vector.shape_cast %while3A_265#30 : vector<16xf32> to vector<16xf32>
      tpu.vector_store %arg10[%swap3A_386], %swap3A_389 {strides = array<i32>} : memref<512xf32, #tpu.memory_space<vmem>>, vector<16xf32>,
      %swap3A_390 = arith.constant 496 : index
      %swap3A_391 = tpu.vector_load %arg10[%swap3A_390] {strides = array<i32>} : memref<512xf32, #tpu.memory_space<vmem>>, vector<16xf32>,
      %swap3A_392 = vector.shape_cast %swap3A_391 : vector<16xf32> to vector<16xf32>
      %swap3A_393 = vector.shape_cast %while3A_265#31 : vector<16xf32> to vector<16xf32>
      tpu.vector_store %arg10[%swap3A_390], %swap3A_393 {strides = array<i32>} : memref<512xf32, #tpu.memory_space<vmem>>, vector<16xf32>,
      %mul3A_394 = arith.constant 512 : i32
      %mul3A_395 = arith.muli %while3A_155, %mul3A_394 : i32
      "tpu.region"() ({
        %run_scoped3A = tpu.sem_alloc : memref<!tpu.dma_semaphore, #tpu.memory_space<semaphore_mem>>
        %dma_start3A_402 = tpu.memref_slice %arg4[%mul3A_395] : memref<65536xf32, #tpu.memory_space<hbm>> -> memref<512xf32, #tpu.memory_space<hbm>>
        %dma_start3A_403 = tpu.memref_slice %arg4[%mul3A_395] : memref<65536xf32, #tpu.memory_space<hbm>> -> memref<512xf32, #tpu.memory_space<hbm>>
        tpu.enqueue_dma source(%arg10 : memref<512xf32, #tpu.memory_space<vmem>>) target(%dma_start3A_403 : memref<512xf32, #tpu.memory_space<hbm>>) target_semaphore(%run_scoped3A : memref<!tpu.dma_semaphore, #tpu.memory_space<semaphore_mem>>)
        %dma_wait3A = tpu.memref_slice %arg4[%mul3A_395] : memref<65536xf32, #tpu.memory_space<hbm>> -> memref<512xf32, #tpu.memory_space<hbm>>
        %dma_wait3A_404 = tpu.memref_slice %arg4[%mul3A_395] : memref<65536xf32, #tpu.memory_space<hbm>> -> memref<512xf32, #tpu.memory_space<hbm>>
        tpu.wait_dma2 semaphore(%run_scoped3A : memref<!tpu.dma_semaphore, #tpu.memory_space<semaphore_mem>>) src(%arg10 : memref<512xf32, #tpu.memory_space<vmem>>) dst(%dma_wait3A_404 : memref<512xf32, #tpu.memory_space<hbm>>)
        tpu.yield
      }) : () -> ()
      %eq3A_396 = arith.cmpi eq, %while3A_155, %select_n3A_63 : i32
      %convert_element_type3A = arith.extui %eq3A_396 : i1 to i32
      %cond3A = arith.constant 0 : i32
      %cond3A_397 = arith.cmpi ne, %convert_element_type3A, %cond3A : i32
      scf.if %cond3A_397 {
        %mul3A_402 = arith.constant 2 : i32
        %mul3A_403 = arith.muli %mul3A_402, %add3A : i32
        %mul3A_404 = arith.constant 512 : i32
        %mul3A_405 = arith.muli %mul3A_403, %mul3A_404 : i32
        "tpu.region"() ({
          %run_scoped3A = tpu.sem_alloc : memref<!tpu.dma_semaphore, #tpu.memory_space<semaphore_mem>>
          %dma_start3A_406 = tpu.memref_slice %arg5[%mul3A_405] : memref<32768xf32, #tpu.memory_space<hbm>> -> memref<512xf32, #tpu.memory_space<hbm>>
          %dma_start3A_407 = tpu.memref_slice %arg5[%mul3A_405] : memref<32768xf32, #tpu.memory_space<hbm>> -> memref<512xf32, #tpu.memory_space<hbm>>
          tpu.enqueue_dma source(%arg10 : memref<512xf32, #tpu.memory_space<vmem>>) target(%dma_start3A_407 : memref<512xf32, #tpu.memory_space<hbm>>) target_semaphore(%run_scoped3A : memref<!tpu.dma_semaphore, #tpu.memory_space<semaphore_mem>>)
          %dma_wait3A = tpu.memref_slice %arg5[%mul3A_405] : memref<32768xf32, #tpu.memory_space<hbm>> -> memref<512xf32, #tpu.memory_space<hbm>>
          %dma_wait3A_408 = tpu.memref_slice %arg5[%mul3A_405] : memref<32768xf32, #tpu.memory_space<hbm>> -> memref<512xf32, #tpu.memory_space<hbm>>
          tpu.wait_dma2 semaphore(%run_scoped3A : memref<!tpu.dma_semaphore, #tpu.memory_space<semaphore_mem>>) src(%arg10 : memref<512xf32, #tpu.memory_space<vmem>>) dst(%dma_wait3A_408 : memref<512xf32, #tpu.memory_space<hbm>>)
          tpu.yield
        }) : () -> ()
      } else {
      }
      %eq3A_398 = arith.cmpi eq, %while3A_155, %select_n3A_129 : i32
      %convert_element_type3A_399 = arith.extui %eq3A_398 : i1 to i32
      %cond3A_400 = arith.constant 0 : i32
      %cond3A_401 = arith.cmpi ne, %convert_element_type3A_399, %cond3A_400 : i32
      scf.if %cond3A_401 {
        %mul3A_402 = arith.constant 2 : i32
        %mul3A_403 = arith.muli %mul3A_402, %add3A : i32
        %add3A_404 = arith.constant 1 : i32
        %add3A_405 = arith.addi %mul3A_403, %add3A_404 : i32
        %mul3A_406 = arith.constant 512 : i32
        %mul3A_407 = arith.muli %add3A_405, %mul3A_406 : i32
        "tpu.region"() ({
          %run_scoped3A = tpu.sem_alloc : memref<!tpu.dma_semaphore, #tpu.memory_space<semaphore_mem>>
          %dma_start3A_408 = tpu.memref_slice %arg5[%mul3A_407] : memref<32768xf32, #tpu.memory_space<hbm>> -> memref<512xf32, #tpu.memory_space<hbm>>
          %dma_start3A_409 = tpu.memref_slice %arg5[%mul3A_407] : memref<32768xf32, #tpu.memory_space<hbm>> -> memref<512xf32, #tpu.memory_space<hbm>>
          tpu.enqueue_dma source(%arg10 : memref<512xf32, #tpu.memory_space<vmem>>) target(%dma_start3A_409 : memref<512xf32, #tpu.memory_space<hbm>>) target_semaphore(%run_scoped3A : memref<!tpu.dma_semaphore, #tpu.memory_space<semaphore_mem>>)
          %dma_wait3A = tpu.memref_slice %arg5[%mul3A_407] : memref<32768xf32, #tpu.memory_space<hbm>> -> memref<512xf32, #tpu.memory_space<hbm>>
          %dma_wait3A_410 = tpu.memref_slice %arg5[%mul3A_407] : memref<32768xf32, #tpu.memory_space<hbm>> -> memref<512xf32, #tpu.memory_space<hbm>>
          tpu.wait_dma2 semaphore(%run_scoped3A : memref<!tpu.dma_semaphore, #tpu.memory_space<semaphore_mem>>) src(%arg10 : memref<512xf32, #tpu.memory_space<vmem>>) dst(%dma_wait3A_410 : memref<512xf32, #tpu.memory_space<hbm>>)
          tpu.yield
        }) : () -> ()
      } else {
      }
    }
    %iota3A = tpu.iota {dimensions = array<i32: 0>} : vector<16xi32>
    %eq3A = arith.constant 0 : i32
    %eq3A_140 = vector.broadcast %eq3A : i32 to vector<16xi32>
    %eq3A_141 = arith.cmpi eq, %iota3A, %eq3A_140 : vector<16xi32>
    %eq3A_142 = arith.constant 1 : i32
    %eq3A_143 = vector.broadcast %eq3A_142 : i32 to vector<16xi32>
    %eq3A_144 = arith.cmpi eq, %iota3A, %eq3A_143 : vector<16xi32>
    %jit3A_145 = arith.constant 0 : i32
    %broadcast_in_dim3A = vector.broadcast %select_n3A_129 : i32 to vector<16xi32>
    %broadcast_in_dim3A_146 = vector.broadcast %jit3A_145 : i32 to vector<16xi32>
    %select_n3A_147 = arith.select %eq3A_144, %broadcast_in_dim3A, %broadcast_in_dim3A_146 : vector<16xi1>, vector<16xi32>
    %broadcast_in_dim3A_148 = vector.broadcast %select_n3A_63 : i32 to vector<16xi32>
    %select_n3A_149 = arith.select %eq3A_141, %broadcast_in_dim3A_148, %select_n3A_147 : vector<16xi1>, vector<16xi32>
    %swap3A = arith.constant 0 : index
    %swap3A_150 = tpu.vector_load %arg11[%swap3A] {strides = array<i32>} : memref<16xi32, #tpu.memory_space<vmem>>, vector<16xi32>,
    %swap3A_151 = vector.shape_cast %swap3A_150 : vector<16xi32> to vector<16xi32>
    %swap3A_152 = vector.shape_cast %select_n3A_149 : vector<16xi32> to vector<16xi32>
    tpu.vector_store %arg11[%swap3A], %swap3A_152 {strides = array<i32>} : memref<16xi32, #tpu.memory_space<vmem>>, vector<16xi32>,
    %mul3A_153 = arith.constant 16 : i32
    %mul3A_154 = arith.muli %add3A, %mul3A_153 : i32
    "tpu.region"() ({
      %run_scoped3A = tpu.sem_alloc : memref<!tpu.dma_semaphore, #tpu.memory_space<semaphore_mem>>
      %dma_start3A = tpu.memref_slice %arg6[%mul3A_154] : memref<512xi32, #tpu.memory_space<hbm>> -> memref<16xi32, #tpu.memory_space<hbm>>
      %dma_start3A_155 = tpu.memref_slice %arg6[%mul3A_154] : memref<512xi32, #tpu.memory_space<hbm>> -> memref<16xi32, #tpu.memory_space<hbm>>
      tpu.enqueue_dma source(%arg11 : memref<16xi32, #tpu.memory_space<vmem>>) target(%dma_start3A_155 : memref<16xi32, #tpu.memory_space<hbm>>) target_semaphore(%run_scoped3A : memref<!tpu.dma_semaphore, #tpu.memory_space<semaphore_mem>>)
      %dma_wait3A = tpu.memref_slice %arg6[%mul3A_154] : memref<512xi32, #tpu.memory_space<hbm>> -> memref<16xi32, #tpu.memory_space<hbm>>
      %dma_wait3A_156 = tpu.memref_slice %arg6[%mul3A_154] : memref<512xi32, #tpu.memory_space<hbm>> -> memref<16xi32, #tpu.memory_space<hbm>>
      tpu.wait_dma2 semaphore(%run_scoped3A : memref<!tpu.dma_semaphore, #tpu.memory_space<semaphore_mem>>) src(%arg11 : memref<16xi32, #tpu.memory_space<vmem>>) dst(%dma_wait3A_156 : memref<16xi32, #tpu.memory_space<hbm>>)
      tpu.yield
    }) : () -> ()
    return
  }
}

module attributes {stable_mosaic.version = 14 : i64} {
  func.func @body(%arg0: i32, %arg1: memref<160xi32, #tpu.memory_space<smem>>, %arg2: memref<512x512xf32, #tpu.memory_space<vmem>>, %arg3: memref<128x512xf32, #tpu.memory_space<vmem>>) attributes {dimension_semantics = [#tpu.dimension_semantics<arbitrary>], iteration_bounds = array<i64: 116>, scalar_prefetch = 0 : i64, scratch_operands = 0 : i64, tpu.core_type = #tpu.core_type<tc>, window_params = [{transform_indices = @transform_0, window_bounds = array<i64: 160>}, {transform_indices = @transform_1, window_bounds = array<i64: 512, 512>}, {pipeline_mode = #tpu.pipeline_mode<synchronous>, transform_indices = @transform_2, window_bounds = array<i64: 128, 512>}]} {
    %eq3A = arith.constant 0 : i32
    %eq3A_0 = arith.cmpi eq, %arg0, %eq3A : i32
    %convert_element_type3A = arith.extui %eq3A_0 : i1 to i32
    %cond3A = arith.constant 0 : i32
    %cond3A_1 = arith.cmpi ne, %convert_element_type3A, %cond3A : i32
    scf.if %cond3A_1 {
      %broadcast_in_dim3A = arith.constant 0xFF800000 : f32
      %broadcast_in_dim3A_111 = vector.broadcast %broadcast_in_dim3A : f32 to vector<128x512xf32>
      %swap3A = arith.constant 0 : index
      %swap3A_112 = arith.constant 0 : index
      %swap3A_113 = vector.load %arg3[%swap3A, %swap3A_112] : memref<128x512xf32, #tpu.memory_space<vmem>>, vector<128x512xf32>
      tpu.vector_store %arg3[%swap3A, %swap3A_112], %broadcast_in_dim3A_111 {strides = array<i32>} : memref<128x512xf32, #tpu.memory_space<vmem>>, vector<128x512xf32>,
    } else {
    }
    %add3A = arith.constant 80 : i32
    %add3A_2 = arith.addi %arg0, %add3A : i32
    %mul3A = arith.constant 512 : i32
    %mul3A_3 = arith.muli %add3A_2, %mul3A : i32
    %add3A_4 = arith.constant 0 : i32
    %add3A_5 = arith.constant 64 : i32
    %add3A_6 = arith.addi %add3A_4, %add3A_5 : i32
    %get3A = arith.index_cast %add3A_6 : i32 to index
    %get3A_7 = memref.load %arg1[%get3A] : memref<160xi32, #tpu.memory_space<smem>>
    %le3A = arith.cmpi sle, %get3A_7, %mul3A_3 : i32
    %jit3A = arith.constant 0 : i32
    %select_n3A = arith.select %le3A, %add3A_6, %jit3A : i32
    %add3A_8 = arith.constant 32 : i32
    %add3A_9 = arith.addi %select_n3A, %add3A_8 : i32
    %get3A_10 = arith.index_cast %add3A_9 : i32 to index
    %get3A_11 = memref.load %arg1[%get3A_10] : memref<160xi32, #tpu.memory_space<smem>>
    %le3A_12 = arith.cmpi sle, %get3A_11, %mul3A_3 : i32
    %select_n3A_13 = arith.select %le3A_12, %add3A_9, %select_n3A : i32
    %add3A_14 = arith.constant 16 : i32
    %add3A_15 = arith.addi %select_n3A_13, %add3A_14 : i32
    %get3A_16 = arith.index_cast %add3A_15 : i32 to index
    %get3A_17 = memref.load %arg1[%get3A_16] : memref<160xi32, #tpu.memory_space<smem>>
    %le3A_18 = arith.cmpi sle, %get3A_17, %mul3A_3 : i32
    %select_n3A_19 = arith.select %le3A_18, %add3A_15, %select_n3A_13 : i32
    %add3A_20 = arith.constant 8 : i32
    %add3A_21 = arith.addi %select_n3A_19, %add3A_20 : i32
    %get3A_22 = arith.index_cast %add3A_21 : i32 to index
    %get3A_23 = memref.load %arg1[%get3A_22] : memref<160xi32, #tpu.memory_space<smem>>
    %le3A_24 = arith.cmpi sle, %get3A_23, %mul3A_3 : i32
    %select_n3A_25 = arith.select %le3A_24, %add3A_21, %select_n3A_19 : i32
    %add3A_26 = arith.constant 4 : i32
    %add3A_27 = arith.addi %select_n3A_25, %add3A_26 : i32
    %get3A_28 = arith.index_cast %add3A_27 : i32 to index
    %get3A_29 = memref.load %arg1[%get3A_28] : memref<160xi32, #tpu.memory_space<smem>>
    %le3A_30 = arith.cmpi sle, %get3A_29, %mul3A_3 : i32
    %select_n3A_31 = arith.select %le3A_30, %add3A_27, %select_n3A_25 : i32
    %add3A_32 = arith.constant 2 : i32
    %add3A_33 = arith.addi %select_n3A_31, %add3A_32 : i32
    %get3A_34 = arith.index_cast %add3A_33 : i32 to index
    %get3A_35 = memref.load %arg1[%get3A_34] : memref<160xi32, #tpu.memory_space<smem>>
    %le3A_36 = arith.cmpi sle, %get3A_35, %mul3A_3 : i32
    %select_n3A_37 = arith.select %le3A_36, %add3A_33, %select_n3A_31 : i32
    %add3A_38 = arith.constant 1 : i32
    %add3A_39 = arith.addi %select_n3A_37, %add3A_38 : i32
    %get3A_40 = arith.index_cast %add3A_39 : i32 to index
    %get3A_41 = memref.load %arg1[%get3A_40] : memref<160xi32, #tpu.memory_space<smem>>
    %le3A_42 = arith.cmpi sle, %get3A_41, %mul3A_3 : i32
    %select_n3A_43 = arith.select %le3A_42, %add3A_39, %select_n3A_37 : i32
    %add3A_44 = arith.constant 0 : i32
    %add3A_45 = arith.constant 64 : i32
    %add3A_46 = arith.addi %add3A_44, %add3A_45 : i32
    %get3A_47 = arith.index_cast %add3A_46 : i32 to index
    %get3A_48 = memref.load %arg1[%get3A_47] : memref<160xi32, #tpu.memory_space<smem>>
    %add3A_49 = arith.constant 512 : i32
    %add3A_50 = arith.addi %mul3A_3, %add3A_49 : i32
    %lt3A = arith.cmpi slt, %get3A_48, %add3A_50 : i32
    %jit3A_51 = arith.constant 0 : i32
    %select_n3A_52 = arith.select %lt3A, %add3A_46, %jit3A_51 : i32
    %add3A_53 = arith.constant 32 : i32
    %add3A_54 = arith.addi %select_n3A_52, %add3A_53 : i32
    %get3A_55 = arith.index_cast %add3A_54 : i32 to index
    %get3A_56 = memref.load %arg1[%get3A_55] : memref<160xi32, #tpu.memory_space<smem>>
    %add3A_57 = arith.constant 512 : i32
    %add3A_58 = arith.addi %mul3A_3, %add3A_57 : i32
    %lt3A_59 = arith.cmpi slt, %get3A_56, %add3A_58 : i32
    %select_n3A_60 = arith.select %lt3A_59, %add3A_54, %select_n3A_52 : i32
    %add3A_61 = arith.constant 16 : i32
    %add3A_62 = arith.addi %select_n3A_60, %add3A_61 : i32
    %get3A_63 = arith.index_cast %add3A_62 : i32 to index
    %get3A_64 = memref.load %arg1[%get3A_63] : memref<160xi32, #tpu.memory_space<smem>>
    %add3A_65 = arith.constant 512 : i32
    %add3A_66 = arith.addi %mul3A_3, %add3A_65 : i32
    %lt3A_67 = arith.cmpi slt, %get3A_64, %add3A_66 : i32
    %select_n3A_68 = arith.select %lt3A_67, %add3A_62, %select_n3A_60 : i32
    %add3A_69 = arith.constant 8 : i32
    %add3A_70 = arith.addi %select_n3A_68, %add3A_69 : i32
    %get3A_71 = arith.index_cast %add3A_70 : i32 to index
    %get3A_72 = memref.load %arg1[%get3A_71] : memref<160xi32, #tpu.memory_space<smem>>
    %add3A_73 = arith.constant 512 : i32
    %add3A_74 = arith.addi %mul3A_3, %add3A_73 : i32
    %lt3A_75 = arith.cmpi slt, %get3A_72, %add3A_74 : i32
    %select_n3A_76 = arith.select %lt3A_75, %add3A_70, %select_n3A_68 : i32
    %add3A_77 = arith.constant 4 : i32
    %add3A_78 = arith.addi %select_n3A_76, %add3A_77 : i32
    %get3A_79 = arith.index_cast %add3A_78 : i32 to index
    %get3A_80 = memref.load %arg1[%get3A_79] : memref<160xi32, #tpu.memory_space<smem>>
    %add3A_81 = arith.constant 512 : i32
    %add3A_82 = arith.addi %mul3A_3, %add3A_81 : i32
    %lt3A_83 = arith.cmpi slt, %get3A_80, %add3A_82 : i32
    %select_n3A_84 = arith.select %lt3A_83, %add3A_78, %select_n3A_76 : i32
    %add3A_85 = arith.constant 2 : i32
    %add3A_86 = arith.addi %select_n3A_84, %add3A_85 : i32
    %get3A_87 = arith.index_cast %add3A_86 : i32 to index
    %get3A_88 = memref.load %arg1[%get3A_87] : memref<160xi32, #tpu.memory_space<smem>>
    %add3A_89 = arith.constant 512 : i32
    %add3A_90 = arith.addi %mul3A_3, %add3A_89 : i32
    %lt3A_91 = arith.cmpi slt, %get3A_88, %add3A_90 : i32
    %select_n3A_92 = arith.select %lt3A_91, %add3A_86, %select_n3A_84 : i32
    %add3A_93 = arith.constant 1 : i32
    %add3A_94 = arith.addi %select_n3A_92, %add3A_93 : i32
    %get3A_95 = arith.index_cast %add3A_94 : i32 to index
    %get3A_96 = memref.load %arg1[%get3A_95] : memref<160xi32, #tpu.memory_space<smem>>
    %add3A_97 = arith.constant 512 : i32
    %add3A_98 = arith.addi %mul3A_3, %add3A_97 : i32
    %lt3A_99 = arith.cmpi slt, %get3A_96, %add3A_98 : i32
    %select_n3A_100 = arith.select %lt3A_99, %add3A_94, %select_n3A_92 : i32
    %iota3A = tpu.iota {dimensions = array<i32: 0>} : vector<512x1xi32>
    %add3A_101 = arith.constant 1 : i32
    %add3A_102 = arith.addi %select_n3A_100, %add3A_101 : i32
    %while3A = arith.constant 0 : i32
    %while3A_103 = arith.subi %add3A_102, %select_n3A_43 : i32
    %while3A_104 = arith.addi %select_n3A_43, %while3A_103 : i32
    %while3A_105 = arith.constant 1 : i32
    %while3A_106 = arith.divsi %while3A_103, %while3A_105 : i32
    %while3A_107 = arith.muli %while3A_106, %while3A_105 : i32
    %while3A_108 = arith.addi %select_n3A_43, %while3A_107 : i32
    %while3A_109 = arith.constant 1 : i32
    scf.for %while3A_111 = %select_n3A_43 to %while3A_108 step %while3A_109  : i32 {
      %get3A_112 = arith.index_cast %while3A_111 : i32 to index
      %get3A_113 = memref.load %arg1[%get3A_112] : memref<160xi32, #tpu.memory_space<smem>>
      %sub3A = arith.subi %get3A_113, %mul3A_3 : i32
      %max3A = arith.constant 0 : i32
      %max3A_114 = arith.maxsi %sub3A, %max3A : i32
      %add3A_115 = arith.constant 1 : i32
      %add3A_116 = arith.addi %while3A_111, %add3A_115 : i32
      %get3A_117 = arith.index_cast %add3A_116 : i32 to index
      %get3A_118 = memref.load %arg1[%get3A_117] : memref<160xi32, #tpu.memory_space<smem>>
      %sub3A_119 = arith.subi %get3A_118, %mul3A_3 : i32
      %min3A = arith.constant 512 : i32
      %min3A_120 = arith.minsi %sub3A_119, %min3A : i32
      %ge3A = vector.broadcast %max3A_114 : i32 to vector<512x1xi32>
      %ge3A_121 = arith.cmpi sge, %iota3A, %ge3A : vector<512x1xi32>
      %lt3A_122 = vector.broadcast %min3A_120 : i32 to vector<512x1xi32>
      %lt3A_123 = arith.cmpi slt, %iota3A, %lt3A_122 : vector<512x1xi32>
      %and3A = arith.andi %ge3A_121, %lt3A_123 : vector<512x1xi1>
      %get3A_124 = arith.constant 0 : index
      %get3A_125 = arith.constant 0 : index
      %get3A_126 = vector.load %arg2[%get3A_124, %get3A_125] : memref<512x512xf32, #tpu.memory_space<vmem>>, vector<512x512xf32>
      %jit3A_127 = arith.constant 0xFF800000 : f32
      %broadcast_in_dim3A = vector.shape_cast %and3A : vector<512x1xi1> to vector<512x1xi1>
      %broadcast_in_dim3A_128 = vector.broadcast %broadcast_in_dim3A : vector<512x1xi1> to vector<512x512xi1>
      %broadcast_in_dim3A_129 = vector.broadcast %jit3A_127 : f32 to vector<512x512xf32>
      %select_n3A_130 = arith.select %broadcast_in_dim3A_128, %get3A_126, %broadcast_in_dim3A_129 : vector<512x512xi1>, vector<512x512xf32>
      %reduce_max3A = arith.constant dense<0xFF800000> : vector<512xf32>
      %reduce_max3A_131 = vector.multi_reduction <maximumf>, %select_n3A_130, %reduce_max3A [0] : vector<512x512xf32> to vector<512xf32>
      %broadcast_in_dim3A_132 = vector.shape_cast %reduce_max3A_131 : vector<512xf32> to vector<1x512xf32>
      %get3A_133 = arith.index_cast %while3A_111 : i32 to index
      %get3A_134 = arith.constant 0 : index
      %get3A_135 = vector.load %arg3[%get3A_133, %get3A_134] : memref<128x512xf32, #tpu.memory_space<vmem>>, vector<1x512xf32>
      %max3A_136 = arith.maximumf %get3A_135, %broadcast_in_dim3A_132 : vector<1x512xf32>
      %swap3A = arith.index_cast %while3A_111 : i32 to index
      %swap3A_137 = arith.constant 0 : index
      %swap3A_138 = vector.load %arg3[%swap3A, %swap3A_137] : memref<128x512xf32, #tpu.memory_space<vmem>>, vector<1x512xf32>
      tpu.vector_store %arg3[%swap3A, %swap3A_137], %max3A_136 {strides = array<i32>} : memref<128x512xf32, #tpu.memory_space<vmem>>, vector<1x512xf32>,
    }
    %while3A_110 = arith.constant 1 : i32
    scf.for %while3A_111 = %while3A_108 to %while3A_104 step %while3A_110  : i32 {
      %get3A_112 = arith.index_cast %while3A_111 : i32 to index
      %get3A_113 = memref.load %arg1[%get3A_112] : memref<160xi32, #tpu.memory_space<smem>>
      %sub3A = arith.subi %get3A_113, %mul3A_3 : i32
      %max3A = arith.constant 0 : i32
      %max3A_114 = arith.maxsi %sub3A, %max3A : i32
      %add3A_115 = arith.constant 1 : i32
      %add3A_116 = arith.addi %while3A_111, %add3A_115 : i32
      %get3A_117 = arith.index_cast %add3A_116 : i32 to index
      %get3A_118 = memref.load %arg1[%get3A_117] : memref<160xi32, #tpu.memory_space<smem>>
      %sub3A_119 = arith.subi %get3A_118, %mul3A_3 : i32
      %min3A = arith.constant 512 : i32
      %min3A_120 = arith.minsi %sub3A_119, %min3A : i32
      %ge3A = vector.broadcast %max3A_114 : i32 to vector<512x1xi32>
      %ge3A_121 = arith.cmpi sge, %iota3A, %ge3A : vector<512x1xi32>
      %lt3A_122 = vector.broadcast %min3A_120 : i32 to vector<512x1xi32>
      %lt3A_123 = arith.cmpi slt, %iota3A, %lt3A_122 : vector<512x1xi32>
      %and3A = arith.andi %ge3A_121, %lt3A_123 : vector<512x1xi1>
      %get3A_124 = arith.constant 0 : index
      %get3A_125 = arith.constant 0 : index
      %get3A_126 = vector.load %arg2[%get3A_124, %get3A_125] : memref<512x512xf32, #tpu.memory_space<vmem>>, vector<512x512xf32>
      %jit3A_127 = arith.constant 0xFF800000 : f32
      %broadcast_in_dim3A = vector.shape_cast %and3A : vector<512x1xi1> to vector<512x1xi1>
      %broadcast_in_dim3A_128 = vector.broadcast %broadcast_in_dim3A : vector<512x1xi1> to vector<512x512xi1>
      %broadcast_in_dim3A_129 = vector.broadcast %jit3A_127 : f32 to vector<512x512xf32>
      %select_n3A_130 = arith.select %broadcast_in_dim3A_128, %get3A_126, %broadcast_in_dim3A_129 : vector<512x512xi1>, vector<512x512xf32>
      %reduce_max3A = arith.constant dense<0xFF800000> : vector<512xf32>
      %reduce_max3A_131 = vector.multi_reduction <maximumf>, %select_n3A_130, %reduce_max3A [0] : vector<512x512xf32> to vector<512xf32>
      %broadcast_in_dim3A_132 = vector.shape_cast %reduce_max3A_131 : vector<512xf32> to vector<1x512xf32>
      %get3A_133 = arith.index_cast %while3A_111 : i32 to index
      %get3A_134 = arith.constant 0 : index
      %get3A_135 = vector.load %arg3[%get3A_133, %get3A_134] : memref<128x512xf32, #tpu.memory_space<vmem>>, vector<1x512xf32>
      %max3A_136 = arith.maximumf %get3A_135, %broadcast_in_dim3A_132 : vector<1x512xf32>
      %swap3A = arith.index_cast %while3A_111 : i32 to index
      %swap3A_137 = arith.constant 0 : index
      %swap3A_138 = vector.load %arg3[%swap3A, %swap3A_137] : memref<128x512xf32, #tpu.memory_space<vmem>>, vector<1x512xf32>
      tpu.vector_store %arg3[%swap3A, %swap3A_137], %max3A_136 {strides = array<i32>} : memref<128x512xf32, #tpu.memory_space<vmem>>, vector<1x512xf32>,
    }
    return
  }
  func.func @transform_0(%arg0: i32) -> i32 {
    %c0_i32 = arith.constant 0 : i32
    %c0_i32_0 = arith.constant 0 : i32
    return %c0_i32 : i32
  }
  func.func @transform_1(%arg0: i32) -> (i32, i32) {
    %add3A = arith.constant 80 : i32
    %add3A_0 = arith.addi %arg0, %add3A : i32
    %c0_i32 = arith.constant 0 : i32
    %c0_i32_1 = arith.constant 0 : i32
    return %add3A_0, %c0_i32 : i32, i32
  }
  func.func @transform_2(%arg0: i32) -> (i32, i32) {
    %c0_i32 = arith.constant 0 : i32
    %c0_i32_0 = arith.constant 0 : i32
    %c0_i32_1 = arith.constant 0 : i32
    return %c0_i32, %c0_i32_0 : i32, i32
  }
}

module attributes {stable_mosaic.version = 14 : i64} {
  func.func @body(%arg0: memref<128x512xf32, #tpu.memory_space<vmem>>, %arg1: memref<64x512xf32, #tpu.memory_space<vmem>>, %arg2: memref<512xi32, #tpu.memory_space<smem>>, %arg3: memref<128x1xf32, #tpu.memory_space<vmem>>, %arg4: memref<128x512xf32, #tpu.memory_space<vmem>>, %arg5: memref<1195x512xf32, #tpu.memory_space<vmem>>, %arg6: memref<1195xf32, #tpu.memory_space<vmem>>, %arg7: memref<1195x1195xf32, #tpu.memory_space<vmem>>, %arg8: memref<1195xf32, #tpu.memory_space<vmem>>, %arg9: memref<1195x1195xf32, #tpu.memory_space<vmem>>, %arg10: memref<1195x1xf32, #tpu.memory_space<vmem>>, %arg11: memref<1195xf32, #tpu.memory_space<vmem>>, %arg12: memref<128x1195xf32, #tpu.memory_space<vmem>>, %arg13: memref<128x512xf32, #tpu.memory_space<vmem>>) attributes {dimension_semantics = [], scalar_prefetch = 0 : i64, scratch_operands = 1 : i64, tpu.core_type = #tpu.core_type<tc>} {
    %get3A = arith.constant 0 : index
    %get3A_0 = arith.constant 0 : index
    %get3A_1 = vector.load %arg3[%get3A, %get3A_0] : memref<128x1xf32, #tpu.memory_space<vmem>>, vector<128x1xf32>
    %gt3A = arith.constant 0.000000e+00 : f32
    %gt3A_2 = vector.broadcast %gt3A : f32 to vector<128x1xf32>
    %gt3A_3 = arith.cmpf ogt, %get3A_1, %gt3A_2 : vector<128x1xf32>
    %get3A_4 = arith.constant 0 : index
    %get3A_5 = arith.constant 0 : index
    %get3A_6 = vector.load %arg0[%get3A_4, %get3A_5] : memref<128x512xf32, #tpu.memory_space<vmem>>, vector<128x512xf32>
    %jit3A = arith.constant 0xFF800000 : f32
    %broadcast_in_dim3A = vector.shape_cast %gt3A_3 : vector<128x1xi1> to vector<128x1xi1>
    %broadcast_in_dim3A_7 = vector.broadcast %broadcast_in_dim3A : vector<128x1xi1> to vector<128x512xi1>
    %broadcast_in_dim3A_8 = vector.broadcast %jit3A : f32 to vector<128x512xf32>
    %select_n3A = arith.select %broadcast_in_dim3A_7, %get3A_6, %broadcast_in_dim3A_8 : vector<128x512xi1>, vector<128x512xf32>
    %get3A_9 = arith.constant 0 : index
    %get3A_10 = arith.constant 0 : index
    %get3A_11 = vector.load %arg4[%get3A_9, %get3A_10] : memref<128x512xf32, #tpu.memory_space<vmem>>, vector<128x512xf32>
    %max3A = arith.maximumf %select_n3A, %get3A_11 : vector<128x512xf32>
    %swap3A = arith.constant 0 : index
    %swap3A_12 = arith.constant 0 : index
    %swap3A_13 = vector.load %arg13[%swap3A, %swap3A_12] : memref<128x512xf32, #tpu.memory_space<vmem>>, vector<128x512xf32>
    tpu.vector_store %arg13[%swap3A, %swap3A_12], %max3A {strides = array<i32>} : memref<128x512xf32, #tpu.memory_space<vmem>>, vector<128x512xf32>,
    %scan3A = arith.constant 0 : i32
    %scan3A_14 = arith.constant 64 : i32
    %scan3A_15 = arith.addi %scan3A, %scan3A_14 : i32
    %scan3A_16 = arith.constant 1 : i32
    scf.for %scan3A_66 = %scan3A to %scan3A_15 step %scan3A_16  : i32 {
      %jit3A_67 = arith.constant 2 : i32
      %div3A = arith.divsi %scan3A_66, %jit3A_67 : i32
      %sign3A = arith.constant 0 : i32
      %sign3A_68 = arith.cmpi sgt, %scan3A_66, %sign3A : i32
      %sign3A_69 = arith.extui %sign3A_68 : i1 to i32
      %sign3A_70 = arith.constant 0 : i32
      %sign3A_71 = arith.cmpi slt, %scan3A_66, %sign3A_70 : i32
      %sign3A_72 = arith.extui %sign3A_71 : i1 to i32
      %sign3A_73 = arith.subi %sign3A_69, %sign3A_72 : i32
      %sign3A_74 = arith.constant 0 : i32
      %sign3A_75 = arith.cmpi sgt, %jit3A_67, %sign3A_74 : i32
      %sign3A_76 = arith.extui %sign3A_75 : i1 to i32
      %sign3A_77 = arith.constant 0 : i32
      %sign3A_78 = arith.cmpi slt, %jit3A_67, %sign3A_77 : i32
      %sign3A_79 = arith.extui %sign3A_78 : i1 to i32
      %sign3A_80 = arith.subi %sign3A_76, %sign3A_79 : i32
      %ne3A = arith.cmpi ne, %sign3A_73, %sign3A_80 : i32
      %rem3A = arith.remsi %scan3A_66, %jit3A_67 : i32
      %ne3A_81 = arith.constant 0 : i32
      %ne3A_82 = arith.cmpi ne, %rem3A, %ne3A_81 : i32
      %and3A = arith.andi %ne3A, %ne3A_82 : i1
      %sub3A = arith.constant 1 : i32
      %sub3A_83 = arith.subi %div3A, %sub3A : i32
      %select_n3A_84 = arith.select %and3A, %sub3A_83, %div3A : i32
      %mul3A_85 = arith.constant 16 : i32
      %mul3A_86 = arith.muli %mul3A_85, %select_n3A_84 : i32
      %jit3A_87 = arith.constant 2 : i32
      %eq3A = arith.constant 0 : i32
      %eq3A_88 = arith.cmpi eq, %jit3A_87, %eq3A : i32
      %jit3A_89 = arith.constant 1 : i32
      %select_n3A_90 = arith.select %eq3A_88, %jit3A_89, %jit3A_87 : i32
      %rem3A_91 = arith.remsi %scan3A_66, %select_n3A_90 : i32
      %ne3A_92 = arith.constant 0 : i32
      %ne3A_93 = arith.cmpi ne, %rem3A_91, %ne3A_92 : i32
      %lt3A = arith.constant 0 : i32
      %lt3A_94 = arith.cmpi slt, %rem3A_91, %lt3A : i32
      %lt3A_95 = arith.constant 0 : i32
      %lt3A_96 = arith.cmpi slt, %select_n3A_90, %lt3A_95 : i32
      %ne3A_97 = arith.xori %lt3A_94, %lt3A_96 : i1
      %and3A_98 = arith.andi %ne3A_97, %ne3A_93 : i1
      %add3A_99 = arith.addi %rem3A_91, %select_n3A_90 : i32
      %select_n3A_100 = arith.select %and3A_98, %add3A_99, %rem3A_91 : i32
      %add3A_101 = arith.addi %mul3A_86, %select_n3A_100 : i32
      %get3A_102 = arith.index_cast %add3A_101 : i32 to index
      %get3A_103 = memref.load %arg2[%get3A_102] : memref<512xi32, #tpu.memory_space<smem>>
      %get3A_104 = arith.index_cast %get3A_103 : i32 to index
      %get3A_105 = arith.constant 0 : index
      %get3A_106 = vector.load %arg13[%get3A_104, %get3A_105] : memref<128x512xf32, #tpu.memory_space<vmem>>, vector<1x512xf32>
      %get3A_107 = arith.index_cast %scan3A_66 : i32 to index
      %get3A_108 = arith.constant 0 : index
      %get3A_109 = vector.load %arg1[%get3A_107, %get3A_108] : memref<64x512xf32, #tpu.memory_space<vmem>>, vector<1x512xf32>
      %max3A_110 = arith.maximumf %get3A_106, %get3A_109 : vector<1x512xf32>
      %swap3A_111 = arith.index_cast %get3A_103 : i32 to index
      %swap3A_112 = arith.constant 0 : index
      %swap3A_113 = vector.load %arg13[%swap3A_111, %swap3A_112] : memref<128x512xf32, #tpu.memory_space<vmem>>, vector<1x512xf32>
      tpu.vector_store %arg13[%swap3A_111, %swap3A_112], %max3A_110 {strides = array<i32>} : memref<128x512xf32, #tpu.memory_space<vmem>>, vector<1x512xf32>,
    }
    %scan3A_17 = arith.constant 64 : i32
    %get3A_18 = arith.constant 0 : index
    %get3A_19 = arith.constant 0 : index
    %get3A_20 = vector.load %arg13[%get3A_18, %get3A_19] : memref<128x512xf32, #tpu.memory_space<vmem>>, vector<128x512xf32>
    %get3A_21 = arith.constant 0 : index
    %get3A_22 = arith.constant 0 : index
    %get3A_23 = vector.load %arg5[%get3A_21, %get3A_22] : memref<1195x512xf32, #tpu.memory_space<vmem>>, vector<1195x512xf32>
    %dot_general3A = arith.constant dense<0.000000e+00> : vector<128x1195xf32>
    %dot_general3A_24 = tpu.matmul %get3A_20, %get3A_23, %dot_general3A {dimension_numbers = #tpu.dot_dimension_numbers<[1], [1], [0], [0], [0, 0, 1, 0], [], []>, transpose_lhs_hint = false} : vector<128x512xf32>, vector<1195x512xf32>, vector<128x1195xf32> -> vector<128x1195xf32>
    %get3A_25 = arith.constant 0 : index
    %get3A_26 = vector.load %arg6[%get3A_25] : memref<1195xf32, #tpu.memory_space<vmem>>, vector<1195xf32>
    %broadcast_in_dim3A_27 = vector.shape_cast %get3A_26 : vector<1195xf32> to vector<1x1195xf32>
    %add3A = vector.broadcast %broadcast_in_dim3A_27 : vector<1x1195xf32> to vector<128x1195xf32>
    %add3A_28 = arith.addf %dot_general3A_24, %add3A : vector<128x1195xf32>
    %max3A_29 = arith.constant 0.000000e+00 : f32
    %max3A_30 = vector.broadcast %max3A_29 : f32 to vector<128x1195xf32>
    %max3A_31 = arith.maximumf %add3A_28, %max3A_30 : vector<128x1195xf32>
    %get3A_32 = arith.constant 0 : index
    %get3A_33 = arith.constant 0 : index
    %get3A_34 = vector.load %arg7[%get3A_32, %get3A_33] : memref<1195x1195xf32, #tpu.memory_space<vmem>>, vector<1195x1195xf32>
    %dot_general3A_35 = arith.constant dense<0.000000e+00> : vector<128x1195xf32>
    %dot_general3A_36 = tpu.matmul %max3A_31, %get3A_34, %dot_general3A_35 {dimension_numbers = #tpu.dot_dimension_numbers<[1], [1], [0], [0], [0, 0, 1, 0], [], []>, transpose_lhs_hint = false} : vector<128x1195xf32>, vector<1195x1195xf32>, vector<128x1195xf32> -> vector<128x1195xf32>
    %get3A_37 = arith.constant 0 : index
    %get3A_38 = vector.load %arg8[%get3A_37] : memref<1195xf32, #tpu.memory_space<vmem>>, vector<1195xf32>
    %broadcast_in_dim3A_39 = vector.shape_cast %get3A_38 : vector<1195xf32> to vector<1x1195xf32>
    %add3A_40 = vector.broadcast %broadcast_in_dim3A_39 : vector<1x1195xf32> to vector<128x1195xf32>
    %add3A_41 = arith.addf %dot_general3A_36, %add3A_40 : vector<128x1195xf32>
    %max3A_42 = arith.constant 0.000000e+00 : f32
    %max3A_43 = vector.broadcast %max3A_42 : f32 to vector<128x1195xf32>
    %max3A_44 = arith.maximumf %add3A_41, %max3A_43 : vector<128x1195xf32>
    %get3A_45 = arith.constant 0 : index
    %get3A_46 = arith.constant 0 : index
    %get3A_47 = vector.load %arg9[%get3A_45, %get3A_46] : memref<1195x1195xf32, #tpu.memory_space<vmem>>, vector<1195x1195xf32>
    %mul3A = arith.mulf %get3A_47, %get3A_47 : vector<1195x1195xf32>
    %reduce_sum3A = arith.constant dense<0.000000e+00> : vector<1195xf32>
    %reduce_sum3A_48 = vector.multi_reduction <add>, %mul3A, %reduce_sum3A [1] : vector<1195x1195xf32> to vector<1195xf32>
    %get3A_49 = arith.constant 0 : index
    %get3A_50 = arith.constant 0 : index
    %get3A_51 = vector.load %arg10[%get3A_49, %get3A_50] : memref<1195x1xf32, #tpu.memory_space<vmem>>, vector<1195x1xf32>
    %squeeze3A = vector.shape_cast %get3A_51 : vector<1195x1xf32> to vector<1195xf32>
    %rsqrt3A = math.rsqrt %reduce_sum3A_48 : vector<1195xf32>
    %mul3A_52 = arith.mulf %squeeze3A, %rsqrt3A : vector<1195xf32>
    %dot_general3A_53 = arith.constant dense<0.000000e+00> : vector<128x1195xf32>
    %dot_general3A_54 = tpu.matmul %max3A_44, %get3A_47, %dot_general3A_53 {dimension_numbers = #tpu.dot_dimension_numbers<[1], [1], [0], [0], [0, 0, 1, 0], [], []>, transpose_lhs_hint = false} : vector<128x1195xf32>, vector<1195x1195xf32>, vector<128x1195xf32> -> vector<128x1195xf32>
    %broadcast_in_dim3A_55 = vector.shape_cast %mul3A_52 : vector<1195xf32> to vector<1x1195xf32>
    %mul3A_56 = vector.broadcast %broadcast_in_dim3A_55 : vector<1x1195xf32> to vector<128x1195xf32>
    %mul3A_57 = arith.mulf %dot_general3A_54, %mul3A_56 : vector<128x1195xf32>
    %get3A_58 = arith.constant 0 : index
    %get3A_59 = vector.load %arg11[%get3A_58] : memref<1195xf32, #tpu.memory_space<vmem>>, vector<1195xf32>
    %broadcast_in_dim3A_60 = vector.shape_cast %get3A_59 : vector<1195xf32> to vector<1x1195xf32>
    %add3A_61 = vector.broadcast %broadcast_in_dim3A_60 : vector<1x1195xf32> to vector<128x1195xf32>
    %add3A_62 = arith.addf %mul3A_57, %add3A_61 : vector<128x1195xf32>
    %swap3A_63 = arith.constant 0 : index
    %swap3A_64 = arith.constant 0 : index
    %swap3A_65 = vector.load %arg12[%swap3A_63, %swap3A_64] : memref<128x1195xf32, #tpu.memory_space<vmem>>, vector<128x1195xf32>
    tpu.vector_store %arg12[%swap3A_63, %swap3A_64], %add3A_62 {strides = array<i32>} : memref<128x1195xf32, #tpu.memory_space<vmem>>, vector<128x1195xf32>,
    return
  }
}

</mosaic_0001>

<sc_bundles>
// kernel: kernel.5.cloned.1.call-start
scs
__scs_entry_jumppad:
0x0: {  	(pc) =	sbr.rel $0x88, $3  }
0x1: {  	(tag) =	ssettag $0x0;
	lr =	simm.s32 $0x1  }
0x2: {  	[smem:$0x3F98] =	sst lr;
	_ =	strace $0xD0000000  }
0x3: {  	_ = 	snop  }
0x4: {  	_ = 	snop  }
0x5: {  	_ = 	snop  }
0x6: {  	_ = 	snop  }
0x7: {  	_ = 	snop  }
__scs_overlays_trampoline_lowered:
0x8: {  	[smem:$0x3FA7] =	sst s0  }
0x9: {  	[smem:$0x3FA8] =	sst s1  }
0xa: {  	[smem:$0x3FA9] =	sst s2  }
0xb: {  	[smem:$0x3FAA] =	sst s3  }
0xc: {  	[smem:$0x3FAB] =	sst s4  }
0xd: {  	[smem:$0x3FAC] =	sst s5  }
0xe: {  	[smem:$0x3FAD] =	sst s6  }
0xf: {  	[smem:$0x3FAE] =	sst s7  }
0x10: {  	[smem:$0x3FAF] =	sst s8  }
0x11: {  	[smem:$0x3FB0] =	sst s9;
	s0 =	simm.s32 @!p0 $0x0  }
0x12: {  	s1 =	sld [smem:$0x3F96];
	s0 =	simm.s32 @p0 $0x1  }
0x13: {  	[smem:$0x3FB1] =	sst s0;
	s0 =	simm.s32 @!p1 $0x0  }
0x14: {  	s2 =	sld [smem:$0x3F95];
	s0 =	simm.s32 @p1 $0x1  }
0x15: {  	[smem:$0x3FB2] =	sst s0;
	s0 =	simm.s32 @!p2 $0x0  }
0x16: {  	s3 =	sld [smem:$0x3FDB];
	s0 =	simm.s32 @p2 $0x1  }
0x17: {  	s4 =	simm.s32 $0x1BF5;
	[smem:$0x3FB4] =	sst s0  }
0x18: {  	s0 =	sld [smem:$0x3F97];
	_ =	swait.ge [sflag:s4], $0x0  }
0x19: {  	s7 =	sld [smem:$0x3F98]  }
0x1a: {  	s8 =	sadd.s32 $0xFFFFE003, lr  }
0x1b: {  	s9 =	sadd.s32 $0xFFFFFEF7, lr;
	s5 =	simm.s32 $0xFFFFFFFF;
	p2 =	slt.u32 s8, $0xFFFFF086  }
0x1c: {  	p1 =	slt.u32 s9, $0xF7A;
	s5 =	simm.s32 @!p2 $0x0  }
0x1d: {  	s5 =	simm.s32 @p1 $0x1;
	p0 =	seq.s32 s7, s2  }
0x1e: {  	s7 =	smul.u32 @!p0 $0xF7A, s2;
	p2 =	seq.s32 @!p0 s5, $0x0  }
0x1f: {  	s9 =	smul.u32 $0xF7A, s1;
	s8 =	simm.s32 @!p0 $0x1BF5;
	p2 =	por !p2, p0  }
0x20: {  	[sflag:s8] =	ssyncset.s32 @!p0 $0xFFFFF086;
	s6 =	sadd.s32 @!p0 s3, s7;
	s7 =	simm.s32 @!p0 $0x108  }
0x21: {  	s3 =	sadd.s32 s3, s9;
	s6 =	sadd.s32 @!p0 $0x88, s6;
	s7 =	simm.s32 @p2 $0x1082  }
0x22: {  	[simem:s7], [sflag:s8] =	dma.local @!p0 [hbm:s6], $0xF7A  }
0x23: {  	s9 =	sor.u32 $0xD0000000, s2;
	s6 =	simm.s32 $0x108;
	_ =	swait.ge @!p0 [sflag:s8], $0x0  }
0x24: {  	s3 =	sadd.s32 $0x88, s3;
	s6 =	simm.s32 @!p1 $0x1082;
	[sflag:s4] =	ssyncset.s32 $0xFFFFF086  }
0x25: {  	[simem:s6], [sflag:s4] =	dma.local [hbm:s3], $0xF7A  }
0x26: {  	[smem:$0x3F98] =	sst s1;
	(tag) =	ssettag s2;
	_ =	strace s9  }
0x27: {  	s1 =	sld [smem:$0x3FA8]  }
0x28: {  	s2 =	sld [smem:$0x3FA9]  }
0x29: {  	s4 =	sld [smem:$0x3FAB]  }
0x2a: {  	p0 =	seq.s32 s5, $0x0;
	s5 =	sld [smem:$0x3FAC]  }
0x2b: {  	s6 =	sld [smem:$0x3FAD]  }
0x2c: {  	s7 =	sld [smem:$0x3FAE]  }
0x2d: {  	s3 =	simm.s32 $0x108;
	s8 =	sld [smem:$0x3FAF]  }
0x2e: {  	s3 =	simm.s32 @!p0 $0x1082;
	s9 =	sld [smem:$0x3FB0]  }
0x2f: {  	lr =	sadd.s32 s0, s3;
	s0 =	sld [smem:$0x3FA7]  }
0x30: {  	s3 =	sld [smem:$0x3FAA]  }
0x31: {  	[smem:$0x3FB3] =	sst s10  }
0x32: {  	s10 =	sld [smem:$0x3FB1];
	_ =	sdelay $0x3  }
0x33: {  	p0 =	seq.s32 s10, $0x1;
	s10 =	sld [smem:$0x3FB3];
	_ =	sdelay $0x3  }
0x34: {  	[smem:$0x3FB3] =	sst s10  }
0x35: {  	s10 =	sld [smem:$0x3FB2];
	_ =	sdelay $0x3  }
0x36: {  	p1 =	seq.s32 s10, $0x1;
	s10 =	sld [smem:$0x3FB3];
	_ =	sdelay $0x3  }
0x37: {  	[smem:$0x3FB3] =	sst s10  }
0x38: {  	s10 =	sld [smem:$0x3FB4]  }
0x39: {  	_ = 	snop;
	(pc) =	sbr.ind lr, $3  }
0x3a: {  	_ = 	snop  }
0x3b: {  	_ = 	snop  }
0x3c: {  	p2 =	seq.s32 s10, $0x1;
	s10 =	sld [smem:$0x3FB3]  }
0x3d: {  	_ =	shalt  }
0x3e: {  	_ =	shalt  }
0x3f: {  	_ =	shalt  }
0x40: {  	_ =	shalt  }
0x41: {  	_ =	shalt  }
0x42: {  	_ =	shalt  }
0x43: {  	_ =	shalt  }
0x44: {  	_ =	shalt  }
0x45: {  	_ =	shalt  }
0x46: {  	_ =	shalt  }
0x47: {  	_ =	shalt  }
0x48: {  	_ =	shalt  }
0x49: {  	_ =	shalt  }
0x4a: {  	_ =	shalt  }
0x4b: {  	_ =	shalt  }
0x4c: {  	_ =	shalt  }
0x4d: {  	_ =	shalt  }
0x4e: {  	_ =	shalt  }
0x4f: {  	_ =	shalt  }
0x50: {  	_ =	shalt  }
0x51: {  	_ =	shalt  }
0x52: {  	_ =	shalt  }
0x53: {  	_ =	shalt  }
0x54: {  	_ =	shalt  }
0x55: {  	_ =	shalt  }
0x56: {  	_ =	shalt  }
0x57: {  	_ =	shalt  }
0x58: {  	_ =	shalt  }
0x59: {  	_ =	shalt  }
0x5a: {  	_ =	shalt  }
0x5b: {  	_ =	shalt  }
0x5c: {  	_ =	shalt  }
0x5d: {  	_ =	shalt  }
0x5e: {  	_ =	shalt  }
0x5f: {  	_ =	shalt  }
0x60: {  	_ =	shalt  }
0x61: {  	_ =	shalt  }
0x62: {  	_ =	shalt  }
0x63: {  	_ =	shalt  }
0x64: {  	_ =	shalt  }
0x65: {  	_ =	shalt  }
0x66: {  	_ =	shalt  }
0x67: {  	_ =	shalt  }
0x68: {  	_ =	shalt  }
0x69: {  	_ =	shalt  }
0x6a: {  	_ =	shalt  }
0x6b: {  	_ =	shalt  }
0x6c: {  	_ =	shalt  }
0x6d: {  	_ =	shalt  }
0x6e: {  	_ =	shalt  }
0x6f: {  	_ =	shalt  }
0x70: {  	_ =	shalt  }
0x71: {  	_ =	shalt  }
0x72: {  	_ =	shalt  }
0x73: {  	_ =	shalt  }
0x74: {  	_ =	shalt  }
0x75: {  	_ =	shalt  }
0x76: {  	_ =	shalt  }
0x77: {  	_ =	shalt  }
0x78: {  	_ =	shalt  }
0x79: {  	_ =	shalt  }
0x7a: {  	_ =	shalt  }
0x7b: {  	_ =	shalt  }
0x7c: {  	_ =	shalt  }
0x7d: {  	_ =	shalt  }
0x7e: {  	_ =	shalt  }
0x7f: {  	_ =	shalt  }
0x80: {  	_ =	shalt  }
0x81: {  	_ =	shalt  }
0x82: {  	_ =	shalt  }
0x83: {  	_ =	shalt  }
0x84: {  	_ =	shalt  }
0x85: {  	_ =	shalt  }
0x86: {  	_ =	shalt  }
0x87: {  	_ =	shalt  }
.Lfunc_end0:
.L_simem_size_0:
called_computation_lowered:
.L_overlay_start_0:
0x88: {  	s2 =	sld [smem:$0x3FD9]  }
0x89: {  	s3 =	sld [smem:$0x3FFE];
	_ =	sdelay $0x1  }
0x8a: {  	s1 =	srdreg.scid  }
0x8b: {  	s0 =	sand.u32 $0x1, s1  }
0x8c: {  	s17 =	sshll.u32 s0, $0xA;
	s2 =	sadd.s32 s3, s2  }
0x8d: {  	s2 =	sadd.s32 s2, s17  }
0x8e: {  	[smem:$0x3FBF] =	sst s2  }
0x8f: {  	_ = 	snop  }
0x90: {  	s2 =	sld [smem:$0x3FC9]  }
0x91: {  	s18 =	sld [smem:$0x3FD0];
	(tm) =	ssettm $0x1  }
0x92: {  	s4 =	sld [smem:$0x3FFB];
	_ =	sdelay $0x3  }
0x93: {  	_ =	strace s4  }
0x94: {  	s4 =	sld [smem:$0x3FFC];
	_ =	sdelay $0x3  }
0x95: {  	_ =	strace s4  }
0x96: {  	s4 =	sld [smem:$0x3FFD];
	_ =	sdelay $0x3  }
0x97: {  	_ =	strace s4  }
0x98: {  	_ =	strace $0x8FFFFFFF  }
0x99: {  	s19 =	sld [smem:$0x3FDB];
	_ =	sdelay $0x1  }
0x9a: {  	s5 =	simm.s32 $_scs_section_size  }
0x9b: {  	s6 =	simm.s32 $_size__tile_overlayer_lowered;
	s7 =	simm.s32 $_tile_overlayer_lowered  }
0x9c: {  	s22 =	simm.s32 $0x1BFF;
	s21 =	sshll.u32 s7, $0x1;
	s4 =	sadd.s32 s5, s19  }
0x9d: {  	s8 =	simm.s32 $0x0;
	s20 =	sshll.u32 s6, $0x1;
	s6 =	sadd.s32 s21, s4  }
0x9e: {  	[timem:s8], [sflag:s22] =	dma.local [hbm:s6], s20  }
0x9f: {  	_ =	swait.ge [sflag:s22], s20  }
0xa0: {  	s5 =	ssub.s32 $0x0, s20;
	[sflag:s22] =	ssyncset.done $0x0  }
0xa1: {  	[sflag:s22] =	ssyncadd.s32 s5;
	_ =	sdelay $0x1  }
0xa2: {  	s23 =	simm.s32 $0x1B8B  }
0xa3: {  	_ =	swait.ge [sflag:s23], $0x1  }
0xa4: {  	[sflag:s23] =	ssyncset.done $0x0  }
0xa5: {  	s25 =	simm.s32 $0x1B8E;
	s24 =	sld [smem:$0x3FFE];
	[sflag:s23] =	ssyncadd.s32 $0xFFFFFFFF  }
0xa6: {  	s26 =	simm.s32 $execute0_lowered;
	[smem:$0x3FD2] =	sst s25  }
0xa7: {  	s6 =	sshll.u32 s26, $0x1;
	_ =	strace $0x80000046;
	[dreg:$0x1] =	wrdreg $0xFFFFFFFF  }
0xa8: {  	s28 =	simm.s32 $_size_execute0_lowered;
	s4 =	sadd.s32 s4, s6;
	[dreg:$0x0] =	wrdreg $0x0  }
0xa9: {  	s6 =	sshll.u32 s28, $0x1;
	[dreg:$0x2] =	wrdreg s4  }
0xaa: {  	[dreg:$0x3] =	wrdreg s6  }
0xab: {  	[dreg:$0x4] =	wrdreg $0xC0  }
0xac: {  	_ =	task [dreg:s8], $0x5FFFF  }
0xad: {  	[dreg:$0x1] =	wrdreg $0xFFFFFFFF  }
0xae: {  	[dreg:$0x0] =	wrdreg $0x60  }
0xaf: {  	[dreg:$0x2] =	wrdreg s2  }
0xb0: {  	[dreg:$0x3] =	wrdreg s24  }
0xb1: {  	[dreg:$0x4] =	wrdreg s18  }
0xb2: {  	[dreg:$0x5] =	wrdreg $0x9  }
0xb3: {  	_ =	task.clear_ibuf [dreg:s8], $0x6FFFF;
	_ =	strace $0x90000046  }
0xb4: {  	s29 =	simm.s32 $0x9;
	_ =	strace $0x80000048  }
0xb5: {  	_ =	swait.ge [sflag:s29], $0x1  }
0xb6: {  	[sflag:s29] =	ssyncadd.s32 $0xFFFFFFFF  }
0xb7: {  	_ =	strace $0x90000048  }
0xb8: {  	_ =	sfence  }
0xb9: {  	s30 =	sld [smem:$0x0];
	_ =	sdelay $0x2  }
0xba: {  	s31 =	sshll.u32 s1, $0xD;
	s1 =	sshrl.u32 s1, $0x2  }
0xbb: {  	s3 =	sand.u32 $0x4000, s31;
	s1 =	sadd.s32 s1, s30  }
0xbc: {  	s0 =	sor.u32 s3, s0;
	s1 =	sshll.u32 s1, $0x11  }
0xbd: {  	s0 =	sor.u32 s1, s0  }
0xbe: {  	s0 =	sadd.s32 $0x8F2B, s0  }
0xbf: {  	[sflag:s0] =	ssyncadd.remote.s32 $0x1  }
0xc0: {  	_ =	sfence.sel $0xFFFF  }
0xc1: {  	[dreg:$0x0] =	wrdreg $0xFFFFFFFF;
	(pc) =	sbr.abs _section_cstart, $3  }
0xc2: {  	[dreg:$0x1] =	wrdreg $0xFFFFFFFF  }
0xc3: {  	_ =	task.clear_ibuf [dreg:s8], $0x2FFFF;
	_ =	strace $0x9FFFFFFF  }
0xc4: {  	(tm) =	ssettm $0x7FFFFFFF  }
0xc5: {  	_ =	shalt  }
tec
execute0_lowered:
.L_overlay_start_1:
0x0: {  	(tag) =	ssettag $0x1  }
0x1: {  	s0 =	rddreg [dreg:$0x0];
	s1 =	srdreg.scid  }
0x2: {  	s2 =	rddreg [dreg:$0x1];
	s9 =	stileid.u32  }
0x3: {  	s4 =	simm.s32 $0x0;
	s17 =	simm.s32 $0x1;
	s18 =	simm.s32 $0xC000  }
0x4: {  	s19 =	simm.s32 $0x2;
	s1 =	sand.u32 $0x1, s1;
	[smem:$0x7FF] =	sst s4  }
0x5: {  	s6 =	sadd.s32 $0x3000, s2;
	s28 =	smul.u32 $0x500, s9;
	s3 =	sshll.u32 s1, $0x4  }
0x6: {  	_ =	strace $0x80000047;
	s8 =	ssub.s32 $0x2, s1;
	s3 =	sor.u32 s9, s3  }
0x7: {  	[dreg:$0x4] =	wrdreg s6;
	s26 =	sshrl.u32 s8, $0x1;
	s5 =	sshll.u32 s3, $0x7  }
0x8: {  	s7 =	sshll.u32 s3, $0x1;
	s6 =	smul.u32 $0x500, s3;
	s3 =	ssub.s32 s8, s26  }
0x9: {  	s1 =	smul.u32 $0x5000, s1;
	s5 =	sadd.s32 s5, s2;
	s31 =	smax.u32 s3, $0x1  }
.Ltmp0:
0xa: {  	s29 =	sadd.s32 $0x4FF, s6;
	[dreg:$0x9] =	wrdreg s31;
	(pc) =	sbr.rel .LBB2_1-.Ltmp0, $4  }
0xb: {  	s13 =	sadd.s32 s28, s1;
	s30 =	sadd.s32 $0x3200, s5;
	[dreg:$0x5] =	wrdreg s29  }
0xc: {  	s2 =	sadd.s32 s7, s2;
	s5 =	sadd.s32 $0x3240, s5;
	[dreg:$0x6] =	wrdreg s30  }
0xd: {  	s3 =	simm.s32 $0x3;
	s2 =	sadd.s32 $0x4200, s2;
	[dreg:$0x7] =	wrdreg s5  }
0xe: {  	vm0 =	vcmask $0x300;
	vm1 =	vcmask $0x704;
	s7 =	sadd.s32 $0x500, s6;
	[dreg:$0x8] =	wrdreg s2;
	s2 =	simm.s32 $0x0  }
.LBB2_13:
0xf: {  	s1 =	rddreg [dreg:$0xb]  }
0x10: {  	v0 =	vmov s1  }
0x11: {  	s28 =	rddreg [dreg:$0xc];
	v0 =	vnsel vm0, $0x0, v0  }
0x12: {  	v0 =	vsel vm1, s28, v0  }
0x13: {  	s29 =	rddreg [dreg:$0x8];
	s2 =	simm.s32 $0x18300;
	s3 =	simm.s32 $0x3;
	[tilespmem:$0x18300] =	vst v0  }
0x14: {  	[hbm4b:s29+s4] =	stream.linear.scatter [tilespmem:s2], [sflag:$0x3], $0x10, $0x38;
	[tilespmem:$0x18380] =	vst v63  }
0x15: {  	_ =	swait.ge [sflag:s3], $0x10  }
0x16: {  	s30 =	rddreg [dreg:$0xa]  }
0x17: {  	s31 =	rddreg [dreg:$0x9];
	s2 =	sadd.s32 $0x1, s30  }
0x18: {  	p0 =	sne.s32 s2, s31  }
.Ltmp1:
0x19: {  	_ = 	snop;
	(pc) =	sbr.rel @!p0 .LBB2_14-.Ltmp1, $3  }
0x1a: {  	_ =	sdelay $0x1  }
0x1b: {  	[sflag:s3] =	ssyncset.done $0x0  }
0x1c: {  	[sflag:s3] =	ssyncadd.s32 $0xFFFFFFF0  }
.LBB2_1:
0x1d: {  	[dreg:$0xa] =	wrdreg s2  }
0x1e: {  	s1 =	rddreg [dreg:$0x4];
	s14 =	simm.s32 $0x18000  }
0x1f: {  	[tilespmem:s14], [sflag:$0x3] =	stream.linear.gather [hbm4b:s1+s4], $0x100, $0x38;
	[tilespmem:$0x18380] =	vst v63  }
0x20: {  	_ =	swait.ge [sflag:s3], $0x100  }
0x21: {  	[sflag:s3] =	ssyncset.done $0x0  }
0x22: {  	[sflag:s3] =	ssyncadd.s32 $0xFFFFFF00  }
0x23: {  	v0 =	vld [tilespmem:$0x18040];
	_ =	sdelay $0x4  }
0x24: {  	(v2sf) =	vpush v0, $0x0;
	_ =	sdelay $0xe  }
0x25: {  	s15 =	spop (v2sf)  }
0x26: {  	s2 =	simm.s32 $0x0;
	p0 =	sgt.s32 s15, s6  }
0x27: {  	s2 =	simm.s32 @!p0 $0x40  }
0x28: {  	v53 =	vld [tilespmem:s2+$0x18020];
	_ =	sdelay $0x4  }
0x29: {  	(v2sf) =	vpush v53, $0x0;
	_ =	sdelay $0xe  }
0x2a: {  	s16 =	spop (v2sf)  }
0x2b: {  	s5 =	sor.u32 $0x20, s2;
	p0 =	sgt.s32 s16, s6  }
0x2c: {  	s5 =	smov.u32 @p0 s2  }
0x2d: {  	v54 =	vld [tilespmem:s5+$0x18010];
	_ =	sdelay $0x4  }
0x2e: {  	(v2sf) =	vpush v54, $0x0;
	_ =	sdelay $0xe  }
0x2f: {  	s20 =	spop (v2sf)  }
0x30: {  	s3 =	sor.u32 $0x10, s5;
	p0 =	sgt.s32 s20, s6  }
0x31: {  	s3 =	smov.u32 @p0 s5  }
0x32: {  	v55 =	vld [tilespmem:s3+$0x18008];
	_ =	sdelay $0x4  }
0x33: {  	(v2sf) =	vpush v55, $0x0;
	_ =	sdelay $0xe  }
0x34: {  	s21 =	spop (v2sf)  }
0x35: {  	s5 =	sor.u32 $0x8, s3;
	p0 =	sgt.s32 s21, s6  }
0x36: {  	s5 =	smov.u32 @p0 s3  }
0x37: {  	v56 =	vld [tilespmem:s5+$0x18004];
	_ =	sdelay $0x4  }
0x38: {  	(v2sf) =	vpush v56, $0x0;
	_ =	sdelay $0xe  }
0x39: {  	s22 =	spop (v2sf)  }
0x3a: {  	s3 =	sadd.s32 $0x4, s5;
	p0 =	sgt.s32 s22, s6  }
0x3b: {  	s3 =	smov.u32 @p0 s5  }
0x3c: {  	v57 =	vld [tilespmem:s3+$0x18002];
	_ =	sdelay $0x4  }
0x3d: {  	(v2sf) =	vpush v57, $0x0;
	_ =	sdelay $0xe  }
0x3e: {  	s23 =	spop (v2sf)  }
0x3f: {  	s8 =	rddreg [dreg:$0x5];
	s5 =	sadd.s32 $0x2, s3;
	p0 =	sgt.s32 s23, s6  }
0x40: {  	s1 =	simm.s32 $0x0;
	s5 =	smov.u32 @p0 s3;
	p0 =	sgt.s32 s15, s8  }
0x41: {  	v58 =	vld [tilespmem:s5+$0x18001];
	s1 =	simm.s32 @!p0 $0x40  }
0x42: {  	v1 =	vld [tilespmem:s1+$0x18020];
	_ =	sdelay $0x3  }
0x43: {  	(v2sf) =	vpush v58, $0x0  }
0x44: {  	(v2sf) =	vpush v1, $0x0;
	_ =	sdelay $0xd  }
0x45: {  	s24 =	spop (v2sf)  }
0x46: {  	s25 =	spop (v2sf)  }
0x47: {  	s3 =	sor.u32 $0x20, s1;
	p0 =	sgt.s32 s25, s8  }
0x48: {  	s3 =	smov.u32 @p0 s1  }
0x49: {  	v59 =	vld [tilespmem:s3+$0x18010];
	_ =	sdelay $0x4  }
0x4a: {  	(v2sf) =	vpush v59, $0x0;
	_ =	sdelay $0xe  }
0x4b: {  	s26 =	spop (v2sf)  }
0x4c: {  	s1 =	sor.u32 $0x10, s3;
	p0 =	sgt.s32 s26, s8  }
0x4d: {  	s1 =	smov.u32 @p0 s3  }
0x4e: {  	v60 =	vld [tilespmem:s1+$0x18008];
	_ =	sdelay $0x4  }
0x4f: {  	(v2sf) =	vpush v60, $0x0;
	_ =	sdelay $0xe  }
0x50: {  	s28 =	spop (v2sf)  }
0x51: {  	s3 =	sor.u32 $0x8, s1;
	p0 =	sgt.s32 s28, s8  }
0x52: {  	s3 =	smov.u32 @p0 s1  }
0x53: {  	v61 =	vld [tilespmem:s3+$0x18004];
	_ =	sdelay $0x4  }
0x54: {  	(v2sf) =	vpush v61, $0x0;
	_ =	sdelay $0xe  }
0x55: {  	s29 =	spop (v2sf)  }
0x56: {  	s1 =	sadd.s32 $0x4, s3;
	p0 =	sgt.s32 s29, s8  }
0x57: {  	s1 =	smov.u32 @p0 s3  }
0x58: {  	v62 =	vld [tilespmem:s1+$0x18002];
	_ =	sdelay $0x4  }
0x59: {  	(v2sf) =	vpush v62, $0x0;
	_ =	sdelay $0xe  }
0x5a: {  	s30 =	spop (v2sf)  }
0x5b: {  	s3 =	sadd.s32 $0x2, s1;
	p0 =	sgt.s32 s30, s8  }
0x5c: {  	s3 =	smov.u32 @p0 s1  }
0x5d: {  	v63 =	vld [tilespmem:s3+$0x18001];
	_ =	sdelay $0x4  }
0x5e: {  	(v2sf) =	vpush v63, $0x0;
	_ =	sdelay $0xe  }
0x5f: {  	s25 =	sadd.s32 $0x1, s5;
	s31 =	spop (v2sf)  }
0x60: {  	p0 =	sgt.s32 s24, s6;
	s1 =	sadd.s32 $0x1, s3;
	p1 =	sgt.s32 s31, s8  }
0x61: {  	s25 =	smov.u32 @p0 s5;
	s1 =	smov.u32 @p1 s3  }
0x62: {  	p0 =	sgt.u32 s25, s1  }
.Ltmp2:
0x63: {  	_ = 	snop;
	(pc) =	sbr.rel @p0 .LBB2_13-.Ltmp2, $4  }
.Ltmp3:
0x64: {  	_ = 	snop;
	(pc) =	sbr.rel @!p0 .LBB2_2-.Ltmp3, $4  }
0x65: {  	_ = 	snop  }
0x66: {  	[dreg:$0xb] =	wrdreg s25  }
0x67: {  	[dreg:$0xc] =	wrdreg s1  }
0x68: {  	_ = 	snop  }
.LBB2_12:
0x69: {  	[tilespmem:$0x18100] =	vst v31  }
0x6a: {  	[tilespmem:$0x18110] =	vst v30  }
0x6b: {  	[tilespmem:$0x18120] =	vst v29  }
0x6c: {  	[tilespmem:$0x18130] =	vst v28  }
0x6d: {  	[tilespmem:$0x18140] =	vst v27  }
0x6e: {  	[tilespmem:$0x18150] =	vst v26  }
0x6f: {  	[tilespmem:$0x18160] =	vst v25  }
0x70: {  	[tilespmem:$0x18170] =	vst v24  }
0x71: {  	[tilespmem:$0x18180] =	vst v23  }
0x72: {  	[tilespmem:$0x18190] =	vst v22  }
0x73: {  	[tilespmem:$0x181A0] =	vst v21  }
0x74: {  	[tilespmem:$0x181B0] =	vst v20  }
0x75: {  	[tilespmem:$0x181C0] =	vst v19  }
0x76: {  	[tilespmem:$0x181D0] =	vst v18  }
0x77: {  	[tilespmem:$0x181E0] =	vst v17  }
0x78: {  	[tilespmem:$0x181F0] =	vst v16  }
0x79: {  	[tilespmem:$0x18200] =	vst v15  }
0x7a: {  	[tilespmem:$0x18210] =	vst v14  }
0x7b: {  	[tilespmem:$0x18220] =	vst v13  }
0x7c: {  	[tilespmem:$0x18230] =	vst v12  }
0x7d: {  	[tilespmem:$0x18240] =	vst v11  }
0x7e: {  	[tilespmem:$0x18250] =	vst v10  }
0x7f: {  	[tilespmem:$0x18260] =	vst v9  }
0x80: {  	[tilespmem:$0x18270] =	vst v8  }
0x81: {  	[tilespmem:$0x18280] =	vst v7  }
0x82: {  	[tilespmem:$0x18290] =	vst v6  }
0x83: {  	[tilespmem:$0x182A0] =	vst v5  }
0x84: {  	[tilespmem:$0x182B0] =	vst v4  }
0x85: {  	[tilespmem:$0x182C0] =	vst v3  }
0x86: {  	[tilespmem:$0x182D0] =	vst v2;
	s1 =	sshll.u32 s25, $0x6  }
0x87: {  	[tilespmem:$0x182E0] =	vst v1;
	s2 =	rddreg [dreg:$0x2];
	s1 =	sand.u32 $0x1FFFFFC0, s1  }
0x88: {  	[tilespmem:$0x182F0] =	vst v0;
	s26 =	simm.s32 $0x18100;
	s29 =	simm.s32 $0x4;
	s1 =	sadd.s32 s2, s1  }
0x89: {  	[hbm4b:s1+s4] =	stream.linear.scatter [tilespmem:s26], [sflag:$0x4], $0x200, $0x38;
	[tilespmem:$0x18380] =	vst v63  }
0x8a: {  	_ =	swait.ge [sflag:s29], $0x200  }
0x8b: {  	s30 =	rddreg [dreg:$0xb]  }
0x8c: {  	[sflag:s29] =	ssyncset.done $0x0;
	s3 =	rddreg [dreg:$0x6];
	p0 =	sne.s32 s25, s30  }
0x8d: {  	[sflag:s29] =	ssyncadd.s32 $0xFFFFFE00;
	s1 =	simm.s32 @!p0 $0x0;
	s2 =	simm.s32 @!p0 $0x18100  }
0x8e: {  	[hbm4b:s3+s1] =	stream.linear.scatter @!p0 [tilespmem:s2], [sflag:$0x4], $0x200, $0x38;
	[tilespmem:$0x18380] =	vst v63  }
0x8f: {  	s1 =	simm.s32 @!p0 $0x4  }
0x90: {  	_ =	swait.ge @!p0 [sflag:s1], $0x200  }
0x91: {  	s31 =	rddreg [dreg:$0xc]  }
0x92: {  	[sflag:s1] =	ssyncset.done @!p0 $0x0;
	s3 =	rddreg [dreg:$0x7];
	p1 =	sne.s32 s25, s31  }
0x93: {  	[sflag:s1] =	ssyncadd.s32 @!p0 $0xFFFFFE00;
	s1 =	simm.s32 @!p1 $0x0;
	s2 =	simm.s32 @!p1 $0x18100  }
0x94: {  	[hbm4b:s3+s1] =	stream.linear.scatter @!p1 [tilespmem:s2], [sflag:$0x3], $0x200, $0x38;
	[tilespmem:$0x18380] =	vst v63  }
.Ltmp4:
0x95: {  	_ = 	snop;
	(pc) =	sbr.rel @!p1 .LBB2_13-.Ltmp4, $4  }
0x96: {  	s1 =	simm.s32 @!p1 $0x3  }
0x97: {  	_ =	swait.ge @!p1 [sflag:s1], $0x200  }
0x98: {  	[sflag:s1] =	ssyncset.done @!p1 $0x0  }
0x99: {  	s25 =	smov.u32 s28;
	[sflag:s1] =	ssyncadd.s32 @!p1 $0xFFFFFE00  }
.LBB2_2:
0x9a: {  	v0 =	vld [tilespmem:s25+$0x18000]  }
0x9b: {  	v1 =	vld [tilespmem:s25+$0x18001];
	_ =	sdelay $0x3  }
0x9c: {  	(v2sf) =	vpush v0, $0x0  }
0x9d: {  	(v2sf) =	vpush v1, $0x0;
	_ =	sdelay $0xd  }
0x9e: {  	s2 =	spop (v2sf)  }
0x9f: {  	s26 =	smov.u32 s6;
	p0 =	sgt.s32 s2, s6;
	s1 =	spop (v2sf)  }
0xa0: {  	s29 =	smov.u32 s7;
	s26 =	smov.u32 @p0 s2;
	p0 =	slt.s32 s1, s7  }
0xa1: {  	s29 =	smov.u32 @p0 s1;
	s30 =	sand.u32 $0x7FFFFFF8, s26  }
0xa2: {  	s1 =	ssub.s32 s29, s30  }
0xa3: {  	s3 =	sadd.s32 $0x5F, s1  }
0xa4: {  	s5 =	smulhi.u32 $0x2AAAAAAB, s3;
	s8 =	sshra.s32 s3, $0x1F  }
0xa5: {  	s8 =	smul.u32 $0x2AAAAAAB, s8;
	_ =	sdelay $0x1  }
0xa6: {  	s31 =	simm.s32 $0x0;
	s5 =	sadd.s32 s8, s5  }
0xa7: {  	s24 =	smin.u32 s30, $0x18640;
	s8 =	sshrl.u32 s5, $0x1F;
	s5 =	sshra.s32 s5, $0x4  }
0xa8: {  	p6 =	slt.s32 s3, $0x1;
	s3 =	sshll.u32 s24, $0x6;
	s5 =	sadd.s32 s8, s5  }
0xa9: {  	s1 =	ssub.s32 $0xFFFFFFA1, s1;
	s3 =	sadd.s32 s0, s3;
	s8 =	smul.u32 $0xFFFFFFA0, s5  }
0xaa: {  	v2 =	vimm.f32 $-Inf;
	v3 =	vimm.f32 $-Inf;
	[tilespmem:s31], [sflag:$0x1] =	stream.linear.gather [hbm4b:s3+s31], $0xC000, $0x38;
	[tilespmem:$0x18380] =	vst v63  }
0xab: {  	v4 =	vimm.f32 $-Inf;
	v5 =	vimm.f32 $-Inf;
	v6 =	vimm.f32 $-Inf;
	p1 =	sne.s32 s8, s1  }
0xac: {  	v7 =	vimm.f32 $-Inf;
	v8 =	vimm.f32 $-Inf;
	v9 =	vimm.f32 $-Inf;
	p0 =	por !p6, !p1  }
0xad: {  	v10 =	vimm.f32 $-Inf;
	v11 =	vimm.f32 $-Inf;
	v12 =	vimm.f32 $-Inf;
	s1 =	simm.s32 $0x1;
	p0 =	por !p0, !p0  }
0xae: {  	v13 =	vimm.f32 $-Inf;
	v14 =	vimm.f32 $-Inf;
	v15 =	vimm.f32 $-Inf;
	s1 =	simm.s32 @!p0 $0x0  }
0xaf: {  	v16 =	vimm.f32 $-Inf;
	v17 =	vimm.f32 $-Inf;
	v18 =	vimm.f32 $-Inf;
	s1 =	ssub.s32 s5, s1  }
.Ltmp5:
0xb0: {  	v19 =	vimm.f32 $-Inf;
	v20 =	vimm.f32 $-Inf;
	v21 =	vimm.f32 $-Inf;
	s28 =	sadd.s32 $0x1, s25;
	p0 =	sgt.s32 s1, $0x1;
	(pc) =	sbr.rel .LBB2_4-.Ltmp5, $4  }
0xb1: {  	v22 =	vimm.f32 $-Inf;
	v23 =	vimm.f32 $-Inf;
	v24 =	vimm.f32 $-Inf;
	s3 =	smov.u32 s13;
	s1 =	simm.s32 @!p0 $0x1;
	p0 =	sgt.s32 s2, s13  }
0xb2: {  	v25 =	vimm.f32 $-Inf;
	v26 =	vimm.f32 $-Inf;
	v27 =	vimm.f32 $-Inf;
	s5 =	sadd.s32 $0xC0, s30;
	s1 =	sadd.s32 $0x1, s1;
	s3 =	smov.u32 @p0 s2  }
0xb3: {  	v28 =	vimm.f32 $-Inf;
	v29 =	vimm.f32 $-Inf;
	v30 =	vimm.f32 $-Inf;
	s2 =	sadd.s32 $0x60, s30;
	s14 =	sand.u32 $0x7FFFFFF8, s3;
	s16 =	sand.u32 $0x7, s3  }
0xb4: {  	v31 =	vimm.f32 $-Inf;
	v0 =	vimm.f32 $-Inf;
	v1 =	vimm.f32 $-Inf;
	s1 =	sshrl.u32 s1, $0x1;
	s11 =	sor.u32 $0xFFFFFFA0, s16;
	s12 =	sadd.s32 $0x60, s14  }
.LBB2_11:
0xb5: {  	v37 =	vld [tilespmem:s8+$0xCC50]  }
0xb6: {  	v38 =	vld [tilespmem:s8+$0xCC60];
	_ =	sdelay $0x2  }
0xb7: {  	v7 =	vmax.f32 v7, v32  }
0xb8: {  	v6 =	vmax.f32 v6, v33;
	v5 =	vmax.f32 v5, v34;
	v4 =	vmax.f32 v4, v35  }
0xb9: {  	v3 =	vmax.f32 v3, v36;
	v2 =	vmax.f32 v2, v37;
	v1 =	vmax.f32 v1, v38  }
.LBB2_3:
0xba: {  	p0 =	seq.s32 s31, s1  }
.Ltmp6:
0xbb: {  	_ = 	snop;
	(pc) =	sbr.rel @p0 .LBB2_12-.Ltmp6, $3  }
0xbc: {  	_ =	sdelay $0x1  }
0xbd: {  	s16 =	sadd.s32 $0xFFFFFF40, s16  }
0xbe: {  	s14 =	sadd.s32 $0xC0, s14;
	s11 =	sadd.s32 $0xFFFFFF40, s11;
	s12 =	sadd.s32 $0xC0, s12  }
.LBB2_4:
0xbf: {  	s22 =	smul.u32 $0xC0, s31;
	_ =	sdelay $0x1  }
0xc0: {  	s15 =	sadd.s32 s22, s2  }
0xc1: {  	p0 =	slt.s32 s15, $0x18640;
	s8 =	smov.u32 s15  }
0xc2: {  	_ =	swait.ge [sflag:s17], $0xC000;
	s8 =	simm.s32 @!p0 $0x18640  }
0xc3: {  	[sflag:s17] =	ssyncset.done $0x0;
	s3 =	sshll.u32 s8, $0x6  }
0xc4: {  	[sflag:s17] =	ssyncadd.s32 $0xFFFF4000;
	s9 =	sadd.s32 s30, s22;
	s3 =	sadd.s32 s0, s3  }
0xc5: {  	[tilespmem:s18], [sflag:$0x2] =	stream.linear.gather [hbm4b:s3+s4], $0xC000, $0x38;
	[tilespmem:$0x18380] =	vst v63  }
0xc6: {  	s10 =	smov.u32 s9;
	s3 =	ssub.s32 s29, s9  }
0xc7: {  	s20 =	ssub.s32 s26, s9;
	p0 =	slt.s32 s9, $0x18640;
	p1 =	sgt.s32 s3, $0x0  }
0xc8: {  	s10 =	simm.s32 @!p0 $0x18640;
	p0 =	sgt.s32 s20, $0x0;
	s3 =	simm.s32 @!p1 $0x0  }
0xc9: {  	s10 =	ssub.s32 s9, s10;
	s20 =	simm.s32 @!p0 $0x0;
	s3 =	smin.u32 s3, $0x60  }
0xca: {  	s9 =	sadd.s32 s20, s10;
	s3 =	sadd.s32 s10, s3  }
0xcb: {  	p0 =	sge.s32 s9, s3  }
.Ltmp7:
0xcc: {  	_ = 	snop;
	(pc) =	sbr.rel @p0 .LBB2_8-.Ltmp7, $1  }
0xcd: {  	_ =	sdelay $0x3  }
0xce: {  	p0 =	sgt.s32 s16, $0x0;
	s10 =	smov.u32 s16  }
0xcf: {  	s20 =	smov.u32 s14;
	s10 =	simm.s32 @!p0 $0x0;
	p0 =	slt.s32 s14, $0x18640  }
0xd0: {  	s10 =	sadd.s32 s14, s10;
	s20 =	simm.s32 @!p0 $0x18640  }
0xd1: {  	s10 =	ssub.s32 s10, s20  }
0xd2: {  	s21 =	sshll.u32 s10, $0x7;
	s24 =	sshll.u32 s10, $0x9  }
0xd3: {  	s10 =	sand.u32 $0xFFFFF000, s24;
	s23 =	sand.u32 $0x380, s21  }
0xd4: {  	s20 =	sor.u32 s23, s10  }
0xd5: {  	v32 =	vld [tilespmem:s20+$0xC70]  }
0xd6: {  	v33 =	vld [tilespmem:s20+$0x0]  }
0xd7: {  	v34 =	vld [tilespmem:s20+$0x10]  }
0xd8: {  	v35 =	vld [tilespmem:s20+$0x20]  }
0xd9: {  	v36 =	vld [tilespmem:s20+$0x30]  }
0xda: {  	v37 =	vld [tilespmem:s20+$0x40]  }
0xdb: {  	v38 =	vld [tilespmem:s20+$0x50]  }
0xdc: {  	v39 =	vld [tilespmem:s20+$0x60]  }
0xdd: {  	v40 =	vld [tilespmem:s20+$0x70]  }
0xde: {  	v41 =	vld [tilespmem:s20+$0x400]  }
0xdf: {  	v42 =	vld [tilespmem:s20+$0x410]  }
0xe0: {  	v43 =	vld [tilespmem:s20+$0x420]  }
0xe1: {  	v44 =	vld [tilespmem:s20+$0x430]  }
0xe2: {  	v45 =	vld [tilespmem:s20+$0x440]  }
0xe3: {  	v46 =	vld [tilespmem:s20+$0x450]  }
0xe4: {  	v47 =	vld [tilespmem:s20+$0x460]  }
0xe5: {  	v48 =	vld [tilespmem:s20+$0x470]  }
0xe6: {  	v49 =	vld [tilespmem:s20+$0x800]  }
0xe7: {  	v50 =	vld [tilespmem:s20+$0x810]  }
0xe8: {  	v51 =	vld [tilespmem:s20+$0x820]  }
0xe9: {  	v52 =	vld [tilespmem:s20+$0x830]  }
0xea: {  	v53 =	vld [tilespmem:s20+$0x840];
	v0 =	vmax.f32 v0, v32  }
0xeb: {  	v54 =	vld [tilespmem:s20+$0x850];
	v31 =	vmax.f32 v31, v33;
	v30 =	vmax.f32 v30, v34;
	v29 =	vmax.f32 v29, v35  }
0xec: {  	s9 =	sadd.s32 $0x1, s9;
	v62 =	vld [tilespmem:s20+$0x860];
	v28 =	vmax.f32 v28, v36;
	v27 =	vmax.f32 v27, v37;
	v26 =	vmax.f32 v26, v38  }
0xed: {  	p0 =	slt.s32 s9, s3;
	v63 =	vld [tilespmem:s20+$0x870];
	v25 =	vmax.f32 v25, v39;
	v24 =	vmax.f32 v24, v40;
	v23 =	vmax.f32 v23, v41  }
.Ltmp8:
0xee: {  	v22 =	vmax.f32 v22, v42;
	v21 =	vmax.f32 v21, v43;
	v20 =	vmax.f32 v20, v44;
	v32 =	vld [tilespmem:s20+$0xC00];
	(pc) =	sbr.rel @!p0 .LBB2_7-.Ltmp8, $4  }
0xef: {  	v19 =	vmax.f32 v19, v45;
	v18 =	vmax.f32 v18, v46;
	v17 =	vmax.f32 v17, v47;
	v33 =	vld [tilespmem:s20+$0xC10]  }
0xf0: {  	v16 =	vmax.f32 v16, v48;
	v15 =	vmax.f32 v15, v49;
	v14 =	vmax.f32 v14, v50;
	v34 =	vld [tilespmem:s20+$0xC20]  }
0xf1: {  	v13 =	vmax.f32 v13, v51;
	v12 =	vmax.f32 v12, v52;
	v11 =	vmax.f32 v11, v53;
	v35 =	vld [tilespmem:s20+$0xC30]  }
0xf2: {  	s10 =	sadd.s32 $0x80, s21;
	s21 =	sadd.s32 $0x200, s24;
	v10 =	vmax.f32 v10, v54;
	v9 =	vmax.f32 v9, v62;
	v8 =	vmax.f32 v8, v63;
	v36 =	vld [tilespmem:s20+$0xC40]  }
.LBB2_6:
0xf3: {  	s24 =	sand.u32 $0xFFFFF000, s21;
	s23 =	sand.u32 $0x380, s10;
	s9 =	sadd.s32 $0x1, s9;
	v7 =	vmax.f32 v7, v32;
	v32 =	vld [tilespmem:s20+$0xC50]  }
0xf4: {  	p0 =	slt.s32 s9, s3;
	v6 =	vmax.f32 v6, v33;
	v33 =	vld [tilespmem:s20+$0xC60];
	s20 =	sor.u32 s23, s24  }
0xf5: {  	v37 =	vld [tilespmem:s20+$0xC70];
	v5 =	vmax.f32 v5, v34  }
0xf6: {  	v34 =	vld [tilespmem:s20+$0x0];
	v4 =	vmax.f32 v4, v35  }
0xf7: {  	v35 =	vld [tilespmem:s20+$0x10];
	v3 =	vmax.f32 v3, v36  }
0xf8: {  	v36 =	vld [tilespmem:s20+$0x20];
	v2 =	vmax.f32 v2, v32  }
0xf9: {  	v32 =	vld [tilespmem:s20+$0x30];
	v1 =	vmax.f32 v1, v33  }
0xfa: {  	v33 =	vld [tilespmem:s20+$0x40];
	v0 =	vmax.f32 v0, v37  }
0xfb: {  	v31 =	vmax.f32 v31, v34;
	v34 =	vld [tilespmem:s20+$0x50]  }
0xfc: {  	v30 =	vmax.f32 v30, v35;
	v35 =	vld [tilespmem:s20+$0x60]  }
0xfd: {  	v29 =	vmax.f32 v29, v36;
	v36 =	vld [tilespmem:s20+$0x70]  }
0xfe: {  	v28 =	vmax.f32 v28, v32;
	v32 =	vld [tilespmem:s20+$0x400]  }
0xff: {  	v27 =	vmax.f32 v27, v33;
	v33 =	vld [tilespmem:s20+$0x410]  }
0x100: {  	v26 =	vmax.f32 v26, v34;
	v34 =	vld [tilespmem:s20+$0x420]  }
0x101: {  	v25 =	vmax.f32 v25, v35;
	v35 =	vld [tilespmem:s20+$0x430]  }
0x102: {  	v24 =	vmax.f32 v24, v36;
	v36 =	vld [tilespmem:s20+$0x440]  }
0x103: {  	v23 =	vmax.f32 v23, v32;
	v32 =	vld [tilespmem:s20+$0x450]  }
0x104: {  	v22 =	vmax.f32 v22, v33;
	v33 =	vld [tilespmem:s20+$0x460]  }
0x105: {  	v21 =	vmax.f32 v21, v34;
	v34 =	vld [tilespmem:s20+$0x470]  }
0x106: {  	v20 =	vmax.f32 v20, v35;
	v35 =	vld [tilespmem:s20+$0x800]  }
0x107: {  	v19 =	vmax.f32 v19, v36;
	v36 =	vld [tilespmem:s20+$0x810]  }
0x108: {  	v18 =	vmax.f32 v18, v32;
	v32 =	vld [tilespmem:s20+$0x820]  }
0x109: {  	v17 =	vmax.f32 v17, v33;
	v33 =	vld [tilespmem:s20+$0x830]  }
0x10a: {  	v16 =	vmax.f32 v16, v34;
	v34 =	vld [tilespmem:s20+$0x840]  }
0x10b: {  	v15 =	vmax.f32 v15, v35;
	v35 =	vld [tilespmem:s20+$0x850]  }
0x10c: {  	v14 =	vmax.f32 v14, v36;
	v36 =	vld [tilespmem:s20+$0x860]  }
0x10d: {  	v13 =	vmax.f32 v13, v32;
	v37 =	vld [tilespmem:s20+$0x870]  }
.Ltmp9:
0x10e: {  	v12 =	vmax.f32 v12, v33;
	v32 =	vld [tilespmem:s20+$0xC00];
	(pc) =	sbr.rel @p0 .LBB2_6-.Ltmp9, $4  }
0x10f: {  	v11 =	vmax.f32 v11, v34;
	v33 =	vld [tilespmem:s20+$0xC10]  }
0x110: {  	v10 =	vmax.f32 v10, v35;
	v34 =	vld [tilespmem:s20+$0xC20]  }
0x111: {  	v9 =	vmax.f32 v9, v36;
	v35 =	vld [tilespmem:s20+$0xC30]  }
0x112: {  	s10 =	sadd.s32 $0x80, s10;
	s21 =	sadd.s32 $0x200, s21;
	v8 =	vmax.f32 v8, v37;
	v36 =	vld [tilespmem:s20+$0xC40]  }
.LBB2_7:
0x113: {  	v37 =	vld [tilespmem:s20+$0xC50]  }
0x114: {  	v38 =	vld [tilespmem:s20+$0xC60];
	_ =	sdelay $0x2  }
0x115: {  	v7 =	vmax.f32 v7, v32  }
0x116: {  	v6 =	vmax.f32 v6, v33;
	v5 =	vmax.f32 v5, v34;
	v4 =	vmax.f32 v4, v35  }
0x117: {  	v3 =	vmax.f32 v3, v36;
	v2 =	vmax.f32 v2, v37;
	v1 =	vmax.f32 v1, v38  }
.LBB2_8:
0x118: {  	s31 =	sadd.s32 $0x1, s31  }
0x119: {  	p0 =	sge.u32 s31, s1  }
0x11a: {  	s3 =	sadd.s32 @!p0 s22, s5  }
0x11b: {  	p1 =	slt.s32 @!p0 s3, $0x18640  }
0x11c: {  	p1 =	por !p1, p0  }
0x11d: {  	_ =	swait.ge [sflag:s19], $0xC000;
	s3 =	simm.s32 @p1 $0x18640  }
0x11e: {  	[sflag:s19] =	ssyncset.done $0x0;
	s3 =	sshll.u32 @!p0 s3, $0x6  }
0x11f: {  	[sflag:s19] =	ssyncadd.s32 $0xFFFF4000;
	s9 =	simm.s32 @!p0 $0x0;
	s3 =	sadd.s32 @!p0 s0, s3  }
0x120: {  	[tilespmem:s9], [sflag:$0x1] =	stream.linear.gather @!p0 [hbm4b:s3+s9], $0xC000, $0x38;
	[tilespmem:$0x18380] =	vst v63  }
0x121: {  	s3 =	ssub.s32 s29, s15  }
0x122: {  	s9 =	ssub.s32 s26, s15;
	p0 =	sgt.s32 s3, $0x0  }
0x123: {  	p1 =	sgt.s32 s9, $0x0;
	s3 =	simm.s32 @!p0 $0x0  }
0x124: {  	s8 =	ssub.s32 s15, s8;
	s9 =	simm.s32 @!p1 $0x0;
	s3 =	smin.u32 s3, $0x60  }
0x125: {  	s9 =	sadd.s32 s9, s8;
	s3 =	sadd.s32 s8, s3  }
0x126: {  	p0 =	sge.s32 s9, s3  }
.Ltmp10:
0x127: {  	_ = 	snop;
	(pc) =	sbr.rel @p0 .LBB2_3-.Ltmp10, $1  }
0x128: {  	_ =	sdelay $0x3  }
0x129: {  	p0 =	sgt.s32 s11, $0x0;
	s8 =	smov.u32 s11  }
0x12a: {  	s10 =	smov.u32 s12;
	s8 =	simm.s32 @!p0 $0x0;
	p0 =	slt.s32 s12, $0x18640  }
0x12b: {  	s8 =	sadd.s32 s12, s8;
	s10 =	simm.s32 @!p0 $0x18640  }
0x12c: {  	s8 =	ssub.s32 s8, s10  }
0x12d: {  	s10 =	sshll.u32 s8, $0x7;
	s15 =	sshll.u32 s8, $0x9  }
0x12e: {  	s8 =	sand.u32 $0xFFFFF000, s15;
	s20 =	sand.u32 $0x380, s10  }
0x12f: {  	s8 =	sor.u32 s20, s8  }
0x130: {  	v32 =	vld [tilespmem:s8+$0xCC70]  }
0x131: {  	v33 =	vld [tilespmem:s8+$0xC000]  }
0x132: {  	v34 =	vld [tilespmem:s8+$0xC010]  }
0x133: {  	v35 =	vld [tilespmem:s8+$0xC020]  }
0x134: {  	v36 =	vld [tilespmem:s8+$0xC030]  }
0x135: {  	v37 =	vld [tilespmem:s8+$0xC040]  }
0x136: {  	v38 =	vld [tilespmem:s8+$0xC050]  }
0x137: {  	v39 =	vld [tilespmem:s8+$0xC060]  }
0x138: {  	v40 =	vld [tilespmem:s8+$0xC070]  }
0x139: {  	v41 =	vld [tilespmem:s8+$0xC400]  }
0x13a: {  	v42 =	vld [tilespmem:s8+$0xC410]  }
0x13b: {  	v43 =	vld [tilespmem:s8+$0xC420]  }
0x13c: {  	v44 =	vld [tilespmem:s8+$0xC430]  }
0x13d: {  	v45 =	vld [tilespmem:s8+$0xC440]  }
0x13e: {  	v46 =	vld [tilespmem:s8+$0xC450]  }
0x13f: {  	v47 =	vld [tilespmem:s8+$0xC460]  }
0x140: {  	v48 =	vld [tilespmem:s8+$0xC470]  }
0x141: {  	v49 =	vld [tilespmem:s8+$0xC800]  }
0x142: {  	v50 =	vld [tilespmem:s8+$0xC810]  }
0x143: {  	v51 =	vld [tilespmem:s8+$0xC820]  }
0x144: {  	v52 =	vld [tilespmem:s8+$0xC830]  }
0x145: {  	v53 =	vld [tilespmem:s8+$0xC840];
	v0 =	vmax.f32 v0, v32  }
0x146: {  	v54 =	vld [tilespmem:s8+$0xC850];
	v31 =	vmax.f32 v31, v33;
	v30 =	vmax.f32 v30, v34;
	v29 =	vmax.f32 v29, v35  }
0x147: {  	s9 =	sadd.s32 $0x1, s9;
	v62 =	vld [tilespmem:s8+$0xC860];
	v28 =	vmax.f32 v28, v36;
	v27 =	vmax.f32 v27, v37;
	v26 =	vmax.f32 v26, v38  }
0x148: {  	p0 =	slt.s32 s9, s3;
	v63 =	vld [tilespmem:s8+$0xC870];
	v25 =	vmax.f32 v25, v39;
	v24 =	vmax.f32 v24, v40;
	v23 =	vmax.f32 v23, v41  }
.Ltmp11:
0x149: {  	v22 =	vmax.f32 v22, v42;
	v21 =	vmax.f32 v21, v43;
	v20 =	vmax.f32 v20, v44;
	v32 =	vld [tilespmem:s8+$0xCC00];
	(pc) =	sbr.rel @!p0 .LBB2_11-.Ltmp11, $4  }
0x14a: {  	v19 =	vmax.f32 v19, v45;
	v18 =	vmax.f32 v18, v46;
	v17 =	vmax.f32 v17, v47;
	v33 =	vld [tilespmem:s8+$0xCC10]  }
0x14b: {  	v16 =	vmax.f32 v16, v48;
	v15 =	vmax.f32 v15, v49;
	v14 =	vmax.f32 v14, v50;
	v34 =	vld [tilespmem:s8+$0xCC20]  }
0x14c: {  	v13 =	vmax.f32 v13, v51;
	v12 =	vmax.f32 v12, v52;
	v11 =	vmax.f32 v11, v53;
	v35 =	vld [tilespmem:s8+$0xCC30]  }
0x14d: {  	s10 =	sadd.s32 $0x80, s10;
	s15 =	sadd.s32 $0x200, s15;
	v10 =	vmax.f32 v10, v54;
	v9 =	vmax.f32 v9, v62;
	v8 =	vmax.f32 v8, v63;
	v36 =	vld [tilespmem:s8+$0xCC40]  }
.LBB2_10:
0x14e: {  	s20 =	sand.u32 $0xFFFFF000, s15;
	s21 =	sand.u32 $0x380, s10;
	s9 =	sadd.s32 $0x1, s9;
	v7 =	vmax.f32 v7, v32;
	v32 =	vld [tilespmem:s8+$0xCC50]  }
0x14f: {  	v6 =	vmax.f32 v6, v33;
	p0 =	slt.s32 s9, s3;
	v33 =	vld [tilespmem:s8+$0xCC60];
	s8 =	sor.u32 s21, s20  }
0x150: {  	v5 =	vmax.f32 v5, v34;
	v37 =	vld [tilespmem:s8+$0xCC70]  }
0x151: {  	v4 =	vmax.f32 v4, v35;
	v34 =	vld [tilespmem:s8+$0xC000]  }
0x152: {  	v3 =	vmax.f32 v3, v36;
	v35 =	vld [tilespmem:s8+$0xC010]  }
0x153: {  	v36 =	vld [tilespmem:s8+$0xC020];
	v2 =	vmax.f32 v2, v32  }
0x154: {  	v32 =	vld [tilespmem:s8+$0xC030];
	v1 =	vmax.f32 v1, v33  }
0x155: {  	v33 =	vld [tilespmem:s8+$0xC040];
	v0 =	vmax.f32 v0, v37  }
0x156: {  	v31 =	vmax.f32 v31, v34;
	v34 =	vld [tilespmem:s8+$0xC050]  }
0x157: {  	v30 =	vmax.f32 v30, v35;
	v35 =	vld [tilespmem:s8+$0xC060]  }
0x158: {  	v29 =	vmax.f32 v29, v36;
	v36 =	vld [tilespmem:s8+$0xC070]  }
0x159: {  	v28 =	vmax.f32 v28, v32;
	v32 =	vld [tilespmem:s8+$0xC400]  }
0x15a: {  	v27 =	vmax.f32 v27, v33;
	v33 =	vld [tilespmem:s8+$0xC410]  }
0x15b: {  	v26 =	vmax.f32 v26, v34;
	v34 =	vld [tilespmem:s8+$0xC420]  }
0x15c: {  	v25 =	vmax.f32 v25, v35;
	v35 =	vld [tilespmem:s8+$0xC430]  }
0x15d: {  	v24 =	vmax.f32 v24, v36;
	v36 =	vld [tilespmem:s8+$0xC440]  }
0x15e: {  	v23 =	vmax.f32 v23, v32;
	v32 =	vld [tilespmem:s8+$0xC450]  }
0x15f: {  	v22 =	vmax.f32 v22, v33;
	v33 =	vld [tilespmem:s8+$0xC460]  }
0x160: {  	v21 =	vmax.f32 v21, v34;
	v34 =	vld [tilespmem:s8+$0xC470]  }
0x161: {  	v20 =	vmax.f32 v20, v35;
	v35 =	vld [tilespmem:s8+$0xC800]  }
0x162: {  	v19 =	vmax.f32 v19, v36;
	v36 =	vld [tilespmem:s8+$0xC810]  }
0x163: {  	v18 =	vmax.f32 v18, v32;
	v32 =	vld [tilespmem:s8+$0xC820]  }
0x164: {  	v17 =	vmax.f32 v17, v33;
	v33 =	vld [tilespmem:s8+$0xC830]  }
0x165: {  	v16 =	vmax.f32 v16, v34;
	v34 =	vld [tilespmem:s8+$0xC840]  }
0x166: {  	v15 =	vmax.f32 v15, v35;
	v35 =	vld [tilespmem:s8+$0xC850]  }
0x167: {  	v14 =	vmax.f32 v14, v36;
	v36 =	vld [tilespmem:s8+$0xC860]  }
0x168: {  	v13 =	vmax.f32 v13, v32;
	v37 =	vld [tilespmem:s8+$0xC870]  }
.Ltmp12:
0x169: {  	v12 =	vmax.f32 v12, v33;
	v32 =	vld [tilespmem:s8+$0xCC00];
	(pc) =	sbr.rel @p0 .LBB2_10-.Ltmp12, $4  }
0x16a: {  	v11 =	vmax.f32 v11, v34;
	v33 =	vld [tilespmem:s8+$0xCC10]  }
0x16b: {  	v10 =	vmax.f32 v10, v35;
	v34 =	vld [tilespmem:s8+$0xCC20]  }
0x16c: {  	v9 =	vmax.f32 v9, v36;
	v35 =	vld [tilespmem:s8+$0xCC30]  }
0x16d: {  	s10 =	sadd.s32 $0x80, s10;
	s15 =	sadd.s32 $0x200, s15;
	v8 =	vmax.f32 v8, v37;
	v36 =	vld [tilespmem:s8+$0xCC40]  }
.Ltmp13:
0x16e: {  	_ = 	snop;
	(pc) =	sbr.rel .LBB2_11-.Ltmp13, $1  }
0x16f: {  	_ =	sdelay $0x3  }
.LBB2_14:
0x170: {  	_ =	sfence.sel $0x180000  }
0x171: {  	[bflag:$0x0] =	sbarrier.arrive $0xFFFF  }
0x172: {  	_ =	strace $0x90000047  }
0x173: {  	s0 =	stileid.u32;
	[bflag:$0x2] =	sbarrier.arrive $0xFFFF  }
0x174: {  	p0 =	sne.s32 s0, $0x0;
	s0 =	rddreg [dreg:$0x3]  }
0x175: {  	s0 =	sadd.s32 @!p0 $0x100000, s0  }
0x176: {  	[sflag:s0] =	ssyncadd.tile.s32 @!p0 $0x1;
	_ =	shalt  }
.Lfunc_end2:
_tile_overlayer_lowered:
.L_overlay_start_2:
0x177: {  	(tag) =	ssettag $0x2  }
0x178: {  	s0 =	rddreg [dreg:$0x0];
	s2 =	stileid.u32  }
0x179: {  	s1 =	rddreg [dreg:$0x1];
	p0 =	sne.s32 s2, $0x0  }
0x17a: {  	s3 =	rddreg [dreg:$0x2];
	[bflag:$0x3] =	sbarrier.arrive $0xFFFF;
	s2 =	simm.s32 @!p0 $0x1C03  }
0x17b: {  	[timem:s3], [sflag:s2] =	dma.local @!p0 [hbm:s0], s1  }
0x17c: {  	s0 =	simm.s32 @!p0 $0x3  }
0x17d: {  	_ =	swait.ge @!p0 [sflag:s0], s1  }
0x17e: {  	s1 =	ssub.s32 @!p0 $0x0, s1;
	[sflag:s0] =	ssyncset.done @!p0 $0x0  }
0x17f: {  	[sflag:s0] =	ssyncadd.s32 @!p0 s1  }
0x180: {  	[bflag:$0x3] =	sbarrier.arrive $0xFFFF  }
0x181: {  	_ =	shalt  }

</sc_bundles>
